<compile_context>
chip_gen: v7x
topology: tpu7x:2x2x1
jax: 0.10.2.dev20260603
libtpu: 0.0.44.dev20260713+nightly
codegen_flags: <defaults>
</compile_context>

<pallas_src>
import jax
import jax.numpy as jnp
from jax import lax
from jax.experimental import pallas as pl
from jax.experimental.pallas import tpu as pltpu
from jax.experimental.pallas import tpu_sc as plsc

NC = 2
NS = 16
NW = NC * NS
C = 112
CD = 128
GD = 16


def _round_up(x, m):
    return (x + m - 1) // m * m



def _deg_body(didx_hbm, out_hbm, slab_v, ones_v, zb_v, hist_s, sem, *, k2, np_):
    c = lax.axis_index("c")
    s = lax.axis_index("s")
    wid = s * NC + c
    for j in range(CD // 16):
        ones_v[pl.ds(16 * j, 16)] = jnp.full((16,), 1.0, jnp.float32)
    zpt = (2 * np_) // NS

    def zrow(i, carry):
        zb_v[pl.ds(16 * i, 16)] = jnp.zeros((16,), jnp.float32)
        return carry

    lax.fori_loop(0, zpt // 16, zrow, 0)
    pltpu.sync_copy(zb_v, hist_s.at[pl.ds(s * zpt, zpt)])
    pltpu.sync_copy(didx_hbm.at[wid], slab_v)
    plsc.subcore_barrier()

    def grp(g, carry):
        hs = [
            pltpu.async_copy(ones_v, hist_s.at[slab_v.at[g * GD + j]], sem, add=True)
            for j in range(GD)
        ]
        for h in hs:
            h.wait()
        return carry

    lax.fori_loop(0, k2 // GD, grp, 0)
    plsc.subcore_barrier()
    pltpu.sync_copy(hist_s.at[pl.ds(s * zpt, zpt)], zb_v)
    pltpu.sync_copy(zb_v, out_hbm.at[pl.ds(c * 2 * np_ + s * zpt, zpt)])


def _msg_body(ht_hbm, src_hbm, dst_hbm, out_hbm,
              sidx_v, didx_v, msg_v, acc_s, isem, gsem, ssem, *, k, np_, d):
    c = lax.axis_index("c")
    s = lax.axis_index("s")
    wid = s * NC + c
    rpt = np_ // NS

    def zrow(i, carry):
        for j in range(d // 16):
            msg_v[0, i, pl.ds(16 * j, 16)] = jnp.zeros((16,), jnp.float32)
        return carry

    lax.fori_loop(0, C, zrow, 0)
    zh = []
    off = 0
    while off < rpt:
        n = min(C, rpt - off)
        zh.append(pltpu.async_copy(msg_v.at[0, pl.ds(0, n)],
                                   acc_s.at[pl.ds(s * rpt + off, n)], gsem))
        off += n
    for h in zh:
        h.wait()
    plsc.subcore_barrier()

    def _fire_idx(t, slot):
        pltpu.async_copy(src_hbm.at[wid, t], sidx_v.at[slot], isem)
        pltpu.async_copy(dst_hbm.at[wid, t], didx_v.at[slot], isem)

    def _wait_idx(slot):
        pltpu.make_async_copy(src_hbm.at[wid, 0], sidx_v.at[slot], isem).wait()
        pltpu.make_async_copy(dst_hbm.at[wid, 0], didx_v.at[slot], isem).wait()

    def _fire_gather(slot, mb):
        pltpu.async_copy(ht_hbm.at[sidx_v.at[slot]], msg_v.at[mb], gsem)

    def _wait_gather(mb):
        pltpu.make_async_copy(ht_hbm.at[sidx_v.at[0]], msg_v.at[mb], gsem).wait()

    def _fire_scat(slot, mb):
        pltpu.async_copy(msg_v.at[mb], acc_s.at[didx_v.at[slot]], ssem, add=True)

    def _wait_scat(mb):
        pltpu.make_async_copy(msg_v.at[mb], acc_s.at[didx_v.at[0]], ssem).wait()

    for t in range(3):
        _fire_idx(t, t)

    def body(g, carry):
        for bb in range(6):
            t = 6 * g + bb
            mb = bb % 3

            @pl.when(t >= 3)
            def _(mb=mb):
                _wait_scat(mb)

            _wait_idx(bb)
            _fire_gather(bb, mb)

            @pl.when(t >= 1)
            def _(pslot=(bb + 5) % 6, pmb=(bb + 2) % 3):
                _wait_gather(pmb)
                _fire_scat(pslot, pmb)

            @pl.when(t + 3 <= k - 1)
            def _(t=t, slot=(bb + 3) % 6):
                _fire_idx(t + 3, slot)
        return carry

    lax.fori_loop(0, k // 6, body, 0)
    _wait_gather((k - 1) % 3)
    _fire_scat((k - 1) % 6, (k - 1) % 3)
    _wait_scat((k - 3) % 3)
    _wait_scat((k - 2) % 3)
    _wait_scat((k - 1) % 3)
    plsc.subcore_barrier()
    chunks = []
    off = 0
    while off < rpt:
        chunks.append((off, min(C, rpt - off)))
        off += chunks[-1][1]
    rh = []
    wh = []
    for i, (o, n) in enumerate(chunks):
        if i >= 3:
            wh[i - 3].wait()
        rh.append(pltpu.async_copy(acc_s.at[pl.ds(s * rpt + o, n)],
                                   msg_v.at[i % 3, pl.ds(0, n)], gsem))
        if i >= 2:
            po, pn = chunks[i - 2]
            rh[i - 2].wait()
            wh.append(pltpu.async_copy(msg_v.at[(i - 2) % 3, pl.ds(0, pn)],
                                       out_hbm.at[c, pl.ds(s * rpt + po, pn)],
                                       ssem))
    for i in range(max(0, len(chunks) - 2), len(chunks)):
        o, n = chunks[i]
        rh[i].wait()
        wh.append(pltpu.async_copy(msg_v.at[i % 3, pl.ds(0, n)],
                                   out_hbm.at[c, pl.ds(s * rpt + o, n)], ssem))
    for i in range(max(0, len(chunks) - 3), len(chunks)):
        wh[i].wait()



def _norms(degT_ref):
    dgo = degT_ref[:, 0:1] + degT_ref[:, 2:3]
    dgi = degT_ref[:, 1:2] + degT_ref[:, 3:4]
    ns = jnp.where(dgo > 0, lax.rsqrt(jnp.maximum(dgo, 1e-12)), 0.0)
    nd = jnp.where(dgi > 0, lax.rsqrt(jnp.maximum(dgi, 1e-12)), 0.0)
    return ns, nd


def _mm1_body(degT_ref, x_ref, w_ref, o_ref):
    ns, _ = _norms(degT_ref)
    o_ref[...] = lax.dot_general(x_ref[...] * ns, w_ref[...],
                                 (((1,), (0,)), ((), ())),
                                 preferred_element_type=jnp.float32)


def _mid_body(degT_ref, p_ref, b_ref, a_ref, w_ref, ot_ref):
    ns, nd = _norms(degT_ref)
    h = (p_ref[0] + p_ref[1]) * nd + b_ref[...]
    h = jnp.where(h > 0, h, h * a_ref[...])
    ot_ref[...] = lax.dot_general(h * ns, w_ref[...], (((1,), (0,)), ((), ())),
                                  preferred_element_type=jnp.float32)


def _fin_body(degT_ref, p_ref, b_ref, a_ref, oh_ref):
    _, nd = _norms(degT_ref)
    h = (p_ref[0] + p_ref[1]) * nd + b_ref[...]
    oh_ref[...] = jnp.where(h > 0, h, h * a_ref[...])



def kernel(features, edge_index, W1, b1, W2, b2, a):
    N, D = features.shape
    E = edge_index.shape[1]
    Np = _round_up(N, 128)
    if Np - N < 16:
        Np += 128
    n_dummy = Np - N

    K = _round_up(-(-E // (NW * C)), 6)
    K2 = _round_up(-(-(2 * E) // (NW * CD)), GD)

    f32 = jnp.float32
    src = edge_index[0]
    dst = edge_index[1]

    pad_e = NW * K * C - E
    pad_ids = N + (jnp.arange(pad_e, dtype=jnp.int32) % n_dummy)
    srcp = jnp.concatenate([src, pad_ids]).reshape(NW, K, C)
    dstp = jnp.concatenate([dst, pad_ids]).reshape(NW, K, C)

    pad2 = NW * K2 * CD - 2 * E
    pad2_ids = N + (jnp.arange(pad2, dtype=jnp.int32) % n_dummy)
    didx = jnp.concatenate([src, dst + Np, pad2_ids]).reshape(NW, K2, CD)

    mesh = plsc.VectorSubcoreMesh(core_axis_name="c", subcore_axis_name="s",
                                  num_cores=NC, num_subcores=NS)

    deg_call = pl.kernel(
        lambda *refs: _deg_body(*refs, k2=K2, np_=Np),
        out_type=jax.ShapeDtypeStruct((NC * 2 * Np,), f32),
        mesh=mesh,
        scratch_types=[
            pltpu.VMEM((K2, CD), jnp.int32),
            pltpu.VMEM((CD,), f32),
            pltpu.VMEM(((2 * Np) // NS,), f32),
            pltpu.VMEM_SHARED((2 * Np,), f32),
            pltpu.SemaphoreType.DMA,
        ],
    )
    deg2 = deg_call(didx)
    degT = deg2.reshape(NC, 2, Np).transpose(2, 0, 1).reshape(Np, NC * 2)

    msg_call = pl.kernel(
        lambda *refs: _msg_body(*refs, k=K, np_=Np, d=D),
        out_type=jax.ShapeDtypeStruct((NC, Np, D), f32),
        mesh=mesh,
        scratch_types=[
            pltpu.VMEM((6, C), jnp.int32),
            pltpu.VMEM((6, C), jnp.int32),
            pltpu.VMEM((3, C, D), f32),
            pltpu.VMEM_SHARED((Np, D), f32),
            pltpu.SemaphoreType.DMA,
            pltpu.SemaphoreType.DMA,
            pltpu.SemaphoreType.DMA,
        ],
    )

    BM = 1264
    grid = (Np // BM,)
    degT_spec = pl.BlockSpec((BM, NC * 2), lambda m: (m, 0))
    row_spec = pl.BlockSpec((BM, D), lambda m: (m, 0))
    w_spec = pl.BlockSpec((D, D), lambda m: (0, 0))
    vec_spec = pl.BlockSpec((1, D), lambda m: (0, 0))
    p_spec = pl.BlockSpec((NC, BM, D), lambda m: (0, m, 0))

    b1r = b1.reshape(1, D)
    b2r = b2.reshape(1, D)
    ar = a.reshape(1, D)

    mm1_call = pl.pallas_call(
        _mm1_body, grid=grid,
        in_specs=[degT_spec, row_spec, w_spec],
        out_specs=row_spec,
        out_shape=jax.ShapeDtypeStruct((Np, D), f32),
    )
    mid_call = pl.pallas_call(
        _mid_body, grid=grid,
        in_specs=[degT_spec, p_spec, vec_spec, vec_spec, w_spec],
        out_specs=row_spec,
        out_shape=jax.ShapeDtypeStruct((Np, D), f32),
    )
    fin_call = pl.pallas_call(
        _fin_body, grid=grid,
        in_specs=[degT_spec, p_spec, vec_spec, vec_spec],
        out_specs=row_spec,
        out_shape=jax.ShapeDtypeStruct((N, D), f32),
    )

    ht1 = mm1_call(degT, features, W1)
    p1 = msg_call(ht1, srcp, dstp)
    ht2 = mid_call(degT, p1, b1r, ar, W2)
    p2 = msg_call(ht2, srcp, dstp)
    return fin_call(degT, p2, b2r, ar)

# --- scband reference (transcript-rebuilt; emitter-appended) ---
"""Pipeline reference for scband-encoder-22608707846323 (READ-ONLY COPY).

The authoritative reference and input builder live on the scoring server;
editing this copy changes nothing except your own understanding.
"""

import jax, jax.numpy as jnp
import numpy as np

N = 10000
E = 320000
D_IN = 128
D_H = 128

def setup_inputs(seed: int = 0):
    key = jax.random.key(seed)
    k1, k2, k3, k4 = jax.random.split(key, 4)
    features = jax.random.normal(k1, (N, D_IN), dtype=jnp.float32)
    edge_index = jax.random.randint(k2, (2, E), 0, N, dtype=jnp.int32)
    W1 = jax.random.normal(k3, (D_IN, D_H), dtype=jnp.float32) / np.sqrt(D_IN)
    b1 = jnp.zeros((D_H,), dtype=jnp.float32)
    W2 = jax.random.normal(k4, (D_H, D_H), dtype=jnp.float32) / np.sqrt(D_H)
    b2 = jnp.zeros((D_H,), dtype=jnp.float32)
    a = jnp.full((D_H,), 0.25, dtype=jnp.float32)  # shared PReLU slope (same activation instance reused across layers)
    return {"features": features, "edge_index": edge_index, "W1": W1, "b1": b1, "W2": W2, "b2": b2, "a": a}


def _gcn_layer(h, W, b, a, src, dst):
    # DGL GraphConv with norm='both': D_out^{-1/2} on src side, D_in^{-1/2} on dst side
    deg_out = jnp.zeros((N,), jnp.float32).at[src].add(1.0)
    deg_in = jnp.zeros((N,), jnp.float32).at[dst].add(1.0)
    norm_src = jnp.where(deg_out > 0, jax.lax.rsqrt(jnp.maximum(deg_out, 1e-12)), 0.0)
    norm_dst = jnp.where(deg_in > 0, jax.lax.rsqrt(jnp.maximum(deg_in, 1e-12)), 0.0)
    h = h * norm_src[:, None]
    h = h @ W
    msg = jnp.take(h, src, axis=0)          # gather over src nodes
    agg = jnp.zeros((N, W.shape[1]), jnp.float32).at[dst].add(msg)  # scatter-add to dst nodes
    agg = agg * norm_dst[:, None] + b
    # PReLU activation (per-channel slope)
    return jnp.where(agg > 0, agg, a * agg)


def reference(features, edge_index, W1, b1, W2, b2, a):
    # Encoder.forward(features, corrupt=False) -> GCN_dgl(features): squeeze(0) is a no-op for 2-D feat
    src = edge_index[0]
    dst = edge_index[1]
    h = _gcn_layer(features, W1, b1, a, src, dst)
    h = _gcn_layer(h, W2, b2, a, src, dst)
    return h

if __name__ == "__main__":
    import jax
    _d = setup_inputs()
    print(jax.jit(kernel)(*tuple(_d.values())))

</pallas_src>

<mosaic_0001>
#map = affine_map<(d0, d1) -> (0, 0, 0)>
#map1 = affine_map<(d0, d1) -> (0)>
module attributes {stable_mosaic.version = 14 : i64} {
  func.func @_lambda_(%arg0: i32, %arg1: i32, %arg2: memref<32x160x128xi32, #tpu.memory_space<hbm>>, %arg3: memref<40448xf32, #tpu.memory_space<hbm>>, %arg4: memref<160x128xi32, #tpu.memory_space<vmem>>, %arg5: memref<128xf32, #tpu.memory_space<vmem>>, %arg6: memref<1264xf32, #tpu.memory_space<vmem>>, %arg7: memref<20224xf32, #tpu.memory_space<vmem_shared>>, %arg8: memref<!tpu.dma_semaphore, #tpu.memory_space<semaphore_mem>>) attributes {dimension_semantics = [#tpu.dimension_semantics<core_parallel>, #tpu.dimension_semantics<subcore_parallel>], iteration_bounds = array<i64: 2, 16>, scalar_prefetch = 0 : i64, scratch_operands = 5 : i64, tpu.core_type = #tpu.core_type<sc_vector_subcore>, window_params = [{transform_indices = #map}, {transform_indices = #map1}]} {
    %mul3A = arith.constant 2 : i32
    %mul3A_0 = arith.muli %arg1, %mul3A : i32
    %add3A = arith.addi %mul3A_0, %arg0 : i32
    %broadcast_in_dim3A = arith.constant 1.000000e+00 : f32
    %broadcast_in_dim3A_1 = vector.broadcast %broadcast_in_dim3A : f32 to vector<16xf32>
    %swap3A = arith.constant 0 : index
    %swap3A_2 = tpu.vector_load %arg5[%swap3A] {strides = array<i32>} : memref<128xf32, #tpu.memory_space<vmem>>, vector<16xf32>,
    %swap3A_3 = vector.shape_cast %swap3A_2 : vector<16xf32> to vector<16xf32>
    %swap3A_4 = vector.shape_cast %broadcast_in_dim3A_1 : vector<16xf32> to vector<16xf32>
    tpu.vector_store %arg5[%swap3A], %swap3A_4 {strides = array<i32>} : memref<128xf32, #tpu.memory_space<vmem>>, vector<16xf32>,
    %broadcast_in_dim3A_5 = arith.constant 1.000000e+00 : f32
    %broadcast_in_dim3A_6 = vector.broadcast %broadcast_in_dim3A_5 : f32 to vector<16xf32>
    %swap3A_7 = arith.constant 16 : index
    %swap3A_8 = tpu.vector_load %arg5[%swap3A_7] {strides = array<i32>} : memref<128xf32, #tpu.memory_space<vmem>>, vector<16xf32>,
    %swap3A_9 = vector.shape_cast %swap3A_8 : vector<16xf32> to vector<16xf32>
    %swap3A_10 = vector.shape_cast %broadcast_in_dim3A_6 : vector<16xf32> to vector<16xf32>
    tpu.vector_store %arg5[%swap3A_7], %swap3A_10 {strides = array<i32>} : memref<128xf32, #tpu.memory_space<vmem>>, vector<16xf32>,
    %broadcast_in_dim3A_11 = arith.constant 1.000000e+00 : f32
    %broadcast_in_dim3A_12 = vector.broadcast %broadcast_in_dim3A_11 : f32 to vector<16xf32>
    %swap3A_13 = arith.constant 32 : index
    %swap3A_14 = tpu.vector_load %arg5[%swap3A_13] {strides = array<i32>} : memref<128xf32, #tpu.memory_space<vmem>>, vector<16xf32>,
    %swap3A_15 = vector.shape_cast %swap3A_14 : vector<16xf32> to vector<16xf32>
    %swap3A_16 = vector.shape_cast %broadcast_in_dim3A_12 : vector<16xf32> to vector<16xf32>
    tpu.vector_store %arg5[%swap3A_13], %swap3A_16 {strides = array<i32>} : memref<128xf32, #tpu.memory_space<vmem>>, vector<16xf32>,
    %broadcast_in_dim3A_17 = arith.constant 1.000000e+00 : f32
    %broadcast_in_dim3A_18 = vector.broadcast %broadcast_in_dim3A_17 : f32 to vector<16xf32>
    %swap3A_19 = arith.constant 48 : index
    %swap3A_20 = tpu.vector_load %arg5[%swap3A_19] {strides = array<i32>} : memref<128xf32, #tpu.memory_space<vmem>>, vector<16xf32>,
    %swap3A_21 = vector.shape_cast %swap3A_20 : vector<16xf32> to vector<16xf32>
    %swap3A_22 = vector.shape_cast %broadcast_in_dim3A_18 : vector<16xf32> to vector<16xf32>
    tpu.vector_store %arg5[%swap3A_19], %swap3A_22 {strides = array<i32>} : memref<128xf32, #tpu.memory_space<vmem>>, vector<16xf32>,
    %broadcast_in_dim3A_23 = arith.constant 1.000000e+00 : f32
    %broadcast_in_dim3A_24 = vector.broadcast %broadcast_in_dim3A_23 : f32 to vector<16xf32>
    %swap3A_25 = arith.constant 64 : index
    %swap3A_26 = tpu.vector_load %arg5[%swap3A_25] {strides = array<i32>} : memref<128xf32, #tpu.memory_space<vmem>>, vector<16xf32>,
    %swap3A_27 = vector.shape_cast %swap3A_26 : vector<16xf32> to vector<16xf32>
    %swap3A_28 = vector.shape_cast %broadcast_in_dim3A_24 : vector<16xf32> to vector<16xf32>
    tpu.vector_store %arg5[%swap3A_25], %swap3A_28 {strides = array<i32>} : memref<128xf32, #tpu.memory_space<vmem>>, vector<16xf32>,
    %broadcast_in_dim3A_29 = arith.constant 1.000000e+00 : f32
    %broadcast_in_dim3A_30 = vector.broadcast %broadcast_in_dim3A_29 : f32 to vector<16xf32>
    %swap3A_31 = arith.constant 80 : index
    %swap3A_32 = tpu.vector_load %arg5[%swap3A_31] {strides = array<i32>} : memref<128xf32, #tpu.memory_space<vmem>>, vector<16xf32>,
    %swap3A_33 = vector.shape_cast %swap3A_32 : vector<16xf32> to vector<16xf32>
    %swap3A_34 = vector.shape_cast %broadcast_in_dim3A_30 : vector<16xf32> to vector<16xf32>
    tpu.vector_store %arg5[%swap3A_31], %swap3A_34 {strides = array<i32>} : memref<128xf32, #tpu.memory_space<vmem>>, vector<16xf32>,
    %broadcast_in_dim3A_35 = arith.constant 1.000000e+00 : f32
    %broadcast_in_dim3A_36 = vector.broadcast %broadcast_in_dim3A_35 : f32 to vector<16xf32>
    %swap3A_37 = arith.constant 96 : index
    %swap3A_38 = tpu.vector_load %arg5[%swap3A_37] {strides = array<i32>} : memref<128xf32, #tpu.memory_space<vmem>>, vector<16xf32>,
    %swap3A_39 = vector.shape_cast %swap3A_38 : vector<16xf32> to vector<16xf32>
    %swap3A_40 = vector.shape_cast %broadcast_in_dim3A_36 : vector<16xf32> to vector<16xf32>
    tpu.vector_store %arg5[%swap3A_37], %swap3A_40 {strides = array<i32>} : memref<128xf32, #tpu.memory_space<vmem>>, vector<16xf32>,
    %broadcast_in_dim3A_41 = arith.constant 1.000000e+00 : f32
    %broadcast_in_dim3A_42 = vector.broadcast %broadcast_in_dim3A_41 : f32 to vector<16xf32>
    %swap3A_43 = arith.constant 112 : index
    %swap3A_44 = tpu.vector_load %arg5[%swap3A_43] {strides = array<i32>} : memref<128xf32, #tpu.memory_space<vmem>>, vector<16xf32>,
    %swap3A_45 = vector.shape_cast %swap3A_44 : vector<16xf32> to vector<16xf32>
    %swap3A_46 = vector.shape_cast %broadcast_in_dim3A_42 : vector<16xf32> to vector<16xf32>
    tpu.vector_store %arg5[%swap3A_43], %swap3A_46 {strides = array<i32>} : memref<128xf32, #tpu.memory_space<vmem>>, vector<16xf32>,
    %scan3A = arith.constant 0 : i32
    %scan3A_47 = arith.constant 0 : i32
    %scan3A_48 = arith.constant 79 : i32
    %scan3A_49 = arith.addi %scan3A_47, %scan3A_48 : i32
    %scan3A_50 = arith.constant 1 : i32
    scf.for %scan3A_70 = %scan3A_47 to %scan3A_49 step %scan3A_50  : i32 {
      %broadcast_in_dim3A_71 = arith.constant 0.000000e+00 : f32
      %broadcast_in_dim3A_72 = vector.broadcast %broadcast_in_dim3A_71 : f32 to vector<16xf32>
      %mul3A_73 = arith.constant 16 : i32
      %mul3A_74 = arith.muli %mul3A_73, %scan3A_70 : i32
      %swap3A_75 = arith.index_cast %mul3A_74 : i32 to index
      %swap3A_76 = tpu.vector_load %arg6[%swap3A_75] {strides = array<i32>} : memref<1264xf32, #tpu.memory_space<vmem>>, vector<16xf32>,
      %swap3A_77 = vector.shape_cast %swap3A_76 : vector<16xf32> to vector<16xf32>
      %swap3A_78 = vector.shape_cast %broadcast_in_dim3A_72 : vector<16xf32> to vector<16xf32>
      tpu.vector_store %arg6[%swap3A_75], %swap3A_78 {strides = array<i32>} : memref<1264xf32, #tpu.memory_space<vmem>>, vector<16xf32>,
    }
    %scan3A_51 = arith.constant 79 : i32
    %mul3A_52 = arith.constant 1264 : i32
    %mul3A_53 = arith.muli %arg1, %mul3A_52 : i32
    "tpu.region"() ({
      %run_scoped3A = tpu.sem_alloc : memref<!tpu.dma_semaphore, #tpu.memory_space<semaphore_mem>>
      %dma_start3A = tpu.memref_slice %arg7[%mul3A_53] : memref<20224xf32, #tpu.memory_space<vmem_shared>> -> memref<1264xf32, #tpu.memory_space<vmem_shared>>
      %dma_start3A_70 = tpu.memref_slice %arg7[%mul3A_53] : memref<20224xf32, #tpu.memory_space<vmem_shared>> -> memref<1264xf32, #tpu.memory_space<vmem_shared>>
      tpu.enqueue_dma source(%arg6 : memref<1264xf32, #tpu.memory_space<vmem>>) target(%dma_start3A_70 : memref<1264xf32, #tpu.memory_space<vmem_shared>>) target_semaphore(%run_scoped3A : memref<!tpu.dma_semaphore, #tpu.memory_space<semaphore_mem>>)
      %dma_wait3A = tpu.memref_slice %arg7[%mul3A_53] : memref<20224xf32, #tpu.memory_space<vmem_shared>> -> memref<1264xf32, #tpu.memory_space<vmem_shared>>
      %dma_wait3A_71 = tpu.memref_slice %arg7[%mul3A_53] : memref<20224xf32, #tpu.memory_space<vmem_shared>> -> memref<1264xf32, #tpu.memory_space<vmem_shared>>
      tpu.wait_dma2 semaphore(%run_scoped3A : memref<!tpu.dma_semaphore, #tpu.memory_space<semaphore_mem>>) src(%arg6 : memref<1264xf32, #tpu.memory_space<vmem>>) dst(%dma_wait3A_71 : memref<1264xf32, #tpu.memory_space<vmem_shared>>)
      tpu.yield
    }) : () -> ()
    "tpu.region"() ({
      %run_scoped3A = tpu.sem_alloc : memref<!tpu.dma_semaphore, #tpu.memory_space<semaphore_mem>>
      %dma_start3A = arith.constant 0 : i32
      %dma_start3A_70 = arith.constant 0 : i32
      %dma_start3A_71 = tpu.memref_slice %arg2[%add3A, %dma_start3A, %dma_start3A_70] : memref<32x160x128xi32, #tpu.memory_space<hbm>> -> memref<1x160x128xi32, #tpu.memory_space<hbm>>
      %dma_start3A_72 = tpu.memref_squeeze %dma_start3A_71 : memref<1x160x128xi32, #tpu.memory_space<hbm>> -> memref<160x128xi32, #tpu.memory_space<hbm>>
      %dma_start3A_73 = arith.constant 0 : i32
      %dma_start3A_74 = arith.constant 0 : i32
      %dma_start3A_75 = tpu.memref_slice %arg2[%add3A, %dma_start3A_73, %dma_start3A_74] : memref<32x160x128xi32, #tpu.memory_space<hbm>> -> memref<1x160x128xi32, #tpu.memory_space<hbm>>
      %dma_start3A_76 = tpu.memref_squeeze %dma_start3A_75 : memref<1x160x128xi32, #tpu.memory_space<hbm>> -> memref<160x128xi32, #tpu.memory_space<hbm>>
      tpu.enqueue_dma source(%dma_start3A_76 : memref<160x128xi32, #tpu.memory_space<hbm>>) target(%arg4 : memref<160x128xi32, #tpu.memory_space<vmem>>) target_semaphore(%run_scoped3A : memref<!tpu.dma_semaphore, #tpu.memory_space<semaphore_mem>>)
      %dma_wait3A = arith.constant 0 : i32
      %dma_wait3A_77 = arith.constant 0 : i32
      %dma_wait3A_78 = tpu.memref_slice %arg2[%add3A, %dma_wait3A, %dma_wait3A_77] : memref<32x160x128xi32, #tpu.memory_space<hbm>> -> memref<1x160x128xi32, #tpu.memory_space<hbm>>
      %dma_wait3A_79 = tpu.memref_squeeze %dma_wait3A_78 : memref<1x160x128xi32, #tpu.memory_space<hbm>> -> memref<160x128xi32, #tpu.memory_space<hbm>>
      %dma_wait3A_80 = arith.constant 0 : i32
      %dma_wait3A_81 = arith.constant 0 : i32
      %dma_wait3A_82 = tpu.memref_slice %arg2[%add3A, %dma_wait3A_80, %dma_wait3A_81] : memref<32x160x128xi32, #tpu.memory_space<hbm>> -> memref<1x160x128xi32, #tpu.memory_space<hbm>>
      %dma_wait3A_83 = tpu.memref_squeeze %dma_wait3A_82 : memref<1x160x128xi32, #tpu.memory_space<hbm>> -> memref<160x128xi32, #tpu.memory_space<hbm>>
      tpu.wait_dma2 semaphore(%run_scoped3A : memref<!tpu.dma_semaphore, #tpu.memory_space<semaphore_mem>>) src(%dma_wait3A_83 : memref<160x128xi32, #tpu.memory_space<hbm>>) dst(%arg4 : memref<160x128xi32, #tpu.memory_space<vmem>>)
      tpu.yield
    }) : () -> ()
    %barrier3A = arith.constant 0 : index
    tpu.barrier barrier_id(%barrier3A)
    %scan3A_54 = arith.constant 0 : i32
    %scan3A_55 = arith.constant 0 : i32
    %scan3A_56 = arith.constant 10 : i32
    %scan3A_57 = arith.addi %scan3A_55, %scan3A_56 : i32
    %scan3A_58 = arith.constant 1 : i32
    scf.for %scan3A_70 = %scan3A_55 to %scan3A_57 step %scan3A_58  : i32 {
      %mul3A_71 = arith.constant 16 : i32
      %mul3A_72 = arith.muli %scan3A_70, %mul3A_71 : i32
      %add3A_73 = arith.constant 0 : i32
      %add3A_74 = arith.addi %mul3A_72, %add3A_73 : i32
      %dma_start3A = arith.constant 0 : i32
      %dma_start3A_75 = tpu.memref_slice %arg4[%add3A_74, %dma_start3A] : memref<160x128xi32, #tpu.memory_space<vmem>> -> memref<1x128xi32, #tpu.memory_space<vmem>>
      %dma_start3A_76 = tpu.memref_squeeze %dma_start3A_75 : memref<1x128xi32, #tpu.memory_space<vmem>> -> memref<128xi32, #tpu.memory_space<vmem>>
      %dma_start3A_77 = arith.constant 0 : i32
      %dma_start3A_78 = tpu.memref_slice %arg7[%dma_start3A_77] : memref<20224xf32, #tpu.memory_space<vmem_shared>> -> memref<20224xf32, #tpu.memory_space<vmem_shared>>
      tpu.enqueue_indirect_dma source(%arg5 : memref<128xf32, #tpu.memory_space<vmem>>) target(%dma_start3A_78 : memref<20224xf32, #tpu.memory_space<vmem_shared>>) offsets(%dma_start3A_76 : memref<128xi32, #tpu.memory_space<vmem>>) semaphore(%arg8 : memref<!tpu.dma_semaphore, #tpu.memory_space<semaphore_mem>>) {add = true}
      %mul3A_79 = arith.constant 16 : i32
      %mul3A_80 = arith.muli %scan3A_70, %mul3A_79 : i32
      %add3A_81 = arith.constant 1 : i32
      %add3A_82 = arith.addi %mul3A_80, %add3A_81 : i32
      %dma_start3A_83 = arith.constant 0 : i32
      %dma_start3A_84 = tpu.memref_slice %arg4[%add3A_82, %dma_start3A_83] : memref<160x128xi32, #tpu.memory_space<vmem>> -> memref<1x128xi32, #tpu.memory_space<vmem>>
      %dma_start3A_85 = tpu.memref_squeeze %dma_start3A_84 : memref<1x128xi32, #tpu.memory_space<vmem>> -> memref<128xi32, #tpu.memory_space<vmem>>
      %dma_start3A_86 = arith.constant 0 : i32
      %dma_start3A_87 = tpu.memref_slice %arg7[%dma_start3A_86] : memref<20224xf32, #tpu.memory_space<vmem_shared>> -> memref<20224xf32, #tpu.memory_space<vmem_shared>>
      tpu.enqueue_indirect_dma source(%arg5 : memref<128xf32, #tpu.memory_space<vmem>>) target(%dma_start3A_87 : memref<20224xf32, #tpu.memory_space<vmem_shared>>) offsets(%dma_start3A_85 : memref<128xi32, #tpu.memory_space<vmem>>) semaphore(%arg8 : memref<!tpu.dma_semaphore, #tpu.memory_space<semaphore_mem>>) {add = true}
      %mul3A_88 = arith.constant 16 : i32
      %mul3A_89 = arith.muli %scan3A_70, %mul3A_88 : i32
      %add3A_90 = arith.constant 2 : i32
      %add3A_91 = arith.addi %mul3A_89, %add3A_90 : i32
      %dma_start3A_92 = arith.constant 0 : i32
      %dma_start3A_93 = tpu.memref_slice %arg4[%add3A_91, %dma_start3A_92] : memref<160x128xi32, #tpu.memory_space<vmem>> -> memref<1x128xi32, #tpu.memory_space<vmem>>
      %dma_start3A_94 = tpu.memref_squeeze %dma_start3A_93 : memref<1x128xi32, #tpu.memory_space<vmem>> -> memref<128xi32, #tpu.memory_space<vmem>>
      %dma_start3A_95 = arith.constant 0 : i32
      %dma_start3A_96 = tpu.memref_slice %arg7[%dma_start3A_95] : memref<20224xf32, #tpu.memory_space<vmem_shared>> -> memref<20224xf32, #tpu.memory_space<vmem_shared>>
      tpu.enqueue_indirect_dma source(%arg5 : memref<128xf32, #tpu.memory_space<vmem>>) target(%dma_start3A_96 : memref<20224xf32, #tpu.memory_space<vmem_shared>>) offsets(%dma_start3A_94 : memref<128xi32, #tpu.memory_space<vmem>>) semaphore(%arg8 : memref<!tpu.dma_semaphore, #tpu.memory_space<semaphore_mem>>) {add = true}
      %mul3A_97 = arith.constant 16 : i32
      %mul3A_98 = arith.muli %scan3A_70, %mul3A_97 : i32
      %add3A_99 = arith.constant 3 : i32
      %add3A_100 = arith.addi %mul3A_98, %add3A_99 : i32
      %dma_start3A_101 = arith.constant 0 : i32
      %dma_start3A_102 = tpu.memref_slice %arg4[%add3A_100, %dma_start3A_101] : memref<160x128xi32, #tpu.memory_space<vmem>> -> memref<1x128xi32, #tpu.memory_space<vmem>>
      %dma_start3A_103 = tpu.memref_squeeze %dma_start3A_102 : memref<1x128xi32, #tpu.memory_space<vmem>> -> memref<128xi32, #tpu.memory_space<vmem>>
      %dma_start3A_104 = arith.constant 0 : i32
      %dma_start3A_105 = tpu.memref_slice %arg7[%dma_start3A_104] : memref<20224xf32, #tpu.memory_space<vmem_shared>> -> memref<20224xf32, #tpu.memory_space<vmem_shared>>
      tpu.enqueue_indirect_dma source(%arg5 : memref<128xf32, #tpu.memory_space<vmem>>) target(%dma_start3A_105 : memref<20224xf32, #tpu.memory_space<vmem_shared>>) offsets(%dma_start3A_103 : memref<128xi32, #tpu.memory_space<vmem>>) semaphore(%arg8 : memref<!tpu.dma_semaphore, #tpu.memory_space<semaphore_mem>>) {add = true}
      %mul3A_106 = arith.constant 16 : i32
      %mul3A_107 = arith.muli %scan3A_70, %mul3A_106 : i32
      %add3A_108 = arith.constant 4 : i32
      %add3A_109 = arith.addi %mul3A_107, %add3A_108 : i32
      %dma_start3A_110 = arith.constant 0 : i32
      %dma_start3A_111 = tpu.memref_slice %arg4[%add3A_109, %dma_start3A_110] : memref<160x128xi32, #tpu.memory_space<vmem>> -> memref<1x128xi32, #tpu.memory_space<vmem>>
      %dma_start3A_112 = tpu.memref_squeeze %dma_start3A_111 : memref<1x128xi32, #tpu.memory_space<vmem>> -> memref<128xi32, #tpu.memory_space<vmem>>
      %dma_start3A_113 = arith.constant 0 : i32
      %dma_start3A_114 = tpu.memref_slice %arg7[%dma_start3A_113] : memref<20224xf32, #tpu.memory_space<vmem_shared>> -> memref<20224xf32, #tpu.memory_space<vmem_shared>>
      tpu.enqueue_indirect_dma source(%arg5 : memref<128xf32, #tpu.memory_space<vmem>>) target(%dma_start3A_114 : memref<20224xf32, #tpu.memory_space<vmem_shared>>) offsets(%dma_start3A_112 : memref<128xi32, #tpu.memory_space<vmem>>) semaphore(%arg8 : memref<!tpu.dma_semaphore, #tpu.memory_space<semaphore_mem>>) {add = true}
      %mul3A_115 = arith.constant 16 : i32
      %mul3A_116 = arith.muli %scan3A_70, %mul3A_115 : i32
      %add3A_117 = arith.constant 5 : i32
      %add3A_118 = arith.addi %mul3A_116, %add3A_117 : i32
      %dma_start3A_119 = arith.constant 0 : i32
      %dma_start3A_120 = tpu.memref_slice %arg4[%add3A_118, %dma_start3A_119] : memref<160x128xi32, #tpu.memory_space<vmem>> -> memref<1x128xi32, #tpu.memory_space<vmem>>
      %dma_start3A_121 = tpu.memref_squeeze %dma_start3A_120 : memref<1x128xi32, #tpu.memory_space<vmem>> -> memref<128xi32, #tpu.memory_space<vmem>>
      %dma_start3A_122 = arith.constant 0 : i32
      %dma_start3A_123 = tpu.memref_slice %arg7[%dma_start3A_122] : memref<20224xf32, #tpu.memory_space<vmem_shared>> -> memref<20224xf32, #tpu.memory_space<vmem_shared>>
      tpu.enqueue_indirect_dma source(%arg5 : memref<128xf32, #tpu.memory_space<vmem>>) target(%dma_start3A_123 : memref<20224xf32, #tpu.memory_space<vmem_shared>>) offsets(%dma_start3A_121 : memref<128xi32, #tpu.memory_space<vmem>>) semaphore(%arg8 : memref<!tpu.dma_semaphore, #tpu.memory_space<semaphore_mem>>) {add = true}
      %mul3A_124 = arith.constant 16 : i32
      %mul3A_125 = arith.muli %scan3A_70, %mul3A_124 : i32
      %add3A_126 = arith.constant 6 : i32
      %add3A_127 = arith.addi %mul3A_125, %add3A_126 : i32
      %dma_start3A_128 = arith.constant 0 : i32
      %dma_start3A_129 = tpu.memref_slice %arg4[%add3A_127, %dma_start3A_128] : memref<160x128xi32, #tpu.memory_space<vmem>> -> memref<1x128xi32, #tpu.memory_space<vmem>>
      %dma_start3A_130 = tpu.memref_squeeze %dma_start3A_129 : memref<1x128xi32, #tpu.memory_space<vmem>> -> memref<128xi32, #tpu.memory_space<vmem>>
      %dma_start3A_131 = arith.constant 0 : i32
      %dma_start3A_132 = tpu.memref_slice %arg7[%dma_start3A_131] : memref<20224xf32, #tpu.memory_space<vmem_shared>> -> memref<20224xf32, #tpu.memory_space<vmem_shared>>
      tpu.enqueue_indirect_dma source(%arg5 : memref<128xf32, #tpu.memory_space<vmem>>) target(%dma_start3A_132 : memref<20224xf32, #tpu.memory_space<vmem_shared>>) offsets(%dma_start3A_130 : memref<128xi32, #tpu.memory_space<vmem>>) semaphore(%arg8 : memref<!tpu.dma_semaphore, #tpu.memory_space<semaphore_mem>>) {add = true}
      %mul3A_133 = arith.constant 16 : i32
      %mul3A_134 = arith.muli %scan3A_70, %mul3A_133 : i32
      %add3A_135 = arith.constant 7 : i32
      %add3A_136 = arith.addi %mul3A_134, %add3A_135 : i32
      %dma_start3A_137 = arith.constant 0 : i32
      %dma_start3A_138 = tpu.memref_slice %arg4[%add3A_136, %dma_start3A_137] : memref<160x128xi32, #tpu.memory_space<vmem>> -> memref<1x128xi32, #tpu.memory_space<vmem>>
      %dma_start3A_139 = tpu.memref_squeeze %dma_start3A_138 : memref<1x128xi32, #tpu.memory_space<vmem>> -> memref<128xi32, #tpu.memory_space<vmem>>
      %dma_start3A_140 = arith.constant 0 : i32
      %dma_start3A_141 = tpu.memref_slice %arg7[%dma_start3A_140] : memref<20224xf32, #tpu.memory_space<vmem_shared>> -> memref<20224xf32, #tpu.memory_space<vmem_shared>>
      tpu.enqueue_indirect_dma source(%arg5 : memref<128xf32, #tpu.memory_space<vmem>>) target(%dma_start3A_141 : memref<20224xf32, #tpu.memory_space<vmem_shared>>) offsets(%dma_start3A_139 : memref<128xi32, #tpu.memory_space<vmem>>) semaphore(%arg8 : memref<!tpu.dma_semaphore, #tpu.memory_space<semaphore_mem>>) {add = true}
      %mul3A_142 = arith.constant 16 : i32
      %mul3A_143 = arith.muli %scan3A_70, %mul3A_142 : i32
      %add3A_144 = arith.constant 8 : i32
      %add3A_145 = arith.addi %mul3A_143, %add3A_144 : i32
      %dma_start3A_146 = arith.constant 0 : i32
      %dma_start3A_147 = tpu.memref_slice %arg4[%add3A_145, %dma_start3A_146] : memref<160x128xi32, #tpu.memory_space<vmem>> -> memref<1x128xi32, #tpu.memory_space<vmem>>
      %dma_start3A_148 = tpu.memref_squeeze %dma_start3A_147 : memref<1x128xi32, #tpu.memory_space<vmem>> -> memref<128xi32, #tpu.memory_space<vmem>>
      %dma_start3A_149 = arith.constant 0 : i32
      %dma_start3A_150 = tpu.memref_slice %arg7[%dma_start3A_149] : memref<20224xf32, #tpu.memory_space<vmem_shared>> -> memref<20224xf32, #tpu.memory_space<vmem_shared>>
      tpu.enqueue_indirect_dma source(%arg5 : memref<128xf32, #tpu.memory_space<vmem>>) target(%dma_start3A_150 : memref<20224xf32, #tpu.memory_space<vmem_shared>>) offsets(%dma_start3A_148 : memref<128xi32, #tpu.memory_space<vmem>>) semaphore(%arg8 : memref<!tpu.dma_semaphore, #tpu.memory_space<semaphore_mem>>) {add = true}
      %mul3A_151 = arith.constant 16 : i32
      %mul3A_152 = arith.muli %scan3A_70, %mul3A_151 : i32
      %add3A_153 = arith.constant 9 : i32
      %add3A_154 = arith.addi %mul3A_152, %add3A_153 : i32
      %dma_start3A_155 = arith.constant 0 : i32
      %dma_start3A_156 = tpu.memref_slice %arg4[%add3A_154, %dma_start3A_155] : memref<160x128xi32, #tpu.memory_space<vmem>> -> memref<1x128xi32, #tpu.memory_space<vmem>>
      %dma_start3A_157 = tpu.memref_squeeze %dma_start3A_156 : memref<1x128xi32, #tpu.memory_space<vmem>> -> memref<128xi32, #tpu.memory_space<vmem>>
      %dma_start3A_158 = arith.constant 0 : i32
      %dma_start3A_159 = tpu.memref_slice %arg7[%dma_start3A_158] : memref<20224xf32, #tpu.memory_space<vmem_shared>> -> memref<20224xf32, #tpu.memory_space<vmem_shared>>
      tpu.enqueue_indirect_dma source(%arg5 : memref<128xf32, #tpu.memory_space<vmem>>) target(%dma_start3A_159 : memref<20224xf32, #tpu.memory_space<vmem_shared>>) offsets(%dma_start3A_157 : memref<128xi32, #tpu.memory_space<vmem>>) semaphore(%arg8 : memref<!tpu.dma_semaphore, #tpu.memory_space<semaphore_mem>>) {add = true}
      %mul3A_160 = arith.constant 16 : i32
      %mul3A_161 = arith.muli %scan3A_70, %mul3A_160 : i32
      %add3A_162 = arith.constant 10 : i32
      %add3A_163 = arith.addi %mul3A_161, %add3A_162 : i32
      %dma_start3A_164 = arith.constant 0 : i32
      %dma_start3A_165 = tpu.memref_slice %arg4[%add3A_163, %dma_start3A_164] : memref<160x128xi32, #tpu.memory_space<vmem>> -> memref<1x128xi32, #tpu.memory_space<vmem>>
      %dma_start3A_166 = tpu.memref_squeeze %dma_start3A_165 : memref<1x128xi32, #tpu.memory_space<vmem>> -> memref<128xi32, #tpu.memory_space<vmem>>
      %dma_start3A_167 = arith.constant 0 : i32
      %dma_start3A_168 = tpu.memref_slice %arg7[%dma_start3A_167] : memref<20224xf32, #tpu.memory_space<vmem_shared>> -> memref<20224xf32, #tpu.memory_space<vmem_shared>>
      tpu.enqueue_indirect_dma source(%arg5 : memref<128xf32, #tpu.memory_space<vmem>>) target(%dma_start3A_168 : memref<20224xf32, #tpu.memory_space<vmem_shared>>) offsets(%dma_start3A_166 : memref<128xi32, #tpu.memory_space<vmem>>) semaphore(%arg8 : memref<!tpu.dma_semaphore, #tpu.memory_space<semaphore_mem>>) {add = true}
      %mul3A_169 = arith.constant 16 : i32
      %mul3A_170 = arith.muli %scan3A_70, %mul3A_169 : i32
      %add3A_171 = arith.constant 11 : i32
      %add3A_172 = arith.addi %mul3A_170, %add3A_171 : i32
      %dma_start3A_173 = arith.constant 0 : i32
      %dma_start3A_174 = tpu.memref_slice %arg4[%add3A_172, %dma_start3A_173] : memref<160x128xi32, #tpu.memory_space<vmem>> -> memref<1x128xi32, #tpu.memory_space<vmem>>
      %dma_start3A_175 = tpu.memref_squeeze %dma_start3A_174 : memref<1x128xi32, #tpu.memory_space<vmem>> -> memref<128xi32, #tpu.memory_space<vmem>>
      %dma_start3A_176 = arith.constant 0 : i32
      %dma_start3A_177 = tpu.memref_slice %arg7[%dma_start3A_176] : memref<20224xf32, #tpu.memory_space<vmem_shared>> -> memref<20224xf32, #tpu.memory_space<vmem_shared>>
      tpu.enqueue_indirect_dma source(%arg5 : memref<128xf32, #tpu.memory_space<vmem>>) target(%dma_start3A_177 : memref<20224xf32, #tpu.memory_space<vmem_shared>>) offsets(%dma_start3A_175 : memref<128xi32, #tpu.memory_space<vmem>>) semaphore(%arg8 : memref<!tpu.dma_semaphore, #tpu.memory_space<semaphore_mem>>) {add = true}
      %mul3A_178 = arith.constant 16 : i32
      %mul3A_179 = arith.muli %scan3A_70, %mul3A_178 : i32
      %add3A_180 = arith.constant 12 : i32
      %add3A_181 = arith.addi %mul3A_179, %add3A_180 : i32
      %dma_start3A_182 = arith.constant 0 : i32
      %dma_start3A_183 = tpu.memref_slice %arg4[%add3A_181, %dma_start3A_182] : memref<160x128xi32, #tpu.memory_space<vmem>> -> memref<1x128xi32, #tpu.memory_space<vmem>>
      %dma_start3A_184 = tpu.memref_squeeze %dma_start3A_183 : memref<1x128xi32, #tpu.memory_space<vmem>> -> memref<128xi32, #tpu.memory_space<vmem>>
      %dma_start3A_185 = arith.constant 0 : i32
      %dma_start3A_186 = tpu.memref_slice %arg7[%dma_start3A_185] : memref<20224xf32, #tpu.memory_space<vmem_shared>> -> memref<20224xf32, #tpu.memory_space<vmem_shared>>
      tpu.enqueue_indirect_dma source(%arg5 : memref<128xf32, #tpu.memory_space<vmem>>) target(%dma_start3A_186 : memref<20224xf32, #tpu.memory_space<vmem_shared>>) offsets(%dma_start3A_184 : memref<128xi32, #tpu.memory_space<vmem>>) semaphore(%arg8 : memref<!tpu.dma_semaphore, #tpu.memory_space<semaphore_mem>>) {add = true}
      %mul3A_187 = arith.constant 16 : i32
      %mul3A_188 = arith.muli %scan3A_70, %mul3A_187 : i32
      %add3A_189 = arith.constant 13 : i32
      %add3A_190 = arith.addi %mul3A_188, %add3A_189 : i32
      %dma_start3A_191 = arith.constant 0 : i32
      %dma_start3A_192 = tpu.memref_slice %arg4[%add3A_190, %dma_start3A_191] : memref<160x128xi32, #tpu.memory_space<vmem>> -> memref<1x128xi32, #tpu.memory_space<vmem>>
      %dma_start3A_193 = tpu.memref_squeeze %dma_start3A_192 : memref<1x128xi32, #tpu.memory_space<vmem>> -> memref<128xi32, #tpu.memory_space<vmem>>
      %dma_start3A_194 = arith.constant 0 : i32
      %dma_start3A_195 = tpu.memref_slice %arg7[%dma_start3A_194] : memref<20224xf32, #tpu.memory_space<vmem_shared>> -> memref<20224xf32, #tpu.memory_space<vmem_shared>>
      tpu.enqueue_indirect_dma source(%arg5 : memref<128xf32, #tpu.memory_space<vmem>>) target(%dma_start3A_195 : memref<20224xf32, #tpu.memory_space<vmem_shared>>) offsets(%dma_start3A_193 : memref<128xi32, #tpu.memory_space<vmem>>) semaphore(%arg8 : memref<!tpu.dma_semaphore, #tpu.memory_space<semaphore_mem>>) {add = true}
      %mul3A_196 = arith.constant 16 : i32
      %mul3A_197 = arith.muli %scan3A_70, %mul3A_196 : i32
      %add3A_198 = arith.constant 14 : i32
      %add3A_199 = arith.addi %mul3A_197, %add3A_198 : i32
      %dma_start3A_200 = arith.constant 0 : i32
      %dma_start3A_201 = tpu.memref_slice %arg4[%add3A_199, %dma_start3A_200] : memref<160x128xi32, #tpu.memory_space<vmem>> -> memref<1x128xi32, #tpu.memory_space<vmem>>
      %dma_start3A_202 = tpu.memref_squeeze %dma_start3A_201 : memref<1x128xi32, #tpu.memory_space<vmem>> -> memref<128xi32, #tpu.memory_space<vmem>>
      %dma_start3A_203 = arith.constant 0 : i32
      %dma_start3A_204 = tpu.memref_slice %arg7[%dma_start3A_203] : memref<20224xf32, #tpu.memory_space<vmem_shared>> -> memref<20224xf32, #tpu.memory_space<vmem_shared>>
      tpu.enqueue_indirect_dma source(%arg5 : memref<128xf32, #tpu.memory_space<vmem>>) target(%dma_start3A_204 : memref<20224xf32, #tpu.memory_space<vmem_shared>>) offsets(%dma_start3A_202 : memref<128xi32, #tpu.memory_space<vmem>>) semaphore(%arg8 : memref<!tpu.dma_semaphore, #tpu.memory_space<semaphore_mem>>) {add = true}
      %mul3A_205 = arith.constant 16 : i32
      %mul3A_206 = arith.muli %scan3A_70, %mul3A_205 : i32
      %add3A_207 = arith.constant 15 : i32
      %add3A_208 = arith.addi %mul3A_206, %add3A_207 : i32
      %dma_start3A_209 = arith.constant 0 : i32
      %dma_start3A_210 = tpu.memref_slice %arg4[%add3A_208, %dma_start3A_209] : memref<160x128xi32, #tpu.memory_space<vmem>> -> memref<1x128xi32, #tpu.memory_space<vmem>>
      %dma_start3A_211 = tpu.memref_squeeze %dma_start3A_210 : memref<1x128xi32, #tpu.memory_space<vmem>> -> memref<128xi32, #tpu.memory_space<vmem>>
      %dma_start3A_212 = arith.constant 0 : i32
      %dma_start3A_213 = tpu.memref_slice %arg7[%dma_start3A_212] : memref<20224xf32, #tpu.memory_space<vmem_shared>> -> memref<20224xf32, #tpu.memory_space<vmem_shared>>
      tpu.enqueue_indirect_dma source(%arg5 : memref<128xf32, #tpu.memory_space<vmem>>) target(%dma_start3A_213 : memref<20224xf32, #tpu.memory_space<vmem_shared>>) offsets(%dma_start3A_211 : memref<128xi32, #tpu.memory_space<vmem>>) semaphore(%arg8 : memref<!tpu.dma_semaphore, #tpu.memory_space<semaphore_mem>>) {add = true}
      %dma_wait3A = arith.constant 0 : i32
      %dma_wait3A_214 = tpu.memref_slice %arg4[%add3A_74, %dma_wait3A] : memref<160x128xi32, #tpu.memory_space<vmem>> -> memref<1x128xi32, #tpu.memory_space<vmem>>
      %dma_wait3A_215 = tpu.memref_squeeze %dma_wait3A_214 : memref<1x128xi32, #tpu.memory_space<vmem>> -> memref<128xi32, #tpu.memory_space<vmem>>
      %dma_wait3A_216 = arith.constant 0 : i32
      %dma_wait3A_217 = tpu.memref_slice %arg7[%dma_wait3A_216] : memref<20224xf32, #tpu.memory_space<vmem_shared>> -> memref<20224xf32, #tpu.memory_space<vmem_shared>>
      tpu.wait_indirect_dma semaphore(%arg8 : memref<!tpu.dma_semaphore, #tpu.memory_space<semaphore_mem>>) src(%arg5 : memref<128xf32, #tpu.memory_space<vmem>>) dst(%dma_wait3A_217 : memref<20224xf32, #tpu.memory_space<vmem_shared>>)
      %dma_wait3A_218 = arith.constant 0 : i32
      %dma_wait3A_219 = tpu.memref_slice %arg4[%add3A_82, %dma_wait3A_218] : memref<160x128xi32, #tpu.memory_space<vmem>> -> memref<1x128xi32, #tpu.memory_space<vmem>>
      %dma_wait3A_220 = tpu.memref_squeeze %dma_wait3A_219 : memref<1x128xi32, #tpu.memory_space<vmem>> -> memref<128xi32, #tpu.memory_space<vmem>>
      %dma_wait3A_221 = arith.constant 0 : i32
      %dma_wait3A_222 = tpu.memref_slice %arg7[%dma_wait3A_221] : memref<20224xf32, #tpu.memory_space<vmem_shared>> -> memref<20224xf32, #tpu.memory_space<vmem_shared>>
      tpu.wait_indirect_dma semaphore(%arg8 : memref<!tpu.dma_semaphore, #tpu.memory_space<semaphore_mem>>) src(%arg5 : memref<128xf32, #tpu.memory_space<vmem>>) dst(%dma_wait3A_222 : memref<20224xf32, #tpu.memory_space<vmem_shared>>)
      %dma_wait3A_223 = arith.constant 0 : i32
      %dma_wait3A_224 = tpu.memref_slice %arg4[%add3A_91, %dma_wait3A_223] : memref<160x128xi32, #tpu.memory_space<vmem>> -> memref<1x128xi32, #tpu.memory_space<vmem>>
      %dma_wait3A_225 = tpu.memref_squeeze %dma_wait3A_224 : memref<1x128xi32, #tpu.memory_space<vmem>> -> memref<128xi32, #tpu.memory_space<vmem>>
      %dma_wait3A_226 = arith.constant 0 : i32
      %dma_wait3A_227 = tpu.memref_slice %arg7[%dma_wait3A_226] : memref<20224xf32, #tpu.memory_space<vmem_shared>> -> memref<20224xf32, #tpu.memory_space<vmem_shared>>
      tpu.wait_indirect_dma semaphore(%arg8 : memref<!tpu.dma_semaphore, #tpu.memory_space<semaphore_mem>>) src(%arg5 : memref<128xf32, #tpu.memory_space<vmem>>) dst(%dma_wait3A_227 : memref<20224xf32, #tpu.memory_space<vmem_shared>>)
      %dma_wait3A_228 = arith.constant 0 : i32
      %dma_wait3A_229 = tpu.memref_slice %arg4[%add3A_100, %dma_wait3A_228] : memref<160x128xi32, #tpu.memory_space<vmem>> -> memref<1x128xi32, #tpu.memory_space<vmem>>
      %dma_wait3A_230 = tpu.memref_squeeze %dma_wait3A_229 : memref<1x128xi32, #tpu.memory_space<vmem>> -> memref<128xi32, #tpu.memory_space<vmem>>
      %dma_wait3A_231 = arith.constant 0 : i32
      %dma_wait3A_232 = tpu.memref_slice %arg7[%dma_wait3A_231] : memref<20224xf32, #tpu.memory_space<vmem_shared>> -> memref<20224xf32, #tpu.memory_space<vmem_shared>>
      tpu.wait_indirect_dma semaphore(%arg8 : memref<!tpu.dma_semaphore, #tpu.memory_space<semaphore_mem>>) src(%arg5 : memref<128xf32, #tpu.memory_space<vmem>>) dst(%dma_wait3A_232 : memref<20224xf32, #tpu.memory_space<vmem_shared>>)
      %dma_wait3A_233 = arith.constant 0 : i32
      %dma_wait3A_234 = tpu.memref_slice %arg4[%add3A_109, %dma_wait3A_233] : memref<160x128xi32, #tpu.memory_space<vmem>> -> memref<1x128xi32, #tpu.memory_space<vmem>>
      %dma_wait3A_235 = tpu.memref_squeeze %dma_wait3A_234 : memref<1x128xi32, #tpu.memory_space<vmem>> -> memref<128xi32, #tpu.memory_space<vmem>>
      %dma_wait3A_236 = arith.constant 0 : i32
      %dma_wait3A_237 = tpu.memref_slice %arg7[%dma_wait3A_236] : memref<20224xf32, #tpu.memory_space<vmem_shared>> -> memref<20224xf32, #tpu.memory_space<vmem_shared>>
      tpu.wait_indirect_dma semaphore(%arg8 : memref<!tpu.dma_semaphore, #tpu.memory_space<semaphore_mem>>) src(%arg5 : memref<128xf32, #tpu.memory_space<vmem>>) dst(%dma_wait3A_237 : memref<20224xf32, #tpu.memory_space<vmem_shared>>)
      %dma_wait3A_238 = arith.constant 0 : i32
      %dma_wait3A_239 = tpu.memref_slice %arg4[%add3A_118, %dma_wait3A_238] : memref<160x128xi32, #tpu.memory_space<vmem>> -> memref<1x128xi32, #tpu.memory_space<vmem>>
      %dma_wait3A_240 = tpu.memref_squeeze %dma_wait3A_239 : memref<1x128xi32, #tpu.memory_space<vmem>> -> memref<128xi32, #tpu.memory_space<vmem>>
      %dma_wait3A_241 = arith.constant 0 : i32
      %dma_wait3A_242 = tpu.memref_slice %arg7[%dma_wait3A_241] : memref<20224xf32, #tpu.memory_space<vmem_shared>> -> memref<20224xf32, #tpu.memory_space<vmem_shared>>
      tpu.wait_indirect_dma semaphore(%arg8 : memref<!tpu.dma_semaphore, #tpu.memory_space<semaphore_mem>>) src(%arg5 : memref<128xf32, #tpu.memory_space<vmem>>) dst(%dma_wait3A_242 : memref<20224xf32, #tpu.memory_space<vmem_shared>>)
      %dma_wait3A_243 = arith.constant 0 : i32
      %dma_wait3A_244 = tpu.memref_slice %arg4[%add3A_127, %dma_wait3A_243] : memref<160x128xi32, #tpu.memory_space<vmem>> -> memref<1x128xi32, #tpu.memory_space<vmem>>
      %dma_wait3A_245 = tpu.memref_squeeze %dma_wait3A_244 : memref<1x128xi32, #tpu.memory_space<vmem>> -> memref<128xi32, #tpu.memory_space<vmem>>
      %dma_wait3A_246 = arith.constant 0 : i32
      %dma_wait3A_247 = tpu.memref_slice %arg7[%dma_wait3A_246] : memref<20224xf32, #tpu.memory_space<vmem_shared>> -> memref<20224xf32, #tpu.memory_space<vmem_shared>>
      tpu.wait_indirect_dma semaphore(%arg8 : memref<!tpu.dma_semaphore, #tpu.memory_space<semaphore_mem>>) src(%arg5 : memref<128xf32, #tpu.memory_space<vmem>>) dst(%dma_wait3A_247 : memref<20224xf32, #tpu.memory_space<vmem_shared>>)
      %dma_wait3A_248 = arith.constant 0 : i32
      %dma_wait3A_249 = tpu.memref_slice %arg4[%add3A_136, %dma_wait3A_248] : memref<160x128xi32, #tpu.memory_space<vmem>> -> memref<1x128xi32, #tpu.memory_space<vmem>>
      %dma_wait3A_250 = tpu.memref_squeeze %dma_wait3A_249 : memref<1x128xi32, #tpu.memory_space<vmem>> -> memref<128xi32, #tpu.memory_space<vmem>>
      %dma_wait3A_251 = arith.constant 0 : i32
      %dma_wait3A_252 = tpu.memref_slice %arg7[%dma_wait3A_251] : memref<20224xf32, #tpu.memory_space<vmem_shared>> -> memref<20224xf32, #tpu.memory_space<vmem_shared>>
      tpu.wait_indirect_dma semaphore(%arg8 : memref<!tpu.dma_semaphore, #tpu.memory_space<semaphore_mem>>) src(%arg5 : memref<128xf32, #tpu.memory_space<vmem>>) dst(%dma_wait3A_252 : memref<20224xf32, #tpu.memory_space<vmem_shared>>)
      %dma_wait3A_253 = arith.constant 0 : i32
      %dma_wait3A_254 = tpu.memref_slice %arg4[%add3A_145, %dma_wait3A_253] : memref<160x128xi32, #tpu.memory_space<vmem>> -> memref<1x128xi32, #tpu.memory_space<vmem>>
      %dma_wait3A_255 = tpu.memref_squeeze %dma_wait3A_254 : memref<1x128xi32, #tpu.memory_space<vmem>> -> memref<128xi32, #tpu.memory_space<vmem>>
      %dma_wait3A_256 = arith.constant 0 : i32
      %dma_wait3A_257 = tpu.memref_slice %arg7[%dma_wait3A_256] : memref<20224xf32, #tpu.memory_space<vmem_shared>> -> memref<20224xf32, #tpu.memory_space<vmem_shared>>
      tpu.wait_indirect_dma semaphore(%arg8 : memref<!tpu.dma_semaphore, #tpu.memory_space<semaphore_mem>>) src(%arg5 : memref<128xf32, #tpu.memory_space<vmem>>) dst(%dma_wait3A_257 : memref<20224xf32, #tpu.memory_space<vmem_shared>>)
      %dma_wait3A_258 = arith.constant 0 : i32
      %dma_wait3A_259 = tpu.memref_slice %arg4[%add3A_154, %dma_wait3A_258] : memref<160x128xi32, #tpu.memory_space<vmem>> -> memref<1x128xi32, #tpu.memory_space<vmem>>
      %dma_wait3A_260 = tpu.memref_squeeze %dma_wait3A_259 : memref<1x128xi32, #tpu.memory_space<vmem>> -> memref<128xi32, #tpu.memory_space<vmem>>
      %dma_wait3A_261 = arith.constant 0 : i32
      %dma_wait3A_262 = tpu.memref_slice %arg7[%dma_wait3A_261] : memref<20224xf32, #tpu.memory_space<vmem_shared>> -> memref<20224xf32, #tpu.memory_space<vmem_shared>>
      tpu.wait_indirect_dma semaphore(%arg8 : memref<!tpu.dma_semaphore, #tpu.memory_space<semaphore_mem>>) src(%arg5 : memref<128xf32, #tpu.memory_space<vmem>>) dst(%dma_wait3A_262 : memref<20224xf32, #tpu.memory_space<vmem_shared>>)
      %dma_wait3A_263 = arith.constant 0 : i32
      %dma_wait3A_264 = tpu.memref_slice %arg4[%add3A_163, %dma_wait3A_263] : memref<160x128xi32, #tpu.memory_space<vmem>> -> memref<1x128xi32, #tpu.memory_space<vmem>>
      %dma_wait3A_265 = tpu.memref_squeeze %dma_wait3A_264 : memref<1x128xi32, #tpu.memory_space<vmem>> -> memref<128xi32, #tpu.memory_space<vmem>>
      %dma_wait3A_266 = arith.constant 0 : i32
      %dma_wait3A_267 = tpu.memref_slice %arg7[%dma_wait3A_266] : memref<20224xf32, #tpu.memory_space<vmem_shared>> -> memref<20224xf32, #tpu.memory_space<vmem_shared>>
      tpu.wait_indirect_dma semaphore(%arg8 : memref<!tpu.dma_semaphore, #tpu.memory_space<semaphore_mem>>) src(%arg5 : memref<128xf32, #tpu.memory_space<vmem>>) dst(%dma_wait3A_267 : memref<20224xf32, #tpu.memory_space<vmem_shared>>)
      %dma_wait3A_268 = arith.constant 0 : i32
      %dma_wait3A_269 = tpu.memref_slice %arg4[%add3A_172, %dma_wait3A_268] : memref<160x128xi32, #tpu.memory_space<vmem>> -> memref<1x128xi32, #tpu.memory_space<vmem>>
      %dma_wait3A_270 = tpu.memref_squeeze %dma_wait3A_269 : memref<1x128xi32, #tpu.memory_space<vmem>> -> memref<128xi32, #tpu.memory_space<vmem>>
      %dma_wait3A_271 = arith.constant 0 : i32
      %dma_wait3A_272 = tpu.memref_slice %arg7[%dma_wait3A_271] : memref<20224xf32, #tpu.memory_space<vmem_shared>> -> memref<20224xf32, #tpu.memory_space<vmem_shared>>
      tpu.wait_indirect_dma semaphore(%arg8 : memref<!tpu.dma_semaphore, #tpu.memory_space<semaphore_mem>>) src(%arg5 : memref<128xf32, #tpu.memory_space<vmem>>) dst(%dma_wait3A_272 : memref<20224xf32, #tpu.memory_space<vmem_shared>>)
      %dma_wait3A_273 = arith.constant 0 : i32
      %dma_wait3A_274 = tpu.memref_slice %arg4[%add3A_181, %dma_wait3A_273] : memref<160x128xi32, #tpu.memory_space<vmem>> -> memref<1x128xi32, #tpu.memory_space<vmem>>
      %dma_wait3A_275 = tpu.memref_squeeze %dma_wait3A_274 : memref<1x128xi32, #tpu.memory_space<vmem>> -> memref<128xi32, #tpu.memory_space<vmem>>
      %dma_wait3A_276 = arith.constant 0 : i32
      %dma_wait3A_277 = tpu.memref_slice %arg7[%dma_wait3A_276] : memref<20224xf32, #tpu.memory_space<vmem_shared>> -> memref<20224xf32, #tpu.memory_space<vmem_shared>>
      tpu.wait_indirect_dma semaphore(%arg8 : memref<!tpu.dma_semaphore, #tpu.memory_space<semaphore_mem>>) src(%arg5 : memref<128xf32, #tpu.memory_space<vmem>>) dst(%dma_wait3A_277 : memref<20224xf32, #tpu.memory_space<vmem_shared>>)
      %dma_wait3A_278 = arith.constant 0 : i32
      %dma_wait3A_279 = tpu.memref_slice %arg4[%add3A_190, %dma_wait3A_278] : memref<160x128xi32, #tpu.memory_space<vmem>> -> memref<1x128xi32, #tpu.memory_space<vmem>>
      %dma_wait3A_280 = tpu.memref_squeeze %dma_wait3A_279 : memref<1x128xi32, #tpu.memory_space<vmem>> -> memref<128xi32, #tpu.memory_space<vmem>>
      %dma_wait3A_281 = arith.constant 0 : i32
      %dma_wait3A_282 = tpu.memref_slice %arg7[%dma_wait3A_281] : memref<20224xf32, #tpu.memory_space<vmem_shared>> -> memref<20224xf32, #tpu.memory_space<vmem_shared>>
      tpu.wait_indirect_dma semaphore(%arg8 : memref<!tpu.dma_semaphore, #tpu.memory_space<semaphore_mem>>) src(%arg5 : memref<128xf32, #tpu.memory_space<vmem>>) dst(%dma_wait3A_282 : memref<20224xf32, #tpu.memory_space<vmem_shared>>)
      %dma_wait3A_283 = arith.constant 0 : i32
      %dma_wait3A_284 = tpu.memref_slice %arg4[%add3A_199, %dma_wait3A_283] : memref<160x128xi32, #tpu.memory_space<vmem>> -> memref<1x128xi32, #tpu.memory_space<vmem>>
      %dma_wait3A_285 = tpu.memref_squeeze %dma_wait3A_284 : memref<1x128xi32, #tpu.memory_space<vmem>> -> memref<128xi32, #tpu.memory_space<vmem>>
      %dma_wait3A_286 = arith.constant 0 : i32
      %dma_wait3A_287 = tpu.memref_slice %arg7[%dma_wait3A_286] : memref<20224xf32, #tpu.memory_space<vmem_shared>> -> memref<20224xf32, #tpu.memory_space<vmem_shared>>
      tpu.wait_indirect_dma semaphore(%arg8 : memref<!tpu.dma_semaphore, #tpu.memory_space<semaphore_mem>>) src(%arg5 : memref<128xf32, #tpu.memory_space<vmem>>) dst(%dma_wait3A_287 : memref<20224xf32, #tpu.memory_space<vmem_shared>>)
      %dma_wait3A_288 = arith.constant 0 : i32
      %dma_wait3A_289 = tpu.memref_slice %arg4[%add3A_208, %dma_wait3A_288] : memref<160x128xi32, #tpu.memory_space<vmem>> -> memref<1x128xi32, #tpu.memory_space<vmem>>
      %dma_wait3A_290 = tpu.memref_squeeze %dma_wait3A_289 : memref<1x128xi32, #tpu.memory_space<vmem>> -> memref<128xi32, #tpu.memory_space<vmem>>
      %dma_wait3A_291 = arith.constant 0 : i32
      %dma_wait3A_292 = tpu.memref_slice %arg7[%dma_wait3A_291] : memref<20224xf32, #tpu.memory_space<vmem_shared>> -> memref<20224xf32, #tpu.memory_space<vmem_shared>>
      tpu.wait_indirect_dma semaphore(%arg8 : memref<!tpu.dma_semaphore, #tpu.memory_space<semaphore_mem>>) src(%arg5 : memref<128xf32, #tpu.memory_space<vmem>>) dst(%dma_wait3A_292 : memref<20224xf32, #tpu.memory_space<vmem_shared>>)
    }
    %scan3A_59 = arith.constant 10 : i32
    %barrier3A_60 = arith.constant 0 : index
    tpu.barrier barrier_id(%barrier3A_60)
    %mul3A_61 = arith.constant 1264 : i32
    %mul3A_62 = arith.muli %arg1, %mul3A_61 : i32
    "tpu.region"() ({
      %run_scoped3A = tpu.sem_alloc : memref<!tpu.dma_semaphore, #tpu.memory_space<semaphore_mem>>
      %dma_start3A = tpu.memref_slice %arg7[%mul3A_62] : memref<20224xf32, #tpu.memory_space<vmem_shared>> -> memref<1264xf32, #tpu.memory_space<vmem_shared>>
      %dma_start3A_70 = tpu.memref_slice %arg7[%mul3A_62] : memref<20224xf32, #tpu.memory_space<vmem_shared>> -> memref<1264xf32, #tpu.memory_space<vmem_shared>>
      tpu.enqueue_dma source(%dma_start3A_70 : memref<1264xf32, #tpu.memory_space<vmem_shared>>) target(%arg6 : memref<1264xf32, #tpu.memory_space<vmem>>) target_semaphore(%run_scoped3A : memref<!tpu.dma_semaphore, #tpu.memory_space<semaphore_mem>>)
      %dma_wait3A = tpu.memref_slice %arg7[%mul3A_62] : memref<20224xf32, #tpu.memory_space<vmem_shared>> -> memref<1264xf32, #tpu.memory_space<vmem_shared>>
      %dma_wait3A_71 = tpu.memref_slice %arg7[%mul3A_62] : memref<20224xf32, #tpu.memory_space<vmem_shared>> -> memref<1264xf32, #tpu.memory_space<vmem_shared>>
      tpu.wait_dma2 semaphore(%run_scoped3A : memref<!tpu.dma_semaphore, #tpu.memory_space<semaphore_mem>>) src(%dma_wait3A_71 : memref<1264xf32, #tpu.memory_space<vmem_shared>>) dst(%arg6 : memref<1264xf32, #tpu.memory_space<vmem>>)
      tpu.yield
    }) : () -> ()
    %mul3A_63 = arith.constant 2 : i32
    %mul3A_64 = arith.muli %arg0, %mul3A_63 : i32
    %mul3A_65 = arith.constant 10112 : i32
    %mul3A_66 = arith.muli %mul3A_64, %mul3A_65 : i32
    %mul3A_67 = arith.constant 1264 : i32
    %mul3A_68 = arith.muli %arg1, %mul3A_67 : i32
    %add3A_69 = arith.addi %mul3A_66, %mul3A_68 : i32
    "tpu.region"() ({
      %run_scoped3A = tpu.sem_alloc : memref<!tpu.dma_semaphore, #tpu.memory_space<semaphore_mem>>
      %dma_start3A = tpu.memref_slice %arg3[%add3A_69] : memref<40448xf32, #tpu.memory_space<hbm>> -> memref<1264xf32, #tpu.memory_space<hbm>>
      %dma_start3A_70 = tpu.memref_slice %arg3[%add3A_69] : memref<40448xf32, #tpu.memory_space<hbm>> -> memref<1264xf32, #tpu.memory_space<hbm>>
      tpu.enqueue_dma source(%arg6 : memref<1264xf32, #tpu.memory_space<vmem>>) target(%dma_start3A_70 : memref<1264xf32, #tpu.memory_space<hbm>>) target_semaphore(%run_scoped3A : memref<!tpu.dma_semaphore, #tpu.memory_space<semaphore_mem>>)
      %dma_wait3A = tpu.memref_slice %arg3[%add3A_69] : memref<40448xf32, #tpu.memory_space<hbm>> -> memref<1264xf32, #tpu.memory_space<hbm>>
      %dma_wait3A_71 = tpu.memref_slice %arg3[%add3A_69] : memref<40448xf32, #tpu.memory_space<hbm>> -> memref<1264xf32, #tpu.memory_space<hbm>>
      tpu.wait_dma2 semaphore(%run_scoped3A : memref<!tpu.dma_semaphore, #tpu.memory_space<semaphore_mem>>) src(%arg6 : memref<1264xf32, #tpu.memory_space<vmem>>) dst(%dma_wait3A_71 : memref<1264xf32, #tpu.memory_space<hbm>>)
      tpu.yield
    }) : () -> ()
    return
  }
}

#map = affine_map<(d0, d1) -> (0, 0)>
#map1 = affine_map<(d0, d1) -> (0, 0, 0)>
module attributes {stable_mosaic.version = 14 : i64} {
  func.func @_lambda_(%arg0: i32, %arg1: i32, %arg2: memref<10112x128xf32, #tpu.memory_space<hbm>>, %arg3: memref<32x90x112xi32, #tpu.memory_space<hbm>>, %arg4: memref<32x90x112xi32, #tpu.memory_space<hbm>>, %arg5: memref<2x10112x128xf32, #tpu.memory_space<hbm>>, %arg6: memref<6x112xi32, #tpu.memory_space<vmem>>, %arg7: memref<6x112xi32, #tpu.memory_space<vmem>>, %arg8: memref<3x112x128xf32, #tpu.memory_space<vmem>>, %arg9: memref<10112x128xf32, #tpu.memory_space<vmem_shared>>, %arg10: memref<!tpu.dma_semaphore, #tpu.memory_space<semaphore_mem>>, %arg11: memref<!tpu.dma_semaphore, #tpu.memory_space<semaphore_mem>>, %arg12: memref<!tpu.dma_semaphore, #tpu.memory_space<semaphore_mem>>) attributes {dimension_semantics = [#tpu.dimension_semantics<core_parallel>, #tpu.dimension_semantics<subcore_parallel>], iteration_bounds = array<i64: 2, 16>, scalar_prefetch = 0 : i64, scratch_operands = 7 : i64, tpu.core_type = #tpu.core_type<sc_vector_subcore>, window_params = [{transform_indices = #map}, {transform_indices = #map1}, {transform_indices = #map1}, {transform_indices = #map1}]} {
    %mul3A = arith.constant 2 : i32
    %mul3A_0 = arith.muli %arg1, %mul3A : i32
    %add3A = arith.addi %mul3A_0, %arg0 : i32
    %scan3A = arith.constant 0 : i32
    %scan3A_1 = arith.constant 0 : i32
    %scan3A_2 = arith.constant 112 : i32
    %scan3A_3 = arith.addi %scan3A_1, %scan3A_2 : i32
    %scan3A_4 = arith.constant 1 : i32
    scf.for %scan3A_719 = %scan3A_1 to %scan3A_3 step %scan3A_4  : i32 {
      %broadcast_in_dim3A = arith.constant 0.000000e+00 : f32
      %broadcast_in_dim3A_720 = vector.broadcast %broadcast_in_dim3A : f32 to vector<16xf32>
      %swap3A = arith.constant 0 : i32
      %swap3A_721 = arith.index_cast %swap3A : i32 to index
      %swap3A_722 = arith.index_cast %scan3A_719 : i32 to index
      %swap3A_723 = arith.constant 0 : index
      %swap3A_724 = tpu.vector_load %arg8[%swap3A_721, %swap3A_722, %swap3A_723] {strides = array<i32>} : memref<3x112x128xf32, #tpu.memory_space<vmem>>, vector<1x1x16xf32>,
      %swap3A_725 = vector.shape_cast %swap3A_724 : vector<1x1x16xf32> to vector<16xf32>
      %swap3A_726 = vector.shape_cast %broadcast_in_dim3A_720 : vector<16xf32> to vector<1x1x16xf32>
      tpu.vector_store %arg8[%swap3A_721, %swap3A_722, %swap3A_723], %swap3A_726 {strides = array<i32>} : memref<3x112x128xf32, #tpu.memory_space<vmem>>, vector<1x1x16xf32>,
      %broadcast_in_dim3A_727 = arith.constant 0.000000e+00 : f32
      %broadcast_in_dim3A_728 = vector.broadcast %broadcast_in_dim3A_727 : f32 to vector<16xf32>
      %swap3A_729 = arith.constant 0 : i32
      %swap3A_730 = arith.index_cast %swap3A_729 : i32 to index
      %swap3A_731 = arith.index_cast %scan3A_719 : i32 to index
      %swap3A_732 = arith.constant 16 : index
      %swap3A_733 = tpu.vector_load %arg8[%swap3A_730, %swap3A_731, %swap3A_732] {strides = array<i32>} : memref<3x112x128xf32, #tpu.memory_space<vmem>>, vector<1x1x16xf32>,
      %swap3A_734 = vector.shape_cast %swap3A_733 : vector<1x1x16xf32> to vector<16xf32>
      %swap3A_735 = vector.shape_cast %broadcast_in_dim3A_728 : vector<16xf32> to vector<1x1x16xf32>
      tpu.vector_store %arg8[%swap3A_730, %swap3A_731, %swap3A_732], %swap3A_735 {strides = array<i32>} : memref<3x112x128xf32, #tpu.memory_space<vmem>>, vector<1x1x16xf32>,
      %broadcast_in_dim3A_736 = arith.constant 0.000000e+00 : f32
      %broadcast_in_dim3A_737 = vector.broadcast %broadcast_in_dim3A_736 : f32 to vector<16xf32>
      %swap3A_738 = arith.constant 0 : i32
      %swap3A_739 = arith.index_cast %swap3A_738 : i32 to index
      %swap3A_740 = arith.index_cast %scan3A_719 : i32 to index
      %swap3A_741 = arith.constant 32 : index
      %swap3A_742 = tpu.vector_load %arg8[%swap3A_739, %swap3A_740, %swap3A_741] {strides = array<i32>} : memref<3x112x128xf32, #tpu.memory_space<vmem>>, vector<1x1x16xf32>,
      %swap3A_743 = vector.shape_cast %swap3A_742 : vector<1x1x16xf32> to vector<16xf32>
      %swap3A_744 = vector.shape_cast %broadcast_in_dim3A_737 : vector<16xf32> to vector<1x1x16xf32>
      tpu.vector_store %arg8[%swap3A_739, %swap3A_740, %swap3A_741], %swap3A_744 {strides = array<i32>} : memref<3x112x128xf32, #tpu.memory_space<vmem>>, vector<1x1x16xf32>,
      %broadcast_in_dim3A_745 = arith.constant 0.000000e+00 : f32
      %broadcast_in_dim3A_746 = vector.broadcast %broadcast_in_dim3A_745 : f32 to vector<16xf32>
      %swap3A_747 = arith.constant 0 : i32
      %swap3A_748 = arith.index_cast %swap3A_747 : i32 to index
      %swap3A_749 = arith.index_cast %scan3A_719 : i32 to index
      %swap3A_750 = arith.constant 48 : index
      %swap3A_751 = tpu.vector_load %arg8[%swap3A_748, %swap3A_749, %swap3A_750] {strides = array<i32>} : memref<3x112x128xf32, #tpu.memory_space<vmem>>, vector<1x1x16xf32>,
      %swap3A_752 = vector.shape_cast %swap3A_751 : vector<1x1x16xf32> to vector<16xf32>
      %swap3A_753 = vector.shape_cast %broadcast_in_dim3A_746 : vector<16xf32> to vector<1x1x16xf32>
      tpu.vector_store %arg8[%swap3A_748, %swap3A_749, %swap3A_750], %swap3A_753 {strides = array<i32>} : memref<3x112x128xf32, #tpu.memory_space<vmem>>, vector<1x1x16xf32>,
      %broadcast_in_dim3A_754 = arith.constant 0.000000e+00 : f32
      %broadcast_in_dim3A_755 = vector.broadcast %broadcast_in_dim3A_754 : f32 to vector<16xf32>
      %swap3A_756 = arith.constant 0 : i32
      %swap3A_757 = arith.index_cast %swap3A_756 : i32 to index
      %swap3A_758 = arith.index_cast %scan3A_719 : i32 to index
      %swap3A_759 = arith.constant 64 : index
      %swap3A_760 = tpu.vector_load %arg8[%swap3A_757, %swap3A_758, %swap3A_759] {strides = array<i32>} : memref<3x112x128xf32, #tpu.memory_space<vmem>>, vector<1x1x16xf32>,
      %swap3A_761 = vector.shape_cast %swap3A_760 : vector<1x1x16xf32> to vector<16xf32>
      %swap3A_762 = vector.shape_cast %broadcast_in_dim3A_755 : vector<16xf32> to vector<1x1x16xf32>
      tpu.vector_store %arg8[%swap3A_757, %swap3A_758, %swap3A_759], %swap3A_762 {strides = array<i32>} : memref<3x112x128xf32, #tpu.memory_space<vmem>>, vector<1x1x16xf32>,
      %broadcast_in_dim3A_763 = arith.constant 0.000000e+00 : f32
      %broadcast_in_dim3A_764 = vector.broadcast %broadcast_in_dim3A_763 : f32 to vector<16xf32>
      %swap3A_765 = arith.constant 0 : i32
      %swap3A_766 = arith.index_cast %swap3A_765 : i32 to index
      %swap3A_767 = arith.index_cast %scan3A_719 : i32 to index
      %swap3A_768 = arith.constant 80 : index
      %swap3A_769 = tpu.vector_load %arg8[%swap3A_766, %swap3A_767, %swap3A_768] {strides = array<i32>} : memref<3x112x128xf32, #tpu.memory_space<vmem>>, vector<1x1x16xf32>,
      %swap3A_770 = vector.shape_cast %swap3A_769 : vector<1x1x16xf32> to vector<16xf32>
      %swap3A_771 = vector.shape_cast %broadcast_in_dim3A_764 : vector<16xf32> to vector<1x1x16xf32>
      tpu.vector_store %arg8[%swap3A_766, %swap3A_767, %swap3A_768], %swap3A_771 {strides = array<i32>} : memref<3x112x128xf32, #tpu.memory_space<vmem>>, vector<1x1x16xf32>,
      %broadcast_in_dim3A_772 = arith.constant 0.000000e+00 : f32
      %broadcast_in_dim3A_773 = vector.broadcast %broadcast_in_dim3A_772 : f32 to vector<16xf32>
      %swap3A_774 = arith.constant 0 : i32
      %swap3A_775 = arith.index_cast %swap3A_774 : i32 to index
      %swap3A_776 = arith.index_cast %scan3A_719 : i32 to index
      %swap3A_777 = arith.constant 96 : index
      %swap3A_778 = tpu.vector_load %arg8[%swap3A_775, %swap3A_776, %swap3A_777] {strides = array<i32>} : memref<3x112x128xf32, #tpu.memory_space<vmem>>, vector<1x1x16xf32>,
      %swap3A_779 = vector.shape_cast %swap3A_778 : vector<1x1x16xf32> to vector<16xf32>
      %swap3A_780 = vector.shape_cast %broadcast_in_dim3A_773 : vector<16xf32> to vector<1x1x16xf32>
      tpu.vector_store %arg8[%swap3A_775, %swap3A_776, %swap3A_777], %swap3A_780 {strides = array<i32>} : memref<3x112x128xf32, #tpu.memory_space<vmem>>, vector<1x1x16xf32>,
      %broadcast_in_dim3A_781 = arith.constant 0.000000e+00 : f32
      %broadcast_in_dim3A_782 = vector.broadcast %broadcast_in_dim3A_781 : f32 to vector<16xf32>
      %swap3A_783 = arith.constant 0 : i32
      %swap3A_784 = arith.index_cast %swap3A_783 : i32 to index
      %swap3A_785 = arith.index_cast %scan3A_719 : i32 to index
      %swap3A_786 = arith.constant 112 : index
      %swap3A_787 = tpu.vector_load %arg8[%swap3A_784, %swap3A_785, %swap3A_786] {strides = array<i32>} : memref<3x112x128xf32, #tpu.memory_space<vmem>>, vector<1x1x16xf32>,
      %swap3A_788 = vector.shape_cast %swap3A_787 : vector<1x1x16xf32> to vector<16xf32>
      %swap3A_789 = vector.shape_cast %broadcast_in_dim3A_782 : vector<16xf32> to vector<1x1x16xf32>
      tpu.vector_store %arg8[%swap3A_784, %swap3A_785, %swap3A_786], %swap3A_789 {strides = array<i32>} : memref<3x112x128xf32, #tpu.memory_space<vmem>>, vector<1x1x16xf32>,
    }
    %scan3A_5 = arith.constant 112 : i32
    %mul3A_6 = arith.constant 632 : i32
    %mul3A_7 = arith.muli %arg1, %mul3A_6 : i32
    %add3A_8 = arith.constant 0 : i32
    %add3A_9 = arith.addi %mul3A_7, %add3A_8 : i32
    %dma_start3A = arith.constant 0 : i32
    %dma_start3A_10 = arith.constant 0 : i32
    %dma_start3A_11 = arith.constant 0 : i32
    %dma_start3A_12 = tpu.memref_slice %arg8[%dma_start3A, %dma_start3A_10, %dma_start3A_11] : memref<3x112x128xf32, #tpu.memory_space<vmem>> -> memref<1x112x128xf32, #tpu.memory_space<vmem>>
    %dma_start3A_13 = tpu.memref_squeeze %dma_start3A_12 : memref<1x112x128xf32, #tpu.memory_space<vmem>> -> memref<112x128xf32, #tpu.memory_space<vmem>>
    %dma_start3A_14 = arith.constant 0 : i32
    %dma_start3A_15 = tpu.memref_slice %arg9[%add3A_9, %dma_start3A_14] : memref<10112x128xf32, #tpu.memory_space<vmem_shared>> -> memref<112x128xf32, #tpu.memory_space<vmem_shared>>
    %dma_start3A_16 = arith.constant 0 : i32
    %dma_start3A_17 = tpu.memref_slice %arg9[%add3A_9, %dma_start3A_16] : memref<10112x128xf32, #tpu.memory_space<vmem_shared>> -> memref<112x128xf32, #tpu.memory_space<vmem_shared>>
    %dma_start3A_18 = arith.constant 0 : i32
    %dma_start3A_19 = arith.constant 0 : i32
    %dma_start3A_20 = tpu.memref_slice %arg8[%dma_start3A, %dma_start3A_18, %dma_start3A_19] : memref<3x112x128xf32, #tpu.memory_space<vmem>> -> memref<1x112x128xf32, #tpu.memory_space<vmem>>
    %dma_start3A_21 = tpu.memref_squeeze %dma_start3A_20 : memref<1x112x128xf32, #tpu.memory_space<vmem>> -> memref<112x128xf32, #tpu.memory_space<vmem>>
    tpu.enqueue_dma source(%dma_start3A_21 : memref<112x128xf32, #tpu.memory_space<vmem>>) target(%dma_start3A_17 : memref<112x128xf32, #tpu.memory_space<vmem_shared>>) target_semaphore(%arg11 : memref<!tpu.dma_semaphore, #tpu.memory_space<semaphore_mem>>)
    %mul3A_22 = arith.constant 632 : i32
    %mul3A_23 = arith.muli %arg1, %mul3A_22 : i32
    %add3A_24 = arith.constant 112 : i32
    %add3A_25 = arith.addi %mul3A_23, %add3A_24 : i32
    %dma_start3A_26 = arith.constant 0 : i32
    %dma_start3A_27 = arith.constant 0 : i32
    %dma_start3A_28 = arith.constant 0 : i32
    %dma_start3A_29 = tpu.memref_slice %arg8[%dma_start3A_26, %dma_start3A_27, %dma_start3A_28] : memref<3x112x128xf32, #tpu.memory_space<vmem>> -> memref<1x112x128xf32, #tpu.memory_space<vmem>>
    %dma_start3A_30 = tpu.memref_squeeze %dma_start3A_29 : memref<1x112x128xf32, #tpu.memory_space<vmem>> -> memref<112x128xf32, #tpu.memory_space<vmem>>
    %dma_start3A_31 = arith.constant 0 : i32
    %dma_start3A_32 = tpu.memref_slice %arg9[%add3A_25, %dma_start3A_31] : memref<10112x128xf32, #tpu.memory_space<vmem_shared>> -> memref<112x128xf32, #tpu.memory_space<vmem_shared>>
    %dma_start3A_33 = arith.constant 0 : i32
    %dma_start3A_34 = tpu.memref_slice %arg9[%add3A_25, %dma_start3A_33] : memref<10112x128xf32, #tpu.memory_space<vmem_shared>> -> memref<112x128xf32, #tpu.memory_space<vmem_shared>>
    %dma_start3A_35 = arith.constant 0 : i32
    %dma_start3A_36 = arith.constant 0 : i32
    %dma_start3A_37 = tpu.memref_slice %arg8[%dma_start3A_26, %dma_start3A_35, %dma_start3A_36] : memref<3x112x128xf32, #tpu.memory_space<vmem>> -> memref<1x112x128xf32, #tpu.memory_space<vmem>>
    %dma_start3A_38 = tpu.memref_squeeze %dma_start3A_37 : memref<1x112x128xf32, #tpu.memory_space<vmem>> -> memref<112x128xf32, #tpu.memory_space<vmem>>
    tpu.enqueue_dma source(%dma_start3A_38 : memref<112x128xf32, #tpu.memory_space<vmem>>) target(%dma_start3A_34 : memref<112x128xf32, #tpu.memory_space<vmem_shared>>) target_semaphore(%arg11 : memref<!tpu.dma_semaphore, #tpu.memory_space<semaphore_mem>>)
    %mul3A_39 = arith.constant 632 : i32
    %mul3A_40 = arith.muli %arg1, %mul3A_39 : i32
    %add3A_41 = arith.constant 224 : i32
    %add3A_42 = arith.addi %mul3A_40, %add3A_41 : i32
    %dma_start3A_43 = arith.constant 0 : i32
    %dma_start3A_44 = arith.constant 0 : i32
    %dma_start3A_45 = arith.constant 0 : i32
    %dma_start3A_46 = tpu.memref_slice %arg8[%dma_start3A_43, %dma_start3A_44, %dma_start3A_45] : memref<3x112x128xf32, #tpu.memory_space<vmem>> -> memref<1x112x128xf32, #tpu.memory_space<vmem>>
    %dma_start3A_47 = tpu.memref_squeeze %dma_start3A_46 : memref<1x112x128xf32, #tpu.memory_space<vmem>> -> memref<112x128xf32, #tpu.memory_space<vmem>>
    %dma_start3A_48 = arith.constant 0 : i32
    %dma_start3A_49 = tpu.memref_slice %arg9[%add3A_42, %dma_start3A_48] : memref<10112x128xf32, #tpu.memory_space<vmem_shared>> -> memref<112x128xf32, #tpu.memory_space<vmem_shared>>
    %dma_start3A_50 = arith.constant 0 : i32
    %dma_start3A_51 = tpu.memref_slice %arg9[%add3A_42, %dma_start3A_50] : memref<10112x128xf32, #tpu.memory_space<vmem_shared>> -> memref<112x128xf32, #tpu.memory_space<vmem_shared>>
    %dma_start3A_52 = arith.constant 0 : i32
    %dma_start3A_53 = arith.constant 0 : i32
    %dma_start3A_54 = tpu.memref_slice %arg8[%dma_start3A_43, %dma_start3A_52, %dma_start3A_53] : memref<3x112x128xf32, #tpu.memory_space<vmem>> -> memref<1x112x128xf32, #tpu.memory_space<vmem>>
    %dma_start3A_55 = tpu.memref_squeeze %dma_start3A_54 : memref<1x112x128xf32, #tpu.memory_space<vmem>> -> memref<112x128xf32, #tpu.memory_space<vmem>>
    tpu.enqueue_dma source(%dma_start3A_55 : memref<112x128xf32, #tpu.memory_space<vmem>>) target(%dma_start3A_51 : memref<112x128xf32, #tpu.memory_space<vmem_shared>>) target_semaphore(%arg11 : memref<!tpu.dma_semaphore, #tpu.memory_space<semaphore_mem>>)
    %mul3A_56 = arith.constant 632 : i32
    %mul3A_57 = arith.muli %arg1, %mul3A_56 : i32
    %add3A_58 = arith.constant 336 : i32
    %add3A_59 = arith.addi %mul3A_57, %add3A_58 : i32
    %dma_start3A_60 = arith.constant 0 : i32
    %dma_start3A_61 = arith.constant 0 : i32
    %dma_start3A_62 = arith.constant 0 : i32
    %dma_start3A_63 = tpu.memref_slice %arg8[%dma_start3A_60, %dma_start3A_61, %dma_start3A_62] : memref<3x112x128xf32, #tpu.memory_space<vmem>> -> memref<1x112x128xf32, #tpu.memory_space<vmem>>
    %dma_start3A_64 = tpu.memref_squeeze %dma_start3A_63 : memref<1x112x128xf32, #tpu.memory_space<vmem>> -> memref<112x128xf32, #tpu.memory_space<vmem>>
    %dma_start3A_65 = arith.constant 0 : i32
    %dma_start3A_66 = tpu.memref_slice %arg9[%add3A_59, %dma_start3A_65] : memref<10112x128xf32, #tpu.memory_space<vmem_shared>> -> memref<112x128xf32, #tpu.memory_space<vmem_shared>>
    %dma_start3A_67 = arith.constant 0 : i32
    %dma_start3A_68 = tpu.memref_slice %arg9[%add3A_59, %dma_start3A_67] : memref<10112x128xf32, #tpu.memory_space<vmem_shared>> -> memref<112x128xf32, #tpu.memory_space<vmem_shared>>
    %dma_start3A_69 = arith.constant 0 : i32
    %dma_start3A_70 = arith.constant 0 : i32
    %dma_start3A_71 = tpu.memref_slice %arg8[%dma_start3A_60, %dma_start3A_69, %dma_start3A_70] : memref<3x112x128xf32, #tpu.memory_space<vmem>> -> memref<1x112x128xf32, #tpu.memory_space<vmem>>
    %dma_start3A_72 = tpu.memref_squeeze %dma_start3A_71 : memref<1x112x128xf32, #tpu.memory_space<vmem>> -> memref<112x128xf32, #tpu.memory_space<vmem>>
    tpu.enqueue_dma source(%dma_start3A_72 : memref<112x128xf32, #tpu.memory_space<vmem>>) target(%dma_start3A_68 : memref<112x128xf32, #tpu.memory_space<vmem_shared>>) target_semaphore(%arg11 : memref<!tpu.dma_semaphore, #tpu.memory_space<semaphore_mem>>)
    %mul3A_73 = arith.constant 632 : i32
    %mul3A_74 = arith.muli %arg1, %mul3A_73 : i32
    %add3A_75 = arith.constant 448 : i32
    %add3A_76 = arith.addi %mul3A_74, %add3A_75 : i32
    %dma_start3A_77 = arith.constant 0 : i32
    %dma_start3A_78 = arith.constant 0 : i32
    %dma_start3A_79 = arith.constant 0 : i32
    %dma_start3A_80 = tpu.memref_slice %arg8[%dma_start3A_77, %dma_start3A_78, %dma_start3A_79] : memref<3x112x128xf32, #tpu.memory_space<vmem>> -> memref<1x112x128xf32, #tpu.memory_space<vmem>>
    %dma_start3A_81 = tpu.memref_squeeze %dma_start3A_80 : memref<1x112x128xf32, #tpu.memory_space<vmem>> -> memref<112x128xf32, #tpu.memory_space<vmem>>
    %dma_start3A_82 = arith.constant 0 : i32
    %dma_start3A_83 = tpu.memref_slice %arg9[%add3A_76, %dma_start3A_82] : memref<10112x128xf32, #tpu.memory_space<vmem_shared>> -> memref<112x128xf32, #tpu.memory_space<vmem_shared>>
    %dma_start3A_84 = arith.constant 0 : i32
    %dma_start3A_85 = tpu.memref_slice %arg9[%add3A_76, %dma_start3A_84] : memref<10112x128xf32, #tpu.memory_space<vmem_shared>> -> memref<112x128xf32, #tpu.memory_space<vmem_shared>>
    %dma_start3A_86 = arith.constant 0 : i32
    %dma_start3A_87 = arith.constant 0 : i32
    %dma_start3A_88 = tpu.memref_slice %arg8[%dma_start3A_77, %dma_start3A_86, %dma_start3A_87] : memref<3x112x128xf32, #tpu.memory_space<vmem>> -> memref<1x112x128xf32, #tpu.memory_space<vmem>>
    %dma_start3A_89 = tpu.memref_squeeze %dma_start3A_88 : memref<1x112x128xf32, #tpu.memory_space<vmem>> -> memref<112x128xf32, #tpu.memory_space<vmem>>
    tpu.enqueue_dma source(%dma_start3A_89 : memref<112x128xf32, #tpu.memory_space<vmem>>) target(%dma_start3A_85 : memref<112x128xf32, #tpu.memory_space<vmem_shared>>) target_semaphore(%arg11 : memref<!tpu.dma_semaphore, #tpu.memory_space<semaphore_mem>>)
    %mul3A_90 = arith.constant 632 : i32
    %mul3A_91 = arith.muli %arg1, %mul3A_90 : i32
    %add3A_92 = arith.constant 560 : i32
    %add3A_93 = arith.addi %mul3A_91, %add3A_92 : i32
    %dma_start3A_94 = arith.constant 0 : i32
    %dma_start3A_95 = arith.constant 0 : i32
    %dma_start3A_96 = arith.constant 0 : i32
    %dma_start3A_97 = tpu.memref_slice %arg8[%dma_start3A_94, %dma_start3A_95, %dma_start3A_96] : memref<3x112x128xf32, #tpu.memory_space<vmem>> -> memref<1x72x128xf32, #tpu.memory_space<vmem>>
    %dma_start3A_98 = tpu.memref_squeeze %dma_start3A_97 : memref<1x72x128xf32, #tpu.memory_space<vmem>> -> memref<72x128xf32, #tpu.memory_space<vmem>>
    %dma_start3A_99 = arith.constant 0 : i32
    %dma_start3A_100 = tpu.memref_slice %arg9[%add3A_93, %dma_start3A_99] : memref<10112x128xf32, #tpu.memory_space<vmem_shared>> -> memref<72x128xf32, #tpu.memory_space<vmem_shared>>
    %dma_start3A_101 = arith.constant 0 : i32
    %dma_start3A_102 = tpu.memref_slice %arg9[%add3A_93, %dma_start3A_101] : memref<10112x128xf32, #tpu.memory_space<vmem_shared>> -> memref<72x128xf32, #tpu.memory_space<vmem_shared>>
    %dma_start3A_103 = arith.constant 0 : i32
    %dma_start3A_104 = arith.constant 0 : i32
    %dma_start3A_105 = tpu.memref_slice %arg8[%dma_start3A_94, %dma_start3A_103, %dma_start3A_104] : memref<3x112x128xf32, #tpu.memory_space<vmem>> -> memref<1x72x128xf32, #tpu.memory_space<vmem>>
    %dma_start3A_106 = tpu.memref_squeeze %dma_start3A_105 : memref<1x72x128xf32, #tpu.memory_space<vmem>> -> memref<72x128xf32, #tpu.memory_space<vmem>>
    tpu.enqueue_dma source(%dma_start3A_106 : memref<72x128xf32, #tpu.memory_space<vmem>>) target(%dma_start3A_102 : memref<72x128xf32, #tpu.memory_space<vmem_shared>>) target_semaphore(%arg11 : memref<!tpu.dma_semaphore, #tpu.memory_space<semaphore_mem>>)
    %dma_wait3A = arith.constant 0 : i32
    %dma_wait3A_107 = arith.constant 0 : i32
    %dma_wait3A_108 = arith.constant 0 : i32
    %dma_wait3A_109 = tpu.memref_slice %arg8[%dma_wait3A, %dma_wait3A_107, %dma_wait3A_108] : memref<3x112x128xf32, #tpu.memory_space<vmem>> -> memref<1x112x128xf32, #tpu.memory_space<vmem>>
    %dma_wait3A_110 = tpu.memref_squeeze %dma_wait3A_109 : memref<1x112x128xf32, #tpu.memory_space<vmem>> -> memref<112x128xf32, #tpu.memory_space<vmem>>
    %dma_wait3A_111 = arith.constant 0 : i32
    %dma_wait3A_112 = tpu.memref_slice %arg9[%add3A_9, %dma_wait3A_111] : memref<10112x128xf32, #tpu.memory_space<vmem_shared>> -> memref<112x128xf32, #tpu.memory_space<vmem_shared>>
    %dma_wait3A_113 = arith.constant 0 : i32
    %dma_wait3A_114 = tpu.memref_slice %arg9[%add3A_9, %dma_wait3A_113] : memref<10112x128xf32, #tpu.memory_space<vmem_shared>> -> memref<112x128xf32, #tpu.memory_space<vmem_shared>>
    %dma_wait3A_115 = arith.constant 0 : i32
    %dma_wait3A_116 = arith.constant 0 : i32
    %dma_wait3A_117 = tpu.memref_slice %arg8[%dma_wait3A, %dma_wait3A_115, %dma_wait3A_116] : memref<3x112x128xf32, #tpu.memory_space<vmem>> -> memref<1x112x128xf32, #tpu.memory_space<vmem>>
    %dma_wait3A_118 = tpu.memref_squeeze %dma_wait3A_117 : memref<1x112x128xf32, #tpu.memory_space<vmem>> -> memref<112x128xf32, #tpu.memory_space<vmem>>
    tpu.wait_dma2 semaphore(%arg11 : memref<!tpu.dma_semaphore, #tpu.memory_space<semaphore_mem>>) src(%dma_wait3A_118 : memref<112x128xf32, #tpu.memory_space<vmem>>) dst(%dma_wait3A_114 : memref<112x128xf32, #tpu.memory_space<vmem_shared>>)
    %dma_wait3A_119 = arith.constant 0 : i32
    %dma_wait3A_120 = arith.constant 0 : i32
    %dma_wait3A_121 = arith.constant 0 : i32
    %dma_wait3A_122 = tpu.memref_slice %arg8[%dma_wait3A_119, %dma_wait3A_120, %dma_wait3A_121] : memref<3x112x128xf32, #tpu.memory_space<vmem>> -> memref<1x112x128xf32, #tpu.memory_space<vmem>>
    %dma_wait3A_123 = tpu.memref_squeeze %dma_wait3A_122 : memref<1x112x128xf32, #tpu.memory_space<vmem>> -> memref<112x128xf32, #tpu.memory_space<vmem>>
    %dma_wait3A_124 = arith.constant 0 : i32
    %dma_wait3A_125 = tpu.memref_slice %arg9[%add3A_25, %dma_wait3A_124] : memref<10112x128xf32, #tpu.memory_space<vmem_shared>> -> memref<112x128xf32, #tpu.memory_space<vmem_shared>>
    %dma_wait3A_126 = arith.constant 0 : i32
    %dma_wait3A_127 = tpu.memref_slice %arg9[%add3A_25, %dma_wait3A_126] : memref<10112x128xf32, #tpu.memory_space<vmem_shared>> -> memref<112x128xf32, #tpu.memory_space<vmem_shared>>
    %dma_wait3A_128 = arith.constant 0 : i32
    %dma_wait3A_129 = arith.constant 0 : i32
    %dma_wait3A_130 = tpu.memref_slice %arg8[%dma_wait3A_119, %dma_wait3A_128, %dma_wait3A_129] : memref<3x112x128xf32, #tpu.memory_space<vmem>> -> memref<1x112x128xf32, #tpu.memory_space<vmem>>
    %dma_wait3A_131 = tpu.memref_squeeze %dma_wait3A_130 : memref<1x112x128xf32, #tpu.memory_space<vmem>> -> memref<112x128xf32, #tpu.memory_space<vmem>>
    tpu.wait_dma2 semaphore(%arg11 : memref<!tpu.dma_semaphore, #tpu.memory_space<semaphore_mem>>) src(%dma_wait3A_131 : memref<112x128xf32, #tpu.memory_space<vmem>>) dst(%dma_wait3A_127 : memref<112x128xf32, #tpu.memory_space<vmem_shared>>)
    %dma_wait3A_132 = arith.constant 0 : i32
    %dma_wait3A_133 = arith.constant 0 : i32
    %dma_wait3A_134 = arith.constant 0 : i32
    %dma_wait3A_135 = tpu.memref_slice %arg8[%dma_wait3A_132, %dma_wait3A_133, %dma_wait3A_134] : memref<3x112x128xf32, #tpu.memory_space<vmem>> -> memref<1x112x128xf32, #tpu.memory_space<vmem>>
    %dma_wait3A_136 = tpu.memref_squeeze %dma_wait3A_135 : memref<1x112x128xf32, #tpu.memory_space<vmem>> -> memref<112x128xf32, #tpu.memory_space<vmem>>
    %dma_wait3A_137 = arith.constant 0 : i32
    %dma_wait3A_138 = tpu.memref_slice %arg9[%add3A_42, %dma_wait3A_137] : memref<10112x128xf32, #tpu.memory_space<vmem_shared>> -> memref<112x128xf32, #tpu.memory_space<vmem_shared>>
    %dma_wait3A_139 = arith.constant 0 : i32
    %dma_wait3A_140 = tpu.memref_slice %arg9[%add3A_42, %dma_wait3A_139] : memref<10112x128xf32, #tpu.memory_space<vmem_shared>> -> memref<112x128xf32, #tpu.memory_space<vmem_shared>>
    %dma_wait3A_141 = arith.constant 0 : i32
    %dma_wait3A_142 = arith.constant 0 : i32
    %dma_wait3A_143 = tpu.memref_slice %arg8[%dma_wait3A_132, %dma_wait3A_141, %dma_wait3A_142] : memref<3x112x128xf32, #tpu.memory_space<vmem>> -> memref<1x112x128xf32, #tpu.memory_space<vmem>>
    %dma_wait3A_144 = tpu.memref_squeeze %dma_wait3A_143 : memref<1x112x128xf32, #tpu.memory_space<vmem>> -> memref<112x128xf32, #tpu.memory_space<vmem>>
    tpu.wait_dma2 semaphore(%arg11 : memref<!tpu.dma_semaphore, #tpu.memory_space<semaphore_mem>>) src(%dma_wait3A_144 : memref<112x128xf32, #tpu.memory_space<vmem>>) dst(%dma_wait3A_140 : memref<112x128xf32, #tpu.memory_space<vmem_shared>>)
    %dma_wait3A_145 = arith.constant 0 : i32
    %dma_wait3A_146 = arith.constant 0 : i32
    %dma_wait3A_147 = arith.constant 0 : i32
    %dma_wait3A_148 = tpu.memref_slice %arg8[%dma_wait3A_145, %dma_wait3A_146, %dma_wait3A_147] : memref<3x112x128xf32, #tpu.memory_space<vmem>> -> memref<1x112x128xf32, #tpu.memory_space<vmem>>
    %dma_wait3A_149 = tpu.memref_squeeze %dma_wait3A_148 : memref<1x112x128xf32, #tpu.memory_space<vmem>> -> memref<112x128xf32, #tpu.memory_space<vmem>>
    %dma_wait3A_150 = arith.constant 0 : i32
    %dma_wait3A_151 = tpu.memref_slice %arg9[%add3A_59, %dma_wait3A_150] : memref<10112x128xf32, #tpu.memory_space<vmem_shared>> -> memref<112x128xf32, #tpu.memory_space<vmem_shared>>
    %dma_wait3A_152 = arith.constant 0 : i32
    %dma_wait3A_153 = tpu.memref_slice %arg9[%add3A_59, %dma_wait3A_152] : memref<10112x128xf32, #tpu.memory_space<vmem_shared>> -> memref<112x128xf32, #tpu.memory_space<vmem_shared>>
    %dma_wait3A_154 = arith.constant 0 : i32
    %dma_wait3A_155 = arith.constant 0 : i32
    %dma_wait3A_156 = tpu.memref_slice %arg8[%dma_wait3A_145, %dma_wait3A_154, %dma_wait3A_155] : memref<3x112x128xf32, #tpu.memory_space<vmem>> -> memref<1x112x128xf32, #tpu.memory_space<vmem>>
    %dma_wait3A_157 = tpu.memref_squeeze %dma_wait3A_156 : memref<1x112x128xf32, #tpu.memory_space<vmem>> -> memref<112x128xf32, #tpu.memory_space<vmem>>
    tpu.wait_dma2 semaphore(%arg11 : memref<!tpu.dma_semaphore, #tpu.memory_space<semaphore_mem>>) src(%dma_wait3A_157 : memref<112x128xf32, #tpu.memory_space<vmem>>) dst(%dma_wait3A_153 : memref<112x128xf32, #tpu.memory_space<vmem_shared>>)
    %dma_wait3A_158 = arith.constant 0 : i32
    %dma_wait3A_159 = arith.constant 0 : i32
    %dma_wait3A_160 = arith.constant 0 : i32
    %dma_wait3A_161 = tpu.memref_slice %arg8[%dma_wait3A_158, %dma_wait3A_159, %dma_wait3A_160] : memref<3x112x128xf32, #tpu.memory_space<vmem>> -> memref<1x112x128xf32, #tpu.memory_space<vmem>>
    %dma_wait3A_162 = tpu.memref_squeeze %dma_wait3A_161 : memref<1x112x128xf32, #tpu.memory_space<vmem>> -> memref<112x128xf32, #tpu.memory_space<vmem>>
    %dma_wait3A_163 = arith.constant 0 : i32
    %dma_wait3A_164 = tpu.memref_slice %arg9[%add3A_76, %dma_wait3A_163] : memref<10112x128xf32, #tpu.memory_space<vmem_shared>> -> memref<112x128xf32, #tpu.memory_space<vmem_shared>>
    %dma_wait3A_165 = arith.constant 0 : i32
    %dma_wait3A_166 = tpu.memref_slice %arg9[%add3A_76, %dma_wait3A_165] : memref<10112x128xf32, #tpu.memory_space<vmem_shared>> -> memref<112x128xf32, #tpu.memory_space<vmem_shared>>
    %dma_wait3A_167 = arith.constant 0 : i32
    %dma_wait3A_168 = arith.constant 0 : i32
    %dma_wait3A_169 = tpu.memref_slice %arg8[%dma_wait3A_158, %dma_wait3A_167, %dma_wait3A_168] : memref<3x112x128xf32, #tpu.memory_space<vmem>> -> memref<1x112x128xf32, #tpu.memory_space<vmem>>
    %dma_wait3A_170 = tpu.memref_squeeze %dma_wait3A_169 : memref<1x112x128xf32, #tpu.memory_space<vmem>> -> memref<112x128xf32, #tpu.memory_space<vmem>>
    tpu.wait_dma2 semaphore(%arg11 : memref<!tpu.dma_semaphore, #tpu.memory_space<semaphore_mem>>) src(%dma_wait3A_170 : memref<112x128xf32, #tpu.memory_space<vmem>>) dst(%dma_wait3A_166 : memref<112x128xf32, #tpu.memory_space<vmem_shared>>)
    %dma_wait3A_171 = arith.constant 0 : i32
    %dma_wait3A_172 = arith.constant 0 : i32
    %dma_wait3A_173 = arith.constant 0 : i32
    %dma_wait3A_174 = tpu.memref_slice %arg8[%dma_wait3A_171, %dma_wait3A_172, %dma_wait3A_173] : memref<3x112x128xf32, #tpu.memory_space<vmem>> -> memref<1x72x128xf32, #tpu.memory_space<vmem>>
    %dma_wait3A_175 = tpu.memref_squeeze %dma_wait3A_174 : memref<1x72x128xf32, #tpu.memory_space<vmem>> -> memref<72x128xf32, #tpu.memory_space<vmem>>
    %dma_wait3A_176 = arith.constant 0 : i32
    %dma_wait3A_177 = tpu.memref_slice %arg9[%add3A_93, %dma_wait3A_176] : memref<10112x128xf32, #tpu.memory_space<vmem_shared>> -> memref<72x128xf32, #tpu.memory_space<vmem_shared>>
    %dma_wait3A_178 = arith.constant 0 : i32
    %dma_wait3A_179 = tpu.memref_slice %arg9[%add3A_93, %dma_wait3A_178] : memref<10112x128xf32, #tpu.memory_space<vmem_shared>> -> memref<72x128xf32, #tpu.memory_space<vmem_shared>>
    %dma_wait3A_180 = arith.constant 0 : i32
    %dma_wait3A_181 = arith.constant 0 : i32
    %dma_wait3A_182 = tpu.memref_slice %arg8[%dma_wait3A_171, %dma_wait3A_180, %dma_wait3A_181] : memref<3x112x128xf32, #tpu.memory_space<vmem>> -> memref<1x72x128xf32, #tpu.memory_space<vmem>>
    %dma_wait3A_183 = tpu.memref_squeeze %dma_wait3A_182 : memref<1x72x128xf32, #tpu.memory_space<vmem>> -> memref<72x128xf32, #tpu.memory_space<vmem>>
    tpu.wait_dma2 semaphore(%arg11 : memref<!tpu.dma_semaphore, #tpu.memory_space<semaphore_mem>>) src(%dma_wait3A_183 : memref<72x128xf32, #tpu.memory_space<vmem>>) dst(%dma_wait3A_179 : memref<72x128xf32, #tpu.memory_space<vmem_shared>>)
    %barrier3A = arith.constant 0 : index
    tpu.barrier barrier_id(%barrier3A)
    %dma_start3A_184 = arith.constant 0 : i32
    %dma_start3A_185 = arith.constant 0 : i32
    %dma_start3A_186 = arith.constant 0 : i32
    %dma_start3A_187 = tpu.memref_slice %arg6[%dma_start3A_185, %dma_start3A_186] : memref<6x112xi32, #tpu.memory_space<vmem>> -> memref<1x112xi32, #tpu.memory_space<vmem>>
    %dma_start3A_188 = tpu.memref_squeeze %dma_start3A_187 : memref<1x112xi32, #tpu.memory_space<vmem>> -> memref<112xi32, #tpu.memory_space<vmem>>
    %dma_start3A_189 = arith.constant 0 : i32
    %dma_start3A_190 = tpu.memref_slice %arg3[%add3A, %dma_start3A_184, %dma_start3A_189] : memref<32x90x112xi32, #tpu.memory_space<hbm>> -> memref<1x1x112xi32, #tpu.memory_space<hbm>>
    %dma_start3A_191 = tpu.memref_squeeze %dma_start3A_190 : memref<1x1x112xi32, #tpu.memory_space<hbm>> -> memref<112xi32, #tpu.memory_space<hbm>>
    %dma_start3A_192 = arith.constant 0 : i32
    %dma_start3A_193 = tpu.memref_slice %arg6[%dma_start3A_185, %dma_start3A_192] : memref<6x112xi32, #tpu.memory_space<vmem>> -> memref<1x112xi32, #tpu.memory_space<vmem>>
    %dma_start3A_194 = tpu.memref_squeeze %dma_start3A_193 : memref<1x112xi32, #tpu.memory_space<vmem>> -> memref<112xi32, #tpu.memory_space<vmem>>
    %dma_start3A_195 = arith.constant 0 : i32
    %dma_start3A_196 = tpu.memref_slice %arg3[%add3A, %dma_start3A_184, %dma_start3A_195] : memref<32x90x112xi32, #tpu.memory_space<hbm>> -> memref<1x1x112xi32, #tpu.memory_space<hbm>>
    %dma_start3A_197 = tpu.memref_squeeze %dma_start3A_196 : memref<1x1x112xi32, #tpu.memory_space<hbm>> -> memref<112xi32, #tpu.memory_space<hbm>>
    tpu.enqueue_dma source(%dma_start3A_197 : memref<112xi32, #tpu.memory_space<hbm>>) target(%dma_start3A_194 : memref<112xi32, #tpu.memory_space<vmem>>) target_semaphore(%arg10 : memref<!tpu.dma_semaphore, #tpu.memory_space<semaphore_mem>>)
    %dma_start3A_198 = arith.constant 0 : i32
    %dma_start3A_199 = arith.constant 0 : i32
    %dma_start3A_200 = arith.constant 0 : i32
    %dma_start3A_201 = tpu.memref_slice %arg7[%dma_start3A_199, %dma_start3A_200] : memref<6x112xi32, #tpu.memory_space<vmem>> -> memref<1x112xi32, #tpu.memory_space<vmem>>
    %dma_start3A_202 = tpu.memref_squeeze %dma_start3A_201 : memref<1x112xi32, #tpu.memory_space<vmem>> -> memref<112xi32, #tpu.memory_space<vmem>>
    %dma_start3A_203 = arith.constant 0 : i32
    %dma_start3A_204 = tpu.memref_slice %arg4[%add3A, %dma_start3A_198, %dma_start3A_203] : memref<32x90x112xi32, #tpu.memory_space<hbm>> -> memref<1x1x112xi32, #tpu.memory_space<hbm>>
    %dma_start3A_205 = tpu.memref_squeeze %dma_start3A_204 : memref<1x1x112xi32, #tpu.memory_space<hbm>> -> memref<112xi32, #tpu.memory_space<hbm>>
    %dma_start3A_206 = arith.constant 0 : i32
    %dma_start3A_207 = tpu.memref_slice %arg7[%dma_start3A_199, %dma_start3A_206] : memref<6x112xi32, #tpu.memory_space<vmem>> -> memref<1x112xi32, #tpu.memory_space<vmem>>
    %dma_start3A_208 = tpu.memref_squeeze %dma_start3A_207 : memref<1x112xi32, #tpu.memory_space<vmem>> -> memref<112xi32, #tpu.memory_space<vmem>>
    %dma_start3A_209 = arith.constant 0 : i32
    %dma_start3A_210 = tpu.memref_slice %arg4[%add3A, %dma_start3A_198, %dma_start3A_209] : memref<32x90x112xi32, #tpu.memory_space<hbm>> -> memref<1x1x112xi32, #tpu.memory_space<hbm>>
    %dma_start3A_211 = tpu.memref_squeeze %dma_start3A_210 : memref<1x1x112xi32, #tpu.memory_space<hbm>> -> memref<112xi32, #tpu.memory_space<hbm>>
    tpu.enqueue_dma source(%dma_start3A_211 : memref<112xi32, #tpu.memory_space<hbm>>) target(%dma_start3A_208 : memref<112xi32, #tpu.memory_space<vmem>>) target_semaphore(%arg10 : memref<!tpu.dma_semaphore, #tpu.memory_space<semaphore_mem>>)
    %dma_start3A_212 = arith.constant 1 : i32
    %dma_start3A_213 = arith.constant 1 : i32
    %dma_start3A_214 = arith.constant 0 : i32
    %dma_start3A_215 = tpu.memref_slice %arg6[%dma_start3A_213, %dma_start3A_214] : memref<6x112xi32, #tpu.memory_space<vmem>> -> memref<1x112xi32, #tpu.memory_space<vmem>>
    %dma_start3A_216 = tpu.memref_squeeze %dma_start3A_215 : memref<1x112xi32, #tpu.memory_space<vmem>> -> memref<112xi32, #tpu.memory_space<vmem>>
    %dma_start3A_217 = arith.constant 0 : i32
    %dma_start3A_218 = tpu.memref_slice %arg3[%add3A, %dma_start3A_212, %dma_start3A_217] : memref<32x90x112xi32, #tpu.memory_space<hbm>> -> memref<1x1x112xi32, #tpu.memory_space<hbm>>
    %dma_start3A_219 = tpu.memref_squeeze %dma_start3A_218 : memref<1x1x112xi32, #tpu.memory_space<hbm>> -> memref<112xi32, #tpu.memory_space<hbm>>
    %dma_start3A_220 = arith.constant 0 : i32
    %dma_start3A_221 = tpu.memref_slice %arg6[%dma_start3A_213, %dma_start3A_220] : memref<6x112xi32, #tpu.memory_space<vmem>> -> memref<1x112xi32, #tpu.memory_space<vmem>>
    %dma_start3A_222 = tpu.memref_squeeze %dma_start3A_221 : memref<1x112xi32, #tpu.memory_space<vmem>> -> memref<112xi32, #tpu.memory_space<vmem>>
    %dma_start3A_223 = arith.constant 0 : i32
    %dma_start3A_224 = tpu.memref_slice %arg3[%add3A, %dma_start3A_212, %dma_start3A_223] : memref<32x90x112xi32, #tpu.memory_space<hbm>> -> memref<1x1x112xi32, #tpu.memory_space<hbm>>
    %dma_start3A_225 = tpu.memref_squeeze %dma_start3A_224 : memref<1x1x112xi32, #tpu.memory_space<hbm>> -> memref<112xi32, #tpu.memory_space<hbm>>
    tpu.enqueue_dma source(%dma_start3A_225 : memref<112xi32, #tpu.memory_space<hbm>>) target(%dma_start3A_222 : memref<112xi32, #tpu.memory_space<vmem>>) target_semaphore(%arg10 : memref<!tpu.dma_semaphore, #tpu.memory_space<semaphore_mem>>)
    %dma_start3A_226 = arith.constant 1 : i32
    %dma_start3A_227 = arith.constant 1 : i32
    %dma_start3A_228 = arith.constant 0 : i32
    %dma_start3A_229 = tpu.memref_slice %arg7[%dma_start3A_227, %dma_start3A_228] : memref<6x112xi32, #tpu.memory_space<vmem>> -> memref<1x112xi32, #tpu.memory_space<vmem>>
    %dma_start3A_230 = tpu.memref_squeeze %dma_start3A_229 : memref<1x112xi32, #tpu.memory_space<vmem>> -> memref<112xi32, #tpu.memory_space<vmem>>
    %dma_start3A_231 = arith.constant 0 : i32
    %dma_start3A_232 = tpu.memref_slice %arg4[%add3A, %dma_start3A_226, %dma_start3A_231] : memref<32x90x112xi32, #tpu.memory_space<hbm>> -> memref<1x1x112xi32, #tpu.memory_space<hbm>>
    %dma_start3A_233 = tpu.memref_squeeze %dma_start3A_232 : memref<1x1x112xi32, #tpu.memory_space<hbm>> -> memref<112xi32, #tpu.memory_space<hbm>>
    %dma_start3A_234 = arith.constant 0 : i32
    %dma_start3A_235 = tpu.memref_slice %arg7[%dma_start3A_227, %dma_start3A_234] : memref<6x112xi32, #tpu.memory_space<vmem>> -> memref<1x112xi32, #tpu.memory_space<vmem>>
    %dma_start3A_236 = tpu.memref_squeeze %dma_start3A_235 : memref<1x112xi32, #tpu.memory_space<vmem>> -> memref<112xi32, #tpu.memory_space<vmem>>
    %dma_start3A_237 = arith.constant 0 : i32
    %dma_start3A_238 = tpu.memref_slice %arg4[%add3A, %dma_start3A_226, %dma_start3A_237] : memref<32x90x112xi32, #tpu.memory_space<hbm>> -> memref<1x1x112xi32, #tpu.memory_space<hbm>>
    %dma_start3A_239 = tpu.memref_squeeze %dma_start3A_238 : memref<1x1x112xi32, #tpu.memory_space<hbm>> -> memref<112xi32, #tpu.memory_space<hbm>>
    tpu.enqueue_dma source(%dma_start3A_239 : memref<112xi32, #tpu.memory_space<hbm>>) target(%dma_start3A_236 : memref<112xi32, #tpu.memory_space<vmem>>) target_semaphore(%arg10 : memref<!tpu.dma_semaphore, #tpu.memory_space<semaphore_mem>>)
    %dma_start3A_240 = arith.constant 2 : i32
    %dma_start3A_241 = arith.constant 2 : i32
    %dma_start3A_242 = arith.constant 0 : i32
    %dma_start3A_243 = tpu.memref_slice %arg6[%dma_start3A_241, %dma_start3A_242] : memref<6x112xi32, #tpu.memory_space<vmem>> -> memref<1x112xi32, #tpu.memory_space<vmem>>
    %dma_start3A_244 = tpu.memref_squeeze %dma_start3A_243 : memref<1x112xi32, #tpu.memory_space<vmem>> -> memref<112xi32, #tpu.memory_space<vmem>>
    %dma_start3A_245 = arith.constant 0 : i32
    %dma_start3A_246 = tpu.memref_slice %arg3[%add3A, %dma_start3A_240, %dma_start3A_245] : memref<32x90x112xi32, #tpu.memory_space<hbm>> -> memref<1x1x112xi32, #tpu.memory_space<hbm>>
    %dma_start3A_247 = tpu.memref_squeeze %dma_start3A_246 : memref<1x1x112xi32, #tpu.memory_space<hbm>> -> memref<112xi32, #tpu.memory_space<hbm>>
    %dma_start3A_248 = arith.constant 0 : i32
    %dma_start3A_249 = tpu.memref_slice %arg6[%dma_start3A_241, %dma_start3A_248] : memref<6x112xi32, #tpu.memory_space<vmem>> -> memref<1x112xi32, #tpu.memory_space<vmem>>
    %dma_start3A_250 = tpu.memref_squeeze %dma_start3A_249 : memref<1x112xi32, #tpu.memory_space<vmem>> -> memref<112xi32, #tpu.memory_space<vmem>>
    %dma_start3A_251 = arith.constant 0 : i32
    %dma_start3A_252 = tpu.memref_slice %arg3[%add3A, %dma_start3A_240, %dma_start3A_251] : memref<32x90x112xi32, #tpu.memory_space<hbm>> -> memref<1x1x112xi32, #tpu.memory_space<hbm>>
    %dma_start3A_253 = tpu.memref_squeeze %dma_start3A_252 : memref<1x1x112xi32, #tpu.memory_space<hbm>> -> memref<112xi32, #tpu.memory_space<hbm>>
    tpu.enqueue_dma source(%dma_start3A_253 : memref<112xi32, #tpu.memory_space<hbm>>) target(%dma_start3A_250 : memref<112xi32, #tpu.memory_space<vmem>>) target_semaphore(%arg10 : memref<!tpu.dma_semaphore, #tpu.memory_space<semaphore_mem>>)
    %dma_start3A_254 = arith.constant 2 : i32
    %dma_start3A_255 = arith.constant 2 : i32
    %dma_start3A_256 = arith.constant 0 : i32
    %dma_start3A_257 = tpu.memref_slice %arg7[%dma_start3A_255, %dma_start3A_256] : memref<6x112xi32, #tpu.memory_space<vmem>> -> memref<1x112xi32, #tpu.memory_space<vmem>>
    %dma_start3A_258 = tpu.memref_squeeze %dma_start3A_257 : memref<1x112xi32, #tpu.memory_space<vmem>> -> memref<112xi32, #tpu.memory_space<vmem>>
    %dma_start3A_259 = arith.constant 0 : i32
    %dma_start3A_260 = tpu.memref_slice %arg4[%add3A, %dma_start3A_254, %dma_start3A_259] : memref<32x90x112xi32, #tpu.memory_space<hbm>> -> memref<1x1x112xi32, #tpu.memory_space<hbm>>
    %dma_start3A_261 = tpu.memref_squeeze %dma_start3A_260 : memref<1x1x112xi32, #tpu.memory_space<hbm>> -> memref<112xi32, #tpu.memory_space<hbm>>
    %dma_start3A_262 = arith.constant 0 : i32
    %dma_start3A_263 = tpu.memref_slice %arg7[%dma_start3A_255, %dma_start3A_262] : memref<6x112xi32, #tpu.memory_space<vmem>> -> memref<1x112xi32, #tpu.memory_space<vmem>>
    %dma_start3A_264 = tpu.memref_squeeze %dma_start3A_263 : memref<1x112xi32, #tpu.memory_space<vmem>> -> memref<112xi32, #tpu.memory_space<vmem>>
    %dma_start3A_265 = arith.constant 0 : i32
    %dma_start3A_266 = tpu.memref_slice %arg4[%add3A, %dma_start3A_254, %dma_start3A_265] : memref<32x90x112xi32, #tpu.memory_space<hbm>> -> memref<1x1x112xi32, #tpu.memory_space<hbm>>
    %dma_start3A_267 = tpu.memref_squeeze %dma_start3A_266 : memref<1x1x112xi32, #tpu.memory_space<hbm>> -> memref<112xi32, #tpu.memory_space<hbm>>
    tpu.enqueue_dma source(%dma_start3A_267 : memref<112xi32, #tpu.memory_space<hbm>>) target(%dma_start3A_264 : memref<112xi32, #tpu.memory_space<vmem>>) target_semaphore(%arg10 : memref<!tpu.dma_semaphore, #tpu.memory_space<semaphore_mem>>)
    %scan3A_268 = arith.constant 0 : i32
    %scan3A_269 = arith.constant 0 : i32
    %scan3A_270 = arith.constant 15 : i32
    %scan3A_271 = arith.addi %scan3A_269, %scan3A_270 : i32
    %scan3A_272 = arith.constant 1 : i32
    scf.for %scan3A_719 = %scan3A_269 to %scan3A_271 step %scan3A_272  : i32 {
      %mul3A_720 = arith.constant 6 : i32
      %mul3A_721 = arith.muli %mul3A_720, %scan3A_719 : i32
      %add3A_722 = arith.constant 0 : i32
      %add3A_723 = arith.addi %mul3A_721, %add3A_722 : i32
      %ge3A = arith.constant 3 : i32
      %ge3A_724 = arith.cmpi sge, %add3A_723, %ge3A : i32
      %convert_element_type3A = arith.extui %ge3A_724 : i1 to i32
      %cond3A = arith.constant 0 : i32
      %cond3A_725 = arith.cmpi ne, %convert_element_type3A, %cond3A : i32
      scf.if %cond3A_725 {
        %dma_wait3A_1082 = arith.constant 0 : i32
        %dma_wait3A_1083 = arith.constant 0 : i32
        %dma_wait3A_1084 = arith.constant 0 : i32
        %dma_wait3A_1085 = arith.constant 0 : i32
        %dma_wait3A_1086 = tpu.memref_slice %arg8[%dma_wait3A_1082, %dma_wait3A_1084, %dma_wait3A_1085] : memref<3x112x128xf32, #tpu.memory_space<vmem>> -> memref<1x112x128xf32, #tpu.memory_space<vmem>>
        %dma_wait3A_1087 = tpu.memref_squeeze %dma_wait3A_1086 : memref<1x112x128xf32, #tpu.memory_space<vmem>> -> memref<112x128xf32, #tpu.memory_space<vmem>>
        %dma_wait3A_1088 = arith.constant 0 : i32
        %dma_wait3A_1089 = tpu.memref_slice %arg7[%dma_wait3A_1083, %dma_wait3A_1088] : memref<6x112xi32, #tpu.memory_space<vmem>> -> memref<1x112xi32, #tpu.memory_space<vmem>>
        %dma_wait3A_1090 = tpu.memref_squeeze %dma_wait3A_1089 : memref<1x112xi32, #tpu.memory_space<vmem>> -> memref<112xi32, #tpu.memory_space<vmem>>
        %dma_wait3A_1091 = arith.constant 0 : i32
        %dma_wait3A_1092 = arith.constant 0 : i32
        %dma_wait3A_1093 = tpu.memref_slice %arg9[%dma_wait3A_1091, %dma_wait3A_1092] : memref<10112x128xf32, #tpu.memory_space<vmem_shared>> -> memref<10112x128xf32, #tpu.memory_space<vmem_shared>>
        tpu.wait_indirect_dma semaphore(%arg12 : memref<!tpu.dma_semaphore, #tpu.memory_space<semaphore_mem>>) src(%dma_wait3A_1087 : memref<112x128xf32, #tpu.memory_space<vmem>>) dst(%dma_wait3A_1093 : memref<10112x128xf32, #tpu.memory_space<vmem_shared>>)
      } else {
      }
      %dma_wait3A_726 = arith.constant 0 : i32
      %dma_wait3A_727 = arith.constant 0 : i32
      %dma_wait3A_728 = arith.constant 0 : i32
      %dma_wait3A_729 = tpu.memref_slice %arg6[%dma_wait3A_727, %dma_wait3A_728] : memref<6x112xi32, #tpu.memory_space<vmem>> -> memref<1x112xi32, #tpu.memory_space<vmem>>
      %dma_wait3A_730 = tpu.memref_squeeze %dma_wait3A_729 : memref<1x112xi32, #tpu.memory_space<vmem>> -> memref<112xi32, #tpu.memory_space<vmem>>
      %dma_wait3A_731 = arith.constant 0 : i32
      %dma_wait3A_732 = tpu.memref_slice %arg3[%add3A, %dma_wait3A_726, %dma_wait3A_731] : memref<32x90x112xi32, #tpu.memory_space<hbm>> -> memref<1x1x112xi32, #tpu.memory_space<hbm>>
      %dma_wait3A_733 = tpu.memref_squeeze %dma_wait3A_732 : memref<1x1x112xi32, #tpu.memory_space<hbm>> -> memref<112xi32, #tpu.memory_space<hbm>>
      %dma_wait3A_734 = arith.constant 0 : i32
      %dma_wait3A_735 = tpu.memref_slice %arg6[%dma_wait3A_727, %dma_wait3A_734] : memref<6x112xi32, #tpu.memory_space<vmem>> -> memref<1x112xi32, #tpu.memory_space<vmem>>
      %dma_wait3A_736 = tpu.memref_squeeze %dma_wait3A_735 : memref<1x112xi32, #tpu.memory_space<vmem>> -> memref<112xi32, #tpu.memory_space<vmem>>
      %dma_wait3A_737 = arith.constant 0 : i32
      %dma_wait3A_738 = tpu.memref_slice %arg3[%add3A, %dma_wait3A_726, %dma_wait3A_737] : memref<32x90x112xi32, #tpu.memory_space<hbm>> -> memref<1x1x112xi32, #tpu.memory_space<hbm>>
      %dma_wait3A_739 = tpu.memref_squeeze %dma_wait3A_738 : memref<1x1x112xi32, #tpu.memory_space<hbm>> -> memref<112xi32, #tpu.memory_space<hbm>>
      tpu.wait_dma2 semaphore(%arg10 : memref<!tpu.dma_semaphore, #tpu.memory_space<semaphore_mem>>) src(%dma_wait3A_739 : memref<112xi32, #tpu.memory_space<hbm>>) dst(%dma_wait3A_736 : memref<112xi32, #tpu.memory_space<vmem>>)
      %dma_wait3A_740 = arith.constant 0 : i32
      %dma_wait3A_741 = arith.constant 0 : i32
      %dma_wait3A_742 = arith.constant 0 : i32
      %dma_wait3A_743 = tpu.memref_slice %arg7[%dma_wait3A_741, %dma_wait3A_742] : memref<6x112xi32, #tpu.memory_space<vmem>> -> memref<1x112xi32, #tpu.memory_space<vmem>>
      %dma_wait3A_744 = tpu.memref_squeeze %dma_wait3A_743 : memref<1x112xi32, #tpu.memory_space<vmem>> -> memref<112xi32, #tpu.memory_space<vmem>>
      %dma_wait3A_745 = arith.constant 0 : i32
      %dma_wait3A_746 = tpu.memref_slice %arg4[%add3A, %dma_wait3A_740, %dma_wait3A_745] : memref<32x90x112xi32, #tpu.memory_space<hbm>> -> memref<1x1x112xi32, #tpu.memory_space<hbm>>
      %dma_wait3A_747 = tpu.memref_squeeze %dma_wait3A_746 : memref<1x1x112xi32, #tpu.memory_space<hbm>> -> memref<112xi32, #tpu.memory_space<hbm>>
      %dma_wait3A_748 = arith.constant 0 : i32
      %dma_wait3A_749 = tpu.memref_slice %arg7[%dma_wait3A_741, %dma_wait3A_748] : memref<6x112xi32, #tpu.memory_space<vmem>> -> memref<1x112xi32, #tpu.memory_space<vmem>>
      %dma_wait3A_750 = tpu.memref_squeeze %dma_wait3A_749 : memref<1x112xi32, #tpu.memory_space<vmem>> -> memref<112xi32, #tpu.memory_space<vmem>>
      %dma_wait3A_751 = arith.constant 0 : i32
      %dma_wait3A_752 = tpu.memref_slice %arg4[%add3A, %dma_wait3A_740, %dma_wait3A_751] : memref<32x90x112xi32, #tpu.memory_space<hbm>> -> memref<1x1x112xi32, #tpu.memory_space<hbm>>
      %dma_wait3A_753 = tpu.memref_squeeze %dma_wait3A_752 : memref<1x1x112xi32, #tpu.memory_space<hbm>> -> memref<112xi32, #tpu.memory_space<hbm>>
      tpu.wait_dma2 semaphore(%arg10 : memref<!tpu.dma_semaphore, #tpu.memory_space<semaphore_mem>>) src(%dma_wait3A_753 : memref<112xi32, #tpu.memory_space<hbm>>) dst(%dma_wait3A_750 : memref<112xi32, #tpu.memory_space<vmem>>)
      %dma_start3A_754 = arith.constant 0 : i32
      %dma_start3A_755 = arith.constant 0 : i32
      %dma_start3A_756 = arith.constant 0 : i32
      %dma_start3A_757 = arith.constant 0 : i32
      %dma_start3A_758 = tpu.memref_slice %arg8[%dma_start3A_755, %dma_start3A_756, %dma_start3A_757] : memref<3x112x128xf32, #tpu.memory_space<vmem>> -> memref<1x112x128xf32, #tpu.memory_space<vmem>>
      %dma_start3A_759 = tpu.memref_squeeze %dma_start3A_758 : memref<1x112x128xf32, #tpu.memory_space<vmem>> -> memref<112x128xf32, #tpu.memory_space<vmem>>
      %dma_start3A_760 = arith.constant 0 : i32
      %dma_start3A_761 = tpu.memref_slice %arg6[%dma_start3A_754, %dma_start3A_760] : memref<6x112xi32, #tpu.memory_space<vmem>> -> memref<1x112xi32, #tpu.memory_space<vmem>>
      %dma_start3A_762 = tpu.memref_squeeze %dma_start3A_761 : memref<1x112xi32, #tpu.memory_space<vmem>> -> memref<112xi32, #tpu.memory_space<vmem>>
      %dma_start3A_763 = arith.constant 0 : i32
      %dma_start3A_764 = arith.constant 0 : i32
      %dma_start3A_765 = tpu.memref_slice %arg2[%dma_start3A_763, %dma_start3A_764] : memref<10112x128xf32, #tpu.memory_space<hbm>> -> memref<10112x128xf32, #tpu.memory_space<hbm>>
      tpu.enqueue_indirect_dma source(%dma_start3A_765 : memref<10112x128xf32, #tpu.memory_space<hbm>>) target(%dma_start3A_759 : memref<112x128xf32, #tpu.memory_space<vmem>>) offsets(%dma_start3A_762 : memref<112xi32, #tpu.memory_space<vmem>>) semaphore(%arg11 : memref<!tpu.dma_semaphore, #tpu.memory_space<semaphore_mem>>)
      %ge3A_766 = arith.constant 1 : i32
      %ge3A_767 = arith.cmpi sge, %add3A_723, %ge3A_766 : i32
      %convert_element_type3A_768 = arith.extui %ge3A_767 : i1 to i32
      %cond3A_769 = arith.constant 0 : i32
      %cond3A_770 = arith.cmpi ne, %convert_element_type3A_768, %cond3A_769 : i32
      scf.if %cond3A_770 {
        %dma_wait3A_1082 = arith.constant 0 : i32
        %dma_wait3A_1083 = arith.constant 2 : i32
        %dma_wait3A_1084 = arith.constant 0 : i32
        %dma_wait3A_1085 = arith.constant 0 : i32
        %dma_wait3A_1086 = tpu.memref_slice %arg8[%dma_wait3A_1083, %dma_wait3A_1084, %dma_wait3A_1085] : memref<3x112x128xf32, #tpu.memory_space<vmem>> -> memref<1x112x128xf32, #tpu.memory_space<vmem>>
        %dma_wait3A_1087 = tpu.memref_squeeze %dma_wait3A_1086 : memref<1x112x128xf32, #tpu.memory_space<vmem>> -> memref<112x128xf32, #tpu.memory_space<vmem>>
        %dma_wait3A_1088 = arith.constant 0 : i32
        %dma_wait3A_1089 = tpu.memref_slice %arg6[%dma_wait3A_1082, %dma_wait3A_1088] : memref<6x112xi32, #tpu.memory_space<vmem>> -> memref<1x112xi32, #tpu.memory_space<vmem>>
        %dma_wait3A_1090 = tpu.memref_squeeze %dma_wait3A_1089 : memref<1x112xi32, #tpu.memory_space<vmem>> -> memref<112xi32, #tpu.memory_space<vmem>>
        %dma_wait3A_1091 = arith.constant 0 : i32
        %dma_wait3A_1092 = arith.constant 0 : i32
        %dma_wait3A_1093 = tpu.memref_slice %arg2[%dma_wait3A_1091, %dma_wait3A_1092] : memref<10112x128xf32, #tpu.memory_space<hbm>> -> memref<10112x128xf32, #tpu.memory_space<hbm>>
        tpu.wait_indirect_dma semaphore(%arg11 : memref<!tpu.dma_semaphore, #tpu.memory_space<semaphore_mem>>) src(%dma_wait3A_1093 : memref<10112x128xf32, #tpu.memory_space<hbm>>) dst(%dma_wait3A_1087 : memref<112x128xf32, #tpu.memory_space<vmem>>)
        %dma_start3A_1094 = arith.constant 2 : i32
        %dma_start3A_1095 = arith.constant 5 : i32
        %dma_start3A_1096 = arith.constant 0 : i32
        %dma_start3A_1097 = arith.constant 0 : i32
        %dma_start3A_1098 = tpu.memref_slice %arg8[%dma_start3A_1094, %dma_start3A_1096, %dma_start3A_1097] : memref<3x112x128xf32, #tpu.memory_space<vmem>> -> memref<1x112x128xf32, #tpu.memory_space<vmem>>
        %dma_start3A_1099 = tpu.memref_squeeze %dma_start3A_1098 : memref<1x112x128xf32, #tpu.memory_space<vmem>> -> memref<112x128xf32, #tpu.memory_space<vmem>>
        %dma_start3A_1100 = arith.constant 0 : i32
        %dma_start3A_1101 = tpu.memref_slice %arg7[%dma_start3A_1095, %dma_start3A_1100] : memref<6x112xi32, #tpu.memory_space<vmem>> -> memref<1x112xi32, #tpu.memory_space<vmem>>
        %dma_start3A_1102 = tpu.memref_squeeze %dma_start3A_1101 : memref<1x112xi32, #tpu.memory_space<vmem>> -> memref<112xi32, #tpu.memory_space<vmem>>
        %dma_start3A_1103 = arith.constant 0 : i32
        %dma_start3A_1104 = arith.constant 0 : i32
        %dma_start3A_1105 = tpu.memref_slice %arg9[%dma_start3A_1103, %dma_start3A_1104] : memref<10112x128xf32, #tpu.memory_space<vmem_shared>> -> memref<10112x128xf32, #tpu.memory_space<vmem_shared>>
        tpu.enqueue_indirect_dma source(%dma_start3A_1099 : memref<112x128xf32, #tpu.memory_space<vmem>>) target(%dma_start3A_1105 : memref<10112x128xf32, #tpu.memory_space<vmem_shared>>) offsets(%dma_start3A_1102 : memref<112xi32, #tpu.memory_space<vmem>>) semaphore(%arg12 : memref<!tpu.dma_semaphore, #tpu.memory_space<semaphore_mem>>) {add = true}
      } else {
      }
      %add3A_771 = arith.constant 3 : i32
      %add3A_772 = arith.addi %add3A_723, %add3A_771 : i32
      %le3A = arith.constant 89 : i32
      %le3A_773 = arith.cmpi sle, %add3A_772, %le3A : i32
      %convert_element_type3A_774 = arith.extui %le3A_773 : i1 to i32
      %cond3A_775 = arith.constant 0 : i32
      %cond3A_776 = arith.cmpi ne, %convert_element_type3A_774, %cond3A_775 : i32
      scf.if %cond3A_776 {
        %add3A_1082 = arith.constant 3 : i32
        %add3A_1083 = arith.addi %add3A_723, %add3A_1082 : i32
        %dma_start3A_1084 = arith.constant 3 : i32
        %dma_start3A_1085 = arith.constant 0 : i32
        %dma_start3A_1086 = tpu.memref_slice %arg6[%dma_start3A_1084, %dma_start3A_1085] : memref<6x112xi32, #tpu.memory_space<vmem>> -> memref<1x112xi32, #tpu.memory_space<vmem>>
        %dma_start3A_1087 = tpu.memref_squeeze %dma_start3A_1086 : memref<1x112xi32, #tpu.memory_space<vmem>> -> memref<112xi32, #tpu.memory_space<vmem>>
        %dma_start3A_1088 = arith.constant 0 : i32
        %dma_start3A_1089 = tpu.memref_slice %arg3[%add3A, %add3A_1083, %dma_start3A_1088] : memref<32x90x112xi32, #tpu.memory_space<hbm>> -> memref<1x1x112xi32, #tpu.memory_space<hbm>>
        %dma_start3A_1090 = tpu.memref_squeeze %dma_start3A_1089 : memref<1x1x112xi32, #tpu.memory_space<hbm>> -> memref<112xi32, #tpu.memory_space<hbm>>
        %dma_start3A_1091 = arith.constant 0 : i32
        %dma_start3A_1092 = tpu.memref_slice %arg6[%dma_start3A_1084, %dma_start3A_1091] : memref<6x112xi32, #tpu.memory_space<vmem>> -> memref<1x112xi32, #tpu.memory_space<vmem>>
        %dma_start3A_1093 = tpu.memref_squeeze %dma_start3A_1092 : memref<1x112xi32, #tpu.memory_space<vmem>> -> memref<112xi32, #tpu.memory_space<vmem>>
        %dma_start3A_1094 = arith.constant 0 : i32
        %dma_start3A_1095 = tpu.memref_slice %arg3[%add3A, %add3A_1083, %dma_start3A_1094] : memref<32x90x112xi32, #tpu.memory_space<hbm>> -> memref<1x1x112xi32, #tpu.memory_space<hbm>>
        %dma_start3A_1096 = tpu.memref_squeeze %dma_start3A_1095 : memref<1x1x112xi32, #tpu.memory_space<hbm>> -> memref<112xi32, #tpu.memory_space<hbm>>
        tpu.enqueue_dma source(%dma_start3A_1096 : memref<112xi32, #tpu.memory_space<hbm>>) target(%dma_start3A_1093 : memref<112xi32, #tpu.memory_space<vmem>>) target_semaphore(%arg10 : memref<!tpu.dma_semaphore, #tpu.memory_space<semaphore_mem>>)
        %dma_start3A_1097 = arith.constant 3 : i32
        %dma_start3A_1098 = arith.constant 0 : i32
        %dma_start3A_1099 = tpu.memref_slice %arg7[%dma_start3A_1097, %dma_start3A_1098] : memref<6x112xi32, #tpu.memory_space<vmem>> -> memref<1x112xi32, #tpu.memory_space<vmem>>
        %dma_start3A_1100 = tpu.memref_squeeze %dma_start3A_1099 : memref<1x112xi32, #tpu.memory_space<vmem>> -> memref<112xi32, #tpu.memory_space<vmem>>
        %dma_start3A_1101 = arith.constant 0 : i32
        %dma_start3A_1102 = tpu.memref_slice %arg4[%add3A, %add3A_1083, %dma_start3A_1101] : memref<32x90x112xi32, #tpu.memory_space<hbm>> -> memref<1x1x112xi32, #tpu.memory_space<hbm>>
        %dma_start3A_1103 = tpu.memref_squeeze %dma_start3A_1102 : memref<1x1x112xi32, #tpu.memory_space<hbm>> -> memref<112xi32, #tpu.memory_space<hbm>>
        %dma_start3A_1104 = arith.constant 0 : i32
        %dma_start3A_1105 = tpu.memref_slice %arg7[%dma_start3A_1097, %dma_start3A_1104] : memref<6x112xi32, #tpu.memory_space<vmem>> -> memref<1x112xi32, #tpu.memory_space<vmem>>
        %dma_start3A_1106 = tpu.memref_squeeze %dma_start3A_1105 : memref<1x112xi32, #tpu.memory_space<vmem>> -> memref<112xi32, #tpu.memory_space<vmem>>
        %dma_start3A_1107 = arith.constant 0 : i32
        %dma_start3A_1108 = tpu.memref_slice %arg4[%add3A, %add3A_1083, %dma_start3A_1107] : memref<32x90x112xi32, #tpu.memory_space<hbm>> -> memref<1x1x112xi32, #tpu.memory_space<hbm>>
        %dma_start3A_1109 = tpu.memref_squeeze %dma_start3A_1108 : memref<1x1x112xi32, #tpu.memory_space<hbm>> -> memref<112xi32, #tpu.memory_space<hbm>>
        tpu.enqueue_dma source(%dma_start3A_1109 : memref<112xi32, #tpu.memory_space<hbm>>) target(%dma_start3A_1106 : memref<112xi32, #tpu.memory_space<vmem>>) target_semaphore(%arg10 : memref<!tpu.dma_semaphore, #tpu.memory_space<semaphore_mem>>)
      } else {
      }
      %mul3A_777 = arith.constant 6 : i32
      %mul3A_778 = arith.muli %mul3A_777, %scan3A_719 : i32
      %add3A_779 = arith.constant 1 : i32
      %add3A_780 = arith.addi %mul3A_778, %add3A_779 : i32
      %ge3A_781 = arith.constant 3 : i32
      %ge3A_782 = arith.cmpi sge, %add3A_780, %ge3A_781 : i32
      %convert_element_type3A_783 = arith.extui %ge3A_782 : i1 to i32
      %cond3A_784 = arith.constant 0 : i32
      %cond3A_785 = arith.cmpi ne, %convert_element_type3A_783, %cond3A_784 : i32
      scf.if %cond3A_785 {
        %dma_wait3A_1082 = arith.constant 1 : i32
        %dma_wait3A_1083 = arith.constant 0 : i32
        %dma_wait3A_1084 = arith.constant 0 : i32
        %dma_wait3A_1085 = arith.constant 0 : i32
        %dma_wait3A_1086 = tpu.memref_slice %arg8[%dma_wait3A_1082, %dma_wait3A_1084, %dma_wait3A_1085] : memref<3x112x128xf32, #tpu.memory_space<vmem>> -> memref<1x112x128xf32, #tpu.memory_space<vmem>>
        %dma_wait3A_1087 = tpu.memref_squeeze %dma_wait3A_1086 : memref<1x112x128xf32, #tpu.memory_space<vmem>> -> memref<112x128xf32, #tpu.memory_space<vmem>>
        %dma_wait3A_1088 = arith.constant 0 : i32
        %dma_wait3A_1089 = tpu.memref_slice %arg7[%dma_wait3A_1083, %dma_wait3A_1088] : memref<6x112xi32, #tpu.memory_space<vmem>> -> memref<1x112xi32, #tpu.memory_space<vmem>>
        %dma_wait3A_1090 = tpu.memref_squeeze %dma_wait3A_1089 : memref<1x112xi32, #tpu.memory_space<vmem>> -> memref<112xi32, #tpu.memory_space<vmem>>
        %dma_wait3A_1091 = arith.constant 0 : i32
        %dma_wait3A_1092 = arith.constant 0 : i32
        %dma_wait3A_1093 = tpu.memref_slice %arg9[%dma_wait3A_1091, %dma_wait3A_1092] : memref<10112x128xf32, #tpu.memory_space<vmem_shared>> -> memref<10112x128xf32, #tpu.memory_space<vmem_shared>>
        tpu.wait_indirect_dma semaphore(%arg12 : memref<!tpu.dma_semaphore, #tpu.memory_space<semaphore_mem>>) src(%dma_wait3A_1087 : memref<112x128xf32, #tpu.memory_space<vmem>>) dst(%dma_wait3A_1093 : memref<10112x128xf32, #tpu.memory_space<vmem_shared>>)
      } else {
      }
      %dma_wait3A_786 = arith.constant 0 : i32
      %dma_wait3A_787 = arith.constant 1 : i32
      %dma_wait3A_788 = arith.constant 0 : i32
      %dma_wait3A_789 = tpu.memref_slice %arg6[%dma_wait3A_787, %dma_wait3A_788] : memref<6x112xi32, #tpu.memory_space<vmem>> -> memref<1x112xi32, #tpu.memory_space<vmem>>
      %dma_wait3A_790 = tpu.memref_squeeze %dma_wait3A_789 : memref<1x112xi32, #tpu.memory_space<vmem>> -> memref<112xi32, #tpu.memory_space<vmem>>
      %dma_wait3A_791 = arith.constant 0 : i32
      %dma_wait3A_792 = tpu.memref_slice %arg3[%add3A, %dma_wait3A_786, %dma_wait3A_791] : memref<32x90x112xi32, #tpu.memory_space<hbm>> -> memref<1x1x112xi32, #tpu.memory_space<hbm>>
      %dma_wait3A_793 = tpu.memref_squeeze %dma_wait3A_792 : memref<1x1x112xi32, #tpu.memory_space<hbm>> -> memref<112xi32, #tpu.memory_space<hbm>>
      %dma_wait3A_794 = arith.constant 0 : i32
      %dma_wait3A_795 = tpu.memref_slice %arg6[%dma_wait3A_787, %dma_wait3A_794] : memref<6x112xi32, #tpu.memory_space<vmem>> -> memref<1x112xi32, #tpu.memory_space<vmem>>
      %dma_wait3A_796 = tpu.memref_squeeze %dma_wait3A_795 : memref<1x112xi32, #tpu.memory_space<vmem>> -> memref<112xi32, #tpu.memory_space<vmem>>
      %dma_wait3A_797 = arith.constant 0 : i32
      %dma_wait3A_798 = tpu.memref_slice %arg3[%add3A, %dma_wait3A_786, %dma_wait3A_797] : memref<32x90x112xi32, #tpu.memory_space<hbm>> -> memref<1x1x112xi32, #tpu.memory_space<hbm>>
      %dma_wait3A_799 = tpu.memref_squeeze %dma_wait3A_798 : memref<1x1x112xi32, #tpu.memory_space<hbm>> -> memref<112xi32, #tpu.memory_space<hbm>>
      tpu.wait_dma2 semaphore(%arg10 : memref<!tpu.dma_semaphore, #tpu.memory_space<semaphore_mem>>) src(%dma_wait3A_799 : memref<112xi32, #tpu.memory_space<hbm>>) dst(%dma_wait3A_796 : memref<112xi32, #tpu.memory_space<vmem>>)
      %dma_wait3A_800 = arith.constant 0 : i32
      %dma_wait3A_801 = arith.constant 1 : i32
      %dma_wait3A_802 = arith.constant 0 : i32
      %dma_wait3A_803 = tpu.memref_slice %arg7[%dma_wait3A_801, %dma_wait3A_802] : memref<6x112xi32, #tpu.memory_space<vmem>> -> memref<1x112xi32, #tpu.memory_space<vmem>>
      %dma_wait3A_804 = tpu.memref_squeeze %dma_wait3A_803 : memref<1x112xi32, #tpu.memory_space<vmem>> -> memref<112xi32, #tpu.memory_space<vmem>>
      %dma_wait3A_805 = arith.constant 0 : i32
      %dma_wait3A_806 = tpu.memref_slice %arg4[%add3A, %dma_wait3A_800, %dma_wait3A_805] : memref<32x90x112xi32, #tpu.memory_space<hbm>> -> memref<1x1x112xi32, #tpu.memory_space<hbm>>
      %dma_wait3A_807 = tpu.memref_squeeze %dma_wait3A_806 : memref<1x1x112xi32, #tpu.memory_space<hbm>> -> memref<112xi32, #tpu.memory_space<hbm>>
      %dma_wait3A_808 = arith.constant 0 : i32
      %dma_wait3A_809 = tpu.memref_slice %arg7[%dma_wait3A_801, %dma_wait3A_808] : memref<6x112xi32, #tpu.memory_space<vmem>> -> memref<1x112xi32, #tpu.memory_space<vmem>>
      %dma_wait3A_810 = tpu.memref_squeeze %dma_wait3A_809 : memref<1x112xi32, #tpu.memory_space<vmem>> -> memref<112xi32, #tpu.memory_space<vmem>>
      %dma_wait3A_811 = arith.constant 0 : i32
      %dma_wait3A_812 = tpu.memref_slice %arg4[%add3A, %dma_wait3A_800, %dma_wait3A_811] : memref<32x90x112xi32, #tpu.memory_space<hbm>> -> memref<1x1x112xi32, #tpu.memory_space<hbm>>
      %dma_wait3A_813 = tpu.memref_squeeze %dma_wait3A_812 : memref<1x1x112xi32, #tpu.memory_space<hbm>> -> memref<112xi32, #tpu.memory_space<hbm>>
      tpu.wait_dma2 semaphore(%arg10 : memref<!tpu.dma_semaphore, #tpu.memory_space<semaphore_mem>>) src(%dma_wait3A_813 : memref<112xi32, #tpu.memory_space<hbm>>) dst(%dma_wait3A_810 : memref<112xi32, #tpu.memory_space<vmem>>)
      %dma_start3A_814 = arith.constant 1 : i32
      %dma_start3A_815 = arith.constant 1 : i32
      %dma_start3A_816 = arith.constant 0 : i32
      %dma_start3A_817 = arith.constant 0 : i32
      %dma_start3A_818 = tpu.memref_slice %arg8[%dma_start3A_815, %dma_start3A_816, %dma_start3A_817] : memref<3x112x128xf32, #tpu.memory_space<vmem>> -> memref<1x112x128xf32, #tpu.memory_space<vmem>>
      %dma_start3A_819 = tpu.memref_squeeze %dma_start3A_818 : memref<1x112x128xf32, #tpu.memory_space<vmem>> -> memref<112x128xf32, #tpu.memory_space<vmem>>
      %dma_start3A_820 = arith.constant 0 : i32
      %dma_start3A_821 = tpu.memref_slice %arg6[%dma_start3A_814, %dma_start3A_820] : memref<6x112xi32, #tpu.memory_space<vmem>> -> memref<1x112xi32, #tpu.memory_space<vmem>>
      %dma_start3A_822 = tpu.memref_squeeze %dma_start3A_821 : memref<1x112xi32, #tpu.memory_space<vmem>> -> memref<112xi32, #tpu.memory_space<vmem>>
      %dma_start3A_823 = arith.constant 0 : i32
      %dma_start3A_824 = arith.constant 0 : i32
      %dma_start3A_825 = tpu.memref_slice %arg2[%dma_start3A_823, %dma_start3A_824] : memref<10112x128xf32, #tpu.memory_space<hbm>> -> memref<10112x128xf32, #tpu.memory_space<hbm>>
      tpu.enqueue_indirect_dma source(%dma_start3A_825 : memref<10112x128xf32, #tpu.memory_space<hbm>>) target(%dma_start3A_819 : memref<112x128xf32, #tpu.memory_space<vmem>>) offsets(%dma_start3A_822 : memref<112xi32, #tpu.memory_space<vmem>>) semaphore(%arg11 : memref<!tpu.dma_semaphore, #tpu.memory_space<semaphore_mem>>)
      %ge3A_826 = arith.constant 1 : i32
      %ge3A_827 = arith.cmpi sge, %add3A_780, %ge3A_826 : i32
      %convert_element_type3A_828 = arith.extui %ge3A_827 : i1 to i32
      %cond3A_829 = arith.constant 0 : i32
      %cond3A_830 = arith.cmpi ne, %convert_element_type3A_828, %cond3A_829 : i32
      scf.if %cond3A_830 {
        %dma_wait3A_1082 = arith.constant 0 : i32
        %dma_wait3A_1083 = arith.constant 0 : i32
        %dma_wait3A_1084 = arith.constant 0 : i32
        %dma_wait3A_1085 = arith.constant 0 : i32
        %dma_wait3A_1086 = tpu.memref_slice %arg8[%dma_wait3A_1083, %dma_wait3A_1084, %dma_wait3A_1085] : memref<3x112x128xf32, #tpu.memory_space<vmem>> -> memref<1x112x128xf32, #tpu.memory_space<vmem>>
        %dma_wait3A_1087 = tpu.memref_squeeze %dma_wait3A_1086 : memref<1x112x128xf32, #tpu.memory_space<vmem>> -> memref<112x128xf32, #tpu.memory_space<vmem>>
        %dma_wait3A_1088 = arith.constant 0 : i32
        %dma_wait3A_1089 = tpu.memref_slice %arg6[%dma_wait3A_1082, %dma_wait3A_1088] : memref<6x112xi32, #tpu.memory_space<vmem>> -> memref<1x112xi32, #tpu.memory_space<vmem>>
        %dma_wait3A_1090 = tpu.memref_squeeze %dma_wait3A_1089 : memref<1x112xi32, #tpu.memory_space<vmem>> -> memref<112xi32, #tpu.memory_space<vmem>>
        %dma_wait3A_1091 = arith.constant 0 : i32
        %dma_wait3A_1092 = arith.constant 0 : i32
        %dma_wait3A_1093 = tpu.memref_slice %arg2[%dma_wait3A_1091, %dma_wait3A_1092] : memref<10112x128xf32, #tpu.memory_space<hbm>> -> memref<10112x128xf32, #tpu.memory_space<hbm>>
        tpu.wait_indirect_dma semaphore(%arg11 : memref<!tpu.dma_semaphore, #tpu.memory_space<semaphore_mem>>) src(%dma_wait3A_1093 : memref<10112x128xf32, #tpu.memory_space<hbm>>) dst(%dma_wait3A_1087 : memref<112x128xf32, #tpu.memory_space<vmem>>)
        %dma_start3A_1094 = arith.constant 0 : i32
        %dma_start3A_1095 = arith.constant 0 : i32
        %dma_start3A_1096 = arith.constant 0 : i32
        %dma_start3A_1097 = arith.constant 0 : i32
        %dma_start3A_1098 = tpu.memref_slice %arg8[%dma_start3A_1094, %dma_start3A_1096, %dma_start3A_1097] : memref<3x112x128xf32, #tpu.memory_space<vmem>> -> memref<1x112x128xf32, #tpu.memory_space<vmem>>
        %dma_start3A_1099 = tpu.memref_squeeze %dma_start3A_1098 : memref<1x112x128xf32, #tpu.memory_space<vmem>> -> memref<112x128xf32, #tpu.memory_space<vmem>>
        %dma_start3A_1100 = arith.constant 0 : i32
        %dma_start3A_1101 = tpu.memref_slice %arg7[%dma_start3A_1095, %dma_start3A_1100] : memref<6x112xi32, #tpu.memory_space<vmem>> -> memref<1x112xi32, #tpu.memory_space<vmem>>
        %dma_start3A_1102 = tpu.memref_squeeze %dma_start3A_1101 : memref<1x112xi32, #tpu.memory_space<vmem>> -> memref<112xi32, #tpu.memory_space<vmem>>
        %dma_start3A_1103 = arith.constant 0 : i32
        %dma_start3A_1104 = arith.constant 0 : i32
        %dma_start3A_1105 = tpu.memref_slice %arg9[%dma_start3A_1103, %dma_start3A_1104] : memref<10112x128xf32, #tpu.memory_space<vmem_shared>> -> memref<10112x128xf32, #tpu.memory_space<vmem_shared>>
        tpu.enqueue_indirect_dma source(%dma_start3A_1099 : memref<112x128xf32, #tpu.memory_space<vmem>>) target(%dma_start3A_1105 : memref<10112x128xf32, #tpu.memory_space<vmem_shared>>) offsets(%dma_start3A_1102 : memref<112xi32, #tpu.memory_space<vmem>>) semaphore(%arg12 : memref<!tpu.dma_semaphore, #tpu.memory_space<semaphore_mem>>) {add = true}
      } else {
      }
      %add3A_831 = arith.constant 3 : i32
      %add3A_832 = arith.addi %add3A_780, %add3A_831 : i32
      %le3A_833 = arith.constant 89 : i32
      %le3A_834 = arith.cmpi sle, %add3A_832, %le3A_833 : i32
      %convert_element_type3A_835 = arith.extui %le3A_834 : i1 to i32
      %cond3A_836 = arith.constant 0 : i32
      %cond3A_837 = arith.cmpi ne, %convert_element_type3A_835, %cond3A_836 : i32
      scf.if %cond3A_837 {
        %add3A_1082 = arith.constant 3 : i32
        %add3A_1083 = arith.addi %add3A_780, %add3A_1082 : i32
        %dma_start3A_1084 = arith.constant 4 : i32
        %dma_start3A_1085 = arith.constant 0 : i32
        %dma_start3A_1086 = tpu.memref_slice %arg6[%dma_start3A_1084, %dma_start3A_1085] : memref<6x112xi32, #tpu.memory_space<vmem>> -> memref<1x112xi32, #tpu.memory_space<vmem>>
        %dma_start3A_1087 = tpu.memref_squeeze %dma_start3A_1086 : memref<1x112xi32, #tpu.memory_space<vmem>> -> memref<112xi32, #tpu.memory_space<vmem>>
        %dma_start3A_1088 = arith.constant 0 : i32
        %dma_start3A_1089 = tpu.memref_slice %arg3[%add3A, %add3A_1083, %dma_start3A_1088] : memref<32x90x112xi32, #tpu.memory_space<hbm>> -> memref<1x1x112xi32, #tpu.memory_space<hbm>>
        %dma_start3A_1090 = tpu.memref_squeeze %dma_start3A_1089 : memref<1x1x112xi32, #tpu.memory_space<hbm>> -> memref<112xi32, #tpu.memory_space<hbm>>
        %dma_start3A_1091 = arith.constant 0 : i32
        %dma_start3A_1092 = tpu.memref_slice %arg6[%dma_start3A_1084, %dma_start3A_1091] : memref<6x112xi32, #tpu.memory_space<vmem>> -> memref<1x112xi32, #tpu.memory_space<vmem>>
        %dma_start3A_1093 = tpu.memref_squeeze %dma_start3A_1092 : memref<1x112xi32, #tpu.memory_space<vmem>> -> memref<112xi32, #tpu.memory_space<vmem>>
        %dma_start3A_1094 = arith.constant 0 : i32
        %dma_start3A_1095 = tpu.memref_slice %arg3[%add3A, %add3A_1083, %dma_start3A_1094] : memref<32x90x112xi32, #tpu.memory_space<hbm>> -> memref<1x1x112xi32, #tpu.memory_space<hbm>>
        %dma_start3A_1096 = tpu.memref_squeeze %dma_start3A_1095 : memref<1x1x112xi32, #tpu.memory_space<hbm>> -> memref<112xi32, #tpu.memory_space<hbm>>
        tpu.enqueue_dma source(%dma_start3A_1096 : memref<112xi32, #tpu.memory_space<hbm>>) target(%dma_start3A_1093 : memref<112xi32, #tpu.memory_space<vmem>>) target_semaphore(%arg10 : memref<!tpu.dma_semaphore, #tpu.memory_space<semaphore_mem>>)
        %dma_start3A_1097 = arith.constant 4 : i32
        %dma_start3A_1098 = arith.constant 0 : i32
        %dma_start3A_1099 = tpu.memref_slice %arg7[%dma_start3A_1097, %dma_start3A_1098] : memref<6x112xi32, #tpu.memory_space<vmem>> -> memref<1x112xi32, #tpu.memory_space<vmem>>
        %dma_start3A_1100 = tpu.memref_squeeze %dma_start3A_1099 : memref<1x112xi32, #tpu.memory_space<vmem>> -> memref<112xi32, #tpu.memory_space<vmem>>
        %dma_start3A_1101 = arith.constant 0 : i32
        %dma_start3A_1102 = tpu.memref_slice %arg4[%add3A, %add3A_1083, %dma_start3A_1101] : memref<32x90x112xi32, #tpu.memory_space<hbm>> -> memref<1x1x112xi32, #tpu.memory_space<hbm>>
        %dma_start3A_1103 = tpu.memref_squeeze %dma_start3A_1102 : memref<1x1x112xi32, #tpu.memory_space<hbm>> -> memref<112xi32, #tpu.memory_space<hbm>>
        %dma_start3A_1104 = arith.constant 0 : i32
        %dma_start3A_1105 = tpu.memref_slice %arg7[%dma_start3A_1097, %dma_start3A_1104] : memref<6x112xi32, #tpu.memory_space<vmem>> -> memref<1x112xi32, #tpu.memory_space<vmem>>
        %dma_start3A_1106 = tpu.memref_squeeze %dma_start3A_1105 : memref<1x112xi32, #tpu.memory_space<vmem>> -> memref<112xi32, #tpu.memory_space<vmem>>
        %dma_start3A_1107 = arith.constant 0 : i32
        %dma_start3A_1108 = tpu.memref_slice %arg4[%add3A, %add3A_1083, %dma_start3A_1107] : memref<32x90x112xi32, #tpu.memory_space<hbm>> -> memref<1x1x112xi32, #tpu.memory_space<hbm>>
        %dma_start3A_1109 = tpu.memref_squeeze %dma_start3A_1108 : memref<1x1x112xi32, #tpu.memory_space<hbm>> -> memref<112xi32, #tpu.memory_space<hbm>>
        tpu.enqueue_dma source(%dma_start3A_1109 : memref<112xi32, #tpu.memory_space<hbm>>) target(%dma_start3A_1106 : memref<112xi32, #tpu.memory_space<vmem>>) target_semaphore(%arg10 : memref<!tpu.dma_semaphore, #tpu.memory_space<semaphore_mem>>)
      } else {
      }
      %mul3A_838 = arith.constant 6 : i32
      %mul3A_839 = arith.muli %mul3A_838, %scan3A_719 : i32
      %add3A_840 = arith.constant 2 : i32
      %add3A_841 = arith.addi %mul3A_839, %add3A_840 : i32
      %ge3A_842 = arith.constant 3 : i32
      %ge3A_843 = arith.cmpi sge, %add3A_841, %ge3A_842 : i32
      %convert_element_type3A_844 = arith.extui %ge3A_843 : i1 to i32
      %cond3A_845 = arith.constant 0 : i32
      %cond3A_846 = arith.cmpi ne, %convert_element_type3A_844, %cond3A_845 : i32
      scf.if %cond3A_846 {
        %dma_wait3A_1082 = arith.constant 2 : i32
        %dma_wait3A_1083 = arith.constant 0 : i32
        %dma_wait3A_1084 = arith.constant 0 : i32
        %dma_wait3A_1085 = arith.constant 0 : i32
        %dma_wait3A_1086 = tpu.memref_slice %arg8[%dma_wait3A_1082, %dma_wait3A_1084, %dma_wait3A_1085] : memref<3x112x128xf32, #tpu.memory_space<vmem>> -> memref<1x112x128xf32, #tpu.memory_space<vmem>>
        %dma_wait3A_1087 = tpu.memref_squeeze %dma_wait3A_1086 : memref<1x112x128xf32, #tpu.memory_space<vmem>> -> memref<112x128xf32, #tpu.memory_space<vmem>>
        %dma_wait3A_1088 = arith.constant 0 : i32
        %dma_wait3A_1089 = tpu.memref_slice %arg7[%dma_wait3A_1083, %dma_wait3A_1088] : memref<6x112xi32, #tpu.memory_space<vmem>> -> memref<1x112xi32, #tpu.memory_space<vmem>>
        %dma_wait3A_1090 = tpu.memref_squeeze %dma_wait3A_1089 : memref<1x112xi32, #tpu.memory_space<vmem>> -> memref<112xi32, #tpu.memory_space<vmem>>
        %dma_wait3A_1091 = arith.constant 0 : i32
        %dma_wait3A_1092 = arith.constant 0 : i32
        %dma_wait3A_1093 = tpu.memref_slice %arg9[%dma_wait3A_1091, %dma_wait3A_1092] : memref<10112x128xf32, #tpu.memory_space<vmem_shared>> -> memref<10112x128xf32, #tpu.memory_space<vmem_shared>>
        tpu.wait_indirect_dma semaphore(%arg12 : memref<!tpu.dma_semaphore, #tpu.memory_space<semaphore_mem>>) src(%dma_wait3A_1087 : memref<112x128xf32, #tpu.memory_space<vmem>>) dst(%dma_wait3A_1093 : memref<10112x128xf32, #tpu.memory_space<vmem_shared>>)
      } else {
      }
      %dma_wait3A_847 = arith.constant 0 : i32
      %dma_wait3A_848 = arith.constant 2 : i32
      %dma_wait3A_849 = arith.constant 0 : i32
      %dma_wait3A_850 = tpu.memref_slice %arg6[%dma_wait3A_848, %dma_wait3A_849] : memref<6x112xi32, #tpu.memory_space<vmem>> -> memref<1x112xi32, #tpu.memory_space<vmem>>
      %dma_wait3A_851 = tpu.memref_squeeze %dma_wait3A_850 : memref<1x112xi32, #tpu.memory_space<vmem>> -> memref<112xi32, #tpu.memory_space<vmem>>
      %dma_wait3A_852 = arith.constant 0 : i32
      %dma_wait3A_853 = tpu.memref_slice %arg3[%add3A, %dma_wait3A_847, %dma_wait3A_852] : memref<32x90x112xi32, #tpu.memory_space<hbm>> -> memref<1x1x112xi32, #tpu.memory_space<hbm>>
      %dma_wait3A_854 = tpu.memref_squeeze %dma_wait3A_853 : memref<1x1x112xi32, #tpu.memory_space<hbm>> -> memref<112xi32, #tpu.memory_space<hbm>>
      %dma_wait3A_855 = arith.constant 0 : i32
      %dma_wait3A_856 = tpu.memref_slice %arg6[%dma_wait3A_848, %dma_wait3A_855] : memref<6x112xi32, #tpu.memory_space<vmem>> -> memref<1x112xi32, #tpu.memory_space<vmem>>
      %dma_wait3A_857 = tpu.memref_squeeze %dma_wait3A_856 : memref<1x112xi32, #tpu.memory_space<vmem>> -> memref<112xi32, #tpu.memory_space<vmem>>
      %dma_wait3A_858 = arith.constant 0 : i32
      %dma_wait3A_859 = tpu.memref_slice %arg3[%add3A, %dma_wait3A_847, %dma_wait3A_858] : memref<32x90x112xi32, #tpu.memory_space<hbm>> -> memref<1x1x112xi32, #tpu.memory_space<hbm>>
      %dma_wait3A_860 = tpu.memref_squeeze %dma_wait3A_859 : memref<1x1x112xi32, #tpu.memory_space<hbm>> -> memref<112xi32, #tpu.memory_space<hbm>>
      tpu.wait_dma2 semaphore(%arg10 : memref<!tpu.dma_semaphore, #tpu.memory_space<semaphore_mem>>) src(%dma_wait3A_860 : memref<112xi32, #tpu.memory_space<hbm>>) dst(%dma_wait3A_857 : memref<112xi32, #tpu.memory_space<vmem>>)
      %dma_wait3A_861 = arith.constant 0 : i32
      %dma_wait3A_862 = arith.constant 2 : i32
      %dma_wait3A_863 = arith.constant 0 : i32
      %dma_wait3A_864 = tpu.memref_slice %arg7[%dma_wait3A_862, %dma_wait3A_863] : memref<6x112xi32, #tpu.memory_space<vmem>> -> memref<1x112xi32, #tpu.memory_space<vmem>>
      %dma_wait3A_865 = tpu.memref_squeeze %dma_wait3A_864 : memref<1x112xi32, #tpu.memory_space<vmem>> -> memref<112xi32, #tpu.memory_space<vmem>>
      %dma_wait3A_866 = arith.constant 0 : i32
      %dma_wait3A_867 = tpu.memref_slice %arg4[%add3A, %dma_wait3A_861, %dma_wait3A_866] : memref<32x90x112xi32, #tpu.memory_space<hbm>> -> memref<1x1x112xi32, #tpu.memory_space<hbm>>
      %dma_wait3A_868 = tpu.memref_squeeze %dma_wait3A_867 : memref<1x1x112xi32, #tpu.memory_space<hbm>> -> memref<112xi32, #tpu.memory_space<hbm>>
      %dma_wait3A_869 = arith.constant 0 : i32
      %dma_wait3A_870 = tpu.memref_slice %arg7[%dma_wait3A_862, %dma_wait3A_869] : memref<6x112xi32, #tpu.memory_space<vmem>> -> memref<1x112xi32, #tpu.memory_space<vmem>>
      %dma_wait3A_871 = tpu.memref_squeeze %dma_wait3A_870 : memref<1x112xi32, #tpu.memory_space<vmem>> -> memref<112xi32, #tpu.memory_space<vmem>>
      %dma_wait3A_872 = arith.constant 0 : i32
      %dma_wait3A_873 = tpu.memref_slice %arg4[%add3A, %dma_wait3A_861, %dma_wait3A_872] : memref<32x90x112xi32, #tpu.memory_space<hbm>> -> memref<1x1x112xi32, #tpu.memory_space<hbm>>
      %dma_wait3A_874 = tpu.memref_squeeze %dma_wait3A_873 : memref<1x1x112xi32, #tpu.memory_space<hbm>> -> memref<112xi32, #tpu.memory_space<hbm>>
      tpu.wait_dma2 semaphore(%arg10 : memref<!tpu.dma_semaphore, #tpu.memory_space<semaphore_mem>>) src(%dma_wait3A_874 : memref<112xi32, #tpu.memory_space<hbm>>) dst(%dma_wait3A_871 : memref<112xi32, #tpu.memory_space<vmem>>)
      %dma_start3A_875 = arith.constant 2 : i32
      %dma_start3A_876 = arith.constant 2 : i32
      %dma_start3A_877 = arith.constant 0 : i32
      %dma_start3A_878 = arith.constant 0 : i32
      %dma_start3A_879 = tpu.memref_slice %arg8[%dma_start3A_876, %dma_start3A_877, %dma_start3A_878] : memref<3x112x128xf32, #tpu.memory_space<vmem>> -> memref<1x112x128xf32, #tpu.memory_space<vmem>>
      %dma_start3A_880 = tpu.memref_squeeze %dma_start3A_879 : memref<1x112x128xf32, #tpu.memory_space<vmem>> -> memref<112x128xf32, #tpu.memory_space<vmem>>
      %dma_start3A_881 = arith.constant 0 : i32
      %dma_start3A_882 = tpu.memref_slice %arg6[%dma_start3A_875, %dma_start3A_881] : memref<6x112xi32, #tpu.memory_space<vmem>> -> memref<1x112xi32, #tpu.memory_space<vmem>>
      %dma_start3A_883 = tpu.memref_squeeze %dma_start3A_882 : memref<1x112xi32, #tpu.memory_space<vmem>> -> memref<112xi32, #tpu.memory_space<vmem>>
      %dma_start3A_884 = arith.constant 0 : i32
      %dma_start3A_885 = arith.constant 0 : i32
      %dma_start3A_886 = tpu.memref_slice %arg2[%dma_start3A_884, %dma_start3A_885] : memref<10112x128xf32, #tpu.memory_space<hbm>> -> memref<10112x128xf32, #tpu.memory_space<hbm>>
      tpu.enqueue_indirect_dma source(%dma_start3A_886 : memref<10112x128xf32, #tpu.memory_space<hbm>>) target(%dma_start3A_880 : memref<112x128xf32, #tpu.memory_space<vmem>>) offsets(%dma_start3A_883 : memref<112xi32, #tpu.memory_space<vmem>>) semaphore(%arg11 : memref<!tpu.dma_semaphore, #tpu.memory_space<semaphore_mem>>)
      %ge3A_887 = arith.constant 1 : i32
      %ge3A_888 = arith.cmpi sge, %add3A_841, %ge3A_887 : i32
      %convert_element_type3A_889 = arith.extui %ge3A_888 : i1 to i32
      %cond3A_890 = arith.constant 0 : i32
      %cond3A_891 = arith.cmpi ne, %convert_element_type3A_889, %cond3A_890 : i32
      scf.if %cond3A_891 {
        %dma_wait3A_1082 = arith.constant 0 : i32
        %dma_wait3A_1083 = arith.constant 1 : i32
        %dma_wait3A_1084 = arith.constant 0 : i32
        %dma_wait3A_1085 = arith.constant 0 : i32
        %dma_wait3A_1086 = tpu.memref_slice %arg8[%dma_wait3A_1083, %dma_wait3A_1084, %dma_wait3A_1085] : memref<3x112x128xf32, #tpu.memory_space<vmem>> -> memref<1x112x128xf32, #tpu.memory_space<vmem>>
        %dma_wait3A_1087 = tpu.memref_squeeze %dma_wait3A_1086 : memref<1x112x128xf32, #tpu.memory_space<vmem>> -> memref<112x128xf32, #tpu.memory_space<vmem>>
        %dma_wait3A_1088 = arith.constant 0 : i32
        %dma_wait3A_1089 = tpu.memref_slice %arg6[%dma_wait3A_1082, %dma_wait3A_1088] : memref<6x112xi32, #tpu.memory_space<vmem>> -> memref<1x112xi32, #tpu.memory_space<vmem>>
        %dma_wait3A_1090 = tpu.memref_squeeze %dma_wait3A_1089 : memref<1x112xi32, #tpu.memory_space<vmem>> -> memref<112xi32, #tpu.memory_space<vmem>>
        %dma_wait3A_1091 = arith.constant 0 : i32
        %dma_wait3A_1092 = arith.constant 0 : i32
        %dma_wait3A_1093 = tpu.memref_slice %arg2[%dma_wait3A_1091, %dma_wait3A_1092] : memref<10112x128xf32, #tpu.memory_space<hbm>> -> memref<10112x128xf32, #tpu.memory_space<hbm>>
        tpu.wait_indirect_dma semaphore(%arg11 : memref<!tpu.dma_semaphore, #tpu.memory_space<semaphore_mem>>) src(%dma_wait3A_1093 : memref<10112x128xf32, #tpu.memory_space<hbm>>) dst(%dma_wait3A_1087 : memref<112x128xf32, #tpu.memory_space<vmem>>)
        %dma_start3A_1094 = arith.constant 1 : i32
        %dma_start3A_1095 = arith.constant 1 : i32
        %dma_start3A_1096 = arith.constant 0 : i32
        %dma_start3A_1097 = arith.constant 0 : i32
        %dma_start3A_1098 = tpu.memref_slice %arg8[%dma_start3A_1094, %dma_start3A_1096, %dma_start3A_1097] : memref<3x112x128xf32, #tpu.memory_space<vmem>> -> memref<1x112x128xf32, #tpu.memory_space<vmem>>
        %dma_start3A_1099 = tpu.memref_squeeze %dma_start3A_1098 : memref<1x112x128xf32, #tpu.memory_space<vmem>> -> memref<112x128xf32, #tpu.memory_space<vmem>>
        %dma_start3A_1100 = arith.constant 0 : i32
        %dma_start3A_1101 = tpu.memref_slice %arg7[%dma_start3A_1095, %dma_start3A_1100] : memref<6x112xi32, #tpu.memory_space<vmem>> -> memref<1x112xi32, #tpu.memory_space<vmem>>
        %dma_start3A_1102 = tpu.memref_squeeze %dma_start3A_1101 : memref<1x112xi32, #tpu.memory_space<vmem>> -> memref<112xi32, #tpu.memory_space<vmem>>
        %dma_start3A_1103 = arith.constant 0 : i32
        %dma_start3A_1104 = arith.constant 0 : i32
        %dma_start3A_1105 = tpu.memref_slice %arg9[%dma_start3A_1103, %dma_start3A_1104] : memref<10112x128xf32, #tpu.memory_space<vmem_shared>> -> memref<10112x128xf32, #tpu.memory_space<vmem_shared>>
        tpu.enqueue_indirect_dma source(%dma_start3A_1099 : memref<112x128xf32, #tpu.memory_space<vmem>>) target(%dma_start3A_1105 : memref<10112x128xf32, #tpu.memory_space<vmem_shared>>) offsets(%dma_start3A_1102 : memref<112xi32, #tpu.memory_space<vmem>>) semaphore(%arg12 : memref<!tpu.dma_semaphore, #tpu.memory_space<semaphore_mem>>) {add = true}
      } else {
      }
      %add3A_892 = arith.constant 3 : i32
      %add3A_893 = arith.addi %add3A_841, %add3A_892 : i32
      %le3A_894 = arith.constant 89 : i32
      %le3A_895 = arith.cmpi sle, %add3A_893, %le3A_894 : i32
      %convert_element_type3A_896 = arith.extui %le3A_895 : i1 to i32
      %cond3A_897 = arith.constant 0 : i32
      %cond3A_898 = arith.cmpi ne, %convert_element_type3A_896, %cond3A_897 : i32
      scf.if %cond3A_898 {
        %add3A_1082 = arith.constant 3 : i32
        %add3A_1083 = arith.addi %add3A_841, %add3A_1082 : i32
        %dma_start3A_1084 = arith.constant 5 : i32
        %dma_start3A_1085 = arith.constant 0 : i32
        %dma_start3A_1086 = tpu.memref_slice %arg6[%dma_start3A_1084, %dma_start3A_1085] : memref<6x112xi32, #tpu.memory_space<vmem>> -> memref<1x112xi32, #tpu.memory_space<vmem>>
        %dma_start3A_1087 = tpu.memref_squeeze %dma_start3A_1086 : memref<1x112xi32, #tpu.memory_space<vmem>> -> memref<112xi32, #tpu.memory_space<vmem>>
        %dma_start3A_1088 = arith.constant 0 : i32
        %dma_start3A_1089 = tpu.memref_slice %arg3[%add3A, %add3A_1083, %dma_start3A_1088] : memref<32x90x112xi32, #tpu.memory_space<hbm>> -> memref<1x1x112xi32, #tpu.memory_space<hbm>>
        %dma_start3A_1090 = tpu.memref_squeeze %dma_start3A_1089 : memref<1x1x112xi32, #tpu.memory_space<hbm>> -> memref<112xi32, #tpu.memory_space<hbm>>
        %dma_start3A_1091 = arith.constant 0 : i32
        %dma_start3A_1092 = tpu.memref_slice %arg6[%dma_start3A_1084, %dma_start3A_1091] : memref<6x112xi32, #tpu.memory_space<vmem>> -> memref<1x112xi32, #tpu.memory_space<vmem>>
        %dma_start3A_1093 = tpu.memref_squeeze %dma_start3A_1092 : memref<1x112xi32, #tpu.memory_space<vmem>> -> memref<112xi32, #tpu.memory_space<vmem>>
        %dma_start3A_1094 = arith.constant 0 : i32
        %dma_start3A_1095 = tpu.memref_slice %arg3[%add3A, %add3A_1083, %dma_start3A_1094] : memref<32x90x112xi32, #tpu.memory_space<hbm>> -> memref<1x1x112xi32, #tpu.memory_space<hbm>>
        %dma_start3A_1096 = tpu.memref_squeeze %dma_start3A_1095 : memref<1x1x112xi32, #tpu.memory_space<hbm>> -> memref<112xi32, #tpu.memory_space<hbm>>
        tpu.enqueue_dma source(%dma_start3A_1096 : memref<112xi32, #tpu.memory_space<hbm>>) target(%dma_start3A_1093 : memref<112xi32, #tpu.memory_space<vmem>>) target_semaphore(%arg10 : memref<!tpu.dma_semaphore, #tpu.memory_space<semaphore_mem>>)
        %dma_start3A_1097 = arith.constant 5 : i32
        %dma_start3A_1098 = arith.constant 0 : i32
        %dma_start3A_1099 = tpu.memref_slice %arg7[%dma_start3A_1097, %dma_start3A_1098] : memref<6x112xi32, #tpu.memory_space<vmem>> -> memref<1x112xi32, #tpu.memory_space<vmem>>
        %dma_start3A_1100 = tpu.memref_squeeze %dma_start3A_1099 : memref<1x112xi32, #tpu.memory_space<vmem>> -> memref<112xi32, #tpu.memory_space<vmem>>
        %dma_start3A_1101 = arith.constant 0 : i32
        %dma_start3A_1102 = tpu.memref_slice %arg4[%add3A, %add3A_1083, %dma_start3A_1101] : memref<32x90x112xi32, #tpu.memory_space<hbm>> -> memref<1x1x112xi32, #tpu.memory_space<hbm>>
        %dma_start3A_1103 = tpu.memref_squeeze %dma_start3A_1102 : memref<1x1x112xi32, #tpu.memory_space<hbm>> -> memref<112xi32, #tpu.memory_space<hbm>>
        %dma_start3A_1104 = arith.constant 0 : i32
        %dma_start3A_1105 = tpu.memref_slice %arg7[%dma_start3A_1097, %dma_start3A_1104] : memref<6x112xi32, #tpu.memory_space<vmem>> -> memref<1x112xi32, #tpu.memory_space<vmem>>
        %dma_start3A_1106 = tpu.memref_squeeze %dma_start3A_1105 : memref<1x112xi32, #tpu.memory_space<vmem>> -> memref<112xi32, #tpu.memory_space<vmem>>
        %dma_start3A_1107 = arith.constant 0 : i32
        %dma_start3A_1108 = tpu.memref_slice %arg4[%add3A, %add3A_1083, %dma_start3A_1107] : memref<32x90x112xi32, #tpu.memory_space<hbm>> -> memref<1x1x112xi32, #tpu.memory_space<hbm>>
        %dma_start3A_1109 = tpu.memref_squeeze %dma_start3A_1108 : memref<1x1x112xi32, #tpu.memory_space<hbm>> -> memref<112xi32, #tpu.memory_space<hbm>>
        tpu.enqueue_dma source(%dma_start3A_1109 : memref<112xi32, #tpu.memory_space<hbm>>) target(%dma_start3A_1106 : memref<112xi32, #tpu.memory_space<vmem>>) target_semaphore(%arg10 : memref<!tpu.dma_semaphore, #tpu.memory_space<semaphore_mem>>)
      } else {
      }
      %mul3A_899 = arith.constant 6 : i32
      %mul3A_900 = arith.muli %mul3A_899, %scan3A_719 : i32
      %add3A_901 = arith.constant 3 : i32
      %add3A_902 = arith.addi %mul3A_900, %add3A_901 : i32
      %ge3A_903 = arith.constant 3 : i32
      %ge3A_904 = arith.cmpi sge, %add3A_902, %ge3A_903 : i32
      %convert_element_type3A_905 = arith.extui %ge3A_904 : i1 to i32
      %cond3A_906 = arith.constant 0 : i32
      %cond3A_907 = arith.cmpi ne, %convert_element_type3A_905, %cond3A_906 : i32
      scf.if %cond3A_907 {
        %dma_wait3A_1082 = arith.constant 0 : i32
        %dma_wait3A_1083 = arith.constant 0 : i32
        %dma_wait3A_1084 = arith.constant 0 : i32
        %dma_wait3A_1085 = arith.constant 0 : i32
        %dma_wait3A_1086 = tpu.memref_slice %arg8[%dma_wait3A_1082, %dma_wait3A_1084, %dma_wait3A_1085] : memref<3x112x128xf32, #tpu.memory_space<vmem>> -> memref<1x112x128xf32, #tpu.memory_space<vmem>>
        %dma_wait3A_1087 = tpu.memref_squeeze %dma_wait3A_1086 : memref<1x112x128xf32, #tpu.memory_space<vmem>> -> memref<112x128xf32, #tpu.memory_space<vmem>>
        %dma_wait3A_1088 = arith.constant 0 : i32
        %dma_wait3A_1089 = tpu.memref_slice %arg7[%dma_wait3A_1083, %dma_wait3A_1088] : memref<6x112xi32, #tpu.memory_space<vmem>> -> memref<1x112xi32, #tpu.memory_space<vmem>>
        %dma_wait3A_1090 = tpu.memref_squeeze %dma_wait3A_1089 : memref<1x112xi32, #tpu.memory_space<vmem>> -> memref<112xi32, #tpu.memory_space<vmem>>
        %dma_wait3A_1091 = arith.constant 0 : i32
        %dma_wait3A_1092 = arith.constant 0 : i32
        %dma_wait3A_1093 = tpu.memref_slice %arg9[%dma_wait3A_1091, %dma_wait3A_1092] : memref<10112x128xf32, #tpu.memory_space<vmem_shared>> -> memref<10112x128xf32, #tpu.memory_space<vmem_shared>>
        tpu.wait_indirect_dma semaphore(%arg12 : memref<!tpu.dma_semaphore, #tpu.memory_space<semaphore_mem>>) src(%dma_wait3A_1087 : memref<112x128xf32, #tpu.memory_space<vmem>>) dst(%dma_wait3A_1093 : memref<10112x128xf32, #tpu.memory_space<vmem_shared>>)
      } else {
      }
      %dma_wait3A_908 = arith.constant 0 : i32
      %dma_wait3A_909 = arith.constant 3 : i32
      %dma_wait3A_910 = arith.constant 0 : i32
      %dma_wait3A_911 = tpu.memref_slice %arg6[%dma_wait3A_909, %dma_wait3A_910] : memref<6x112xi32, #tpu.memory_space<vmem>> -> memref<1x112xi32, #tpu.memory_space<vmem>>
      %dma_wait3A_912 = tpu.memref_squeeze %dma_wait3A_911 : memref<1x112xi32, #tpu.memory_space<vmem>> -> memref<112xi32, #tpu.memory_space<vmem>>
      %dma_wait3A_913 = arith.constant 0 : i32
      %dma_wait3A_914 = tpu.memref_slice %arg3[%add3A, %dma_wait3A_908, %dma_wait3A_913] : memref<32x90x112xi32, #tpu.memory_space<hbm>> -> memref<1x1x112xi32, #tpu.memory_space<hbm>>
      %dma_wait3A_915 = tpu.memref_squeeze %dma_wait3A_914 : memref<1x1x112xi32, #tpu.memory_space<hbm>> -> memref<112xi32, #tpu.memory_space<hbm>>
      %dma_wait3A_916 = arith.constant 0 : i32
      %dma_wait3A_917 = tpu.memref_slice %arg6[%dma_wait3A_909, %dma_wait3A_916] : memref<6x112xi32, #tpu.memory_space<vmem>> -> memref<1x112xi32, #tpu.memory_space<vmem>>
      %dma_wait3A_918 = tpu.memref_squeeze %dma_wait3A_917 : memref<1x112xi32, #tpu.memory_space<vmem>> -> memref<112xi32, #tpu.memory_space<vmem>>
      %dma_wait3A_919 = arith.constant 0 : i32
      %dma_wait3A_920 = tpu.memref_slice %arg3[%add3A, %dma_wait3A_908, %dma_wait3A_919] : memref<32x90x112xi32, #tpu.memory_space<hbm>> -> memref<1x1x112xi32, #tpu.memory_space<hbm>>
      %dma_wait3A_921 = tpu.memref_squeeze %dma_wait3A_920 : memref<1x1x112xi32, #tpu.memory_space<hbm>> -> memref<112xi32, #tpu.memory_space<hbm>>
      tpu.wait_dma2 semaphore(%arg10 : memref<!tpu.dma_semaphore, #tpu.memory_space<semaphore_mem>>) src(%dma_wait3A_921 : memref<112xi32, #tpu.memory_space<hbm>>) dst(%dma_wait3A_918 : memref<112xi32, #tpu.memory_space<vmem>>)
      %dma_wait3A_922 = arith.constant 0 : i32
      %dma_wait3A_923 = arith.constant 3 : i32
      %dma_wait3A_924 = arith.constant 0 : i32
      %dma_wait3A_925 = tpu.memref_slice %arg7[%dma_wait3A_923, %dma_wait3A_924] : memref<6x112xi32, #tpu.memory_space<vmem>> -> memref<1x112xi32, #tpu.memory_space<vmem>>
      %dma_wait3A_926 = tpu.memref_squeeze %dma_wait3A_925 : memref<1x112xi32, #tpu.memory_space<vmem>> -> memref<112xi32, #tpu.memory_space<vmem>>
      %dma_wait3A_927 = arith.constant 0 : i32
      %dma_wait3A_928 = tpu.memref_slice %arg4[%add3A, %dma_wait3A_922, %dma_wait3A_927] : memref<32x90x112xi32, #tpu.memory_space<hbm>> -> memref<1x1x112xi32, #tpu.memory_space<hbm>>
      %dma_wait3A_929 = tpu.memref_squeeze %dma_wait3A_928 : memref<1x1x112xi32, #tpu.memory_space<hbm>> -> memref<112xi32, #tpu.memory_space<hbm>>
      %dma_wait3A_930 = arith.constant 0 : i32
      %dma_wait3A_931 = tpu.memref_slice %arg7[%dma_wait3A_923, %dma_wait3A_930] : memref<6x112xi32, #tpu.memory_space<vmem>> -> memref<1x112xi32, #tpu.memory_space<vmem>>
      %dma_wait3A_932 = tpu.memref_squeeze %dma_wait3A_931 : memref<1x112xi32, #tpu.memory_space<vmem>> -> memref<112xi32, #tpu.memory_space<vmem>>
      %dma_wait3A_933 = arith.constant 0 : i32
      %dma_wait3A_934 = tpu.memref_slice %arg4[%add3A, %dma_wait3A_922, %dma_wait3A_933] : memref<32x90x112xi32, #tpu.memory_space<hbm>> -> memref<1x1x112xi32, #tpu.memory_space<hbm>>
      %dma_wait3A_935 = tpu.memref_squeeze %dma_wait3A_934 : memref<1x1x112xi32, #tpu.memory_space<hbm>> -> memref<112xi32, #tpu.memory_space<hbm>>
      tpu.wait_dma2 semaphore(%arg10 : memref<!tpu.dma_semaphore, #tpu.memory_space<semaphore_mem>>) src(%dma_wait3A_935 : memref<112xi32, #tpu.memory_space<hbm>>) dst(%dma_wait3A_932 : memref<112xi32, #tpu.memory_space<vmem>>)
      %dma_start3A_936 = arith.constant 3 : i32
      %dma_start3A_937 = arith.constant 0 : i32
      %dma_start3A_938 = arith.constant 0 : i32
      %dma_start3A_939 = arith.constant 0 : i32
      %dma_start3A_940 = tpu.memref_slice %arg8[%dma_start3A_937, %dma_start3A_938, %dma_start3A_939] : memref<3x112x128xf32, #tpu.memory_space<vmem>> -> memref<1x112x128xf32, #tpu.memory_space<vmem>>
      %dma_start3A_941 = tpu.memref_squeeze %dma_start3A_940 : memref<1x112x128xf32, #tpu.memory_space<vmem>> -> memref<112x128xf32, #tpu.memory_space<vmem>>
      %dma_start3A_942 = arith.constant 0 : i32
      %dma_start3A_943 = tpu.memref_slice %arg6[%dma_start3A_936, %dma_start3A_942] : memref<6x112xi32, #tpu.memory_space<vmem>> -> memref<1x112xi32, #tpu.memory_space<vmem>>
      %dma_start3A_944 = tpu.memref_squeeze %dma_start3A_943 : memref<1x112xi32, #tpu.memory_space<vmem>> -> memref<112xi32, #tpu.memory_space<vmem>>
      %dma_start3A_945 = arith.constant 0 : i32
      %dma_start3A_946 = arith.constant 0 : i32
      %dma_start3A_947 = tpu.memref_slice %arg2[%dma_start3A_945, %dma_start3A_946] : memref<10112x128xf32, #tpu.memory_space<hbm>> -> memref<10112x128xf32, #tpu.memory_space<hbm>>
      tpu.enqueue_indirect_dma source(%dma_start3A_947 : memref<10112x128xf32, #tpu.memory_space<hbm>>) target(%dma_start3A_941 : memref<112x128xf32, #tpu.memory_space<vmem>>) offsets(%dma_start3A_944 : memref<112xi32, #tpu.memory_space<vmem>>) semaphore(%arg11 : memref<!tpu.dma_semaphore, #tpu.memory_space<semaphore_mem>>)
      %ge3A_948 = arith.constant 1 : i32
      %ge3A_949 = arith.cmpi sge, %add3A_902, %ge3A_948 : i32
      %convert_element_type3A_950 = arith.extui %ge3A_949 : i1 to i32
      %cond3A_951 = arith.constant 0 : i32
      %cond3A_952 = arith.cmpi ne, %convert_element_type3A_950, %cond3A_951 : i32
      scf.if %cond3A_952 {
        %dma_wait3A_1082 = arith.constant 0 : i32
        %dma_wait3A_1083 = arith.constant 2 : i32
        %dma_wait3A_1084 = arith.constant 0 : i32
        %dma_wait3A_1085 = arith.constant 0 : i32
        %dma_wait3A_1086 = tpu.memref_slice %arg8[%dma_wait3A_1083, %dma_wait3A_1084, %dma_wait3A_1085] : memref<3x112x128xf32, #tpu.memory_space<vmem>> -> memref<1x112x128xf32, #tpu.memory_space<vmem>>
        %dma_wait3A_1087 = tpu.memref_squeeze %dma_wait3A_1086 : memref<1x112x128xf32, #tpu.memory_space<vmem>> -> memref<112x128xf32, #tpu.memory_space<vmem>>
        %dma_wait3A_1088 = arith.constant 0 : i32
        %dma_wait3A_1089 = tpu.memref_slice %arg6[%dma_wait3A_1082, %dma_wait3A_1088] : memref<6x112xi32, #tpu.memory_space<vmem>> -> memref<1x112xi32, #tpu.memory_space<vmem>>
        %dma_wait3A_1090 = tpu.memref_squeeze %dma_wait3A_1089 : memref<1x112xi32, #tpu.memory_space<vmem>> -> memref<112xi32, #tpu.memory_space<vmem>>
        %dma_wait3A_1091 = arith.constant 0 : i32
        %dma_wait3A_1092 = arith.constant 0 : i32
        %dma_wait3A_1093 = tpu.memref_slice %arg2[%dma_wait3A_1091, %dma_wait3A_1092] : memref<10112x128xf32, #tpu.memory_space<hbm>> -> memref<10112x128xf32, #tpu.memory_space<hbm>>
        tpu.wait_indirect_dma semaphore(%arg11 : memref<!tpu.dma_semaphore, #tpu.memory_space<semaphore_mem>>) src(%dma_wait3A_1093 : memref<10112x128xf32, #tpu.memory_space<hbm>>) dst(%dma_wait3A_1087 : memref<112x128xf32, #tpu.memory_space<vmem>>)
        %dma_start3A_1094 = arith.constant 2 : i32
        %dma_start3A_1095 = arith.constant 2 : i32
        %dma_start3A_1096 = arith.constant 0 : i32
        %dma_start3A_1097 = arith.constant 0 : i32
        %dma_start3A_1098 = tpu.memref_slice %arg8[%dma_start3A_1094, %dma_start3A_1096, %dma_start3A_1097] : memref<3x112x128xf32, #tpu.memory_space<vmem>> -> memref<1x112x128xf32, #tpu.memory_space<vmem>>
        %dma_start3A_1099 = tpu.memref_squeeze %dma_start3A_1098 : memref<1x112x128xf32, #tpu.memory_space<vmem>> -> memref<112x128xf32, #tpu.memory_space<vmem>>
        %dma_start3A_1100 = arith.constant 0 : i32
        %dma_start3A_1101 = tpu.memref_slice %arg7[%dma_start3A_1095, %dma_start3A_1100] : memref<6x112xi32, #tpu.memory_space<vmem>> -> memref<1x112xi32, #tpu.memory_space<vmem>>
        %dma_start3A_1102 = tpu.memref_squeeze %dma_start3A_1101 : memref<1x112xi32, #tpu.memory_space<vmem>> -> memref<112xi32, #tpu.memory_space<vmem>>
        %dma_start3A_1103 = arith.constant 0 : i32
        %dma_start3A_1104 = arith.constant 0 : i32
        %dma_start3A_1105 = tpu.memref_slice %arg9[%dma_start3A_1103, %dma_start3A_1104] : memref<10112x128xf32, #tpu.memory_space<vmem_shared>> -> memref<10112x128xf32, #tpu.memory_space<vmem_shared>>
        tpu.enqueue_indirect_dma source(%dma_start3A_1099 : memref<112x128xf32, #tpu.memory_space<vmem>>) target(%dma_start3A_1105 : memref<10112x128xf32, #tpu.memory_space<vmem_shared>>) offsets(%dma_start3A_1102 : memref<112xi32, #tpu.memory_space<vmem>>) semaphore(%arg12 : memref<!tpu.dma_semaphore, #tpu.memory_space<semaphore_mem>>) {add = true}
      } else {
      }
      %add3A_953 = arith.constant 3 : i32
      %add3A_954 = arith.addi %add3A_902, %add3A_953 : i32
      %le3A_955 = arith.constant 89 : i32
      %le3A_956 = arith.cmpi sle, %add3A_954, %le3A_955 : i32
      %convert_element_type3A_957 = arith.extui %le3A_956 : i1 to i32
      %cond3A_958 = arith.constant 0 : i32
      %cond3A_959 = arith.cmpi ne, %convert_element_type3A_957, %cond3A_958 : i32
      scf.if %cond3A_959 {
        %add3A_1082 = arith.constant 3 : i32
        %add3A_1083 = arith.addi %add3A_902, %add3A_1082 : i32
        %dma_start3A_1084 = arith.constant 0 : i32
        %dma_start3A_1085 = arith.constant 0 : i32
        %dma_start3A_1086 = tpu.memref_slice %arg6[%dma_start3A_1084, %dma_start3A_1085] : memref<6x112xi32, #tpu.memory_space<vmem>> -> memref<1x112xi32, #tpu.memory_space<vmem>>
        %dma_start3A_1087 = tpu.memref_squeeze %dma_start3A_1086 : memref<1x112xi32, #tpu.memory_space<vmem>> -> memref<112xi32, #tpu.memory_space<vmem>>
        %dma_start3A_1088 = arith.constant 0 : i32
        %dma_start3A_1089 = tpu.memref_slice %arg3[%add3A, %add3A_1083, %dma_start3A_1088] : memref<32x90x112xi32, #tpu.memory_space<hbm>> -> memref<1x1x112xi32, #tpu.memory_space<hbm>>
        %dma_start3A_1090 = tpu.memref_squeeze %dma_start3A_1089 : memref<1x1x112xi32, #tpu.memory_space<hbm>> -> memref<112xi32, #tpu.memory_space<hbm>>
        %dma_start3A_1091 = arith.constant 0 : i32
        %dma_start3A_1092 = tpu.memref_slice %arg6[%dma_start3A_1084, %dma_start3A_1091] : memref<6x112xi32, #tpu.memory_space<vmem>> -> memref<1x112xi32, #tpu.memory_space<vmem>>
        %dma_start3A_1093 = tpu.memref_squeeze %dma_start3A_1092 : memref<1x112xi32, #tpu.memory_space<vmem>> -> memref<112xi32, #tpu.memory_space<vmem>>
        %dma_start3A_1094 = arith.constant 0 : i32
        %dma_start3A_1095 = tpu.memref_slice %arg3[%add3A, %add3A_1083, %dma_start3A_1094] : memref<32x90x112xi32, #tpu.memory_space<hbm>> -> memref<1x1x112xi32, #tpu.memory_space<hbm>>
        %dma_start3A_1096 = tpu.memref_squeeze %dma_start3A_1095 : memref<1x1x112xi32, #tpu.memory_space<hbm>> -> memref<112xi32, #tpu.memory_space<hbm>>
        tpu.enqueue_dma source(%dma_start3A_1096 : memref<112xi32, #tpu.memory_space<hbm>>) target(%dma_start3A_1093 : memref<112xi32, #tpu.memory_space<vmem>>) target_semaphore(%arg10 : memref<!tpu.dma_semaphore, #tpu.memory_space<semaphore_mem>>)
        %dma_start3A_1097 = arith.constant 0 : i32
        %dma_start3A_1098 = arith.constant 0 : i32
        %dma_start3A_1099 = tpu.memref_slice %arg7[%dma_start3A_1097, %dma_start3A_1098] : memref<6x112xi32, #tpu.memory_space<vmem>> -> memref<1x112xi32, #tpu.memory_space<vmem>>
        %dma_start3A_1100 = tpu.memref_squeeze %dma_start3A_1099 : memref<1x112xi32, #tpu.memory_space<vmem>> -> memref<112xi32, #tpu.memory_space<vmem>>
        %dma_start3A_1101 = arith.constant 0 : i32
        %dma_start3A_1102 = tpu.memref_slice %arg4[%add3A, %add3A_1083, %dma_start3A_1101] : memref<32x90x112xi32, #tpu.memory_space<hbm>> -> memref<1x1x112xi32, #tpu.memory_space<hbm>>
        %dma_start3A_1103 = tpu.memref_squeeze %dma_start3A_1102 : memref<1x1x112xi32, #tpu.memory_space<hbm>> -> memref<112xi32, #tpu.memory_space<hbm>>
        %dma_start3A_1104 = arith.constant 0 : i32
        %dma_start3A_1105 = tpu.memref_slice %arg7[%dma_start3A_1097, %dma_start3A_1104] : memref<6x112xi32, #tpu.memory_space<vmem>> -> memref<1x112xi32, #tpu.memory_space<vmem>>
        %dma_start3A_1106 = tpu.memref_squeeze %dma_start3A_1105 : memref<1x112xi32, #tpu.memory_space<vmem>> -> memref<112xi32, #tpu.memory_space<vmem>>
        %dma_start3A_1107 = arith.constant 0 : i32
        %dma_start3A_1108 = tpu.memref_slice %arg4[%add3A, %add3A_1083, %dma_start3A_1107] : memref<32x90x112xi32, #tpu.memory_space<hbm>> -> memref<1x1x112xi32, #tpu.memory_space<hbm>>
        %dma_start3A_1109 = tpu.memref_squeeze %dma_start3A_1108 : memref<1x1x112xi32, #tpu.memory_space<hbm>> -> memref<112xi32, #tpu.memory_space<hbm>>
        tpu.enqueue_dma source(%dma_start3A_1109 : memref<112xi32, #tpu.memory_space<hbm>>) target(%dma_start3A_1106 : memref<112xi32, #tpu.memory_space<vmem>>) target_semaphore(%arg10 : memref<!tpu.dma_semaphore, #tpu.memory_space<semaphore_mem>>)
      } else {
      }
      %mul3A_960 = arith.constant 6 : i32
      %mul3A_961 = arith.muli %mul3A_960, %scan3A_719 : i32
      %add3A_962 = arith.constant 4 : i32
      %add3A_963 = arith.addi %mul3A_961, %add3A_962 : i32
      %ge3A_964 = arith.constant 3 : i32
      %ge3A_965 = arith.cmpi sge, %add3A_963, %ge3A_964 : i32
      %convert_element_type3A_966 = arith.extui %ge3A_965 : i1 to i32
      %cond3A_967 = arith.constant 0 : i32
      %cond3A_968 = arith.cmpi ne, %convert_element_type3A_966, %cond3A_967 : i32
      scf.if %cond3A_968 {
        %dma_wait3A_1082 = arith.constant 1 : i32
        %dma_wait3A_1083 = arith.constant 0 : i32
        %dma_wait3A_1084 = arith.constant 0 : i32
        %dma_wait3A_1085 = arith.constant 0 : i32
        %dma_wait3A_1086 = tpu.memref_slice %arg8[%dma_wait3A_1082, %dma_wait3A_1084, %dma_wait3A_1085] : memref<3x112x128xf32, #tpu.memory_space<vmem>> -> memref<1x112x128xf32, #tpu.memory_space<vmem>>
        %dma_wait3A_1087 = tpu.memref_squeeze %dma_wait3A_1086 : memref<1x112x128xf32, #tpu.memory_space<vmem>> -> memref<112x128xf32, #tpu.memory_space<vmem>>
        %dma_wait3A_1088 = arith.constant 0 : i32
        %dma_wait3A_1089 = tpu.memref_slice %arg7[%dma_wait3A_1083, %dma_wait3A_1088] : memref<6x112xi32, #tpu.memory_space<vmem>> -> memref<1x112xi32, #tpu.memory_space<vmem>>
        %dma_wait3A_1090 = tpu.memref_squeeze %dma_wait3A_1089 : memref<1x112xi32, #tpu.memory_space<vmem>> -> memref<112xi32, #tpu.memory_space<vmem>>
        %dma_wait3A_1091 = arith.constant 0 : i32
        %dma_wait3A_1092 = arith.constant 0 : i32
        %dma_wait3A_1093 = tpu.memref_slice %arg9[%dma_wait3A_1091, %dma_wait3A_1092] : memref<10112x128xf32, #tpu.memory_space<vmem_shared>> -> memref<10112x128xf32, #tpu.memory_space<vmem_shared>>
        tpu.wait_indirect_dma semaphore(%arg12 : memref<!tpu.dma_semaphore, #tpu.memory_space<semaphore_mem>>) src(%dma_wait3A_1087 : memref<112x128xf32, #tpu.memory_space<vmem>>) dst(%dma_wait3A_1093 : memref<10112x128xf32, #tpu.memory_space<vmem_shared>>)
      } else {
      }
      %dma_wait3A_969 = arith.constant 0 : i32
      %dma_wait3A_970 = arith.constant 4 : i32
      %dma_wait3A_971 = arith.constant 0 : i32
      %dma_wait3A_972 = tpu.memref_slice %arg6[%dma_wait3A_970, %dma_wait3A_971] : memref<6x112xi32, #tpu.memory_space<vmem>> -> memref<1x112xi32, #tpu.memory_space<vmem>>
      %dma_wait3A_973 = tpu.memref_squeeze %dma_wait3A_972 : memref<1x112xi32, #tpu.memory_space<vmem>> -> memref<112xi32, #tpu.memory_space<vmem>>
      %dma_wait3A_974 = arith.constant 0 : i32
      %dma_wait3A_975 = tpu.memref_slice %arg3[%add3A, %dma_wait3A_969, %dma_wait3A_974] : memref<32x90x112xi32, #tpu.memory_space<hbm>> -> memref<1x1x112xi32, #tpu.memory_space<hbm>>
      %dma_wait3A_976 = tpu.memref_squeeze %dma_wait3A_975 : memref<1x1x112xi32, #tpu.memory_space<hbm>> -> memref<112xi32, #tpu.memory_space<hbm>>
      %dma_wait3A_977 = arith.constant 0 : i32
      %dma_wait3A_978 = tpu.memref_slice %arg6[%dma_wait3A_970, %dma_wait3A_977] : memref<6x112xi32, #tpu.memory_space<vmem>> -> memref<1x112xi32, #tpu.memory_space<vmem>>
      %dma_wait3A_979 = tpu.memref_squeeze %dma_wait3A_978 : memref<1x112xi32, #tpu.memory_space<vmem>> -> memref<112xi32, #tpu.memory_space<vmem>>
      %dma_wait3A_980 = arith.constant 0 : i32
      %dma_wait3A_981 = tpu.memref_slice %arg3[%add3A, %dma_wait3A_969, %dma_wait3A_980] : memref<32x90x112xi32, #tpu.memory_space<hbm>> -> memref<1x1x112xi32, #tpu.memory_space<hbm>>
      %dma_wait3A_982 = tpu.memref_squeeze %dma_wait3A_981 : memref<1x1x112xi32, #tpu.memory_space<hbm>> -> memref<112xi32, #tpu.memory_space<hbm>>
      tpu.wait_dma2 semaphore(%arg10 : memref<!tpu.dma_semaphore, #tpu.memory_space<semaphore_mem>>) src(%dma_wait3A_982 : memref<112xi32, #tpu.memory_space<hbm>>) dst(%dma_wait3A_979 : memref<112xi32, #tpu.memory_space<vmem>>)
      %dma_wait3A_983 = arith.constant 0 : i32
      %dma_wait3A_984 = arith.constant 4 : i32
      %dma_wait3A_985 = arith.constant 0 : i32
      %dma_wait3A_986 = tpu.memref_slice %arg7[%dma_wait3A_984, %dma_wait3A_985] : memref<6x112xi32, #tpu.memory_space<vmem>> -> memref<1x112xi32, #tpu.memory_space<vmem>>
      %dma_wait3A_987 = tpu.memref_squeeze %dma_wait3A_986 : memref<1x112xi32, #tpu.memory_space<vmem>> -> memref<112xi32, #tpu.memory_space<vmem>>
      %dma_wait3A_988 = arith.constant 0 : i32
      %dma_wait3A_989 = tpu.memref_slice %arg4[%add3A, %dma_wait3A_983, %dma_wait3A_988] : memref<32x90x112xi32, #tpu.memory_space<hbm>> -> memref<1x1x112xi32, #tpu.memory_space<hbm>>
      %dma_wait3A_990 = tpu.memref_squeeze %dma_wait3A_989 : memref<1x1x112xi32, #tpu.memory_space<hbm>> -> memref<112xi32, #tpu.memory_space<hbm>>
      %dma_wait3A_991 = arith.constant 0 : i32
      %dma_wait3A_992 = tpu.memref_slice %arg7[%dma_wait3A_984, %dma_wait3A_991] : memref<6x112xi32, #tpu.memory_space<vmem>> -> memref<1x112xi32, #tpu.memory_space<vmem>>
      %dma_wait3A_993 = tpu.memref_squeeze %dma_wait3A_992 : memref<1x112xi32, #tpu.memory_space<vmem>> -> memref<112xi32, #tpu.memory_space<vmem>>
      %dma_wait3A_994 = arith.constant 0 : i32
      %dma_wait3A_995 = tpu.memref_slice %arg4[%add3A, %dma_wait3A_983, %dma_wait3A_994] : memref<32x90x112xi32, #tpu.memory_space<hbm>> -> memref<1x1x112xi32, #tpu.memory_space<hbm>>
      %dma_wait3A_996 = tpu.memref_squeeze %dma_wait3A_995 : memref<1x1x112xi32, #tpu.memory_space<hbm>> -> memref<112xi32, #tpu.memory_space<hbm>>
      tpu.wait_dma2 semaphore(%arg10 : memref<!tpu.dma_semaphore, #tpu.memory_space<semaphore_mem>>) src(%dma_wait3A_996 : memref<112xi32, #tpu.memory_space<hbm>>) dst(%dma_wait3A_993 : memref<112xi32, #tpu.memory_space<vmem>>)
      %dma_start3A_997 = arith.constant 4 : i32
      %dma_start3A_998 = arith.constant 1 : i32
      %dma_start3A_999 = arith.constant 0 : i32
      %dma_start3A_1000 = arith.constant 0 : i32
      %dma_start3A_1001 = tpu.memref_slice %arg8[%dma_start3A_998, %dma_start3A_999, %dma_start3A_1000] : memref<3x112x128xf32, #tpu.memory_space<vmem>> -> memref<1x112x128xf32, #tpu.memory_space<vmem>>
      %dma_start3A_1002 = tpu.memref_squeeze %dma_start3A_1001 : memref<1x112x128xf32, #tpu.memory_space<vmem>> -> memref<112x128xf32, #tpu.memory_space<vmem>>
      %dma_start3A_1003 = arith.constant 0 : i32
      %dma_start3A_1004 = tpu.memref_slice %arg6[%dma_start3A_997, %dma_start3A_1003] : memref<6x112xi32, #tpu.memory_space<vmem>> -> memref<1x112xi32, #tpu.memory_space<vmem>>
      %dma_start3A_1005 = tpu.memref_squeeze %dma_start3A_1004 : memref<1x112xi32, #tpu.memory_space<vmem>> -> memref<112xi32, #tpu.memory_space<vmem>>
      %dma_start3A_1006 = arith.constant 0 : i32
      %dma_start3A_1007 = arith.constant 0 : i32
      %dma_start3A_1008 = tpu.memref_slice %arg2[%dma_start3A_1006, %dma_start3A_1007] : memref<10112x128xf32, #tpu.memory_space<hbm>> -> memref<10112x128xf32, #tpu.memory_space<hbm>>
      tpu.enqueue_indirect_dma source(%dma_start3A_1008 : memref<10112x128xf32, #tpu.memory_space<hbm>>) target(%dma_start3A_1002 : memref<112x128xf32, #tpu.memory_space<vmem>>) offsets(%dma_start3A_1005 : memref<112xi32, #tpu.memory_space<vmem>>) semaphore(%arg11 : memref<!tpu.dma_semaphore, #tpu.memory_space<semaphore_mem>>)
      %ge3A_1009 = arith.constant 1 : i32
      %ge3A_1010 = arith.cmpi sge, %add3A_963, %ge3A_1009 : i32
      %convert_element_type3A_1011 = arith.extui %ge3A_1010 : i1 to i32
      %cond3A_1012 = arith.constant 0 : i32
      %cond3A_1013 = arith.cmpi ne, %convert_element_type3A_1011, %cond3A_1012 : i32
      scf.if %cond3A_1013 {
        %dma_wait3A_1082 = arith.constant 0 : i32
        %dma_wait3A_1083 = arith.constant 0 : i32
        %dma_wait3A_1084 = arith.constant 0 : i32
        %dma_wait3A_1085 = arith.constant 0 : i32
        %dma_wait3A_1086 = tpu.memref_slice %arg8[%dma_wait3A_1083, %dma_wait3A_1084, %dma_wait3A_1085] : memref<3x112x128xf32, #tpu.memory_space<vmem>> -> memref<1x112x128xf32, #tpu.memory_space<vmem>>
        %dma_wait3A_1087 = tpu.memref_squeeze %dma_wait3A_1086 : memref<1x112x128xf32, #tpu.memory_space<vmem>> -> memref<112x128xf32, #tpu.memory_space<vmem>>
        %dma_wait3A_1088 = arith.constant 0 : i32
        %dma_wait3A_1089 = tpu.memref_slice %arg6[%dma_wait3A_1082, %dma_wait3A_1088] : memref<6x112xi32, #tpu.memory_space<vmem>> -> memref<1x112xi32, #tpu.memory_space<vmem>>
        %dma_wait3A_1090 = tpu.memref_squeeze %dma_wait3A_1089 : memref<1x112xi32, #tpu.memory_space<vmem>> -> memref<112xi32, #tpu.memory_space<vmem>>
        %dma_wait3A_1091 = arith.constant 0 : i32
        %dma_wait3A_1092 = arith.constant 0 : i32
        %dma_wait3A_1093 = tpu.memref_slice %arg2[%dma_wait3A_1091, %dma_wait3A_1092] : memref<10112x128xf32, #tpu.memory_space<hbm>> -> memref<10112x128xf32, #tpu.memory_space<hbm>>
        tpu.wait_indirect_dma semaphore(%arg11 : memref<!tpu.dma_semaphore, #tpu.memory_space<semaphore_mem>>) src(%dma_wait3A_1093 : memref<10112x128xf32, #tpu.memory_space<hbm>>) dst(%dma_wait3A_1087 : memref<112x128xf32, #tpu.memory_space<vmem>>)
        %dma_start3A_1094 = arith.constant 0 : i32
        %dma_start3A_1095 = arith.constant 3 : i32
        %dma_start3A_1096 = arith.constant 0 : i32
        %dma_start3A_1097 = arith.constant 0 : i32
        %dma_start3A_1098 = tpu.memref_slice %arg8[%dma_start3A_1094, %dma_start3A_1096, %dma_start3A_1097] : memref<3x112x128xf32, #tpu.memory_space<vmem>> -> memref<1x112x128xf32, #tpu.memory_space<vmem>>
        %dma_start3A_1099 = tpu.memref_squeeze %dma_start3A_1098 : memref<1x112x128xf32, #tpu.memory_space<vmem>> -> memref<112x128xf32, #tpu.memory_space<vmem>>
        %dma_start3A_1100 = arith.constant 0 : i32
        %dma_start3A_1101 = tpu.memref_slice %arg7[%dma_start3A_1095, %dma_start3A_1100] : memref<6x112xi32, #tpu.memory_space<vmem>> -> memref<1x112xi32, #tpu.memory_space<vmem>>
        %dma_start3A_1102 = tpu.memref_squeeze %dma_start3A_1101 : memref<1x112xi32, #tpu.memory_space<vmem>> -> memref<112xi32, #tpu.memory_space<vmem>>
        %dma_start3A_1103 = arith.constant 0 : i32
        %dma_start3A_1104 = arith.constant 0 : i32
        %dma_start3A_1105 = tpu.memref_slice %arg9[%dma_start3A_1103, %dma_start3A_1104] : memref<10112x128xf32, #tpu.memory_space<vmem_shared>> -> memref<10112x128xf32, #tpu.memory_space<vmem_shared>>
        tpu.enqueue_indirect_dma source(%dma_start3A_1099 : memref<112x128xf32, #tpu.memory_space<vmem>>) target(%dma_start3A_1105 : memref<10112x128xf32, #tpu.memory_space<vmem_shared>>) offsets(%dma_start3A_1102 : memref<112xi32, #tpu.memory_space<vmem>>) semaphore(%arg12 : memref<!tpu.dma_semaphore, #tpu.memory_space<semaphore_mem>>) {add = true}
      } else {
      }
      %add3A_1014 = arith.constant 3 : i32
      %add3A_1015 = arith.addi %add3A_963, %add3A_1014 : i32
      %le3A_1016 = arith.constant 89 : i32
      %le3A_1017 = arith.cmpi sle, %add3A_1015, %le3A_1016 : i32
      %convert_element_type3A_1018 = arith.extui %le3A_1017 : i1 to i32
      %cond3A_1019 = arith.constant 0 : i32
      %cond3A_1020 = arith.cmpi ne, %convert_element_type3A_1018, %cond3A_1019 : i32
      scf.if %cond3A_1020 {
        %add3A_1082 = arith.constant 3 : i32
        %add3A_1083 = arith.addi %add3A_963, %add3A_1082 : i32
        %dma_start3A_1084 = arith.constant 1 : i32
        %dma_start3A_1085 = arith.constant 0 : i32
        %dma_start3A_1086 = tpu.memref_slice %arg6[%dma_start3A_1084, %dma_start3A_1085] : memref<6x112xi32, #tpu.memory_space<vmem>> -> memref<1x112xi32, #tpu.memory_space<vmem>>
        %dma_start3A_1087 = tpu.memref_squeeze %dma_start3A_1086 : memref<1x112xi32, #tpu.memory_space<vmem>> -> memref<112xi32, #tpu.memory_space<vmem>>
        %dma_start3A_1088 = arith.constant 0 : i32
        %dma_start3A_1089 = tpu.memref_slice %arg3[%add3A, %add3A_1083, %dma_start3A_1088] : memref<32x90x112xi32, #tpu.memory_space<hbm>> -> memref<1x1x112xi32, #tpu.memory_space<hbm>>
        %dma_start3A_1090 = tpu.memref_squeeze %dma_start3A_1089 : memref<1x1x112xi32, #tpu.memory_space<hbm>> -> memref<112xi32, #tpu.memory_space<hbm>>
        %dma_start3A_1091 = arith.constant 0 : i32
        %dma_start3A_1092 = tpu.memref_slice %arg6[%dma_start3A_1084, %dma_start3A_1091] : memref<6x112xi32, #tpu.memory_space<vmem>> -> memref<1x112xi32, #tpu.memory_space<vmem>>
        %dma_start3A_1093 = tpu.memref_squeeze %dma_start3A_1092 : memref<1x112xi32, #tpu.memory_space<vmem>> -> memref<112xi32, #tpu.memory_space<vmem>>
        %dma_start3A_1094 = arith.constant 0 : i32
        %dma_start3A_1095 = tpu.memref_slice %arg3[%add3A, %add3A_1083, %dma_start3A_1094] : memref<32x90x112xi32, #tpu.memory_space<hbm>> -> memref<1x1x112xi32, #tpu.memory_space<hbm>>
        %dma_start3A_1096 = tpu.memref_squeeze %dma_start3A_1095 : memref<1x1x112xi32, #tpu.memory_space<hbm>> -> memref<112xi32, #tpu.memory_space<hbm>>
        tpu.enqueue_dma source(%dma_start3A_1096 : memref<112xi32, #tpu.memory_space<hbm>>) target(%dma_start3A_1093 : memref<112xi32, #tpu.memory_space<vmem>>) target_semaphore(%arg10 : memref<!tpu.dma_semaphore, #tpu.memory_space<semaphore_mem>>)
        %dma_start3A_1097 = arith.constant 1 : i32
        %dma_start3A_1098 = arith.constant 0 : i32
        %dma_start3A_1099 = tpu.memref_slice %arg7[%dma_start3A_1097, %dma_start3A_1098] : memref<6x112xi32, #tpu.memory_space<vmem>> -> memref<1x112xi32, #tpu.memory_space<vmem>>
        %dma_start3A_1100 = tpu.memref_squeeze %dma_start3A_1099 : memref<1x112xi32, #tpu.memory_space<vmem>> -> memref<112xi32, #tpu.memory_space<vmem>>
        %dma_start3A_1101 = arith.constant 0 : i32
        %dma_start3A_1102 = tpu.memref_slice %arg4[%add3A, %add3A_1083, %dma_start3A_1101] : memref<32x90x112xi32, #tpu.memory_space<hbm>> -> memref<1x1x112xi32, #tpu.memory_space<hbm>>
        %dma_start3A_1103 = tpu.memref_squeeze %dma_start3A_1102 : memref<1x1x112xi32, #tpu.memory_space<hbm>> -> memref<112xi32, #tpu.memory_space<hbm>>
        %dma_start3A_1104 = arith.constant 0 : i32
        %dma_start3A_1105 = tpu.memref_slice %arg7[%dma_start3A_1097, %dma_start3A_1104] : memref<6x112xi32, #tpu.memory_space<vmem>> -> memref<1x112xi32, #tpu.memory_space<vmem>>
        %dma_start3A_1106 = tpu.memref_squeeze %dma_start3A_1105 : memref<1x112xi32, #tpu.memory_space<vmem>> -> memref<112xi32, #tpu.memory_space<vmem>>
        %dma_start3A_1107 = arith.constant 0 : i32
        %dma_start3A_1108 = tpu.memref_slice %arg4[%add3A, %add3A_1083, %dma_start3A_1107] : memref<32x90x112xi32, #tpu.memory_space<hbm>> -> memref<1x1x112xi32, #tpu.memory_space<hbm>>
        %dma_start3A_1109 = tpu.memref_squeeze %dma_start3A_1108 : memref<1x1x112xi32, #tpu.memory_space<hbm>> -> memref<112xi32, #tpu.memory_space<hbm>>
        tpu.enqueue_dma source(%dma_start3A_1109 : memref<112xi32, #tpu.memory_space<hbm>>) target(%dma_start3A_1106 : memref<112xi32, #tpu.memory_space<vmem>>) target_semaphore(%arg10 : memref<!tpu.dma_semaphore, #tpu.memory_space<semaphore_mem>>)
      } else {
      }
      %mul3A_1021 = arith.constant 6 : i32
      %mul3A_1022 = arith.muli %mul3A_1021, %scan3A_719 : i32
      %add3A_1023 = arith.constant 5 : i32
      %add3A_1024 = arith.addi %mul3A_1022, %add3A_1023 : i32
      %ge3A_1025 = arith.constant 3 : i32
      %ge3A_1026 = arith.cmpi sge, %add3A_1024, %ge3A_1025 : i32
      %convert_element_type3A_1027 = arith.extui %ge3A_1026 : i1 to i32
      %cond3A_1028 = arith.constant 0 : i32
      %cond3A_1029 = arith.cmpi ne, %convert_element_type3A_1027, %cond3A_1028 : i32
      scf.if %cond3A_1029 {
        %dma_wait3A_1082 = arith.constant 2 : i32
        %dma_wait3A_1083 = arith.constant 0 : i32
        %dma_wait3A_1084 = arith.constant 0 : i32
        %dma_wait3A_1085 = arith.constant 0 : i32
        %dma_wait3A_1086 = tpu.memref_slice %arg8[%dma_wait3A_1082, %dma_wait3A_1084, %dma_wait3A_1085] : memref<3x112x128xf32, #tpu.memory_space<vmem>> -> memref<1x112x128xf32, #tpu.memory_space<vmem>>
        %dma_wait3A_1087 = tpu.memref_squeeze %dma_wait3A_1086 : memref<1x112x128xf32, #tpu.memory_space<vmem>> -> memref<112x128xf32, #tpu.memory_space<vmem>>
        %dma_wait3A_1088 = arith.constant 0 : i32
        %dma_wait3A_1089 = tpu.memref_slice %arg7[%dma_wait3A_1083, %dma_wait3A_1088] : memref<6x112xi32, #tpu.memory_space<vmem>> -> memref<1x112xi32, #tpu.memory_space<vmem>>
        %dma_wait3A_1090 = tpu.memref_squeeze %dma_wait3A_1089 : memref<1x112xi32, #tpu.memory_space<vmem>> -> memref<112xi32, #tpu.memory_space<vmem>>
        %dma_wait3A_1091 = arith.constant 0 : i32
        %dma_wait3A_1092 = arith.constant 0 : i32
        %dma_wait3A_1093 = tpu.memref_slice %arg9[%dma_wait3A_1091, %dma_wait3A_1092] : memref<10112x128xf32, #tpu.memory_space<vmem_shared>> -> memref<10112x128xf32, #tpu.memory_space<vmem_shared>>
        tpu.wait_indirect_dma semaphore(%arg12 : memref<!tpu.dma_semaphore, #tpu.memory_space<semaphore_mem>>) src(%dma_wait3A_1087 : memref<112x128xf32, #tpu.memory_space<vmem>>) dst(%dma_wait3A_1093 : memref<10112x128xf32, #tpu.memory_space<vmem_shared>>)
      } else {
      }
      %dma_wait3A_1030 = arith.constant 0 : i32
      %dma_wait3A_1031 = arith.constant 5 : i32
      %dma_wait3A_1032 = arith.constant 0 : i32
      %dma_wait3A_1033 = tpu.memref_slice %arg6[%dma_wait3A_1031, %dma_wait3A_1032] : memref<6x112xi32, #tpu.memory_space<vmem>> -> memref<1x112xi32, #tpu.memory_space<vmem>>
      %dma_wait3A_1034 = tpu.memref_squeeze %dma_wait3A_1033 : memref<1x112xi32, #tpu.memory_space<vmem>> -> memref<112xi32, #tpu.memory_space<vmem>>
      %dma_wait3A_1035 = arith.constant 0 : i32
      %dma_wait3A_1036 = tpu.memref_slice %arg3[%add3A, %dma_wait3A_1030, %dma_wait3A_1035] : memref<32x90x112xi32, #tpu.memory_space<hbm>> -> memref<1x1x112xi32, #tpu.memory_space<hbm>>
      %dma_wait3A_1037 = tpu.memref_squeeze %dma_wait3A_1036 : memref<1x1x112xi32, #tpu.memory_space<hbm>> -> memref<112xi32, #tpu.memory_space<hbm>>
      %dma_wait3A_1038 = arith.constant 0 : i32
      %dma_wait3A_1039 = tpu.memref_slice %arg6[%dma_wait3A_1031, %dma_wait3A_1038] : memref<6x112xi32, #tpu.memory_space<vmem>> -> memref<1x112xi32, #tpu.memory_space<vmem>>
      %dma_wait3A_1040 = tpu.memref_squeeze %dma_wait3A_1039 : memref<1x112xi32, #tpu.memory_space<vmem>> -> memref<112xi32, #tpu.memory_space<vmem>>
      %dma_wait3A_1041 = arith.constant 0 : i32
      %dma_wait3A_1042 = tpu.memref_slice %arg3[%add3A, %dma_wait3A_1030, %dma_wait3A_1041] : memref<32x90x112xi32, #tpu.memory_space<hbm>> -> memref<1x1x112xi32, #tpu.memory_space<hbm>>
      %dma_wait3A_1043 = tpu.memref_squeeze %dma_wait3A_1042 : memref<1x1x112xi32, #tpu.memory_space<hbm>> -> memref<112xi32, #tpu.memory_space<hbm>>
      tpu.wait_dma2 semaphore(%arg10 : memref<!tpu.dma_semaphore, #tpu.memory_space<semaphore_mem>>) src(%dma_wait3A_1043 : memref<112xi32, #tpu.memory_space<hbm>>) dst(%dma_wait3A_1040 : memref<112xi32, #tpu.memory_space<vmem>>)
      %dma_wait3A_1044 = arith.constant 0 : i32
      %dma_wait3A_1045 = arith.constant 5 : i32
      %dma_wait3A_1046 = arith.constant 0 : i32
      %dma_wait3A_1047 = tpu.memref_slice %arg7[%dma_wait3A_1045, %dma_wait3A_1046] : memref<6x112xi32, #tpu.memory_space<vmem>> -> memref<1x112xi32, #tpu.memory_space<vmem>>
      %dma_wait3A_1048 = tpu.memref_squeeze %dma_wait3A_1047 : memref<1x112xi32, #tpu.memory_space<vmem>> -> memref<112xi32, #tpu.memory_space<vmem>>
      %dma_wait3A_1049 = arith.constant 0 : i32
      %dma_wait3A_1050 = tpu.memref_slice %arg4[%add3A, %dma_wait3A_1044, %dma_wait3A_1049] : memref<32x90x112xi32, #tpu.memory_space<hbm>> -> memref<1x1x112xi32, #tpu.memory_space<hbm>>
      %dma_wait3A_1051 = tpu.memref_squeeze %dma_wait3A_1050 : memref<1x1x112xi32, #tpu.memory_space<hbm>> -> memref<112xi32, #tpu.memory_space<hbm>>
      %dma_wait3A_1052 = arith.constant 0 : i32
      %dma_wait3A_1053 = tpu.memref_slice %arg7[%dma_wait3A_1045, %dma_wait3A_1052] : memref<6x112xi32, #tpu.memory_space<vmem>> -> memref<1x112xi32, #tpu.memory_space<vmem>>
      %dma_wait3A_1054 = tpu.memref_squeeze %dma_wait3A_1053 : memref<1x112xi32, #tpu.memory_space<vmem>> -> memref<112xi32, #tpu.memory_space<vmem>>
      %dma_wait3A_1055 = arith.constant 0 : i32
      %dma_wait3A_1056 = tpu.memref_slice %arg4[%add3A, %dma_wait3A_1044, %dma_wait3A_1055] : memref<32x90x112xi32, #tpu.memory_space<hbm>> -> memref<1x1x112xi32, #tpu.memory_space<hbm>>
      %dma_wait3A_1057 = tpu.memref_squeeze %dma_wait3A_1056 : memref<1x1x112xi32, #tpu.memory_space<hbm>> -> memref<112xi32, #tpu.memory_space<hbm>>
      tpu.wait_dma2 semaphore(%arg10 : memref<!tpu.dma_semaphore, #tpu.memory_space<semaphore_mem>>) src(%dma_wait3A_1057 : memref<112xi32, #tpu.memory_space<hbm>>) dst(%dma_wait3A_1054 : memref<112xi32, #tpu.memory_space<vmem>>)
      %dma_start3A_1058 = arith.constant 5 : i32
      %dma_start3A_1059 = arith.constant 2 : i32
      %dma_start3A_1060 = arith.constant 0 : i32
      %dma_start3A_1061 = arith.constant 0 : i32
      %dma_start3A_1062 = tpu.memref_slice %arg8[%dma_start3A_1059, %dma_start3A_1060, %dma_start3A_1061] : memref<3x112x128xf32, #tpu.memory_space<vmem>> -> memref<1x112x128xf32, #tpu.memory_space<vmem>>
      %dma_start3A_1063 = tpu.memref_squeeze %dma_start3A_1062 : memref<1x112x128xf32, #tpu.memory_space<vmem>> -> memref<112x128xf32, #tpu.memory_space<vmem>>
      %dma_start3A_1064 = arith.constant 0 : i32
      %dma_start3A_1065 = tpu.memref_slice %arg6[%dma_start3A_1058, %dma_start3A_1064] : memref<6x112xi32, #tpu.memory_space<vmem>> -> memref<1x112xi32, #tpu.memory_space<vmem>>
      %dma_start3A_1066 = tpu.memref_squeeze %dma_start3A_1065 : memref<1x112xi32, #tpu.memory_space<vmem>> -> memref<112xi32, #tpu.memory_space<vmem>>
      %dma_start3A_1067 = arith.constant 0 : i32
      %dma_start3A_1068 = arith.constant 0 : i32
      %dma_start3A_1069 = tpu.memref_slice %arg2[%dma_start3A_1067, %dma_start3A_1068] : memref<10112x128xf32, #tpu.memory_space<hbm>> -> memref<10112x128xf32, #tpu.memory_space<hbm>>
      tpu.enqueue_indirect_dma source(%dma_start3A_1069 : memref<10112x128xf32, #tpu.memory_space<hbm>>) target(%dma_start3A_1063 : memref<112x128xf32, #tpu.memory_space<vmem>>) offsets(%dma_start3A_1066 : memref<112xi32, #tpu.memory_space<vmem>>) semaphore(%arg11 : memref<!tpu.dma_semaphore, #tpu.memory_space<semaphore_mem>>)
      %ge3A_1070 = arith.constant 1 : i32
      %ge3A_1071 = arith.cmpi sge, %add3A_1024, %ge3A_1070 : i32
      %convert_element_type3A_1072 = arith.extui %ge3A_1071 : i1 to i32
      %cond3A_1073 = arith.constant 0 : i32
      %cond3A_1074 = arith.cmpi ne, %convert_element_type3A_1072, %cond3A_1073 : i32
      scf.if %cond3A_1074 {
        %dma_wait3A_1082 = arith.constant 0 : i32
        %dma_wait3A_1083 = arith.constant 1 : i32
        %dma_wait3A_1084 = arith.constant 0 : i32
        %dma_wait3A_1085 = arith.constant 0 : i32
        %dma_wait3A_1086 = tpu.memref_slice %arg8[%dma_wait3A_1083, %dma_wait3A_1084, %dma_wait3A_1085] : memref<3x112x128xf32, #tpu.memory_space<vmem>> -> memref<1x112x128xf32, #tpu.memory_space<vmem>>
        %dma_wait3A_1087 = tpu.memref_squeeze %dma_wait3A_1086 : memref<1x112x128xf32, #tpu.memory_space<vmem>> -> memref<112x128xf32, #tpu.memory_space<vmem>>
        %dma_wait3A_1088 = arith.constant 0 : i32
        %dma_wait3A_1089 = tpu.memref_slice %arg6[%dma_wait3A_1082, %dma_wait3A_1088] : memref<6x112xi32, #tpu.memory_space<vmem>> -> memref<1x112xi32, #tpu.memory_space<vmem>>
        %dma_wait3A_1090 = tpu.memref_squeeze %dma_wait3A_1089 : memref<1x112xi32, #tpu.memory_space<vmem>> -> memref<112xi32, #tpu.memory_space<vmem>>
        %dma_wait3A_1091 = arith.constant 0 : i32
        %dma_wait3A_1092 = arith.constant 0 : i32
        %dma_wait3A_1093 = tpu.memref_slice %arg2[%dma_wait3A_1091, %dma_wait3A_1092] : memref<10112x128xf32, #tpu.memory_space<hbm>> -> memref<10112x128xf32, #tpu.memory_space<hbm>>
        tpu.wait_indirect_dma semaphore(%arg11 : memref<!tpu.dma_semaphore, #tpu.memory_space<semaphore_mem>>) src(%dma_wait3A_1093 : memref<10112x128xf32, #tpu.memory_space<hbm>>) dst(%dma_wait3A_1087 : memref<112x128xf32, #tpu.memory_space<vmem>>)
        %dma_start3A_1094 = arith.constant 1 : i32
        %dma_start3A_1095 = arith.constant 4 : i32
        %dma_start3A_1096 = arith.constant 0 : i32
        %dma_start3A_1097 = arith.constant 0 : i32
        %dma_start3A_1098 = tpu.memref_slice %arg8[%dma_start3A_1094, %dma_start3A_1096, %dma_start3A_1097] : memref<3x112x128xf32, #tpu.memory_space<vmem>> -> memref<1x112x128xf32, #tpu.memory_space<vmem>>
        %dma_start3A_1099 = tpu.memref_squeeze %dma_start3A_1098 : memref<1x112x128xf32, #tpu.memory_space<vmem>> -> memref<112x128xf32, #tpu.memory_space<vmem>>
        %dma_start3A_1100 = arith.constant 0 : i32
        %dma_start3A_1101 = tpu.memref_slice %arg7[%dma_start3A_1095, %dma_start3A_1100] : memref<6x112xi32, #tpu.memory_space<vmem>> -> memref<1x112xi32, #tpu.memory_space<vmem>>
        %dma_start3A_1102 = tpu.memref_squeeze %dma_start3A_1101 : memref<1x112xi32, #tpu.memory_space<vmem>> -> memref<112xi32, #tpu.memory_space<vmem>>
        %dma_start3A_1103 = arith.constant 0 : i32
        %dma_start3A_1104 = arith.constant 0 : i32
        %dma_start3A_1105 = tpu.memref_slice %arg9[%dma_start3A_1103, %dma_start3A_1104] : memref<10112x128xf32, #tpu.memory_space<vmem_shared>> -> memref<10112x128xf32, #tpu.memory_space<vmem_shared>>
        tpu.enqueue_indirect_dma source(%dma_start3A_1099 : memref<112x128xf32, #tpu.memory_space<vmem>>) target(%dma_start3A_1105 : memref<10112x128xf32, #tpu.memory_space<vmem_shared>>) offsets(%dma_start3A_1102 : memref<112xi32, #tpu.memory_space<vmem>>) semaphore(%arg12 : memref<!tpu.dma_semaphore, #tpu.memory_space<semaphore_mem>>) {add = true}
      } else {
      }
      %add3A_1075 = arith.constant 3 : i32
      %add3A_1076 = arith.addi %add3A_1024, %add3A_1075 : i32
      %le3A_1077 = arith.constant 89 : i32
      %le3A_1078 = arith.cmpi sle, %add3A_1076, %le3A_1077 : i32
      %convert_element_type3A_1079 = arith.extui %le3A_1078 : i1 to i32
      %cond3A_1080 = arith.constant 0 : i32
      %cond3A_1081 = arith.cmpi ne, %convert_element_type3A_1079, %cond3A_1080 : i32
      scf.if %cond3A_1081 {
        %add3A_1082 = arith.constant 3 : i32
        %add3A_1083 = arith.addi %add3A_1024, %add3A_1082 : i32
        %dma_start3A_1084 = arith.constant 2 : i32
        %dma_start3A_1085 = arith.constant 0 : i32
        %dma_start3A_1086 = tpu.memref_slice %arg6[%dma_start3A_1084, %dma_start3A_1085] : memref<6x112xi32, #tpu.memory_space<vmem>> -> memref<1x112xi32, #tpu.memory_space<vmem>>
        %dma_start3A_1087 = tpu.memref_squeeze %dma_start3A_1086 : memref<1x112xi32, #tpu.memory_space<vmem>> -> memref<112xi32, #tpu.memory_space<vmem>>
        %dma_start3A_1088 = arith.constant 0 : i32
        %dma_start3A_1089 = tpu.memref_slice %arg3[%add3A, %add3A_1083, %dma_start3A_1088] : memref<32x90x112xi32, #tpu.memory_space<hbm>> -> memref<1x1x112xi32, #tpu.memory_space<hbm>>
        %dma_start3A_1090 = tpu.memref_squeeze %dma_start3A_1089 : memref<1x1x112xi32, #tpu.memory_space<hbm>> -> memref<112xi32, #tpu.memory_space<hbm>>
        %dma_start3A_1091 = arith.constant 0 : i32
        %dma_start3A_1092 = tpu.memref_slice %arg6[%dma_start3A_1084, %dma_start3A_1091] : memref<6x112xi32, #tpu.memory_space<vmem>> -> memref<1x112xi32, #tpu.memory_space<vmem>>
        %dma_start3A_1093 = tpu.memref_squeeze %dma_start3A_1092 : memref<1x112xi32, #tpu.memory_space<vmem>> -> memref<112xi32, #tpu.memory_space<vmem>>
        %dma_start3A_1094 = arith.constant 0 : i32
        %dma_start3A_1095 = tpu.memref_slice %arg3[%add3A, %add3A_1083, %dma_start3A_1094] : memref<32x90x112xi32, #tpu.memory_space<hbm>> -> memref<1x1x112xi32, #tpu.memory_space<hbm>>
        %dma_start3A_1096 = tpu.memref_squeeze %dma_start3A_1095 : memref<1x1x112xi32, #tpu.memory_space<hbm>> -> memref<112xi32, #tpu.memory_space<hbm>>
        tpu.enqueue_dma source(%dma_start3A_1096 : memref<112xi32, #tpu.memory_space<hbm>>) target(%dma_start3A_1093 : memref<112xi32, #tpu.memory_space<vmem>>) target_semaphore(%arg10 : memref<!tpu.dma_semaphore, #tpu.memory_space<semaphore_mem>>)
        %dma_start3A_1097 = arith.constant 2 : i32
        %dma_start3A_1098 = arith.constant 0 : i32
        %dma_start3A_1099 = tpu.memref_slice %arg7[%dma_start3A_1097, %dma_start3A_1098] : memref<6x112xi32, #tpu.memory_space<vmem>> -> memref<1x112xi32, #tpu.memory_space<vmem>>
        %dma_start3A_1100 = tpu.memref_squeeze %dma_start3A_1099 : memref<1x112xi32, #tpu.memory_space<vmem>> -> memref<112xi32, #tpu.memory_space<vmem>>
        %dma_start3A_1101 = arith.constant 0 : i32
        %dma_start3A_1102 = tpu.memref_slice %arg4[%add3A, %add3A_1083, %dma_start3A_1101] : memref<32x90x112xi32, #tpu.memory_space<hbm>> -> memref<1x1x112xi32, #tpu.memory_space<hbm>>
        %dma_start3A_1103 = tpu.memref_squeeze %dma_start3A_1102 : memref<1x1x112xi32, #tpu.memory_space<hbm>> -> memref<112xi32, #tpu.memory_space<hbm>>
        %dma_start3A_1104 = arith.constant 0 : i32
        %dma_start3A_1105 = tpu.memref_slice %arg7[%dma_start3A_1097, %dma_start3A_1104] : memref<6x112xi32, #tpu.memory_space<vmem>> -> memref<1x112xi32, #tpu.memory_space<vmem>>
        %dma_start3A_1106 = tpu.memref_squeeze %dma_start3A_1105 : memref<1x112xi32, #tpu.memory_space<vmem>> -> memref<112xi32, #tpu.memory_space<vmem>>
        %dma_start3A_1107 = arith.constant 0 : i32
        %dma_start3A_1108 = tpu.memref_slice %arg4[%add3A, %add3A_1083, %dma_start3A_1107] : memref<32x90x112xi32, #tpu.memory_space<hbm>> -> memref<1x1x112xi32, #tpu.memory_space<hbm>>
        %dma_start3A_1109 = tpu.memref_squeeze %dma_start3A_1108 : memref<1x1x112xi32, #tpu.memory_space<hbm>> -> memref<112xi32, #tpu.memory_space<hbm>>
        tpu.enqueue_dma source(%dma_start3A_1109 : memref<112xi32, #tpu.memory_space<hbm>>) target(%dma_start3A_1106 : memref<112xi32, #tpu.memory_space<vmem>>) target_semaphore(%arg10 : memref<!tpu.dma_semaphore, #tpu.memory_space<semaphore_mem>>)
      } else {
      }
    }
    %scan3A_273 = arith.constant 15 : i32
    %dma_wait3A_274 = arith.constant 0 : i32
    %dma_wait3A_275 = arith.constant 2 : i32
    %dma_wait3A_276 = arith.constant 0 : i32
    %dma_wait3A_277 = arith.constant 0 : i32
    %dma_wait3A_278 = tpu.memref_slice %arg8[%dma_wait3A_275, %dma_wait3A_276, %dma_wait3A_277] : memref<3x112x128xf32, #tpu.memory_space<vmem>> -> memref<1x112x128xf32, #tpu.memory_space<vmem>>
    %dma_wait3A_279 = tpu.memref_squeeze %dma_wait3A_278 : memref<1x112x128xf32, #tpu.memory_space<vmem>> -> memref<112x128xf32, #tpu.memory_space<vmem>>
    %dma_wait3A_280 = arith.constant 0 : i32
    %dma_wait3A_281 = tpu.memref_slice %arg6[%dma_wait3A_274, %dma_wait3A_280] : memref<6x112xi32, #tpu.memory_space<vmem>> -> memref<1x112xi32, #tpu.memory_space<vmem>>
    %dma_wait3A_282 = tpu.memref_squeeze %dma_wait3A_281 : memref<1x112xi32, #tpu.memory_space<vmem>> -> memref<112xi32, #tpu.memory_space<vmem>>
    %dma_wait3A_283 = arith.constant 0 : i32
    %dma_wait3A_284 = arith.constant 0 : i32
    %dma_wait3A_285 = tpu.memref_slice %arg2[%dma_wait3A_283, %dma_wait3A_284] : memref<10112x128xf32, #tpu.memory_space<hbm>> -> memref<10112x128xf32, #tpu.memory_space<hbm>>
    tpu.wait_indirect_dma semaphore(%arg11 : memref<!tpu.dma_semaphore, #tpu.memory_space<semaphore_mem>>) src(%dma_wait3A_285 : memref<10112x128xf32, #tpu.memory_space<hbm>>) dst(%dma_wait3A_279 : memref<112x128xf32, #tpu.memory_space<vmem>>)
    %dma_start3A_286 = arith.constant 2 : i32
    %dma_start3A_287 = arith.constant 5 : i32
    %dma_start3A_288 = arith.constant 0 : i32
    %dma_start3A_289 = arith.constant 0 : i32
    %dma_start3A_290 = tpu.memref_slice %arg8[%dma_start3A_286, %dma_start3A_288, %dma_start3A_289] : memref<3x112x128xf32, #tpu.memory_space<vmem>> -> memref<1x112x128xf32, #tpu.memory_space<vmem>>
    %dma_start3A_291 = tpu.memref_squeeze %dma_start3A_290 : memref<1x112x128xf32, #tpu.memory_space<vmem>> -> memref<112x128xf32, #tpu.memory_space<vmem>>
    %dma_start3A_292 = arith.constant 0 : i32
    %dma_start3A_293 = tpu.memref_slice %arg7[%dma_start3A_287, %dma_start3A_292] : memref<6x112xi32, #tpu.memory_space<vmem>> -> memref<1x112xi32, #tpu.memory_space<vmem>>
    %dma_start3A_294 = tpu.memref_squeeze %dma_start3A_293 : memref<1x112xi32, #tpu.memory_space<vmem>> -> memref<112xi32, #tpu.memory_space<vmem>>
    %dma_start3A_295 = arith.constant 0 : i32
    %dma_start3A_296 = arith.constant 0 : i32
    %dma_start3A_297 = tpu.memref_slice %arg9[%dma_start3A_295, %dma_start3A_296] : memref<10112x128xf32, #tpu.memory_space<vmem_shared>> -> memref<10112x128xf32, #tpu.memory_space<vmem_shared>>
    tpu.enqueue_indirect_dma source(%dma_start3A_291 : memref<112x128xf32, #tpu.memory_space<vmem>>) target(%dma_start3A_297 : memref<10112x128xf32, #tpu.memory_space<vmem_shared>>) offsets(%dma_start3A_294 : memref<112xi32, #tpu.memory_space<vmem>>) semaphore(%arg12 : memref<!tpu.dma_semaphore, #tpu.memory_space<semaphore_mem>>) {add = true}
    %dma_wait3A_298 = arith.constant 0 : i32
    %dma_wait3A_299 = arith.constant 0 : i32
    %dma_wait3A_300 = arith.constant 0 : i32
    %dma_wait3A_301 = arith.constant 0 : i32
    %dma_wait3A_302 = tpu.memref_slice %arg8[%dma_wait3A_298, %dma_wait3A_300, %dma_wait3A_301] : memref<3x112x128xf32, #tpu.memory_space<vmem>> -> memref<1x112x128xf32, #tpu.memory_space<vmem>>
    %dma_wait3A_303 = tpu.memref_squeeze %dma_wait3A_302 : memref<1x112x128xf32, #tpu.memory_space<vmem>> -> memref<112x128xf32, #tpu.memory_space<vmem>>
    %dma_wait3A_304 = arith.constant 0 : i32
    %dma_wait3A_305 = tpu.memref_slice %arg7[%dma_wait3A_299, %dma_wait3A_304] : memref<6x112xi32, #tpu.memory_space<vmem>> -> memref<1x112xi32, #tpu.memory_space<vmem>>
    %dma_wait3A_306 = tpu.memref_squeeze %dma_wait3A_305 : memref<1x112xi32, #tpu.memory_space<vmem>> -> memref<112xi32, #tpu.memory_space<vmem>>
    %dma_wait3A_307 = arith.constant 0 : i32
    %dma_wait3A_308 = arith.constant 0 : i32
    %dma_wait3A_309 = tpu.memref_slice %arg9[%dma_wait3A_307, %dma_wait3A_308] : memref<10112x128xf32, #tpu.memory_space<vmem_shared>> -> memref<10112x128xf32, #tpu.memory_space<vmem_shared>>
    tpu.wait_indirect_dma semaphore(%arg12 : memref<!tpu.dma_semaphore, #tpu.memory_space<semaphore_mem>>) src(%dma_wait3A_303 : memref<112x128xf32, #tpu.memory_space<vmem>>) dst(%dma_wait3A_309 : memref<10112x128xf32, #tpu.memory_space<vmem_shared>>)
    %dma_wait3A_310 = arith.constant 1 : i32
    %dma_wait3A_311 = arith.constant 0 : i32
    %dma_wait3A_312 = arith.constant 0 : i32
    %dma_wait3A_313 = arith.constant 0 : i32
    %dma_wait3A_314 = tpu.memref_slice %arg8[%dma_wait3A_310, %dma_wait3A_312, %dma_wait3A_313] : memref<3x112x128xf32, #tpu.memory_space<vmem>> -> memref<1x112x128xf32, #tpu.memory_space<vmem>>
    %dma_wait3A_315 = tpu.memref_squeeze %dma_wait3A_314 : memref<1x112x128xf32, #tpu.memory_space<vmem>> -> memref<112x128xf32, #tpu.memory_space<vmem>>
    %dma_wait3A_316 = arith.constant 0 : i32
    %dma_wait3A_317 = tpu.memref_slice %arg7[%dma_wait3A_311, %dma_wait3A_316] : memref<6x112xi32, #tpu.memory_space<vmem>> -> memref<1x112xi32, #tpu.memory_space<vmem>>
    %dma_wait3A_318 = tpu.memref_squeeze %dma_wait3A_317 : memref<1x112xi32, #tpu.memory_space<vmem>> -> memref<112xi32, #tpu.memory_space<vmem>>
    %dma_wait3A_319 = arith.constant 0 : i32
    %dma_wait3A_320 = arith.constant 0 : i32
    %dma_wait3A_321 = tpu.memref_slice %arg9[%dma_wait3A_319, %dma_wait3A_320] : memref<10112x128xf32, #tpu.memory_space<vmem_shared>> -> memref<10112x128xf32, #tpu.memory_space<vmem_shared>>
    tpu.wait_indirect_dma semaphore(%arg12 : memref<!tpu.dma_semaphore, #tpu.memory_space<semaphore_mem>>) src(%dma_wait3A_315 : memref<112x128xf32, #tpu.memory_space<vmem>>) dst(%dma_wait3A_321 : memref<10112x128xf32, #tpu.memory_space<vmem_shared>>)
    %dma_wait3A_322 = arith.constant 2 : i32
    %dma_wait3A_323 = arith.constant 0 : i32
    %dma_wait3A_324 = arith.constant 0 : i32
    %dma_wait3A_325 = arith.constant 0 : i32
    %dma_wait3A_326 = tpu.memref_slice %arg8[%dma_wait3A_322, %dma_wait3A_324, %dma_wait3A_325] : memref<3x112x128xf32, #tpu.memory_space<vmem>> -> memref<1x112x128xf32, #tpu.memory_space<vmem>>
    %dma_wait3A_327 = tpu.memref_squeeze %dma_wait3A_326 : memref<1x112x128xf32, #tpu.memory_space<vmem>> -> memref<112x128xf32, #tpu.memory_space<vmem>>
    %dma_wait3A_328 = arith.constant 0 : i32
    %dma_wait3A_329 = tpu.memref_slice %arg7[%dma_wait3A_323, %dma_wait3A_328] : memref<6x112xi32, #tpu.memory_space<vmem>> -> memref<1x112xi32, #tpu.memory_space<vmem>>
    %dma_wait3A_330 = tpu.memref_squeeze %dma_wait3A_329 : memref<1x112xi32, #tpu.memory_space<vmem>> -> memref<112xi32, #tpu.memory_space<vmem>>
    %dma_wait3A_331 = arith.constant 0 : i32
    %dma_wait3A_332 = arith.constant 0 : i32
    %dma_wait3A_333 = tpu.memref_slice %arg9[%dma_wait3A_331, %dma_wait3A_332] : memref<10112x128xf32, #tpu.memory_space<vmem_shared>> -> memref<10112x128xf32, #tpu.memory_space<vmem_shared>>
    tpu.wait_indirect_dma semaphore(%arg12 : memref<!tpu.dma_semaphore, #tpu.memory_space<semaphore_mem>>) src(%dma_wait3A_327 : memref<112x128xf32, #tpu.memory_space<vmem>>) dst(%dma_wait3A_333 : memref<10112x128xf32, #tpu.memory_space<vmem_shared>>)
    %barrier3A_334 = arith.constant 0 : index
    tpu.barrier barrier_id(%barrier3A_334)
    %mul3A_335 = arith.constant 632 : i32
    %mul3A_336 = arith.muli %arg1, %mul3A_335 : i32
    %add3A_337 = arith.constant 0 : i32
    %add3A_338 = arith.addi %mul3A_336, %add3A_337 : i32
    %dma_start3A_339 = arith.constant 0 : i32
    %dma_start3A_340 = arith.constant 0 : i32
    %dma_start3A_341 = arith.constant 0 : i32
    %dma_start3A_342 = tpu.memref_slice %arg8[%dma_start3A_339, %dma_start3A_340, %dma_start3A_341] : memref<3x112x128xf32, #tpu.memory_space<vmem>> -> memref<1x112x128xf32, #tpu.memory_space<vmem>>
    %dma_start3A_343 = tpu.memref_squeeze %dma_start3A_342 : memref<1x112x128xf32, #tpu.memory_space<vmem>> -> memref<112x128xf32, #tpu.memory_space<vmem>>
    %dma_start3A_344 = arith.constant 0 : i32
    %dma_start3A_345 = tpu.memref_slice %arg9[%add3A_338, %dma_start3A_344] : memref<10112x128xf32, #tpu.memory_space<vmem_shared>> -> memref<112x128xf32, #tpu.memory_space<vmem_shared>>
    %dma_start3A_346 = arith.constant 0 : i32
    %dma_start3A_347 = arith.constant 0 : i32
    %dma_start3A_348 = tpu.memref_slice %arg8[%dma_start3A_339, %dma_start3A_346, %dma_start3A_347] : memref<3x112x128xf32, #tpu.memory_space<vmem>> -> memref<1x112x128xf32, #tpu.memory_space<vmem>>
    %dma_start3A_349 = tpu.memref_squeeze %dma_start3A_348 : memref<1x112x128xf32, #tpu.memory_space<vmem>> -> memref<112x128xf32, #tpu.memory_space<vmem>>
    %dma_start3A_350 = arith.constant 0 : i32
    %dma_start3A_351 = tpu.memref_slice %arg9[%add3A_338, %dma_start3A_350] : memref<10112x128xf32, #tpu.memory_space<vmem_shared>> -> memref<112x128xf32, #tpu.memory_space<vmem_shared>>
    tpu.enqueue_dma source(%dma_start3A_351 : memref<112x128xf32, #tpu.memory_space<vmem_shared>>) target(%dma_start3A_349 : memref<112x128xf32, #tpu.memory_space<vmem>>) target_semaphore(%arg11 : memref<!tpu.dma_semaphore, #tpu.memory_space<semaphore_mem>>)
    %mul3A_352 = arith.constant 632 : i32
    %mul3A_353 = arith.muli %arg1, %mul3A_352 : i32
    %add3A_354 = arith.constant 112 : i32
    %add3A_355 = arith.addi %mul3A_353, %add3A_354 : i32
    %dma_start3A_356 = arith.constant 1 : i32
    %dma_start3A_357 = arith.constant 0 : i32
    %dma_start3A_358 = arith.constant 0 : i32
    %dma_start3A_359 = tpu.memref_slice %arg8[%dma_start3A_356, %dma_start3A_357, %dma_start3A_358] : memref<3x112x128xf32, #tpu.memory_space<vmem>> -> memref<1x112x128xf32, #tpu.memory_space<vmem>>
    %dma_start3A_360 = tpu.memref_squeeze %dma_start3A_359 : memref<1x112x128xf32, #tpu.memory_space<vmem>> -> memref<112x128xf32, #tpu.memory_space<vmem>>
    %dma_start3A_361 = arith.constant 0 : i32
    %dma_start3A_362 = tpu.memref_slice %arg9[%add3A_355, %dma_start3A_361] : memref<10112x128xf32, #tpu.memory_space<vmem_shared>> -> memref<112x128xf32, #tpu.memory_space<vmem_shared>>
    %dma_start3A_363 = arith.constant 0 : i32
    %dma_start3A_364 = arith.constant 0 : i32
    %dma_start3A_365 = tpu.memref_slice %arg8[%dma_start3A_356, %dma_start3A_363, %dma_start3A_364] : memref<3x112x128xf32, #tpu.memory_space<vmem>> -> memref<1x112x128xf32, #tpu.memory_space<vmem>>
    %dma_start3A_366 = tpu.memref_squeeze %dma_start3A_365 : memref<1x112x128xf32, #tpu.memory_space<vmem>> -> memref<112x128xf32, #tpu.memory_space<vmem>>
    %dma_start3A_367 = arith.constant 0 : i32
    %dma_start3A_368 = tpu.memref_slice %arg9[%add3A_355, %dma_start3A_367] : memref<10112x128xf32, #tpu.memory_space<vmem_shared>> -> memref<112x128xf32, #tpu.memory_space<vmem_shared>>
    tpu.enqueue_dma source(%dma_start3A_368 : memref<112x128xf32, #tpu.memory_space<vmem_shared>>) target(%dma_start3A_366 : memref<112x128xf32, #tpu.memory_space<vmem>>) target_semaphore(%arg11 : memref<!tpu.dma_semaphore, #tpu.memory_space<semaphore_mem>>)
    %mul3A_369 = arith.constant 632 : i32
    %mul3A_370 = arith.muli %arg1, %mul3A_369 : i32
    %add3A_371 = arith.constant 224 : i32
    %add3A_372 = arith.addi %mul3A_370, %add3A_371 : i32
    %dma_start3A_373 = arith.constant 2 : i32
    %dma_start3A_374 = arith.constant 0 : i32
    %dma_start3A_375 = arith.constant 0 : i32
    %dma_start3A_376 = tpu.memref_slice %arg8[%dma_start3A_373, %dma_start3A_374, %dma_start3A_375] : memref<3x112x128xf32, #tpu.memory_space<vmem>> -> memref<1x112x128xf32, #tpu.memory_space<vmem>>
    %dma_start3A_377 = tpu.memref_squeeze %dma_start3A_376 : memref<1x112x128xf32, #tpu.memory_space<vmem>> -> memref<112x128xf32, #tpu.memory_space<vmem>>
    %dma_start3A_378 = arith.constant 0 : i32
    %dma_start3A_379 = tpu.memref_slice %arg9[%add3A_372, %dma_start3A_378] : memref<10112x128xf32, #tpu.memory_space<vmem_shared>> -> memref<112x128xf32, #tpu.memory_space<vmem_shared>>
    %dma_start3A_380 = arith.constant 0 : i32
    %dma_start3A_381 = arith.constant 0 : i32
    %dma_start3A_382 = tpu.memref_slice %arg8[%dma_start3A_373, %dma_start3A_380, %dma_start3A_381] : memref<3x112x128xf32, #tpu.memory_space<vmem>> -> memref<1x112x128xf32, #tpu.memory_space<vmem>>
    %dma_start3A_383 = tpu.memref_squeeze %dma_start3A_382 : memref<1x112x128xf32, #tpu.memory_space<vmem>> -> memref<112x128xf32, #tpu.memory_space<vmem>>
    %dma_start3A_384 = arith.constant 0 : i32
    %dma_start3A_385 = tpu.memref_slice %arg9[%add3A_372, %dma_start3A_384] : memref<10112x128xf32, #tpu.memory_space<vmem_shared>> -> memref<112x128xf32, #tpu.memory_space<vmem_shared>>
    tpu.enqueue_dma source(%dma_start3A_385 : memref<112x128xf32, #tpu.memory_space<vmem_shared>>) target(%dma_start3A_383 : memref<112x128xf32, #tpu.memory_space<vmem>>) target_semaphore(%arg11 : memref<!tpu.dma_semaphore, #tpu.memory_space<semaphore_mem>>)
    %dma_wait3A_386 = arith.constant 0 : i32
    %dma_wait3A_387 = arith.constant 0 : i32
    %dma_wait3A_388 = arith.constant 0 : i32
    %dma_wait3A_389 = tpu.memref_slice %arg8[%dma_wait3A_386, %dma_wait3A_387, %dma_wait3A_388] : memref<3x112x128xf32, #tpu.memory_space<vmem>> -> memref<1x112x128xf32, #tpu.memory_space<vmem>>
    %dma_wait3A_390 = tpu.memref_squeeze %dma_wait3A_389 : memref<1x112x128xf32, #tpu.memory_space<vmem>> -> memref<112x128xf32, #tpu.memory_space<vmem>>
    %dma_wait3A_391 = arith.constant 0 : i32
    %dma_wait3A_392 = tpu.memref_slice %arg9[%add3A_338, %dma_wait3A_391] : memref<10112x128xf32, #tpu.memory_space<vmem_shared>> -> memref<112x128xf32, #tpu.memory_space<vmem_shared>>
    %dma_wait3A_393 = arith.constant 0 : i32
    %dma_wait3A_394 = arith.constant 0 : i32
    %dma_wait3A_395 = tpu.memref_slice %arg8[%dma_wait3A_386, %dma_wait3A_393, %dma_wait3A_394] : memref<3x112x128xf32, #tpu.memory_space<vmem>> -> memref<1x112x128xf32, #tpu.memory_space<vmem>>
    %dma_wait3A_396 = tpu.memref_squeeze %dma_wait3A_395 : memref<1x112x128xf32, #tpu.memory_space<vmem>> -> memref<112x128xf32, #tpu.memory_space<vmem>>
    %dma_wait3A_397 = arith.constant 0 : i32
    %dma_wait3A_398 = tpu.memref_slice %arg9[%add3A_338, %dma_wait3A_397] : memref<10112x128xf32, #tpu.memory_space<vmem_shared>> -> memref<112x128xf32, #tpu.memory_space<vmem_shared>>
    tpu.wait_dma2 semaphore(%arg11 : memref<!tpu.dma_semaphore, #tpu.memory_space<semaphore_mem>>) src(%dma_wait3A_398 : memref<112x128xf32, #tpu.memory_space<vmem_shared>>) dst(%dma_wait3A_396 : memref<112x128xf32, #tpu.memory_space<vmem>>)
    %mul3A_399 = arith.constant 632 : i32
    %mul3A_400 = arith.muli %arg1, %mul3A_399 : i32
    %add3A_401 = arith.constant 0 : i32
    %add3A_402 = arith.addi %mul3A_400, %add3A_401 : i32
    %dma_start3A_403 = arith.constant 0 : i32
    %dma_start3A_404 = arith.constant 0 : i32
    %dma_start3A_405 = arith.constant 0 : i32
    %dma_start3A_406 = tpu.memref_slice %arg8[%dma_start3A_403, %dma_start3A_404, %dma_start3A_405] : memref<3x112x128xf32, #tpu.memory_space<vmem>> -> memref<1x112x128xf32, #tpu.memory_space<vmem>>
    %dma_start3A_407 = tpu.memref_squeeze %dma_start3A_406 : memref<1x112x128xf32, #tpu.memory_space<vmem>> -> memref<112x128xf32, #tpu.memory_space<vmem>>
    %dma_start3A_408 = arith.constant 0 : i32
    %dma_start3A_409 = tpu.memref_slice %arg5[%arg0, %add3A_402, %dma_start3A_408] : memref<2x10112x128xf32, #tpu.memory_space<hbm>> -> memref<1x112x128xf32, #tpu.memory_space<hbm>>
    %dma_start3A_410 = tpu.memref_squeeze %dma_start3A_409 : memref<1x112x128xf32, #tpu.memory_space<hbm>> -> memref<112x128xf32, #tpu.memory_space<hbm>>
    %dma_start3A_411 = arith.constant 0 : i32
    %dma_start3A_412 = tpu.memref_slice %arg5[%arg0, %add3A_402, %dma_start3A_411] : memref<2x10112x128xf32, #tpu.memory_space<hbm>> -> memref<1x112x128xf32, #tpu.memory_space<hbm>>
    %dma_start3A_413 = tpu.memref_squeeze %dma_start3A_412 : memref<1x112x128xf32, #tpu.memory_space<hbm>> -> memref<112x128xf32, #tpu.memory_space<hbm>>
    %dma_start3A_414 = arith.constant 0 : i32
    %dma_start3A_415 = arith.constant 0 : i32
    %dma_start3A_416 = tpu.memref_slice %arg8[%dma_start3A_403, %dma_start3A_414, %dma_start3A_415] : memref<3x112x128xf32, #tpu.memory_space<vmem>> -> memref<1x112x128xf32, #tpu.memory_space<vmem>>
    %dma_start3A_417 = tpu.memref_squeeze %dma_start3A_416 : memref<1x112x128xf32, #tpu.memory_space<vmem>> -> memref<112x128xf32, #tpu.memory_space<vmem>>
    tpu.enqueue_dma source(%dma_start3A_417 : memref<112x128xf32, #tpu.memory_space<vmem>>) target(%dma_start3A_413 : memref<112x128xf32, #tpu.memory_space<hbm>>) target_semaphore(%arg12 : memref<!tpu.dma_semaphore, #tpu.memory_space<semaphore_mem>>)
    %dma_wait3A_418 = arith.constant 0 : i32
    %dma_wait3A_419 = arith.constant 0 : i32
    %dma_wait3A_420 = arith.constant 0 : i32
    %dma_wait3A_421 = tpu.memref_slice %arg8[%dma_wait3A_418, %dma_wait3A_419, %dma_wait3A_420] : memref<3x112x128xf32, #tpu.memory_space<vmem>> -> memref<1x112x128xf32, #tpu.memory_space<vmem>>
    %dma_wait3A_422 = tpu.memref_squeeze %dma_wait3A_421 : memref<1x112x128xf32, #tpu.memory_space<vmem>> -> memref<112x128xf32, #tpu.memory_space<vmem>>
    %dma_wait3A_423 = arith.constant 0 : i32
    %dma_wait3A_424 = tpu.memref_slice %arg5[%arg0, %add3A_402, %dma_wait3A_423] : memref<2x10112x128xf32, #tpu.memory_space<hbm>> -> memref<1x112x128xf32, #tpu.memory_space<hbm>>
    %dma_wait3A_425 = tpu.memref_squeeze %dma_wait3A_424 : memref<1x112x128xf32, #tpu.memory_space<hbm>> -> memref<112x128xf32, #tpu.memory_space<hbm>>
    %dma_wait3A_426 = arith.constant 0 : i32
    %dma_wait3A_427 = tpu.memref_slice %arg5[%arg0, %add3A_402, %dma_wait3A_426] : memref<2x10112x128xf32, #tpu.memory_space<hbm>> -> memref<1x112x128xf32, #tpu.memory_space<hbm>>
    %dma_wait3A_428 = tpu.memref_squeeze %dma_wait3A_427 : memref<1x112x128xf32, #tpu.memory_space<hbm>> -> memref<112x128xf32, #tpu.memory_space<hbm>>
    %dma_wait3A_429 = arith.constant 0 : i32
    %dma_wait3A_430 = arith.constant 0 : i32
    %dma_wait3A_431 = tpu.memref_slice %arg8[%dma_wait3A_418, %dma_wait3A_429, %dma_wait3A_430] : memref<3x112x128xf32, #tpu.memory_space<vmem>> -> memref<1x112x128xf32, #tpu.memory_space<vmem>>
    %dma_wait3A_432 = tpu.memref_squeeze %dma_wait3A_431 : memref<1x112x128xf32, #tpu.memory_space<vmem>> -> memref<112x128xf32, #tpu.memory_space<vmem>>
    tpu.wait_dma2 semaphore(%arg12 : memref<!tpu.dma_semaphore, #tpu.memory_space<semaphore_mem>>) src(%dma_wait3A_432 : memref<112x128xf32, #tpu.memory_space<vmem>>) dst(%dma_wait3A_428 : memref<112x128xf32, #tpu.memory_space<hbm>>)
    %mul3A_433 = arith.constant 632 : i32
    %mul3A_434 = arith.muli %arg1, %mul3A_433 : i32
    %add3A_435 = arith.constant 336 : i32
    %add3A_436 = arith.addi %mul3A_434, %add3A_435 : i32
    %dma_start3A_437 = arith.constant 0 : i32
    %dma_start3A_438 = arith.constant 0 : i32
    %dma_start3A_439 = arith.constant 0 : i32
    %dma_start3A_440 = tpu.memref_slice %arg8[%dma_start3A_437, %dma_start3A_438, %dma_start3A_439] : memref<3x112x128xf32, #tpu.memory_space<vmem>> -> memref<1x112x128xf32, #tpu.memory_space<vmem>>
    %dma_start3A_441 = tpu.memref_squeeze %dma_start3A_440 : memref<1x112x128xf32, #tpu.memory_space<vmem>> -> memref<112x128xf32, #tpu.memory_space<vmem>>
    %dma_start3A_442 = arith.constant 0 : i32
    %dma_start3A_443 = tpu.memref_slice %arg9[%add3A_436, %dma_start3A_442] : memref<10112x128xf32, #tpu.memory_space<vmem_shared>> -> memref<112x128xf32, #tpu.memory_space<vmem_shared>>
    %dma_start3A_444 = arith.constant 0 : i32
    %dma_start3A_445 = arith.constant 0 : i32
    %dma_start3A_446 = tpu.memref_slice %arg8[%dma_start3A_437, %dma_start3A_444, %dma_start3A_445] : memref<3x112x128xf32, #tpu.memory_space<vmem>> -> memref<1x112x128xf32, #tpu.memory_space<vmem>>
    %dma_start3A_447 = tpu.memref_squeeze %dma_start3A_446 : memref<1x112x128xf32, #tpu.memory_space<vmem>> -> memref<112x128xf32, #tpu.memory_space<vmem>>
    %dma_start3A_448 = arith.constant 0 : i32
    %dma_start3A_449 = tpu.memref_slice %arg9[%add3A_436, %dma_start3A_448] : memref<10112x128xf32, #tpu.memory_space<vmem_shared>> -> memref<112x128xf32, #tpu.memory_space<vmem_shared>>
    tpu.enqueue_dma source(%dma_start3A_449 : memref<112x128xf32, #tpu.memory_space<vmem_shared>>) target(%dma_start3A_447 : memref<112x128xf32, #tpu.memory_space<vmem>>) target_semaphore(%arg11 : memref<!tpu.dma_semaphore, #tpu.memory_space<semaphore_mem>>)
    %dma_wait3A_450 = arith.constant 1 : i32
    %dma_wait3A_451 = arith.constant 0 : i32
    %dma_wait3A_452 = arith.constant 0 : i32
    %dma_wait3A_453 = tpu.memref_slice %arg8[%dma_wait3A_450, %dma_wait3A_451, %dma_wait3A_452] : memref<3x112x128xf32, #tpu.memory_space<vmem>> -> memref<1x112x128xf32, #tpu.memory_space<vmem>>
    %dma_wait3A_454 = tpu.memref_squeeze %dma_wait3A_453 : memref<1x112x128xf32, #tpu.memory_space<vmem>> -> memref<112x128xf32, #tpu.memory_space<vmem>>
    %dma_wait3A_455 = arith.constant 0 : i32
    %dma_wait3A_456 = tpu.memref_slice %arg9[%add3A_355, %dma_wait3A_455] : memref<10112x128xf32, #tpu.memory_space<vmem_shared>> -> memref<112x128xf32, #tpu.memory_space<vmem_shared>>
    %dma_wait3A_457 = arith.constant 0 : i32
    %dma_wait3A_458 = arith.constant 0 : i32
    %dma_wait3A_459 = tpu.memref_slice %arg8[%dma_wait3A_450, %dma_wait3A_457, %dma_wait3A_458] : memref<3x112x128xf32, #tpu.memory_space<vmem>> -> memref<1x112x128xf32, #tpu.memory_space<vmem>>
    %dma_wait3A_460 = tpu.memref_squeeze %dma_wait3A_459 : memref<1x112x128xf32, #tpu.memory_space<vmem>> -> memref<112x128xf32, #tpu.memory_space<vmem>>
    %dma_wait3A_461 = arith.constant 0 : i32
    %dma_wait3A_462 = tpu.memref_slice %arg9[%add3A_355, %dma_wait3A_461] : memref<10112x128xf32, #tpu.memory_space<vmem_shared>> -> memref<112x128xf32, #tpu.memory_space<vmem_shared>>
    tpu.wait_dma2 semaphore(%arg11 : memref<!tpu.dma_semaphore, #tpu.memory_space<semaphore_mem>>) src(%dma_wait3A_462 : memref<112x128xf32, #tpu.memory_space<vmem_shared>>) dst(%dma_wait3A_460 : memref<112x128xf32, #tpu.memory_space<vmem>>)
    %mul3A_463 = arith.constant 632 : i32
    %mul3A_464 = arith.muli %arg1, %mul3A_463 : i32
    %add3A_465 = arith.constant 112 : i32
    %add3A_466 = arith.addi %mul3A_464, %add3A_465 : i32
    %dma_start3A_467 = arith.constant 1 : i32
    %dma_start3A_468 = arith.constant 0 : i32
    %dma_start3A_469 = arith.constant 0 : i32
    %dma_start3A_470 = tpu.memref_slice %arg8[%dma_start3A_467, %dma_start3A_468, %dma_start3A_469] : memref<3x112x128xf32, #tpu.memory_space<vmem>> -> memref<1x112x128xf32, #tpu.memory_space<vmem>>
    %dma_start3A_471 = tpu.memref_squeeze %dma_start3A_470 : memref<1x112x128xf32, #tpu.memory_space<vmem>> -> memref<112x128xf32, #tpu.memory_space<vmem>>
    %dma_start3A_472 = arith.constant 0 : i32
    %dma_start3A_473 = tpu.memref_slice %arg5[%arg0, %add3A_466, %dma_start3A_472] : memref<2x10112x128xf32, #tpu.memory_space<hbm>> -> memref<1x112x128xf32, #tpu.memory_space<hbm>>
    %dma_start3A_474 = tpu.memref_squeeze %dma_start3A_473 : memref<1x112x128xf32, #tpu.memory_space<hbm>> -> memref<112x128xf32, #tpu.memory_space<hbm>>
    %dma_start3A_475 = arith.constant 0 : i32
    %dma_start3A_476 = tpu.memref_slice %arg5[%arg0, %add3A_466, %dma_start3A_475] : memref<2x10112x128xf32, #tpu.memory_space<hbm>> -> memref<1x112x128xf32, #tpu.memory_space<hbm>>
    %dma_start3A_477 = tpu.memref_squeeze %dma_start3A_476 : memref<1x112x128xf32, #tpu.memory_space<hbm>> -> memref<112x128xf32, #tpu.memory_space<hbm>>
    %dma_start3A_478 = arith.constant 0 : i32
    %dma_start3A_479 = arith.constant 0 : i32
    %dma_start3A_480 = tpu.memref_slice %arg8[%dma_start3A_467, %dma_start3A_478, %dma_start3A_479] : memref<3x112x128xf32, #tpu.memory_space<vmem>> -> memref<1x112x128xf32, #tpu.memory_space<vmem>>
    %dma_start3A_481 = tpu.memref_squeeze %dma_start3A_480 : memref<1x112x128xf32, #tpu.memory_space<vmem>> -> memref<112x128xf32, #tpu.memory_space<vmem>>
    tpu.enqueue_dma source(%dma_start3A_481 : memref<112x128xf32, #tpu.memory_space<vmem>>) target(%dma_start3A_477 : memref<112x128xf32, #tpu.memory_space<hbm>>) target_semaphore(%arg12 : memref<!tpu.dma_semaphore, #tpu.memory_space<semaphore_mem>>)
    %dma_wait3A_482 = arith.constant 1 : i32
    %dma_wait3A_483 = arith.constant 0 : i32
    %dma_wait3A_484 = arith.constant 0 : i32
    %dma_wait3A_485 = tpu.memref_slice %arg8[%dma_wait3A_482, %dma_wait3A_483, %dma_wait3A_484] : memref<3x112x128xf32, #tpu.memory_space<vmem>> -> memref<1x112x128xf32, #tpu.memory_space<vmem>>
    %dma_wait3A_486 = tpu.memref_squeeze %dma_wait3A_485 : memref<1x112x128xf32, #tpu.memory_space<vmem>> -> memref<112x128xf32, #tpu.memory_space<vmem>>
    %dma_wait3A_487 = arith.constant 0 : i32
    %dma_wait3A_488 = tpu.memref_slice %arg5[%arg0, %add3A_466, %dma_wait3A_487] : memref<2x10112x128xf32, #tpu.memory_space<hbm>> -> memref<1x112x128xf32, #tpu.memory_space<hbm>>
    %dma_wait3A_489 = tpu.memref_squeeze %dma_wait3A_488 : memref<1x112x128xf32, #tpu.memory_space<hbm>> -> memref<112x128xf32, #tpu.memory_space<hbm>>
    %dma_wait3A_490 = arith.constant 0 : i32
    %dma_wait3A_491 = tpu.memref_slice %arg5[%arg0, %add3A_466, %dma_wait3A_490] : memref<2x10112x128xf32, #tpu.memory_space<hbm>> -> memref<1x112x128xf32, #tpu.memory_space<hbm>>
    %dma_wait3A_492 = tpu.memref_squeeze %dma_wait3A_491 : memref<1x112x128xf32, #tpu.memory_space<hbm>> -> memref<112x128xf32, #tpu.memory_space<hbm>>
    %dma_wait3A_493 = arith.constant 0 : i32
    %dma_wait3A_494 = arith.constant 0 : i32
    %dma_wait3A_495 = tpu.memref_slice %arg8[%dma_wait3A_482, %dma_wait3A_493, %dma_wait3A_494] : memref<3x112x128xf32, #tpu.memory_space<vmem>> -> memref<1x112x128xf32, #tpu.memory_space<vmem>>
    %dma_wait3A_496 = tpu.memref_squeeze %dma_wait3A_495 : memref<1x112x128xf32, #tpu.memory_space<vmem>> -> memref<112x128xf32, #tpu.memory_space<vmem>>
    tpu.wait_dma2 semaphore(%arg12 : memref<!tpu.dma_semaphore, #tpu.memory_space<semaphore_mem>>) src(%dma_wait3A_496 : memref<112x128xf32, #tpu.memory_space<vmem>>) dst(%dma_wait3A_492 : memref<112x128xf32, #tpu.memory_space<hbm>>)
    %mul3A_497 = arith.constant 632 : i32
    %mul3A_498 = arith.muli %arg1, %mul3A_497 : i32
    %add3A_499 = arith.constant 448 : i32
    %add3A_500 = arith.addi %mul3A_498, %add3A_499 : i32
    %dma_start3A_501 = arith.constant 1 : i32
    %dma_start3A_502 = arith.constant 0 : i32
    %dma_start3A_503 = arith.constant 0 : i32
    %dma_start3A_504 = tpu.memref_slice %arg8[%dma_start3A_501, %dma_start3A_502, %dma_start3A_503] : memref<3x112x128xf32, #tpu.memory_space<vmem>> -> memref<1x112x128xf32, #tpu.memory_space<vmem>>
    %dma_start3A_505 = tpu.memref_squeeze %dma_start3A_504 : memref<1x112x128xf32, #tpu.memory_space<vmem>> -> memref<112x128xf32, #tpu.memory_space<vmem>>
    %dma_start3A_506 = arith.constant 0 : i32
    %dma_start3A_507 = tpu.memref_slice %arg9[%add3A_500, %dma_start3A_506] : memref<10112x128xf32, #tpu.memory_space<vmem_shared>> -> memref<112x128xf32, #tpu.memory_space<vmem_shared>>
    %dma_start3A_508 = arith.constant 0 : i32
    %dma_start3A_509 = arith.constant 0 : i32
    %dma_start3A_510 = tpu.memref_slice %arg8[%dma_start3A_501, %dma_start3A_508, %dma_start3A_509] : memref<3x112x128xf32, #tpu.memory_space<vmem>> -> memref<1x112x128xf32, #tpu.memory_space<vmem>>
    %dma_start3A_511 = tpu.memref_squeeze %dma_start3A_510 : memref<1x112x128xf32, #tpu.memory_space<vmem>> -> memref<112x128xf32, #tpu.memory_space<vmem>>
    %dma_start3A_512 = arith.constant 0 : i32
    %dma_start3A_513 = tpu.memref_slice %arg9[%add3A_500, %dma_start3A_512] : memref<10112x128xf32, #tpu.memory_space<vmem_shared>> -> memref<112x128xf32, #tpu.memory_space<vmem_shared>>
    tpu.enqueue_dma source(%dma_start3A_513 : memref<112x128xf32, #tpu.memory_space<vmem_shared>>) target(%dma_start3A_511 : memref<112x128xf32, #tpu.memory_space<vmem>>) target_semaphore(%arg11 : memref<!tpu.dma_semaphore, #tpu.memory_space<semaphore_mem>>)
    %dma_wait3A_514 = arith.constant 2 : i32
    %dma_wait3A_515 = arith.constant 0 : i32
    %dma_wait3A_516 = arith.constant 0 : i32
    %dma_wait3A_517 = tpu.memref_slice %arg8[%dma_wait3A_514, %dma_wait3A_515, %dma_wait3A_516] : memref<3x112x128xf32, #tpu.memory_space<vmem>> -> memref<1x112x128xf32, #tpu.memory_space<vmem>>
    %dma_wait3A_518 = tpu.memref_squeeze %dma_wait3A_517 : memref<1x112x128xf32, #tpu.memory_space<vmem>> -> memref<112x128xf32, #tpu.memory_space<vmem>>
    %dma_wait3A_519 = arith.constant 0 : i32
    %dma_wait3A_520 = tpu.memref_slice %arg9[%add3A_372, %dma_wait3A_519] : memref<10112x128xf32, #tpu.memory_space<vmem_shared>> -> memref<112x128xf32, #tpu.memory_space<vmem_shared>>
    %dma_wait3A_521 = arith.constant 0 : i32
    %dma_wait3A_522 = arith.constant 0 : i32
    %dma_wait3A_523 = tpu.memref_slice %arg8[%dma_wait3A_514, %dma_wait3A_521, %dma_wait3A_522] : memref<3x112x128xf32, #tpu.memory_space<vmem>> -> memref<1x112x128xf32, #tpu.memory_space<vmem>>
    %dma_wait3A_524 = tpu.memref_squeeze %dma_wait3A_523 : memref<1x112x128xf32, #tpu.memory_space<vmem>> -> memref<112x128xf32, #tpu.memory_space<vmem>>
    %dma_wait3A_525 = arith.constant 0 : i32
    %dma_wait3A_526 = tpu.memref_slice %arg9[%add3A_372, %dma_wait3A_525] : memref<10112x128xf32, #tpu.memory_space<vmem_shared>> -> memref<112x128xf32, #tpu.memory_space<vmem_shared>>
    tpu.wait_dma2 semaphore(%arg11 : memref<!tpu.dma_semaphore, #tpu.memory_space<semaphore_mem>>) src(%dma_wait3A_526 : memref<112x128xf32, #tpu.memory_space<vmem_shared>>) dst(%dma_wait3A_524 : memref<112x128xf32, #tpu.memory_space<vmem>>)
    %mul3A_527 = arith.constant 632 : i32
    %mul3A_528 = arith.muli %arg1, %mul3A_527 : i32
    %add3A_529 = arith.constant 224 : i32
    %add3A_530 = arith.addi %mul3A_528, %add3A_529 : i32
    %dma_start3A_531 = arith.constant 2 : i32
    %dma_start3A_532 = arith.constant 0 : i32
    %dma_start3A_533 = arith.constant 0 : i32
    %dma_start3A_534 = tpu.memref_slice %arg8[%dma_start3A_531, %dma_start3A_532, %dma_start3A_533] : memref<3x112x128xf32, #tpu.memory_space<vmem>> -> memref<1x112x128xf32, #tpu.memory_space<vmem>>
    %dma_start3A_535 = tpu.memref_squeeze %dma_start3A_534 : memref<1x112x128xf32, #tpu.memory_space<vmem>> -> memref<112x128xf32, #tpu.memory_space<vmem>>
    %dma_start3A_536 = arith.constant 0 : i32
    %dma_start3A_537 = tpu.memref_slice %arg5[%arg0, %add3A_530, %dma_start3A_536] : memref<2x10112x128xf32, #tpu.memory_space<hbm>> -> memref<1x112x128xf32, #tpu.memory_space<hbm>>
    %dma_start3A_538 = tpu.memref_squeeze %dma_start3A_537 : memref<1x112x128xf32, #tpu.memory_space<hbm>> -> memref<112x128xf32, #tpu.memory_space<hbm>>
    %dma_start3A_539 = arith.constant 0 : i32
    %dma_start3A_540 = tpu.memref_slice %arg5[%arg0, %add3A_530, %dma_start3A_539] : memref<2x10112x128xf32, #tpu.memory_space<hbm>> -> memref<1x112x128xf32, #tpu.memory_space<hbm>>
    %dma_start3A_541 = tpu.memref_squeeze %dma_start3A_540 : memref<1x112x128xf32, #tpu.memory_space<hbm>> -> memref<112x128xf32, #tpu.memory_space<hbm>>
    %dma_start3A_542 = arith.constant 0 : i32
    %dma_start3A_543 = arith.constant 0 : i32
    %dma_start3A_544 = tpu.memref_slice %arg8[%dma_start3A_531, %dma_start3A_542, %dma_start3A_543] : memref<3x112x128xf32, #tpu.memory_space<vmem>> -> memref<1x112x128xf32, #tpu.memory_space<vmem>>
    %dma_start3A_545 = tpu.memref_squeeze %dma_start3A_544 : memref<1x112x128xf32, #tpu.memory_space<vmem>> -> memref<112x128xf32, #tpu.memory_space<vmem>>
    tpu.enqueue_dma source(%dma_start3A_545 : memref<112x128xf32, #tpu.memory_space<vmem>>) target(%dma_start3A_541 : memref<112x128xf32, #tpu.memory_space<hbm>>) target_semaphore(%arg12 : memref<!tpu.dma_semaphore, #tpu.memory_space<semaphore_mem>>)
    %dma_wait3A_546 = arith.constant 2 : i32
    %dma_wait3A_547 = arith.constant 0 : i32
    %dma_wait3A_548 = arith.constant 0 : i32
    %dma_wait3A_549 = tpu.memref_slice %arg8[%dma_wait3A_546, %dma_wait3A_547, %dma_wait3A_548] : memref<3x112x128xf32, #tpu.memory_space<vmem>> -> memref<1x112x128xf32, #tpu.memory_space<vmem>>
    %dma_wait3A_550 = tpu.memref_squeeze %dma_wait3A_549 : memref<1x112x128xf32, #tpu.memory_space<vmem>> -> memref<112x128xf32, #tpu.memory_space<vmem>>
    %dma_wait3A_551 = arith.constant 0 : i32
    %dma_wait3A_552 = tpu.memref_slice %arg5[%arg0, %add3A_530, %dma_wait3A_551] : memref<2x10112x128xf32, #tpu.memory_space<hbm>> -> memref<1x112x128xf32, #tpu.memory_space<hbm>>
    %dma_wait3A_553 = tpu.memref_squeeze %dma_wait3A_552 : memref<1x112x128xf32, #tpu.memory_space<hbm>> -> memref<112x128xf32, #tpu.memory_space<hbm>>
    %dma_wait3A_554 = arith.constant 0 : i32
    %dma_wait3A_555 = tpu.memref_slice %arg5[%arg0, %add3A_530, %dma_wait3A_554] : memref<2x10112x128xf32, #tpu.memory_space<hbm>> -> memref<1x112x128xf32, #tpu.memory_space<hbm>>
    %dma_wait3A_556 = tpu.memref_squeeze %dma_wait3A_555 : memref<1x112x128xf32, #tpu.memory_space<hbm>> -> memref<112x128xf32, #tpu.memory_space<hbm>>
    %dma_wait3A_557 = arith.constant 0 : i32
    %dma_wait3A_558 = arith.constant 0 : i32
    %dma_wait3A_559 = tpu.memref_slice %arg8[%dma_wait3A_546, %dma_wait3A_557, %dma_wait3A_558] : memref<3x112x128xf32, #tpu.memory_space<vmem>> -> memref<1x112x128xf32, #tpu.memory_space<vmem>>
    %dma_wait3A_560 = tpu.memref_squeeze %dma_wait3A_559 : memref<1x112x128xf32, #tpu.memory_space<vmem>> -> memref<112x128xf32, #tpu.memory_space<vmem>>
    tpu.wait_dma2 semaphore(%arg12 : memref<!tpu.dma_semaphore, #tpu.memory_space<semaphore_mem>>) src(%dma_wait3A_560 : memref<112x128xf32, #tpu.memory_space<vmem>>) dst(%dma_wait3A_556 : memref<112x128xf32, #tpu.memory_space<hbm>>)
    %mul3A_561 = arith.constant 632 : i32
    %mul3A_562 = arith.muli %arg1, %mul3A_561 : i32
    %add3A_563 = arith.constant 560 : i32
    %add3A_564 = arith.addi %mul3A_562, %add3A_563 : i32
    %dma_start3A_565 = arith.constant 2 : i32
    %dma_start3A_566 = arith.constant 0 : i32
    %dma_start3A_567 = arith.constant 0 : i32
    %dma_start3A_568 = tpu.memref_slice %arg8[%dma_start3A_565, %dma_start3A_566, %dma_start3A_567] : memref<3x112x128xf32, #tpu.memory_space<vmem>> -> memref<1x72x128xf32, #tpu.memory_space<vmem>>
    %dma_start3A_569 = tpu.memref_squeeze %dma_start3A_568 : memref<1x72x128xf32, #tpu.memory_space<vmem>> -> memref<72x128xf32, #tpu.memory_space<vmem>>
    %dma_start3A_570 = arith.constant 0 : i32
    %dma_start3A_571 = tpu.memref_slice %arg9[%add3A_564, %dma_start3A_570] : memref<10112x128xf32, #tpu.memory_space<vmem_shared>> -> memref<72x128xf32, #tpu.memory_space<vmem_shared>>
    %dma_start3A_572 = arith.constant 0 : i32
    %dma_start3A_573 = arith.constant 0 : i32
    %dma_start3A_574 = tpu.memref_slice %arg8[%dma_start3A_565, %dma_start3A_572, %dma_start3A_573] : memref<3x112x128xf32, #tpu.memory_space<vmem>> -> memref<1x72x128xf32, #tpu.memory_space<vmem>>
    %dma_start3A_575 = tpu.memref_squeeze %dma_start3A_574 : memref<1x72x128xf32, #tpu.memory_space<vmem>> -> memref<72x128xf32, #tpu.memory_space<vmem>>
    %dma_start3A_576 = arith.constant 0 : i32
    %dma_start3A_577 = tpu.memref_slice %arg9[%add3A_564, %dma_start3A_576] : memref<10112x128xf32, #tpu.memory_space<vmem_shared>> -> memref<72x128xf32, #tpu.memory_space<vmem_shared>>
    tpu.enqueue_dma source(%dma_start3A_577 : memref<72x128xf32, #tpu.memory_space<vmem_shared>>) target(%dma_start3A_575 : memref<72x128xf32, #tpu.memory_space<vmem>>) target_semaphore(%arg11 : memref<!tpu.dma_semaphore, #tpu.memory_space<semaphore_mem>>)
    %dma_wait3A_578 = arith.constant 0 : i32
    %dma_wait3A_579 = arith.constant 0 : i32
    %dma_wait3A_580 = arith.constant 0 : i32
    %dma_wait3A_581 = tpu.memref_slice %arg8[%dma_wait3A_578, %dma_wait3A_579, %dma_wait3A_580] : memref<3x112x128xf32, #tpu.memory_space<vmem>> -> memref<1x112x128xf32, #tpu.memory_space<vmem>>
    %dma_wait3A_582 = tpu.memref_squeeze %dma_wait3A_581 : memref<1x112x128xf32, #tpu.memory_space<vmem>> -> memref<112x128xf32, #tpu.memory_space<vmem>>
    %dma_wait3A_583 = arith.constant 0 : i32
    %dma_wait3A_584 = tpu.memref_slice %arg9[%add3A_436, %dma_wait3A_583] : memref<10112x128xf32, #tpu.memory_space<vmem_shared>> -> memref<112x128xf32, #tpu.memory_space<vmem_shared>>
    %dma_wait3A_585 = arith.constant 0 : i32
    %dma_wait3A_586 = arith.constant 0 : i32
    %dma_wait3A_587 = tpu.memref_slice %arg8[%dma_wait3A_578, %dma_wait3A_585, %dma_wait3A_586] : memref<3x112x128xf32, #tpu.memory_space<vmem>> -> memref<1x112x128xf32, #tpu.memory_space<vmem>>
    %dma_wait3A_588 = tpu.memref_squeeze %dma_wait3A_587 : memref<1x112x128xf32, #tpu.memory_space<vmem>> -> memref<112x128xf32, #tpu.memory_space<vmem>>
    %dma_wait3A_589 = arith.constant 0 : i32
    %dma_wait3A_590 = tpu.memref_slice %arg9[%add3A_436, %dma_wait3A_589] : memref<10112x128xf32, #tpu.memory_space<vmem_shared>> -> memref<112x128xf32, #tpu.memory_space<vmem_shared>>
    tpu.wait_dma2 semaphore(%arg11 : memref<!tpu.dma_semaphore, #tpu.memory_space<semaphore_mem>>) src(%dma_wait3A_590 : memref<112x128xf32, #tpu.memory_space<vmem_shared>>) dst(%dma_wait3A_588 : memref<112x128xf32, #tpu.memory_space<vmem>>)
    %mul3A_591 = arith.constant 632 : i32
    %mul3A_592 = arith.muli %arg1, %mul3A_591 : i32
    %add3A_593 = arith.constant 336 : i32
    %add3A_594 = arith.addi %mul3A_592, %add3A_593 : i32
    %dma_start3A_595 = arith.constant 0 : i32
    %dma_start3A_596 = arith.constant 0 : i32
    %dma_start3A_597 = arith.constant 0 : i32
    %dma_start3A_598 = tpu.memref_slice %arg8[%dma_start3A_595, %dma_start3A_596, %dma_start3A_597] : memref<3x112x128xf32, #tpu.memory_space<vmem>> -> memref<1x112x128xf32, #tpu.memory_space<vmem>>
    %dma_start3A_599 = tpu.memref_squeeze %dma_start3A_598 : memref<1x112x128xf32, #tpu.memory_space<vmem>> -> memref<112x128xf32, #tpu.memory_space<vmem>>
    %dma_start3A_600 = arith.constant 0 : i32
    %dma_start3A_601 = tpu.memref_slice %arg5[%arg0, %add3A_594, %dma_start3A_600] : memref<2x10112x128xf32, #tpu.memory_space<hbm>> -> memref<1x112x128xf32, #tpu.memory_space<hbm>>
    %dma_start3A_602 = tpu.memref_squeeze %dma_start3A_601 : memref<1x112x128xf32, #tpu.memory_space<hbm>> -> memref<112x128xf32, #tpu.memory_space<hbm>>
    %dma_start3A_603 = arith.constant 0 : i32
    %dma_start3A_604 = tpu.memref_slice %arg5[%arg0, %add3A_594, %dma_start3A_603] : memref<2x10112x128xf32, #tpu.memory_space<hbm>> -> memref<1x112x128xf32, #tpu.memory_space<hbm>>
    %dma_start3A_605 = tpu.memref_squeeze %dma_start3A_604 : memref<1x112x128xf32, #tpu.memory_space<hbm>> -> memref<112x128xf32, #tpu.memory_space<hbm>>
    %dma_start3A_606 = arith.constant 0 : i32
    %dma_start3A_607 = arith.constant 0 : i32
    %dma_start3A_608 = tpu.memref_slice %arg8[%dma_start3A_595, %dma_start3A_606, %dma_start3A_607] : memref<3x112x128xf32, #tpu.memory_space<vmem>> -> memref<1x112x128xf32, #tpu.memory_space<vmem>>
    %dma_start3A_609 = tpu.memref_squeeze %dma_start3A_608 : memref<1x112x128xf32, #tpu.memory_space<vmem>> -> memref<112x128xf32, #tpu.memory_space<vmem>>
    tpu.enqueue_dma source(%dma_start3A_609 : memref<112x128xf32, #tpu.memory_space<vmem>>) target(%dma_start3A_605 : memref<112x128xf32, #tpu.memory_space<hbm>>) target_semaphore(%arg12 : memref<!tpu.dma_semaphore, #tpu.memory_space<semaphore_mem>>)
    %dma_wait3A_610 = arith.constant 1 : i32
    %dma_wait3A_611 = arith.constant 0 : i32
    %dma_wait3A_612 = arith.constant 0 : i32
    %dma_wait3A_613 = tpu.memref_slice %arg8[%dma_wait3A_610, %dma_wait3A_611, %dma_wait3A_612] : memref<3x112x128xf32, #tpu.memory_space<vmem>> -> memref<1x112x128xf32, #tpu.memory_space<vmem>>
    %dma_wait3A_614 = tpu.memref_squeeze %dma_wait3A_613 : memref<1x112x128xf32, #tpu.memory_space<vmem>> -> memref<112x128xf32, #tpu.memory_space<vmem>>
    %dma_wait3A_615 = arith.constant 0 : i32
    %dma_wait3A_616 = tpu.memref_slice %arg9[%add3A_500, %dma_wait3A_615] : memref<10112x128xf32, #tpu.memory_space<vmem_shared>> -> memref<112x128xf32, #tpu.memory_space<vmem_shared>>
    %dma_wait3A_617 = arith.constant 0 : i32
    %dma_wait3A_618 = arith.constant 0 : i32
    %dma_wait3A_619 = tpu.memref_slice %arg8[%dma_wait3A_610, %dma_wait3A_617, %dma_wait3A_618] : memref<3x112x128xf32, #tpu.memory_space<vmem>> -> memref<1x112x128xf32, #tpu.memory_space<vmem>>
    %dma_wait3A_620 = tpu.memref_squeeze %dma_wait3A_619 : memref<1x112x128xf32, #tpu.memory_space<vmem>> -> memref<112x128xf32, #tpu.memory_space<vmem>>
    %dma_wait3A_621 = arith.constant 0 : i32
    %dma_wait3A_622 = tpu.memref_slice %arg9[%add3A_500, %dma_wait3A_621] : memref<10112x128xf32, #tpu.memory_space<vmem_shared>> -> memref<112x128xf32, #tpu.memory_space<vmem_shared>>
    tpu.wait_dma2 semaphore(%arg11 : memref<!tpu.dma_semaphore, #tpu.memory_space<semaphore_mem>>) src(%dma_wait3A_622 : memref<112x128xf32, #tpu.memory_space<vmem_shared>>) dst(%dma_wait3A_620 : memref<112x128xf32, #tpu.memory_space<vmem>>)
    %mul3A_623 = arith.constant 632 : i32
    %mul3A_624 = arith.muli %arg1, %mul3A_623 : i32
    %add3A_625 = arith.constant 448 : i32
    %add3A_626 = arith.addi %mul3A_624, %add3A_625 : i32
    %dma_start3A_627 = arith.constant 1 : i32
    %dma_start3A_628 = arith.constant 0 : i32
    %dma_start3A_629 = arith.constant 0 : i32
    %dma_start3A_630 = tpu.memref_slice %arg8[%dma_start3A_627, %dma_start3A_628, %dma_start3A_629] : memref<3x112x128xf32, #tpu.memory_space<vmem>> -> memref<1x112x128xf32, #tpu.memory_space<vmem>>
    %dma_start3A_631 = tpu.memref_squeeze %dma_start3A_630 : memref<1x112x128xf32, #tpu.memory_space<vmem>> -> memref<112x128xf32, #tpu.memory_space<vmem>>
    %dma_start3A_632 = arith.constant 0 : i32
    %dma_start3A_633 = tpu.memref_slice %arg5[%arg0, %add3A_626, %dma_start3A_632] : memref<2x10112x128xf32, #tpu.memory_space<hbm>> -> memref<1x112x128xf32, #tpu.memory_space<hbm>>
    %dma_start3A_634 = tpu.memref_squeeze %dma_start3A_633 : memref<1x112x128xf32, #tpu.memory_space<hbm>> -> memref<112x128xf32, #tpu.memory_space<hbm>>
    %dma_start3A_635 = arith.constant 0 : i32
    %dma_start3A_636 = tpu.memref_slice %arg5[%arg0, %add3A_626, %dma_start3A_635] : memref<2x10112x128xf32, #tpu.memory_space<hbm>> -> memref<1x112x128xf32, #tpu.memory_space<hbm>>
    %dma_start3A_637 = tpu.memref_squeeze %dma_start3A_636 : memref<1x112x128xf32, #tpu.memory_space<hbm>> -> memref<112x128xf32, #tpu.memory_space<hbm>>
    %dma_start3A_638 = arith.constant 0 : i32
    %dma_start3A_639 = arith.constant 0 : i32
    %dma_start3A_640 = tpu.memref_slice %arg8[%dma_start3A_627, %dma_start3A_638, %dma_start3A_639] : memref<3x112x128xf32, #tpu.memory_space<vmem>> -> memref<1x112x128xf32, #tpu.memory_space<vmem>>
    %dma_start3A_641 = tpu.memref_squeeze %dma_start3A_640 : memref<1x112x128xf32, #tpu.memory_space<vmem>> -> memref<112x128xf32, #tpu.memory_space<vmem>>
    tpu.enqueue_dma source(%dma_start3A_641 : memref<112x128xf32, #tpu.memory_space<vmem>>) target(%dma_start3A_637 : memref<112x128xf32, #tpu.memory_space<hbm>>) target_semaphore(%arg12 : memref<!tpu.dma_semaphore, #tpu.memory_space<semaphore_mem>>)
    %dma_wait3A_642 = arith.constant 2 : i32
    %dma_wait3A_643 = arith.constant 0 : i32
    %dma_wait3A_644 = arith.constant 0 : i32
    %dma_wait3A_645 = tpu.memref_slice %arg8[%dma_wait3A_642, %dma_wait3A_643, %dma_wait3A_644] : memref<3x112x128xf32, #tpu.memory_space<vmem>> -> memref<1x72x128xf32, #tpu.memory_space<vmem>>
    %dma_wait3A_646 = tpu.memref_squeeze %dma_wait3A_645 : memref<1x72x128xf32, #tpu.memory_space<vmem>> -> memref<72x128xf32, #tpu.memory_space<vmem>>
    %dma_wait3A_647 = arith.constant 0 : i32
    %dma_wait3A_648 = tpu.memref_slice %arg9[%add3A_564, %dma_wait3A_647] : memref<10112x128xf32, #tpu.memory_space<vmem_shared>> -> memref<72x128xf32, #tpu.memory_space<vmem_shared>>
    %dma_wait3A_649 = arith.constant 0 : i32
    %dma_wait3A_650 = arith.constant 0 : i32
    %dma_wait3A_651 = tpu.memref_slice %arg8[%dma_wait3A_642, %dma_wait3A_649, %dma_wait3A_650] : memref<3x112x128xf32, #tpu.memory_space<vmem>> -> memref<1x72x128xf32, #tpu.memory_space<vmem>>
    %dma_wait3A_652 = tpu.memref_squeeze %dma_wait3A_651 : memref<1x72x128xf32, #tpu.memory_space<vmem>> -> memref<72x128xf32, #tpu.memory_space<vmem>>
    %dma_wait3A_653 = arith.constant 0 : i32
    %dma_wait3A_654 = tpu.memref_slice %arg9[%add3A_564, %dma_wait3A_653] : memref<10112x128xf32, #tpu.memory_space<vmem_shared>> -> memref<72x128xf32, #tpu.memory_space<vmem_shared>>
    tpu.wait_dma2 semaphore(%arg11 : memref<!tpu.dma_semaphore, #tpu.memory_space<semaphore_mem>>) src(%dma_wait3A_654 : memref<72x128xf32, #tpu.memory_space<vmem_shared>>) dst(%dma_wait3A_652 : memref<72x128xf32, #tpu.memory_space<vmem>>)
    %mul3A_655 = arith.constant 632 : i32
    %mul3A_656 = arith.muli %arg1, %mul3A_655 : i32
    %add3A_657 = arith.constant 560 : i32
    %add3A_658 = arith.addi %mul3A_656, %add3A_657 : i32
    %dma_start3A_659 = arith.constant 2 : i32
    %dma_start3A_660 = arith.constant 0 : i32
    %dma_start3A_661 = arith.constant 0 : i32
    %dma_start3A_662 = tpu.memref_slice %arg8[%dma_start3A_659, %dma_start3A_660, %dma_start3A_661] : memref<3x112x128xf32, #tpu.memory_space<vmem>> -> memref<1x72x128xf32, #tpu.memory_space<vmem>>
    %dma_start3A_663 = tpu.memref_squeeze %dma_start3A_662 : memref<1x72x128xf32, #tpu.memory_space<vmem>> -> memref<72x128xf32, #tpu.memory_space<vmem>>
    %dma_start3A_664 = arith.constant 0 : i32
    %dma_start3A_665 = tpu.memref_slice %arg5[%arg0, %add3A_658, %dma_start3A_664] : memref<2x10112x128xf32, #tpu.memory_space<hbm>> -> memref<1x72x128xf32, #tpu.memory_space<hbm>>
    %dma_start3A_666 = tpu.memref_squeeze %dma_start3A_665 : memref<1x72x128xf32, #tpu.memory_space<hbm>> -> memref<72x128xf32, #tpu.memory_space<hbm>>
    %dma_start3A_667 = arith.constant 0 : i32
    %dma_start3A_668 = tpu.memref_slice %arg5[%arg0, %add3A_658, %dma_start3A_667] : memref<2x10112x128xf32, #tpu.memory_space<hbm>> -> memref<1x72x128xf32, #tpu.memory_space<hbm>>
    %dma_start3A_669 = tpu.memref_squeeze %dma_start3A_668 : memref<1x72x128xf32, #tpu.memory_space<hbm>> -> memref<72x128xf32, #tpu.memory_space<hbm>>
    %dma_start3A_670 = arith.constant 0 : i32
    %dma_start3A_671 = arith.constant 0 : i32
    %dma_start3A_672 = tpu.memref_slice %arg8[%dma_start3A_659, %dma_start3A_670, %dma_start3A_671] : memref<3x112x128xf32, #tpu.memory_space<vmem>> -> memref<1x72x128xf32, #tpu.memory_space<vmem>>
    %dma_start3A_673 = tpu.memref_squeeze %dma_start3A_672 : memref<1x72x128xf32, #tpu.memory_space<vmem>> -> memref<72x128xf32, #tpu.memory_space<vmem>>
    tpu.enqueue_dma source(%dma_start3A_673 : memref<72x128xf32, #tpu.memory_space<vmem>>) target(%dma_start3A_669 : memref<72x128xf32, #tpu.memory_space<hbm>>) target_semaphore(%arg12 : memref<!tpu.dma_semaphore, #tpu.memory_space<semaphore_mem>>)
    %dma_wait3A_674 = arith.constant 0 : i32
    %dma_wait3A_675 = arith.constant 0 : i32
    %dma_wait3A_676 = arith.constant 0 : i32
    %dma_wait3A_677 = tpu.memref_slice %arg8[%dma_wait3A_674, %dma_wait3A_675, %dma_wait3A_676] : memref<3x112x128xf32, #tpu.memory_space<vmem>> -> memref<1x112x128xf32, #tpu.memory_space<vmem>>
    %dma_wait3A_678 = tpu.memref_squeeze %dma_wait3A_677 : memref<1x112x128xf32, #tpu.memory_space<vmem>> -> memref<112x128xf32, #tpu.memory_space<vmem>>
    %dma_wait3A_679 = arith.constant 0 : i32
    %dma_wait3A_680 = tpu.memref_slice %arg5[%arg0, %add3A_594, %dma_wait3A_679] : memref<2x10112x128xf32, #tpu.memory_space<hbm>> -> memref<1x112x128xf32, #tpu.memory_space<hbm>>
    %dma_wait3A_681 = tpu.memref_squeeze %dma_wait3A_680 : memref<1x112x128xf32, #tpu.memory_space<hbm>> -> memref<112x128xf32, #tpu.memory_space<hbm>>
    %dma_wait3A_682 = arith.constant 0 : i32
    %dma_wait3A_683 = tpu.memref_slice %arg5[%arg0, %add3A_594, %dma_wait3A_682] : memref<2x10112x128xf32, #tpu.memory_space<hbm>> -> memref<1x112x128xf32, #tpu.memory_space<hbm>>
    %dma_wait3A_684 = tpu.memref_squeeze %dma_wait3A_683 : memref<1x112x128xf32, #tpu.memory_space<hbm>> -> memref<112x128xf32, #tpu.memory_space<hbm>>
    %dma_wait3A_685 = arith.constant 0 : i32
    %dma_wait3A_686 = arith.constant 0 : i32
    %dma_wait3A_687 = tpu.memref_slice %arg8[%dma_wait3A_674, %dma_wait3A_685, %dma_wait3A_686] : memref<3x112x128xf32, #tpu.memory_space<vmem>> -> memref<1x112x128xf32, #tpu.memory_space<vmem>>
    %dma_wait3A_688 = tpu.memref_squeeze %dma_wait3A_687 : memref<1x112x128xf32, #tpu.memory_space<vmem>> -> memref<112x128xf32, #tpu.memory_space<vmem>>
    tpu.wait_dma2 semaphore(%arg12 : memref<!tpu.dma_semaphore, #tpu.memory_space<semaphore_mem>>) src(%dma_wait3A_688 : memref<112x128xf32, #tpu.memory_space<vmem>>) dst(%dma_wait3A_684 : memref<112x128xf32, #tpu.memory_space<hbm>>)
    %dma_wait3A_689 = arith.constant 1 : i32
    %dma_wait3A_690 = arith.constant 0 : i32
    %dma_wait3A_691 = arith.constant 0 : i32
    %dma_wait3A_692 = tpu.memref_slice %arg8[%dma_wait3A_689, %dma_wait3A_690, %dma_wait3A_691] : memref<3x112x128xf32, #tpu.memory_space<vmem>> -> memref<1x112x128xf32, #tpu.memory_space<vmem>>
    %dma_wait3A_693 = tpu.memref_squeeze %dma_wait3A_692 : memref<1x112x128xf32, #tpu.memory_space<vmem>> -> memref<112x128xf32, #tpu.memory_space<vmem>>
    %dma_wait3A_694 = arith.constant 0 : i32
    %dma_wait3A_695 = tpu.memref_slice %arg5[%arg0, %add3A_626, %dma_wait3A_694] : memref<2x10112x128xf32, #tpu.memory_space<hbm>> -> memref<1x112x128xf32, #tpu.memory_space<hbm>>
    %dma_wait3A_696 = tpu.memref_squeeze %dma_wait3A_695 : memref<1x112x128xf32, #tpu.memory_space<hbm>> -> memref<112x128xf32, #tpu.memory_space<hbm>>
    %dma_wait3A_697 = arith.constant 0 : i32
    %dma_wait3A_698 = tpu.memref_slice %arg5[%arg0, %add3A_626, %dma_wait3A_697] : memref<2x10112x128xf32, #tpu.memory_space<hbm>> -> memref<1x112x128xf32, #tpu.memory_space<hbm>>
    %dma_wait3A_699 = tpu.memref_squeeze %dma_wait3A_698 : memref<1x112x128xf32, #tpu.memory_space<hbm>> -> memref<112x128xf32, #tpu.memory_space<hbm>>
    %dma_wait3A_700 = arith.constant 0 : i32
    %dma_wait3A_701 = arith.constant 0 : i32
    %dma_wait3A_702 = tpu.memref_slice %arg8[%dma_wait3A_689, %dma_wait3A_700, %dma_wait3A_701] : memref<3x112x128xf32, #tpu.memory_space<vmem>> -> memref<1x112x128xf32, #tpu.memory_space<vmem>>
    %dma_wait3A_703 = tpu.memref_squeeze %dma_wait3A_702 : memref<1x112x128xf32, #tpu.memory_space<vmem>> -> memref<112x128xf32, #tpu.memory_space<vmem>>
    tpu.wait_dma2 semaphore(%arg12 : memref<!tpu.dma_semaphore, #tpu.memory_space<semaphore_mem>>) src(%dma_wait3A_703 : memref<112x128xf32, #tpu.memory_space<vmem>>) dst(%dma_wait3A_699 : memref<112x128xf32, #tpu.memory_space<hbm>>)
    %dma_wait3A_704 = arith.constant 2 : i32
    %dma_wait3A_705 = arith.constant 0 : i32
    %dma_wait3A_706 = arith.constant 0 : i32
    %dma_wait3A_707 = tpu.memref_slice %arg8[%dma_wait3A_704, %dma_wait3A_705, %dma_wait3A_706] : memref<3x112x128xf32, #tpu.memory_space<vmem>> -> memref<1x72x128xf32, #tpu.memory_space<vmem>>
    %dma_wait3A_708 = tpu.memref_squeeze %dma_wait3A_707 : memref<1x72x128xf32, #tpu.memory_space<vmem>> -> memref<72x128xf32, #tpu.memory_space<vmem>>
    %dma_wait3A_709 = arith.constant 0 : i32
    %dma_wait3A_710 = tpu.memref_slice %arg5[%arg0, %add3A_658, %dma_wait3A_709] : memref<2x10112x128xf32, #tpu.memory_space<hbm>> -> memref<1x72x128xf32, #tpu.memory_space<hbm>>
    %dma_wait3A_711 = tpu.memref_squeeze %dma_wait3A_710 : memref<1x72x128xf32, #tpu.memory_space<hbm>> -> memref<72x128xf32, #tpu.memory_space<hbm>>
    %dma_wait3A_712 = arith.constant 0 : i32
    %dma_wait3A_713 = tpu.memref_slice %arg5[%arg0, %add3A_658, %dma_wait3A_712] : memref<2x10112x128xf32, #tpu.memory_space<hbm>> -> memref<1x72x128xf32, #tpu.memory_space<hbm>>
    %dma_wait3A_714 = tpu.memref_squeeze %dma_wait3A_713 : memref<1x72x128xf32, #tpu.memory_space<hbm>> -> memref<72x128xf32, #tpu.memory_space<hbm>>
    %dma_wait3A_715 = arith.constant 0 : i32
    %dma_wait3A_716 = arith.constant 0 : i32
    %dma_wait3A_717 = tpu.memref_slice %arg8[%dma_wait3A_704, %dma_wait3A_715, %dma_wait3A_716] : memref<3x112x128xf32, #tpu.memory_space<vmem>> -> memref<1x72x128xf32, #tpu.memory_space<vmem>>
    %dma_wait3A_718 = tpu.memref_squeeze %dma_wait3A_717 : memref<1x72x128xf32, #tpu.memory_space<vmem>> -> memref<72x128xf32, #tpu.memory_space<vmem>>
    tpu.wait_dma2 semaphore(%arg12 : memref<!tpu.dma_semaphore, #tpu.memory_space<semaphore_mem>>) src(%dma_wait3A_718 : memref<72x128xf32, #tpu.memory_space<vmem>>) dst(%dma_wait3A_714 : memref<72x128xf32, #tpu.memory_space<hbm>>)
    return
  }
}

#map = affine_map<(d0, d1) -> (0, 0)>
#map1 = affine_map<(d0, d1) -> (0, 0, 0)>
module attributes {stable_mosaic.version = 14 : i64} {
  func.func @_lambda_(%arg0: i32, %arg1: i32, %arg2: memref<10112x128xf32, #tpu.memory_space<hbm>>, %arg3: memref<32x90x112xi32, #tpu.memory_space<hbm>>, %arg4: memref<32x90x112xi32, #tpu.memory_space<hbm>>, %arg5: memref<2x10112x128xf32, #tpu.memory_space<hbm>>, %arg6: memref<6x112xi32, #tpu.memory_space<vmem>>, %arg7: memref<6x112xi32, #tpu.memory_space<vmem>>, %arg8: memref<3x112x128xf32, #tpu.memory_space<vmem>>, %arg9: memref<10112x128xf32, #tpu.memory_space<vmem_shared>>, %arg10: memref<!tpu.dma_semaphore, #tpu.memory_space<semaphore_mem>>, %arg11: memref<!tpu.dma_semaphore, #tpu.memory_space<semaphore_mem>>, %arg12: memref<!tpu.dma_semaphore, #tpu.memory_space<semaphore_mem>>) attributes {dimension_semantics = [#tpu.dimension_semantics<core_parallel>, #tpu.dimension_semantics<subcore_parallel>], iteration_bounds = array<i64: 2, 16>, scalar_prefetch = 0 : i64, scratch_operands = 7 : i64, tpu.core_type = #tpu.core_type<sc_vector_subcore>, window_params = [{transform_indices = #map}, {transform_indices = #map1}, {transform_indices = #map1}, {transform_indices = #map1}]} {
    %mul3A = arith.constant 2 : i32
    %mul3A_0 = arith.muli %arg1, %mul3A : i32
    %add3A = arith.addi %mul3A_0, %arg0 : i32
    %scan3A = arith.constant 0 : i32
    %scan3A_1 = arith.constant 0 : i32
    %scan3A_2 = arith.constant 112 : i32
    %scan3A_3 = arith.addi %scan3A_1, %scan3A_2 : i32
    %scan3A_4 = arith.constant 1 : i32
    scf.for %scan3A_719 = %scan3A_1 to %scan3A_3 step %scan3A_4  : i32 {
      %broadcast_in_dim3A = arith.constant 0.000000e+00 : f32
      %broadcast_in_dim3A_720 = vector.broadcast %broadcast_in_dim3A : f32 to vector<16xf32>
      %swap3A = arith.constant 0 : i32
      %swap3A_721 = arith.index_cast %swap3A : i32 to index
      %swap3A_722 = arith.index_cast %scan3A_719 : i32 to index
      %swap3A_723 = arith.constant 0 : index
      %swap3A_724 = tpu.vector_load %arg8[%swap3A_721, %swap3A_722, %swap3A_723] {strides = array<i32>} : memref<3x112x128xf32, #tpu.memory_space<vmem>>, vector<1x1x16xf32>,
      %swap3A_725 = vector.shape_cast %swap3A_724 : vector<1x1x16xf32> to vector<16xf32>
      %swap3A_726 = vector.shape_cast %broadcast_in_dim3A_720 : vector<16xf32> to vector<1x1x16xf32>
      tpu.vector_store %arg8[%swap3A_721, %swap3A_722, %swap3A_723], %swap3A_726 {strides = array<i32>} : memref<3x112x128xf32, #tpu.memory_space<vmem>>, vector<1x1x16xf32>,
      %broadcast_in_dim3A_727 = arith.constant 0.000000e+00 : f32
      %broadcast_in_dim3A_728 = vector.broadcast %broadcast_in_dim3A_727 : f32 to vector<16xf32>
      %swap3A_729 = arith.constant 0 : i32
      %swap3A_730 = arith.index_cast %swap3A_729 : i32 to index
      %swap3A_731 = arith.index_cast %scan3A_719 : i32 to index
      %swap3A_732 = arith.constant 16 : index
      %swap3A_733 = tpu.vector_load %arg8[%swap3A_730, %swap3A_731, %swap3A_732] {strides = array<i32>} : memref<3x112x128xf32, #tpu.memory_space<vmem>>, vector<1x1x16xf32>,
      %swap3A_734 = vector.shape_cast %swap3A_733 : vector<1x1x16xf32> to vector<16xf32>
      %swap3A_735 = vector.shape_cast %broadcast_in_dim3A_728 : vector<16xf32> to vector<1x1x16xf32>
      tpu.vector_store %arg8[%swap3A_730, %swap3A_731, %swap3A_732], %swap3A_735 {strides = array<i32>} : memref<3x112x128xf32, #tpu.memory_space<vmem>>, vector<1x1x16xf32>,
      %broadcast_in_dim3A_736 = arith.constant 0.000000e+00 : f32
      %broadcast_in_dim3A_737 = vector.broadcast %broadcast_in_dim3A_736 : f32 to vector<16xf32>
      %swap3A_738 = arith.constant 0 : i32
      %swap3A_739 = arith.index_cast %swap3A_738 : i32 to index
      %swap3A_740 = arith.index_cast %scan3A_719 : i32 to index
      %swap3A_741 = arith.constant 32 : index
      %swap3A_742 = tpu.vector_load %arg8[%swap3A_739, %swap3A_740, %swap3A_741] {strides = array<i32>} : memref<3x112x128xf32, #tpu.memory_space<vmem>>, vector<1x1x16xf32>,
      %swap3A_743 = vector.shape_cast %swap3A_742 : vector<1x1x16xf32> to vector<16xf32>
      %swap3A_744 = vector.shape_cast %broadcast_in_dim3A_737 : vector<16xf32> to vector<1x1x16xf32>
      tpu.vector_store %arg8[%swap3A_739, %swap3A_740, %swap3A_741], %swap3A_744 {strides = array<i32>} : memref<3x112x128xf32, #tpu.memory_space<vmem>>, vector<1x1x16xf32>,
      %broadcast_in_dim3A_745 = arith.constant 0.000000e+00 : f32
      %broadcast_in_dim3A_746 = vector.broadcast %broadcast_in_dim3A_745 : f32 to vector<16xf32>
      %swap3A_747 = arith.constant 0 : i32
      %swap3A_748 = arith.index_cast %swap3A_747 : i32 to index
      %swap3A_749 = arith.index_cast %scan3A_719 : i32 to index
      %swap3A_750 = arith.constant 48 : index
      %swap3A_751 = tpu.vector_load %arg8[%swap3A_748, %swap3A_749, %swap3A_750] {strides = array<i32>} : memref<3x112x128xf32, #tpu.memory_space<vmem>>, vector<1x1x16xf32>,
      %swap3A_752 = vector.shape_cast %swap3A_751 : vector<1x1x16xf32> to vector<16xf32>
      %swap3A_753 = vector.shape_cast %broadcast_in_dim3A_746 : vector<16xf32> to vector<1x1x16xf32>
      tpu.vector_store %arg8[%swap3A_748, %swap3A_749, %swap3A_750], %swap3A_753 {strides = array<i32>} : memref<3x112x128xf32, #tpu.memory_space<vmem>>, vector<1x1x16xf32>,
      %broadcast_in_dim3A_754 = arith.constant 0.000000e+00 : f32
      %broadcast_in_dim3A_755 = vector.broadcast %broadcast_in_dim3A_754 : f32 to vector<16xf32>
      %swap3A_756 = arith.constant 0 : i32
      %swap3A_757 = arith.index_cast %swap3A_756 : i32 to index
      %swap3A_758 = arith.index_cast %scan3A_719 : i32 to index
      %swap3A_759 = arith.constant 64 : index
      %swap3A_760 = tpu.vector_load %arg8[%swap3A_757, %swap3A_758, %swap3A_759] {strides = array<i32>} : memref<3x112x128xf32, #tpu.memory_space<vmem>>, vector<1x1x16xf32>,
      %swap3A_761 = vector.shape_cast %swap3A_760 : vector<1x1x16xf32> to vector<16xf32>
      %swap3A_762 = vector.shape_cast %broadcast_in_dim3A_755 : vector<16xf32> to vector<1x1x16xf32>
      tpu.vector_store %arg8[%swap3A_757, %swap3A_758, %swap3A_759], %swap3A_762 {strides = array<i32>} : memref<3x112x128xf32, #tpu.memory_space<vmem>>, vector<1x1x16xf32>,
      %broadcast_in_dim3A_763 = arith.constant 0.000000e+00 : f32
      %broadcast_in_dim3A_764 = vector.broadcast %broadcast_in_dim3A_763 : f32 to vector<16xf32>
      %swap3A_765 = arith.constant 0 : i32
      %swap3A_766 = arith.index_cast %swap3A_765 : i32 to index
      %swap3A_767 = arith.index_cast %scan3A_719 : i32 to index
      %swap3A_768 = arith.constant 80 : index
      %swap3A_769 = tpu.vector_load %arg8[%swap3A_766, %swap3A_767, %swap3A_768] {strides = array<i32>} : memref<3x112x128xf32, #tpu.memory_space<vmem>>, vector<1x1x16xf32>,
      %swap3A_770 = vector.shape_cast %swap3A_769 : vector<1x1x16xf32> to vector<16xf32>
      %swap3A_771 = vector.shape_cast %broadcast_in_dim3A_764 : vector<16xf32> to vector<1x1x16xf32>
      tpu.vector_store %arg8[%swap3A_766, %swap3A_767, %swap3A_768], %swap3A_771 {strides = array<i32>} : memref<3x112x128xf32, #tpu.memory_space<vmem>>, vector<1x1x16xf32>,
      %broadcast_in_dim3A_772 = arith.constant 0.000000e+00 : f32
      %broadcast_in_dim3A_773 = vector.broadcast %broadcast_in_dim3A_772 : f32 to vector<16xf32>
      %swap3A_774 = arith.constant 0 : i32
      %swap3A_775 = arith.index_cast %swap3A_774 : i32 to index
      %swap3A_776 = arith.index_cast %scan3A_719 : i32 to index
      %swap3A_777 = arith.constant 96 : index
      %swap3A_778 = tpu.vector_load %arg8[%swap3A_775, %swap3A_776, %swap3A_777] {strides = array<i32>} : memref<3x112x128xf32, #tpu.memory_space<vmem>>, vector<1x1x16xf32>,
      %swap3A_779 = vector.shape_cast %swap3A_778 : vector<1x1x16xf32> to vector<16xf32>
      %swap3A_780 = vector.shape_cast %broadcast_in_dim3A_773 : vector<16xf32> to vector<1x1x16xf32>
      tpu.vector_store %arg8[%swap3A_775, %swap3A_776, %swap3A_777], %swap3A_780 {strides = array<i32>} : memref<3x112x128xf32, #tpu.memory_space<vmem>>, vector<1x1x16xf32>,
      %broadcast_in_dim3A_781 = arith.constant 0.000000e+00 : f32
      %broadcast_in_dim3A_782 = vector.broadcast %broadcast_in_dim3A_781 : f32 to vector<16xf32>
      %swap3A_783 = arith.constant 0 : i32
      %swap3A_784 = arith.index_cast %swap3A_783 : i32 to index
      %swap3A_785 = arith.index_cast %scan3A_719 : i32 to index
      %swap3A_786 = arith.constant 112 : index
      %swap3A_787 = tpu.vector_load %arg8[%swap3A_784, %swap3A_785, %swap3A_786] {strides = array<i32>} : memref<3x112x128xf32, #tpu.memory_space<vmem>>, vector<1x1x16xf32>,
      %swap3A_788 = vector.shape_cast %swap3A_787 : vector<1x1x16xf32> to vector<16xf32>
      %swap3A_789 = vector.shape_cast %broadcast_in_dim3A_782 : vector<16xf32> to vector<1x1x16xf32>
      tpu.vector_store %arg8[%swap3A_784, %swap3A_785, %swap3A_786], %swap3A_789 {strides = array<i32>} : memref<3x112x128xf32, #tpu.memory_space<vmem>>, vector<1x1x16xf32>,
    }
    %scan3A_5 = arith.constant 112 : i32
    %mul3A_6 = arith.constant 632 : i32
    %mul3A_7 = arith.muli %arg1, %mul3A_6 : i32
    %add3A_8 = arith.constant 0 : i32
    %add3A_9 = arith.addi %mul3A_7, %add3A_8 : i32
    %dma_start3A = arith.constant 0 : i32
    %dma_start3A_10 = arith.constant 0 : i32
    %dma_start3A_11 = arith.constant 0 : i32
    %dma_start3A_12 = tpu.memref_slice %arg8[%dma_start3A, %dma_start3A_10, %dma_start3A_11] : memref<3x112x128xf32, #tpu.memory_space<vmem>> -> memref<1x112x128xf32, #tpu.memory_space<vmem>>
    %dma_start3A_13 = tpu.memref_squeeze %dma_start3A_12 : memref<1x112x128xf32, #tpu.memory_space<vmem>> -> memref<112x128xf32, #tpu.memory_space<vmem>>
    %dma_start3A_14 = arith.constant 0 : i32
    %dma_start3A_15 = tpu.memref_slice %arg9[%add3A_9, %dma_start3A_14] : memref<10112x128xf32, #tpu.memory_space<vmem_shared>> -> memref<112x128xf32, #tpu.memory_space<vmem_shared>>
    %dma_start3A_16 = arith.constant 0 : i32
    %dma_start3A_17 = tpu.memref_slice %arg9[%add3A_9, %dma_start3A_16] : memref<10112x128xf32, #tpu.memory_space<vmem_shared>> -> memref<112x128xf32, #tpu.memory_space<vmem_shared>>
    %dma_start3A_18 = arith.constant 0 : i32
    %dma_start3A_19 = arith.constant 0 : i32
    %dma_start3A_20 = tpu.memref_slice %arg8[%dma_start3A, %dma_start3A_18, %dma_start3A_19] : memref<3x112x128xf32, #tpu.memory_space<vmem>> -> memref<1x112x128xf32, #tpu.memory_space<vmem>>
    %dma_start3A_21 = tpu.memref_squeeze %dma_start3A_20 : memref<1x112x128xf32, #tpu.memory_space<vmem>> -> memref<112x128xf32, #tpu.memory_space<vmem>>
    tpu.enqueue_dma source(%dma_start3A_21 : memref<112x128xf32, #tpu.memory_space<vmem>>) target(%dma_start3A_17 : memref<112x128xf32, #tpu.memory_space<vmem_shared>>) target_semaphore(%arg11 : memref<!tpu.dma_semaphore, #tpu.memory_space<semaphore_mem>>)
    %mul3A_22 = arith.constant 632 : i32
    %mul3A_23 = arith.muli %arg1, %mul3A_22 : i32
    %add3A_24 = arith.constant 112 : i32
    %add3A_25 = arith.addi %mul3A_23, %add3A_24 : i32
    %dma_start3A_26 = arith.constant 0 : i32
    %dma_start3A_27 = arith.constant 0 : i32
    %dma_start3A_28 = arith.constant 0 : i32
    %dma_start3A_29 = tpu.memref_slice %arg8[%dma_start3A_26, %dma_start3A_27, %dma_start3A_28] : memref<3x112x128xf32, #tpu.memory_space<vmem>> -> memref<1x112x128xf32, #tpu.memory_space<vmem>>
    %dma_start3A_30 = tpu.memref_squeeze %dma_start3A_29 : memref<1x112x128xf32, #tpu.memory_space<vmem>> -> memref<112x128xf32, #tpu.memory_space<vmem>>
    %dma_start3A_31 = arith.constant 0 : i32
    %dma_start3A_32 = tpu.memref_slice %arg9[%add3A_25, %dma_start3A_31] : memref<10112x128xf32, #tpu.memory_space<vmem_shared>> -> memref<112x128xf32, #tpu.memory_space<vmem_shared>>
    %dma_start3A_33 = arith.constant 0 : i32
    %dma_start3A_34 = tpu.memref_slice %arg9[%add3A_25, %dma_start3A_33] : memref<10112x128xf32, #tpu.memory_space<vmem_shared>> -> memref<112x128xf32, #tpu.memory_space<vmem_shared>>
    %dma_start3A_35 = arith.constant 0 : i32
    %dma_start3A_36 = arith.constant 0 : i32
    %dma_start3A_37 = tpu.memref_slice %arg8[%dma_start3A_26, %dma_start3A_35, %dma_start3A_36] : memref<3x112x128xf32, #tpu.memory_space<vmem>> -> memref<1x112x128xf32, #tpu.memory_space<vmem>>
    %dma_start3A_38 = tpu.memref_squeeze %dma_start3A_37 : memref<1x112x128xf32, #tpu.memory_space<vmem>> -> memref<112x128xf32, #tpu.memory_space<vmem>>
    tpu.enqueue_dma source(%dma_start3A_38 : memref<112x128xf32, #tpu.memory_space<vmem>>) target(%dma_start3A_34 : memref<112x128xf32, #tpu.memory_space<vmem_shared>>) target_semaphore(%arg11 : memref<!tpu.dma_semaphore, #tpu.memory_space<semaphore_mem>>)
    %mul3A_39 = arith.constant 632 : i32
    %mul3A_40 = arith.muli %arg1, %mul3A_39 : i32
    %add3A_41 = arith.constant 224 : i32
    %add3A_42 = arith.addi %mul3A_40, %add3A_41 : i32
    %dma_start3A_43 = arith.constant 0 : i32
    %dma_start3A_44 = arith.constant 0 : i32
    %dma_start3A_45 = arith.constant 0 : i32
    %dma_start3A_46 = tpu.memref_slice %arg8[%dma_start3A_43, %dma_start3A_44, %dma_start3A_45] : memref<3x112x128xf32, #tpu.memory_space<vmem>> -> memref<1x112x128xf32, #tpu.memory_space<vmem>>
    %dma_start3A_47 = tpu.memref_squeeze %dma_start3A_46 : memref<1x112x128xf32, #tpu.memory_space<vmem>> -> memref<112x128xf32, #tpu.memory_space<vmem>>
    %dma_start3A_48 = arith.constant 0 : i32
    %dma_start3A_49 = tpu.memref_slice %arg9[%add3A_42, %dma_start3A_48] : memref<10112x128xf32, #tpu.memory_space<vmem_shared>> -> memref<112x128xf32, #tpu.memory_space<vmem_shared>>
    %dma_start3A_50 = arith.constant 0 : i32
    %dma_start3A_51 = tpu.memref_slice %arg9[%add3A_42, %dma_start3A_50] : memref<10112x128xf32, #tpu.memory_space<vmem_shared>> -> memref<112x128xf32, #tpu.memory_space<vmem_shared>>
    %dma_start3A_52 = arith.constant 0 : i32
    %dma_start3A_53 = arith.constant 0 : i32
    %dma_start3A_54 = tpu.memref_slice %arg8[%dma_start3A_43, %dma_start3A_52, %dma_start3A_53] : memref<3x112x128xf32, #tpu.memory_space<vmem>> -> memref<1x112x128xf32, #tpu.memory_space<vmem>>
    %dma_start3A_55 = tpu.memref_squeeze %dma_start3A_54 : memref<1x112x128xf32, #tpu.memory_space<vmem>> -> memref<112x128xf32, #tpu.memory_space<vmem>>
    tpu.enqueue_dma source(%dma_start3A_55 : memref<112x128xf32, #tpu.memory_space<vmem>>) target(%dma_start3A_51 : memref<112x128xf32, #tpu.memory_space<vmem_shared>>) target_semaphore(%arg11 : memref<!tpu.dma_semaphore, #tpu.memory_space<semaphore_mem>>)
    %mul3A_56 = arith.constant 632 : i32
    %mul3A_57 = arith.muli %arg1, %mul3A_56 : i32
    %add3A_58 = arith.constant 336 : i32
    %add3A_59 = arith.addi %mul3A_57, %add3A_58 : i32
    %dma_start3A_60 = arith.constant 0 : i32
    %dma_start3A_61 = arith.constant 0 : i32
    %dma_start3A_62 = arith.constant 0 : i32
    %dma_start3A_63 = tpu.memref_slice %arg8[%dma_start3A_60, %dma_start3A_61, %dma_start3A_62] : memref<3x112x128xf32, #tpu.memory_space<vmem>> -> memref<1x112x128xf32, #tpu.memory_space<vmem>>
    %dma_start3A_64 = tpu.memref_squeeze %dma_start3A_63 : memref<1x112x128xf32, #tpu.memory_space<vmem>> -> memref<112x128xf32, #tpu.memory_space<vmem>>
    %dma_start3A_65 = arith.constant 0 : i32
    %dma_start3A_66 = tpu.memref_slice %arg9[%add3A_59, %dma_start3A_65] : memref<10112x128xf32, #tpu.memory_space<vmem_shared>> -> memref<112x128xf32, #tpu.memory_space<vmem_shared>>
    %dma_start3A_67 = arith.constant 0 : i32
    %dma_start3A_68 = tpu.memref_slice %arg9[%add3A_59, %dma_start3A_67] : memref<10112x128xf32, #tpu.memory_space<vmem_shared>> -> memref<112x128xf32, #tpu.memory_space<vmem_shared>>
    %dma_start3A_69 = arith.constant 0 : i32
    %dma_start3A_70 = arith.constant 0 : i32
    %dma_start3A_71 = tpu.memref_slice %arg8[%dma_start3A_60, %dma_start3A_69, %dma_start3A_70] : memref<3x112x128xf32, #tpu.memory_space<vmem>> -> memref<1x112x128xf32, #tpu.memory_space<vmem>>
    %dma_start3A_72 = tpu.memref_squeeze %dma_start3A_71 : memref<1x112x128xf32, #tpu.memory_space<vmem>> -> memref<112x128xf32, #tpu.memory_space<vmem>>
    tpu.enqueue_dma source(%dma_start3A_72 : memref<112x128xf32, #tpu.memory_space<vmem>>) target(%dma_start3A_68 : memref<112x128xf32, #tpu.memory_space<vmem_shared>>) target_semaphore(%arg11 : memref<!tpu.dma_semaphore, #tpu.memory_space<semaphore_mem>>)
    %mul3A_73 = arith.constant 632 : i32
    %mul3A_74 = arith.muli %arg1, %mul3A_73 : i32
    %add3A_75 = arith.constant 448 : i32
    %add3A_76 = arith.addi %mul3A_74, %add3A_75 : i32
    %dma_start3A_77 = arith.constant 0 : i32
    %dma_start3A_78 = arith.constant 0 : i32
    %dma_start3A_79 = arith.constant 0 : i32
    %dma_start3A_80 = tpu.memref_slice %arg8[%dma_start3A_77, %dma_start3A_78, %dma_start3A_79] : memref<3x112x128xf32, #tpu.memory_space<vmem>> -> memref<1x112x128xf32, #tpu.memory_space<vmem>>
    %dma_start3A_81 = tpu.memref_squeeze %dma_start3A_80 : memref<1x112x128xf32, #tpu.memory_space<vmem>> -> memref<112x128xf32, #tpu.memory_space<vmem>>
    %dma_start3A_82 = arith.constant 0 : i32
    %dma_start3A_83 = tpu.memref_slice %arg9[%add3A_76, %dma_start3A_82] : memref<10112x128xf32, #tpu.memory_space<vmem_shared>> -> memref<112x128xf32, #tpu.memory_space<vmem_shared>>
    %dma_start3A_84 = arith.constant 0 : i32
    %dma_start3A_85 = tpu.memref_slice %arg9[%add3A_76, %dma_start3A_84] : memref<10112x128xf32, #tpu.memory_space<vmem_shared>> -> memref<112x128xf32, #tpu.memory_space<vmem_shared>>
    %dma_start3A_86 = arith.constant 0 : i32
    %dma_start3A_87 = arith.constant 0 : i32
    %dma_start3A_88 = tpu.memref_slice %arg8[%dma_start3A_77, %dma_start3A_86, %dma_start3A_87] : memref<3x112x128xf32, #tpu.memory_space<vmem>> -> memref<1x112x128xf32, #tpu.memory_space<vmem>>
    %dma_start3A_89 = tpu.memref_squeeze %dma_start3A_88 : memref<1x112x128xf32, #tpu.memory_space<vmem>> -> memref<112x128xf32, #tpu.memory_space<vmem>>
    tpu.enqueue_dma source(%dma_start3A_89 : memref<112x128xf32, #tpu.memory_space<vmem>>) target(%dma_start3A_85 : memref<112x128xf32, #tpu.memory_space<vmem_shared>>) target_semaphore(%arg11 : memref<!tpu.dma_semaphore, #tpu.memory_space<semaphore_mem>>)
    %mul3A_90 = arith.constant 632 : i32
    %mul3A_91 = arith.muli %arg1, %mul3A_90 : i32
    %add3A_92 = arith.constant 560 : i32
    %add3A_93 = arith.addi %mul3A_91, %add3A_92 : i32
    %dma_start3A_94 = arith.constant 0 : i32
    %dma_start3A_95 = arith.constant 0 : i32
    %dma_start3A_96 = arith.constant 0 : i32
    %dma_start3A_97 = tpu.memref_slice %arg8[%dma_start3A_94, %dma_start3A_95, %dma_start3A_96] : memref<3x112x128xf32, #tpu.memory_space<vmem>> -> memref<1x72x128xf32, #tpu.memory_space<vmem>>
    %dma_start3A_98 = tpu.memref_squeeze %dma_start3A_97 : memref<1x72x128xf32, #tpu.memory_space<vmem>> -> memref<72x128xf32, #tpu.memory_space<vmem>>
    %dma_start3A_99 = arith.constant 0 : i32
    %dma_start3A_100 = tpu.memref_slice %arg9[%add3A_93, %dma_start3A_99] : memref<10112x128xf32, #tpu.memory_space<vmem_shared>> -> memref<72x128xf32, #tpu.memory_space<vmem_shared>>
    %dma_start3A_101 = arith.constant 0 : i32
    %dma_start3A_102 = tpu.memref_slice %arg9[%add3A_93, %dma_start3A_101] : memref<10112x128xf32, #tpu.memory_space<vmem_shared>> -> memref<72x128xf32, #tpu.memory_space<vmem_shared>>
    %dma_start3A_103 = arith.constant 0 : i32
    %dma_start3A_104 = arith.constant 0 : i32
    %dma_start3A_105 = tpu.memref_slice %arg8[%dma_start3A_94, %dma_start3A_103, %dma_start3A_104] : memref<3x112x128xf32, #tpu.memory_space<vmem>> -> memref<1x72x128xf32, #tpu.memory_space<vmem>>
    %dma_start3A_106 = tpu.memref_squeeze %dma_start3A_105 : memref<1x72x128xf32, #tpu.memory_space<vmem>> -> memref<72x128xf32, #tpu.memory_space<vmem>>
    tpu.enqueue_dma source(%dma_start3A_106 : memref<72x128xf32, #tpu.memory_space<vmem>>) target(%dma_start3A_102 : memref<72x128xf32, #tpu.memory_space<vmem_shared>>) target_semaphore(%arg11 : memref<!tpu.dma_semaphore, #tpu.memory_space<semaphore_mem>>)
    %dma_wait3A = arith.constant 0 : i32
    %dma_wait3A_107 = arith.constant 0 : i32
    %dma_wait3A_108 = arith.constant 0 : i32
    %dma_wait3A_109 = tpu.memref_slice %arg8[%dma_wait3A, %dma_wait3A_107, %dma_wait3A_108] : memref<3x112x128xf32, #tpu.memory_space<vmem>> -> memref<1x112x128xf32, #tpu.memory_space<vmem>>
    %dma_wait3A_110 = tpu.memref_squeeze %dma_wait3A_109 : memref<1x112x128xf32, #tpu.memory_space<vmem>> -> memref<112x128xf32, #tpu.memory_space<vmem>>
    %dma_wait3A_111 = arith.constant 0 : i32
    %dma_wait3A_112 = tpu.memref_slice %arg9[%add3A_9, %dma_wait3A_111] : memref<10112x128xf32, #tpu.memory_space<vmem_shared>> -> memref<112x128xf32, #tpu.memory_space<vmem_shared>>
    %dma_wait3A_113 = arith.constant 0 : i32
    %dma_wait3A_114 = tpu.memref_slice %arg9[%add3A_9, %dma_wait3A_113] : memref<10112x128xf32, #tpu.memory_space<vmem_shared>> -> memref<112x128xf32, #tpu.memory_space<vmem_shared>>
    %dma_wait3A_115 = arith.constant 0 : i32
    %dma_wait3A_116 = arith.constant 0 : i32
    %dma_wait3A_117 = tpu.memref_slice %arg8[%dma_wait3A, %dma_wait3A_115, %dma_wait3A_116] : memref<3x112x128xf32, #tpu.memory_space<vmem>> -> memref<1x112x128xf32, #tpu.memory_space<vmem>>
    %dma_wait3A_118 = tpu.memref_squeeze %dma_wait3A_117 : memref<1x112x128xf32, #tpu.memory_space<vmem>> -> memref<112x128xf32, #tpu.memory_space<vmem>>
    tpu.wait_dma2 semaphore(%arg11 : memref<!tpu.dma_semaphore, #tpu.memory_space<semaphore_mem>>) src(%dma_wait3A_118 : memref<112x128xf32, #tpu.memory_space<vmem>>) dst(%dma_wait3A_114 : memref<112x128xf32, #tpu.memory_space<vmem_shared>>)
    %dma_wait3A_119 = arith.constant 0 : i32
    %dma_wait3A_120 = arith.constant 0 : i32
    %dma_wait3A_121 = arith.constant 0 : i32
    %dma_wait3A_122 = tpu.memref_slice %arg8[%dma_wait3A_119, %dma_wait3A_120, %dma_wait3A_121] : memref<3x112x128xf32, #tpu.memory_space<vmem>> -> memref<1x112x128xf32, #tpu.memory_space<vmem>>
    %dma_wait3A_123 = tpu.memref_squeeze %dma_wait3A_122 : memref<1x112x128xf32, #tpu.memory_space<vmem>> -> memref<112x128xf32, #tpu.memory_space<vmem>>
    %dma_wait3A_124 = arith.constant 0 : i32
    %dma_wait3A_125 = tpu.memref_slice %arg9[%add3A_25, %dma_wait3A_124] : memref<10112x128xf32, #tpu.memory_space<vmem_shared>> -> memref<112x128xf32, #tpu.memory_space<vmem_shared>>
    %dma_wait3A_126 = arith.constant 0 : i32
    %dma_wait3A_127 = tpu.memref_slice %arg9[%add3A_25, %dma_wait3A_126] : memref<10112x128xf32, #tpu.memory_space<vmem_shared>> -> memref<112x128xf32, #tpu.memory_space<vmem_shared>>
    %dma_wait3A_128 = arith.constant 0 : i32
    %dma_wait3A_129 = arith.constant 0 : i32
    %dma_wait3A_130 = tpu.memref_slice %arg8[%dma_wait3A_119, %dma_wait3A_128, %dma_wait3A_129] : memref<3x112x128xf32, #tpu.memory_space<vmem>> -> memref<1x112x128xf32, #tpu.memory_space<vmem>>
    %dma_wait3A_131 = tpu.memref_squeeze %dma_wait3A_130 : memref<1x112x128xf32, #tpu.memory_space<vmem>> -> memref<112x128xf32, #tpu.memory_space<vmem>>
    tpu.wait_dma2 semaphore(%arg11 : memref<!tpu.dma_semaphore, #tpu.memory_space<semaphore_mem>>) src(%dma_wait3A_131 : memref<112x128xf32, #tpu.memory_space<vmem>>) dst(%dma_wait3A_127 : memref<112x128xf32, #tpu.memory_space<vmem_shared>>)
    %dma_wait3A_132 = arith.constant 0 : i32
    %dma_wait3A_133 = arith.constant 0 : i32
    %dma_wait3A_134 = arith.constant 0 : i32
    %dma_wait3A_135 = tpu.memref_slice %arg8[%dma_wait3A_132, %dma_wait3A_133, %dma_wait3A_134] : memref<3x112x128xf32, #tpu.memory_space<vmem>> -> memref<1x112x128xf32, #tpu.memory_space<vmem>>
    %dma_wait3A_136 = tpu.memref_squeeze %dma_wait3A_135 : memref<1x112x128xf32, #tpu.memory_space<vmem>> -> memref<112x128xf32, #tpu.memory_space<vmem>>
    %dma_wait3A_137 = arith.constant 0 : i32
    %dma_wait3A_138 = tpu.memref_slice %arg9[%add3A_42, %dma_wait3A_137] : memref<10112x128xf32, #tpu.memory_space<vmem_shared>> -> memref<112x128xf32, #tpu.memory_space<vmem_shared>>
    %dma_wait3A_139 = arith.constant 0 : i32
    %dma_wait3A_140 = tpu.memref_slice %arg9[%add3A_42, %dma_wait3A_139] : memref<10112x128xf32, #tpu.memory_space<vmem_shared>> -> memref<112x128xf32, #tpu.memory_space<vmem_shared>>
    %dma_wait3A_141 = arith.constant 0 : i32
    %dma_wait3A_142 = arith.constant 0 : i32
    %dma_wait3A_143 = tpu.memref_slice %arg8[%dma_wait3A_132, %dma_wait3A_141, %dma_wait3A_142] : memref<3x112x128xf32, #tpu.memory_space<vmem>> -> memref<1x112x128xf32, #tpu.memory_space<vmem>>
    %dma_wait3A_144 = tpu.memref_squeeze %dma_wait3A_143 : memref<1x112x128xf32, #tpu.memory_space<vmem>> -> memref<112x128xf32, #tpu.memory_space<vmem>>
    tpu.wait_dma2 semaphore(%arg11 : memref<!tpu.dma_semaphore, #tpu.memory_space<semaphore_mem>>) src(%dma_wait3A_144 : memref<112x128xf32, #tpu.memory_space<vmem>>) dst(%dma_wait3A_140 : memref<112x128xf32, #tpu.memory_space<vmem_shared>>)
    %dma_wait3A_145 = arith.constant 0 : i32
    %dma_wait3A_146 = arith.constant 0 : i32
    %dma_wait3A_147 = arith.constant 0 : i32
    %dma_wait3A_148 = tpu.memref_slice %arg8[%dma_wait3A_145, %dma_wait3A_146, %dma_wait3A_147] : memref<3x112x128xf32, #tpu.memory_space<vmem>> -> memref<1x112x128xf32, #tpu.memory_space<vmem>>
    %dma_wait3A_149 = tpu.memref_squeeze %dma_wait3A_148 : memref<1x112x128xf32, #tpu.memory_space<vmem>> -> memref<112x128xf32, #tpu.memory_space<vmem>>
    %dma_wait3A_150 = arith.constant 0 : i32
    %dma_wait3A_151 = tpu.memref_slice %arg9[%add3A_59, %dma_wait3A_150] : memref<10112x128xf32, #tpu.memory_space<vmem_shared>> -> memref<112x128xf32, #tpu.memory_space<vmem_shared>>
    %dma_wait3A_152 = arith.constant 0 : i32
    %dma_wait3A_153 = tpu.memref_slice %arg9[%add3A_59, %dma_wait3A_152] : memref<10112x128xf32, #tpu.memory_space<vmem_shared>> -> memref<112x128xf32, #tpu.memory_space<vmem_shared>>
    %dma_wait3A_154 = arith.constant 0 : i32
    %dma_wait3A_155 = arith.constant 0 : i32
    %dma_wait3A_156 = tpu.memref_slice %arg8[%dma_wait3A_145, %dma_wait3A_154, %dma_wait3A_155] : memref<3x112x128xf32, #tpu.memory_space<vmem>> -> memref<1x112x128xf32, #tpu.memory_space<vmem>>
    %dma_wait3A_157 = tpu.memref_squeeze %dma_wait3A_156 : memref<1x112x128xf32, #tpu.memory_space<vmem>> -> memref<112x128xf32, #tpu.memory_space<vmem>>
    tpu.wait_dma2 semaphore(%arg11 : memref<!tpu.dma_semaphore, #tpu.memory_space<semaphore_mem>>) src(%dma_wait3A_157 : memref<112x128xf32, #tpu.memory_space<vmem>>) dst(%dma_wait3A_153 : memref<112x128xf32, #tpu.memory_space<vmem_shared>>)
    %dma_wait3A_158 = arith.constant 0 : i32
    %dma_wait3A_159 = arith.constant 0 : i32
    %dma_wait3A_160 = arith.constant 0 : i32
    %dma_wait3A_161 = tpu.memref_slice %arg8[%dma_wait3A_158, %dma_wait3A_159, %dma_wait3A_160] : memref<3x112x128xf32, #tpu.memory_space<vmem>> -> memref<1x112x128xf32, #tpu.memory_space<vmem>>
    %dma_wait3A_162 = tpu.memref_squeeze %dma_wait3A_161 : memref<1x112x128xf32, #tpu.memory_space<vmem>> -> memref<112x128xf32, #tpu.memory_space<vmem>>
    %dma_wait3A_163 = arith.constant 0 : i32
    %dma_wait3A_164 = tpu.memref_slice %arg9[%add3A_76, %dma_wait3A_163] : memref<10112x128xf32, #tpu.memory_space<vmem_shared>> -> memref<112x128xf32, #tpu.memory_space<vmem_shared>>
    %dma_wait3A_165 = arith.constant 0 : i32
    %dma_wait3A_166 = tpu.memref_slice %arg9[%add3A_76, %dma_wait3A_165] : memref<10112x128xf32, #tpu.memory_space<vmem_shared>> -> memref<112x128xf32, #tpu.memory_space<vmem_shared>>
    %dma_wait3A_167 = arith.constant 0 : i32
    %dma_wait3A_168 = arith.constant 0 : i32
    %dma_wait3A_169 = tpu.memref_slice %arg8[%dma_wait3A_158, %dma_wait3A_167, %dma_wait3A_168] : memref<3x112x128xf32, #tpu.memory_space<vmem>> -> memref<1x112x128xf32, #tpu.memory_space<vmem>>
    %dma_wait3A_170 = tpu.memref_squeeze %dma_wait3A_169 : memref<1x112x128xf32, #tpu.memory_space<vmem>> -> memref<112x128xf32, #tpu.memory_space<vmem>>
    tpu.wait_dma2 semaphore(%arg11 : memref<!tpu.dma_semaphore, #tpu.memory_space<semaphore_mem>>) src(%dma_wait3A_170 : memref<112x128xf32, #tpu.memory_space<vmem>>) dst(%dma_wait3A_166 : memref<112x128xf32, #tpu.memory_space<vmem_shared>>)
    %dma_wait3A_171 = arith.constant 0 : i32
    %dma_wait3A_172 = arith.constant 0 : i32
    %dma_wait3A_173 = arith.constant 0 : i32
    %dma_wait3A_174 = tpu.memref_slice %arg8[%dma_wait3A_171, %dma_wait3A_172, %dma_wait3A_173] : memref<3x112x128xf32, #tpu.memory_space<vmem>> -> memref<1x72x128xf32, #tpu.memory_space<vmem>>
    %dma_wait3A_175 = tpu.memref_squeeze %dma_wait3A_174 : memref<1x72x128xf32, #tpu.memory_space<vmem>> -> memref<72x128xf32, #tpu.memory_space<vmem>>
    %dma_wait3A_176 = arith.constant 0 : i32
    %dma_wait3A_177 = tpu.memref_slice %arg9[%add3A_93, %dma_wait3A_176] : memref<10112x128xf32, #tpu.memory_space<vmem_shared>> -> memref<72x128xf32, #tpu.memory_space<vmem_shared>>
    %dma_wait3A_178 = arith.constant 0 : i32
    %dma_wait3A_179 = tpu.memref_slice %arg9[%add3A_93, %dma_wait3A_178] : memref<10112x128xf32, #tpu.memory_space<vmem_shared>> -> memref<72x128xf32, #tpu.memory_space<vmem_shared>>
    %dma_wait3A_180 = arith.constant 0 : i32
    %dma_wait3A_181 = arith.constant 0 : i32
    %dma_wait3A_182 = tpu.memref_slice %arg8[%dma_wait3A_171, %dma_wait3A_180, %dma_wait3A_181] : memref<3x112x128xf32, #tpu.memory_space<vmem>> -> memref<1x72x128xf32, #tpu.memory_space<vmem>>
    %dma_wait3A_183 = tpu.memref_squeeze %dma_wait3A_182 : memref<1x72x128xf32, #tpu.memory_space<vmem>> -> memref<72x128xf32, #tpu.memory_space<vmem>>
    tpu.wait_dma2 semaphore(%arg11 : memref<!tpu.dma_semaphore, #tpu.memory_space<semaphore_mem>>) src(%dma_wait3A_183 : memref<72x128xf32, #tpu.memory_space<vmem>>) dst(%dma_wait3A_179 : memref<72x128xf32, #tpu.memory_space<vmem_shared>>)
    %barrier3A = arith.constant 0 : index
    tpu.barrier barrier_id(%barrier3A)
    %dma_start3A_184 = arith.constant 0 : i32
    %dma_start3A_185 = arith.constant 0 : i32
    %dma_start3A_186 = arith.constant 0 : i32
    %dma_start3A_187 = tpu.memref_slice %arg6[%dma_start3A_185, %dma_start3A_186] : memref<6x112xi32, #tpu.memory_space<vmem>> -> memref<1x112xi32, #tpu.memory_space<vmem>>
    %dma_start3A_188 = tpu.memref_squeeze %dma_start3A_187 : memref<1x112xi32, #tpu.memory_space<vmem>> -> memref<112xi32, #tpu.memory_space<vmem>>
    %dma_start3A_189 = arith.constant 0 : i32
    %dma_start3A_190 = tpu.memref_slice %arg3[%add3A, %dma_start3A_184, %dma_start3A_189] : memref<32x90x112xi32, #tpu.memory_space<hbm>> -> memref<1x1x112xi32, #tpu.memory_space<hbm>>
    %dma_start3A_191 = tpu.memref_squeeze %dma_start3A_190 : memref<1x1x112xi32, #tpu.memory_space<hbm>> -> memref<112xi32, #tpu.memory_space<hbm>>
    %dma_start3A_192 = arith.constant 0 : i32
    %dma_start3A_193 = tpu.memref_slice %arg6[%dma_start3A_185, %dma_start3A_192] : memref<6x112xi32, #tpu.memory_space<vmem>> -> memref<1x112xi32, #tpu.memory_space<vmem>>
    %dma_start3A_194 = tpu.memref_squeeze %dma_start3A_193 : memref<1x112xi32, #tpu.memory_space<vmem>> -> memref<112xi32, #tpu.memory_space<vmem>>
    %dma_start3A_195 = arith.constant 0 : i32
    %dma_start3A_196 = tpu.memref_slice %arg3[%add3A, %dma_start3A_184, %dma_start3A_195] : memref<32x90x112xi32, #tpu.memory_space<hbm>> -> memref<1x1x112xi32, #tpu.memory_space<hbm>>
    %dma_start3A_197 = tpu.memref_squeeze %dma_start3A_196 : memref<1x1x112xi32, #tpu.memory_space<hbm>> -> memref<112xi32, #tpu.memory_space<hbm>>
    tpu.enqueue_dma source(%dma_start3A_197 : memref<112xi32, #tpu.memory_space<hbm>>) target(%dma_start3A_194 : memref<112xi32, #tpu.memory_space<vmem>>) target_semaphore(%arg10 : memref<!tpu.dma_semaphore, #tpu.memory_space<semaphore_mem>>)
    %dma_start3A_198 = arith.constant 0 : i32
    %dma_start3A_199 = arith.constant 0 : i32
    %dma_start3A_200 = arith.constant 0 : i32
    %dma_start3A_201 = tpu.memref_slice %arg7[%dma_start3A_199, %dma_start3A_200] : memref<6x112xi32, #tpu.memory_space<vmem>> -> memref<1x112xi32, #tpu.memory_space<vmem>>
    %dma_start3A_202 = tpu.memref_squeeze %dma_start3A_201 : memref<1x112xi32, #tpu.memory_space<vmem>> -> memref<112xi32, #tpu.memory_space<vmem>>
    %dma_start3A_203 = arith.constant 0 : i32
    %dma_start3A_204 = tpu.memref_slice %arg4[%add3A, %dma_start3A_198, %dma_start3A_203] : memref<32x90x112xi32, #tpu.memory_space<hbm>> -> memref<1x1x112xi32, #tpu.memory_space<hbm>>
    %dma_start3A_205 = tpu.memref_squeeze %dma_start3A_204 : memref<1x1x112xi32, #tpu.memory_space<hbm>> -> memref<112xi32, #tpu.memory_space<hbm>>
    %dma_start3A_206 = arith.constant 0 : i32
    %dma_start3A_207 = tpu.memref_slice %arg7[%dma_start3A_199, %dma_start3A_206] : memref<6x112xi32, #tpu.memory_space<vmem>> -> memref<1x112xi32, #tpu.memory_space<vmem>>
    %dma_start3A_208 = tpu.memref_squeeze %dma_start3A_207 : memref<1x112xi32, #tpu.memory_space<vmem>> -> memref<112xi32, #tpu.memory_space<vmem>>
    %dma_start3A_209 = arith.constant 0 : i32
    %dma_start3A_210 = tpu.memref_slice %arg4[%add3A, %dma_start3A_198, %dma_start3A_209] : memref<32x90x112xi32, #tpu.memory_space<hbm>> -> memref<1x1x112xi32, #tpu.memory_space<hbm>>
    %dma_start3A_211 = tpu.memref_squeeze %dma_start3A_210 : memref<1x1x112xi32, #tpu.memory_space<hbm>> -> memref<112xi32, #tpu.memory_space<hbm>>
    tpu.enqueue_dma source(%dma_start3A_211 : memref<112xi32, #tpu.memory_space<hbm>>) target(%dma_start3A_208 : memref<112xi32, #tpu.memory_space<vmem>>) target_semaphore(%arg10 : memref<!tpu.dma_semaphore, #tpu.memory_space<semaphore_mem>>)
    %dma_start3A_212 = arith.constant 1 : i32
    %dma_start3A_213 = arith.constant 1 : i32
    %dma_start3A_214 = arith.constant 0 : i32
    %dma_start3A_215 = tpu.memref_slice %arg6[%dma_start3A_213, %dma_start3A_214] : memref<6x112xi32, #tpu.memory_space<vmem>> -> memref<1x112xi32, #tpu.memory_space<vmem>>
    %dma_start3A_216 = tpu.memref_squeeze %dma_start3A_215 : memref<1x112xi32, #tpu.memory_space<vmem>> -> memref<112xi32, #tpu.memory_space<vmem>>
    %dma_start3A_217 = arith.constant 0 : i32
    %dma_start3A_218 = tpu.memref_slice %arg3[%add3A, %dma_start3A_212, %dma_start3A_217] : memref<32x90x112xi32, #tpu.memory_space<hbm>> -> memref<1x1x112xi32, #tpu.memory_space<hbm>>
    %dma_start3A_219 = tpu.memref_squeeze %dma_start3A_218 : memref<1x1x112xi32, #tpu.memory_space<hbm>> -> memref<112xi32, #tpu.memory_space<hbm>>
    %dma_start3A_220 = arith.constant 0 : i32
    %dma_start3A_221 = tpu.memref_slice %arg6[%dma_start3A_213, %dma_start3A_220] : memref<6x112xi32, #tpu.memory_space<vmem>> -> memref<1x112xi32, #tpu.memory_space<vmem>>
    %dma_start3A_222 = tpu.memref_squeeze %dma_start3A_221 : memref<1x112xi32, #tpu.memory_space<vmem>> -> memref<112xi32, #tpu.memory_space<vmem>>
    %dma_start3A_223 = arith.constant 0 : i32
    %dma_start3A_224 = tpu.memref_slice %arg3[%add3A, %dma_start3A_212, %dma_start3A_223] : memref<32x90x112xi32, #tpu.memory_space<hbm>> -> memref<1x1x112xi32, #tpu.memory_space<hbm>>
    %dma_start3A_225 = tpu.memref_squeeze %dma_start3A_224 : memref<1x1x112xi32, #tpu.memory_space<hbm>> -> memref<112xi32, #tpu.memory_space<hbm>>
    tpu.enqueue_dma source(%dma_start3A_225 : memref<112xi32, #tpu.memory_space<hbm>>) target(%dma_start3A_222 : memref<112xi32, #tpu.memory_space<vmem>>) target_semaphore(%arg10 : memref<!tpu.dma_semaphore, #tpu.memory_space<semaphore_mem>>)
    %dma_start3A_226 = arith.constant 1 : i32
    %dma_start3A_227 = arith.constant 1 : i32
    %dma_start3A_228 = arith.constant 0 : i32
    %dma_start3A_229 = tpu.memref_slice %arg7[%dma_start3A_227, %dma_start3A_228] : memref<6x112xi32, #tpu.memory_space<vmem>> -> memref<1x112xi32, #tpu.memory_space<vmem>>
    %dma_start3A_230 = tpu.memref_squeeze %dma_start3A_229 : memref<1x112xi32, #tpu.memory_space<vmem>> -> memref<112xi32, #tpu.memory_space<vmem>>
    %dma_start3A_231 = arith.constant 0 : i32
    %dma_start3A_232 = tpu.memref_slice %arg4[%add3A, %dma_start3A_226, %dma_start3A_231] : memref<32x90x112xi32, #tpu.memory_space<hbm>> -> memref<1x1x112xi32, #tpu.memory_space<hbm>>
    %dma_start3A_233 = tpu.memref_squeeze %dma_start3A_232 : memref<1x1x112xi32, #tpu.memory_space<hbm>> -> memref<112xi32, #tpu.memory_space<hbm>>
    %dma_start3A_234 = arith.constant 0 : i32
    %dma_start3A_235 = tpu.memref_slice %arg7[%dma_start3A_227, %dma_start3A_234] : memref<6x112xi32, #tpu.memory_space<vmem>> -> memref<1x112xi32, #tpu.memory_space<vmem>>
    %dma_start3A_236 = tpu.memref_squeeze %dma_start3A_235 : memref<1x112xi32, #tpu.memory_space<vmem>> -> memref<112xi32, #tpu.memory_space<vmem>>
    %dma_start3A_237 = arith.constant 0 : i32
    %dma_start3A_238 = tpu.memref_slice %arg4[%add3A, %dma_start3A_226, %dma_start3A_237] : memref<32x90x112xi32, #tpu.memory_space<hbm>> -> memref<1x1x112xi32, #tpu.memory_space<hbm>>
    %dma_start3A_239 = tpu.memref_squeeze %dma_start3A_238 : memref<1x1x112xi32, #tpu.memory_space<hbm>> -> memref<112xi32, #tpu.memory_space<hbm>>
    tpu.enqueue_dma source(%dma_start3A_239 : memref<112xi32, #tpu.memory_space<hbm>>) target(%dma_start3A_236 : memref<112xi32, #tpu.memory_space<vmem>>) target_semaphore(%arg10 : memref<!tpu.dma_semaphore, #tpu.memory_space<semaphore_mem>>)
    %dma_start3A_240 = arith.constant 2 : i32
    %dma_start3A_241 = arith.constant 2 : i32
    %dma_start3A_242 = arith.constant 0 : i32
    %dma_start3A_243 = tpu.memref_slice %arg6[%dma_start3A_241, %dma_start3A_242] : memref<6x112xi32, #tpu.memory_space<vmem>> -> memref<1x112xi32, #tpu.memory_space<vmem>>
    %dma_start3A_244 = tpu.memref_squeeze %dma_start3A_243 : memref<1x112xi32, #tpu.memory_space<vmem>> -> memref<112xi32, #tpu.memory_space<vmem>>
    %dma_start3A_245 = arith.constant 0 : i32
    %dma_start3A_246 = tpu.memref_slice %arg3[%add3A, %dma_start3A_240, %dma_start3A_245] : memref<32x90x112xi32, #tpu.memory_space<hbm>> -> memref<1x1x112xi32, #tpu.memory_space<hbm>>
    %dma_start3A_247 = tpu.memref_squeeze %dma_start3A_246 : memref<1x1x112xi32, #tpu.memory_space<hbm>> -> memref<112xi32, #tpu.memory_space<hbm>>
    %dma_start3A_248 = arith.constant 0 : i32
    %dma_start3A_249 = tpu.memref_slice %arg6[%dma_start3A_241, %dma_start3A_248] : memref<6x112xi32, #tpu.memory_space<vmem>> -> memref<1x112xi32, #tpu.memory_space<vmem>>
    %dma_start3A_250 = tpu.memref_squeeze %dma_start3A_249 : memref<1x112xi32, #tpu.memory_space<vmem>> -> memref<112xi32, #tpu.memory_space<vmem>>
    %dma_start3A_251 = arith.constant 0 : i32
    %dma_start3A_252 = tpu.memref_slice %arg3[%add3A, %dma_start3A_240, %dma_start3A_251] : memref<32x90x112xi32, #tpu.memory_space<hbm>> -> memref<1x1x112xi32, #tpu.memory_space<hbm>>
    %dma_start3A_253 = tpu.memref_squeeze %dma_start3A_252 : memref<1x1x112xi32, #tpu.memory_space<hbm>> -> memref<112xi32, #tpu.memory_space<hbm>>
    tpu.enqueue_dma source(%dma_start3A_253 : memref<112xi32, #tpu.memory_space<hbm>>) target(%dma_start3A_250 : memref<112xi32, #tpu.memory_space<vmem>>) target_semaphore(%arg10 : memref<!tpu.dma_semaphore, #tpu.memory_space<semaphore_mem>>)
    %dma_start3A_254 = arith.constant 2 : i32
    %dma_start3A_255 = arith.constant 2 : i32
    %dma_start3A_256 = arith.constant 0 : i32
    %dma_start3A_257 = tpu.memref_slice %arg7[%dma_start3A_255, %dma_start3A_256] : memref<6x112xi32, #tpu.memory_space<vmem>> -> memref<1x112xi32, #tpu.memory_space<vmem>>
    %dma_start3A_258 = tpu.memref_squeeze %dma_start3A_257 : memref<1x112xi32, #tpu.memory_space<vmem>> -> memref<112xi32, #tpu.memory_space<vmem>>
    %dma_start3A_259 = arith.constant 0 : i32
    %dma_start3A_260 = tpu.memref_slice %arg4[%add3A, %dma_start3A_254, %dma_start3A_259] : memref<32x90x112xi32, #tpu.memory_space<hbm>> -> memref<1x1x112xi32, #tpu.memory_space<hbm>>
    %dma_start3A_261 = tpu.memref_squeeze %dma_start3A_260 : memref<1x1x112xi32, #tpu.memory_space<hbm>> -> memref<112xi32, #tpu.memory_space<hbm>>
    %dma_start3A_262 = arith.constant 0 : i32
    %dma_start3A_263 = tpu.memref_slice %arg7[%dma_start3A_255, %dma_start3A_262] : memref<6x112xi32, #tpu.memory_space<vmem>> -> memref<1x112xi32, #tpu.memory_space<vmem>>
    %dma_start3A_264 = tpu.memref_squeeze %dma_start3A_263 : memref<1x112xi32, #tpu.memory_space<vmem>> -> memref<112xi32, #tpu.memory_space<vmem>>
    %dma_start3A_265 = arith.constant 0 : i32
    %dma_start3A_266 = tpu.memref_slice %arg4[%add3A, %dma_start3A_254, %dma_start3A_265] : memref<32x90x112xi32, #tpu.memory_space<hbm>> -> memref<1x1x112xi32, #tpu.memory_space<hbm>>
    %dma_start3A_267 = tpu.memref_squeeze %dma_start3A_266 : memref<1x1x112xi32, #tpu.memory_space<hbm>> -> memref<112xi32, #tpu.memory_space<hbm>>
    tpu.enqueue_dma source(%dma_start3A_267 : memref<112xi32, #tpu.memory_space<hbm>>) target(%dma_start3A_264 : memref<112xi32, #tpu.memory_space<vmem>>) target_semaphore(%arg10 : memref<!tpu.dma_semaphore, #tpu.memory_space<semaphore_mem>>)
    %scan3A_268 = arith.constant 0 : i32
    %scan3A_269 = arith.constant 0 : i32
    %scan3A_270 = arith.constant 15 : i32
    %scan3A_271 = arith.addi %scan3A_269, %scan3A_270 : i32
    %scan3A_272 = arith.constant 1 : i32
    scf.for %scan3A_719 = %scan3A_269 to %scan3A_271 step %scan3A_272  : i32 {
      %mul3A_720 = arith.constant 6 : i32
      %mul3A_721 = arith.muli %mul3A_720, %scan3A_719 : i32
      %add3A_722 = arith.constant 0 : i32
      %add3A_723 = arith.addi %mul3A_721, %add3A_722 : i32
      %ge3A = arith.constant 3 : i32
      %ge3A_724 = arith.cmpi sge, %add3A_723, %ge3A : i32
      %convert_element_type3A = arith.extui %ge3A_724 : i1 to i32
      %cond3A = arith.constant 0 : i32
      %cond3A_725 = arith.cmpi ne, %convert_element_type3A, %cond3A : i32
      scf.if %cond3A_725 {
        %dma_wait3A_1082 = arith.constant 0 : i32
        %dma_wait3A_1083 = arith.constant 0 : i32
        %dma_wait3A_1084 = arith.constant 0 : i32
        %dma_wait3A_1085 = arith.constant 0 : i32
        %dma_wait3A_1086 = tpu.memref_slice %arg8[%dma_wait3A_1082, %dma_wait3A_1084, %dma_wait3A_1085] : memref<3x112x128xf32, #tpu.memory_space<vmem>> -> memref<1x112x128xf32, #tpu.memory_space<vmem>>
        %dma_wait3A_1087 = tpu.memref_squeeze %dma_wait3A_1086 : memref<1x112x128xf32, #tpu.memory_space<vmem>> -> memref<112x128xf32, #tpu.memory_space<vmem>>
        %dma_wait3A_1088 = arith.constant 0 : i32
        %dma_wait3A_1089 = tpu.memref_slice %arg7[%dma_wait3A_1083, %dma_wait3A_1088] : memref<6x112xi32, #tpu.memory_space<vmem>> -> memref<1x112xi32, #tpu.memory_space<vmem>>
        %dma_wait3A_1090 = tpu.memref_squeeze %dma_wait3A_1089 : memref<1x112xi32, #tpu.memory_space<vmem>> -> memref<112xi32, #tpu.memory_space<vmem>>
        %dma_wait3A_1091 = arith.constant 0 : i32
        %dma_wait3A_1092 = arith.constant 0 : i32
        %dma_wait3A_1093 = tpu.memref_slice %arg9[%dma_wait3A_1091, %dma_wait3A_1092] : memref<10112x128xf32, #tpu.memory_space<vmem_shared>> -> memref<10112x128xf32, #tpu.memory_space<vmem_shared>>
        tpu.wait_indirect_dma semaphore(%arg12 : memref<!tpu.dma_semaphore, #tpu.memory_space<semaphore_mem>>) src(%dma_wait3A_1087 : memref<112x128xf32, #tpu.memory_space<vmem>>) dst(%dma_wait3A_1093 : memref<10112x128xf32, #tpu.memory_space<vmem_shared>>)
      } else {
      }
      %dma_wait3A_726 = arith.constant 0 : i32
      %dma_wait3A_727 = arith.constant 0 : i32
      %dma_wait3A_728 = arith.constant 0 : i32
      %dma_wait3A_729 = tpu.memref_slice %arg6[%dma_wait3A_727, %dma_wait3A_728] : memref<6x112xi32, #tpu.memory_space<vmem>> -> memref<1x112xi32, #tpu.memory_space<vmem>>
      %dma_wait3A_730 = tpu.memref_squeeze %dma_wait3A_729 : memref<1x112xi32, #tpu.memory_space<vmem>> -> memref<112xi32, #tpu.memory_space<vmem>>
      %dma_wait3A_731 = arith.constant 0 : i32
      %dma_wait3A_732 = tpu.memref_slice %arg3[%add3A, %dma_wait3A_726, %dma_wait3A_731] : memref<32x90x112xi32, #tpu.memory_space<hbm>> -> memref<1x1x112xi32, #tpu.memory_space<hbm>>
      %dma_wait3A_733 = tpu.memref_squeeze %dma_wait3A_732 : memref<1x1x112xi32, #tpu.memory_space<hbm>> -> memref<112xi32, #tpu.memory_space<hbm>>
      %dma_wait3A_734 = arith.constant 0 : i32
      %dma_wait3A_735 = tpu.memref_slice %arg6[%dma_wait3A_727, %dma_wait3A_734] : memref<6x112xi32, #tpu.memory_space<vmem>> -> memref<1x112xi32, #tpu.memory_space<vmem>>
      %dma_wait3A_736 = tpu.memref_squeeze %dma_wait3A_735 : memref<1x112xi32, #tpu.memory_space<vmem>> -> memref<112xi32, #tpu.memory_space<vmem>>
      %dma_wait3A_737 = arith.constant 0 : i32
      %dma_wait3A_738 = tpu.memref_slice %arg3[%add3A, %dma_wait3A_726, %dma_wait3A_737] : memref<32x90x112xi32, #tpu.memory_space<hbm>> -> memref<1x1x112xi32, #tpu.memory_space<hbm>>
      %dma_wait3A_739 = tpu.memref_squeeze %dma_wait3A_738 : memref<1x1x112xi32, #tpu.memory_space<hbm>> -> memref<112xi32, #tpu.memory_space<hbm>>
      tpu.wait_dma2 semaphore(%arg10 : memref<!tpu.dma_semaphore, #tpu.memory_space<semaphore_mem>>) src(%dma_wait3A_739 : memref<112xi32, #tpu.memory_space<hbm>>) dst(%dma_wait3A_736 : memref<112xi32, #tpu.memory_space<vmem>>)
      %dma_wait3A_740 = arith.constant 0 : i32
      %dma_wait3A_741 = arith.constant 0 : i32
      %dma_wait3A_742 = arith.constant 0 : i32
      %dma_wait3A_743 = tpu.memref_slice %arg7[%dma_wait3A_741, %dma_wait3A_742] : memref<6x112xi32, #tpu.memory_space<vmem>> -> memref<1x112xi32, #tpu.memory_space<vmem>>
      %dma_wait3A_744 = tpu.memref_squeeze %dma_wait3A_743 : memref<1x112xi32, #tpu.memory_space<vmem>> -> memref<112xi32, #tpu.memory_space<vmem>>
      %dma_wait3A_745 = arith.constant 0 : i32
      %dma_wait3A_746 = tpu.memref_slice %arg4[%add3A, %dma_wait3A_740, %dma_wait3A_745] : memref<32x90x112xi32, #tpu.memory_space<hbm>> -> memref<1x1x112xi32, #tpu.memory_space<hbm>>
      %dma_wait3A_747 = tpu.memref_squeeze %dma_wait3A_746 : memref<1x1x112xi32, #tpu.memory_space<hbm>> -> memref<112xi32, #tpu.memory_space<hbm>>
      %dma_wait3A_748 = arith.constant 0 : i32
      %dma_wait3A_749 = tpu.memref_slice %arg7[%dma_wait3A_741, %dma_wait3A_748] : memref<6x112xi32, #tpu.memory_space<vmem>> -> memref<1x112xi32, #tpu.memory_space<vmem>>
      %dma_wait3A_750 = tpu.memref_squeeze %dma_wait3A_749 : memref<1x112xi32, #tpu.memory_space<vmem>> -> memref<112xi32, #tpu.memory_space<vmem>>
      %dma_wait3A_751 = arith.constant 0 : i32
      %dma_wait3A_752 = tpu.memref_slice %arg4[%add3A, %dma_wait3A_740, %dma_wait3A_751] : memref<32x90x112xi32, #tpu.memory_space<hbm>> -> memref<1x1x112xi32, #tpu.memory_space<hbm>>
      %dma_wait3A_753 = tpu.memref_squeeze %dma_wait3A_752 : memref<1x1x112xi32, #tpu.memory_space<hbm>> -> memref<112xi32, #tpu.memory_space<hbm>>
      tpu.wait_dma2 semaphore(%arg10 : memref<!tpu.dma_semaphore, #tpu.memory_space<semaphore_mem>>) src(%dma_wait3A_753 : memref<112xi32, #tpu.memory_space<hbm>>) dst(%dma_wait3A_750 : memref<112xi32, #tpu.memory_space<vmem>>)
      %dma_start3A_754 = arith.constant 0 : i32
      %dma_start3A_755 = arith.constant 0 : i32
      %dma_start3A_756 = arith.constant 0 : i32
      %dma_start3A_757 = arith.constant 0 : i32
      %dma_start3A_758 = tpu.memref_slice %arg8[%dma_start3A_755, %dma_start3A_756, %dma_start3A_757] : memref<3x112x128xf32, #tpu.memory_space<vmem>> -> memref<1x112x128xf32, #tpu.memory_space<vmem>>
      %dma_start3A_759 = tpu.memref_squeeze %dma_start3A_758 : memref<1x112x128xf32, #tpu.memory_space<vmem>> -> memref<112x128xf32, #tpu.memory_space<vmem>>
      %dma_start3A_760 = arith.constant 0 : i32
      %dma_start3A_761 = tpu.memref_slice %arg6[%dma_start3A_754, %dma_start3A_760] : memref<6x112xi32, #tpu.memory_space<vmem>> -> memref<1x112xi32, #tpu.memory_space<vmem>>
      %dma_start3A_762 = tpu.memref_squeeze %dma_start3A_761 : memref<1x112xi32, #tpu.memory_space<vmem>> -> memref<112xi32, #tpu.memory_space<vmem>>
      %dma_start3A_763 = arith.constant 0 : i32
      %dma_start3A_764 = arith.constant 0 : i32
      %dma_start3A_765 = tpu.memref_slice %arg2[%dma_start3A_763, %dma_start3A_764] : memref<10112x128xf32, #tpu.memory_space<hbm>> -> memref<10112x128xf32, #tpu.memory_space<hbm>>
      tpu.enqueue_indirect_dma source(%dma_start3A_765 : memref<10112x128xf32, #tpu.memory_space<hbm>>) target(%dma_start3A_759 : memref<112x128xf32, #tpu.memory_space<vmem>>) offsets(%dma_start3A_762 : memref<112xi32, #tpu.memory_space<vmem>>) semaphore(%arg11 : memref<!tpu.dma_semaphore, #tpu.memory_space<semaphore_mem>>)
      %ge3A_766 = arith.constant 1 : i32
      %ge3A_767 = arith.cmpi sge, %add3A_723, %ge3A_766 : i32
      %convert_element_type3A_768 = arith.extui %ge3A_767 : i1 to i32
      %cond3A_769 = arith.constant 0 : i32
      %cond3A_770 = arith.cmpi ne, %convert_element_type3A_768, %cond3A_769 : i32
      scf.if %cond3A_770 {
        %dma_wait3A_1082 = arith.constant 0 : i32
        %dma_wait3A_1083 = arith.constant 2 : i32
        %dma_wait3A_1084 = arith.constant 0 : i32
        %dma_wait3A_1085 = arith.constant 0 : i32
        %dma_wait3A_1086 = tpu.memref_slice %arg8[%dma_wait3A_1083, %dma_wait3A_1084, %dma_wait3A_1085] : memref<3x112x128xf32, #tpu.memory_space<vmem>> -> memref<1x112x128xf32, #tpu.memory_space<vmem>>
        %dma_wait3A_1087 = tpu.memref_squeeze %dma_wait3A_1086 : memref<1x112x128xf32, #tpu.memory_space<vmem>> -> memref<112x128xf32, #tpu.memory_space<vmem>>
        %dma_wait3A_1088 = arith.constant 0 : i32
        %dma_wait3A_1089 = tpu.memref_slice %arg6[%dma_wait3A_1082, %dma_wait3A_1088] : memref<6x112xi32, #tpu.memory_space<vmem>> -> memref<1x112xi32, #tpu.memory_space<vmem>>
        %dma_wait3A_1090 = tpu.memref_squeeze %dma_wait3A_1089 : memref<1x112xi32, #tpu.memory_space<vmem>> -> memref<112xi32, #tpu.memory_space<vmem>>
        %dma_wait3A_1091 = arith.constant 0 : i32
        %dma_wait3A_1092 = arith.constant 0 : i32
        %dma_wait3A_1093 = tpu.memref_slice %arg2[%dma_wait3A_1091, %dma_wait3A_1092] : memref<10112x128xf32, #tpu.memory_space<hbm>> -> memref<10112x128xf32, #tpu.memory_space<hbm>>
        tpu.wait_indirect_dma semaphore(%arg11 : memref<!tpu.dma_semaphore, #tpu.memory_space<semaphore_mem>>) src(%dma_wait3A_1093 : memref<10112x128xf32, #tpu.memory_space<hbm>>) dst(%dma_wait3A_1087 : memref<112x128xf32, #tpu.memory_space<vmem>>)
        %dma_start3A_1094 = arith.constant 2 : i32
        %dma_start3A_1095 = arith.constant 5 : i32
        %dma_start3A_1096 = arith.constant 0 : i32
        %dma_start3A_1097 = arith.constant 0 : i32
        %dma_start3A_1098 = tpu.memref_slice %arg8[%dma_start3A_1094, %dma_start3A_1096, %dma_start3A_1097] : memref<3x112x128xf32, #tpu.memory_space<vmem>> -> memref<1x112x128xf32, #tpu.memory_space<vmem>>
        %dma_start3A_1099 = tpu.memref_squeeze %dma_start3A_1098 : memref<1x112x128xf32, #tpu.memory_space<vmem>> -> memref<112x128xf32, #tpu.memory_space<vmem>>
        %dma_start3A_1100 = arith.constant 0 : i32
        %dma_start3A_1101 = tpu.memref_slice %arg7[%dma_start3A_1095, %dma_start3A_1100] : memref<6x112xi32, #tpu.memory_space<vmem>> -> memref<1x112xi32, #tpu.memory_space<vmem>>
        %dma_start3A_1102 = tpu.memref_squeeze %dma_start3A_1101 : memref<1x112xi32, #tpu.memory_space<vmem>> -> memref<112xi32, #tpu.memory_space<vmem>>
        %dma_start3A_1103 = arith.constant 0 : i32
        %dma_start3A_1104 = arith.constant 0 : i32
        %dma_start3A_1105 = tpu.memref_slice %arg9[%dma_start3A_1103, %dma_start3A_1104] : memref<10112x128xf32, #tpu.memory_space<vmem_shared>> -> memref<10112x128xf32, #tpu.memory_space<vmem_shared>>
        tpu.enqueue_indirect_dma source(%dma_start3A_1099 : memref<112x128xf32, #tpu.memory_space<vmem>>) target(%dma_start3A_1105 : memref<10112x128xf32, #tpu.memory_space<vmem_shared>>) offsets(%dma_start3A_1102 : memref<112xi32, #tpu.memory_space<vmem>>) semaphore(%arg12 : memref<!tpu.dma_semaphore, #tpu.memory_space<semaphore_mem>>) {add = true}
      } else {
      }
      %add3A_771 = arith.constant 3 : i32
      %add3A_772 = arith.addi %add3A_723, %add3A_771 : i32
      %le3A = arith.constant 89 : i32
      %le3A_773 = arith.cmpi sle, %add3A_772, %le3A : i32
      %convert_element_type3A_774 = arith.extui %le3A_773 : i1 to i32
      %cond3A_775 = arith.constant 0 : i32
      %cond3A_776 = arith.cmpi ne, %convert_element_type3A_774, %cond3A_775 : i32
      scf.if %cond3A_776 {
        %add3A_1082 = arith.constant 3 : i32
        %add3A_1083 = arith.addi %add3A_723, %add3A_1082 : i32
        %dma_start3A_1084 = arith.constant 3 : i32
        %dma_start3A_1085 = arith.constant 0 : i32
        %dma_start3A_1086 = tpu.memref_slice %arg6[%dma_start3A_1084, %dma_start3A_1085] : memref<6x112xi32, #tpu.memory_space<vmem>> -> memref<1x112xi32, #tpu.memory_space<vmem>>
        %dma_start3A_1087 = tpu.memref_squeeze %dma_start3A_1086 : memref<1x112xi32, #tpu.memory_space<vmem>> -> memref<112xi32, #tpu.memory_space<vmem>>
        %dma_start3A_1088 = arith.constant 0 : i32
        %dma_start3A_1089 = tpu.memref_slice %arg3[%add3A, %add3A_1083, %dma_start3A_1088] : memref<32x90x112xi32, #tpu.memory_space<hbm>> -> memref<1x1x112xi32, #tpu.memory_space<hbm>>
        %dma_start3A_1090 = tpu.memref_squeeze %dma_start3A_1089 : memref<1x1x112xi32, #tpu.memory_space<hbm>> -> memref<112xi32, #tpu.memory_space<hbm>>
        %dma_start3A_1091 = arith.constant 0 : i32
        %dma_start3A_1092 = tpu.memref_slice %arg6[%dma_start3A_1084, %dma_start3A_1091] : memref<6x112xi32, #tpu.memory_space<vmem>> -> memref<1x112xi32, #tpu.memory_space<vmem>>
        %dma_start3A_1093 = tpu.memref_squeeze %dma_start3A_1092 : memref<1x112xi32, #tpu.memory_space<vmem>> -> memref<112xi32, #tpu.memory_space<vmem>>
        %dma_start3A_1094 = arith.constant 0 : i32
        %dma_start3A_1095 = tpu.memref_slice %arg3[%add3A, %add3A_1083, %dma_start3A_1094] : memref<32x90x112xi32, #tpu.memory_space<hbm>> -> memref<1x1x112xi32, #tpu.memory_space<hbm>>
        %dma_start3A_1096 = tpu.memref_squeeze %dma_start3A_1095 : memref<1x1x112xi32, #tpu.memory_space<hbm>> -> memref<112xi32, #tpu.memory_space<hbm>>
        tpu.enqueue_dma source(%dma_start3A_1096 : memref<112xi32, #tpu.memory_space<hbm>>) target(%dma_start3A_1093 : memref<112xi32, #tpu.memory_space<vmem>>) target_semaphore(%arg10 : memref<!tpu.dma_semaphore, #tpu.memory_space<semaphore_mem>>)
        %dma_start3A_1097 = arith.constant 3 : i32
        %dma_start3A_1098 = arith.constant 0 : i32
        %dma_start3A_1099 = tpu.memref_slice %arg7[%dma_start3A_1097, %dma_start3A_1098] : memref<6x112xi32, #tpu.memory_space<vmem>> -> memref<1x112xi32, #tpu.memory_space<vmem>>
        %dma_start3A_1100 = tpu.memref_squeeze %dma_start3A_1099 : memref<1x112xi32, #tpu.memory_space<vmem>> -> memref<112xi32, #tpu.memory_space<vmem>>
        %dma_start3A_1101 = arith.constant 0 : i32
        %dma_start3A_1102 = tpu.memref_slice %arg4[%add3A, %add3A_1083, %dma_start3A_1101] : memref<32x90x112xi32, #tpu.memory_space<hbm>> -> memref<1x1x112xi32, #tpu.memory_space<hbm>>
        %dma_start3A_1103 = tpu.memref_squeeze %dma_start3A_1102 : memref<1x1x112xi32, #tpu.memory_space<hbm>> -> memref<112xi32, #tpu.memory_space<hbm>>
        %dma_start3A_1104 = arith.constant 0 : i32
        %dma_start3A_1105 = tpu.memref_slice %arg7[%dma_start3A_1097, %dma_start3A_1104] : memref<6x112xi32, #tpu.memory_space<vmem>> -> memref<1x112xi32, #tpu.memory_space<vmem>>
        %dma_start3A_1106 = tpu.memref_squeeze %dma_start3A_1105 : memref<1x112xi32, #tpu.memory_space<vmem>> -> memref<112xi32, #tpu.memory_space<vmem>>
        %dma_start3A_1107 = arith.constant 0 : i32
        %dma_start3A_1108 = tpu.memref_slice %arg4[%add3A, %add3A_1083, %dma_start3A_1107] : memref<32x90x112xi32, #tpu.memory_space<hbm>> -> memref<1x1x112xi32, #tpu.memory_space<hbm>>
        %dma_start3A_1109 = tpu.memref_squeeze %dma_start3A_1108 : memref<1x1x112xi32, #tpu.memory_space<hbm>> -> memref<112xi32, #tpu.memory_space<hbm>>
        tpu.enqueue_dma source(%dma_start3A_1109 : memref<112xi32, #tpu.memory_space<hbm>>) target(%dma_start3A_1106 : memref<112xi32, #tpu.memory_space<vmem>>) target_semaphore(%arg10 : memref<!tpu.dma_semaphore, #tpu.memory_space<semaphore_mem>>)
      } else {
      }
      %mul3A_777 = arith.constant 6 : i32
      %mul3A_778 = arith.muli %mul3A_777, %scan3A_719 : i32
      %add3A_779 = arith.constant 1 : i32
      %add3A_780 = arith.addi %mul3A_778, %add3A_779 : i32
      %ge3A_781 = arith.constant 3 : i32
      %ge3A_782 = arith.cmpi sge, %add3A_780, %ge3A_781 : i32
      %convert_element_type3A_783 = arith.extui %ge3A_782 : i1 to i32
      %cond3A_784 = arith.constant 0 : i32
      %cond3A_785 = arith.cmpi ne, %convert_element_type3A_783, %cond3A_784 : i32
      scf.if %cond3A_785 {
        %dma_wait3A_1082 = arith.constant 1 : i32
        %dma_wait3A_1083 = arith.constant 0 : i32
        %dma_wait3A_1084 = arith.constant 0 : i32
        %dma_wait3A_1085 = arith.constant 0 : i32
        %dma_wait3A_1086 = tpu.memref_slice %arg8[%dma_wait3A_1082, %dma_wait3A_1084, %dma_wait3A_1085] : memref<3x112x128xf32, #tpu.memory_space<vmem>> -> memref<1x112x128xf32, #tpu.memory_space<vmem>>
        %dma_wait3A_1087 = tpu.memref_squeeze %dma_wait3A_1086 : memref<1x112x128xf32, #tpu.memory_space<vmem>> -> memref<112x128xf32, #tpu.memory_space<vmem>>
        %dma_wait3A_1088 = arith.constant 0 : i32
        %dma_wait3A_1089 = tpu.memref_slice %arg7[%dma_wait3A_1083, %dma_wait3A_1088] : memref<6x112xi32, #tpu.memory_space<vmem>> -> memref<1x112xi32, #tpu.memory_space<vmem>>
        %dma_wait3A_1090 = tpu.memref_squeeze %dma_wait3A_1089 : memref<1x112xi32, #tpu.memory_space<vmem>> -> memref<112xi32, #tpu.memory_space<vmem>>
        %dma_wait3A_1091 = arith.constant 0 : i32
        %dma_wait3A_1092 = arith.constant 0 : i32
        %dma_wait3A_1093 = tpu.memref_slice %arg9[%dma_wait3A_1091, %dma_wait3A_1092] : memref<10112x128xf32, #tpu.memory_space<vmem_shared>> -> memref<10112x128xf32, #tpu.memory_space<vmem_shared>>
        tpu.wait_indirect_dma semaphore(%arg12 : memref<!tpu.dma_semaphore, #tpu.memory_space<semaphore_mem>>) src(%dma_wait3A_1087 : memref<112x128xf32, #tpu.memory_space<vmem>>) dst(%dma_wait3A_1093 : memref<10112x128xf32, #tpu.memory_space<vmem_shared>>)
      } else {
      }
      %dma_wait3A_786 = arith.constant 0 : i32
      %dma_wait3A_787 = arith.constant 1 : i32
      %dma_wait3A_788 = arith.constant 0 : i32
      %dma_wait3A_789 = tpu.memref_slice %arg6[%dma_wait3A_787, %dma_wait3A_788] : memref<6x112xi32, #tpu.memory_space<vmem>> -> memref<1x112xi32, #tpu.memory_space<vmem>>
      %dma_wait3A_790 = tpu.memref_squeeze %dma_wait3A_789 : memref<1x112xi32, #tpu.memory_space<vmem>> -> memref<112xi32, #tpu.memory_space<vmem>>
      %dma_wait3A_791 = arith.constant 0 : i32
      %dma_wait3A_792 = tpu.memref_slice %arg3[%add3A, %dma_wait3A_786, %dma_wait3A_791] : memref<32x90x112xi32, #tpu.memory_space<hbm>> -> memref<1x1x112xi32, #tpu.memory_space<hbm>>
      %dma_wait3A_793 = tpu.memref_squeeze %dma_wait3A_792 : memref<1x1x112xi32, #tpu.memory_space<hbm>> -> memref<112xi32, #tpu.memory_space<hbm>>
      %dma_wait3A_794 = arith.constant 0 : i32
      %dma_wait3A_795 = tpu.memref_slice %arg6[%dma_wait3A_787, %dma_wait3A_794] : memref<6x112xi32, #tpu.memory_space<vmem>> -> memref<1x112xi32, #tpu.memory_space<vmem>>
      %dma_wait3A_796 = tpu.memref_squeeze %dma_wait3A_795 : memref<1x112xi32, #tpu.memory_space<vmem>> -> memref<112xi32, #tpu.memory_space<vmem>>
      %dma_wait3A_797 = arith.constant 0 : i32
      %dma_wait3A_798 = tpu.memref_slice %arg3[%add3A, %dma_wait3A_786, %dma_wait3A_797] : memref<32x90x112xi32, #tpu.memory_space<hbm>> -> memref<1x1x112xi32, #tpu.memory_space<hbm>>
      %dma_wait3A_799 = tpu.memref_squeeze %dma_wait3A_798 : memref<1x1x112xi32, #tpu.memory_space<hbm>> -> memref<112xi32, #tpu.memory_space<hbm>>
      tpu.wait_dma2 semaphore(%arg10 : memref<!tpu.dma_semaphore, #tpu.memory_space<semaphore_mem>>) src(%dma_wait3A_799 : memref<112xi32, #tpu.memory_space<hbm>>) dst(%dma_wait3A_796 : memref<112xi32, #tpu.memory_space<vmem>>)
      %dma_wait3A_800 = arith.constant 0 : i32
      %dma_wait3A_801 = arith.constant 1 : i32
      %dma_wait3A_802 = arith.constant 0 : i32
      %dma_wait3A_803 = tpu.memref_slice %arg7[%dma_wait3A_801, %dma_wait3A_802] : memref<6x112xi32, #tpu.memory_space<vmem>> -> memref<1x112xi32, #tpu.memory_space<vmem>>
      %dma_wait3A_804 = tpu.memref_squeeze %dma_wait3A_803 : memref<1x112xi32, #tpu.memory_space<vmem>> -> memref<112xi32, #tpu.memory_space<vmem>>
      %dma_wait3A_805 = arith.constant 0 : i32
      %dma_wait3A_806 = tpu.memref_slice %arg4[%add3A, %dma_wait3A_800, %dma_wait3A_805] : memref<32x90x112xi32, #tpu.memory_space<hbm>> -> memref<1x1x112xi32, #tpu.memory_space<hbm>>
      %dma_wait3A_807 = tpu.memref_squeeze %dma_wait3A_806 : memref<1x1x112xi32, #tpu.memory_space<hbm>> -> memref<112xi32, #tpu.memory_space<hbm>>
      %dma_wait3A_808 = arith.constant 0 : i32
      %dma_wait3A_809 = tpu.memref_slice %arg7[%dma_wait3A_801, %dma_wait3A_808] : memref<6x112xi32, #tpu.memory_space<vmem>> -> memref<1x112xi32, #tpu.memory_space<vmem>>
      %dma_wait3A_810 = tpu.memref_squeeze %dma_wait3A_809 : memref<1x112xi32, #tpu.memory_space<vmem>> -> memref<112xi32, #tpu.memory_space<vmem>>
      %dma_wait3A_811 = arith.constant 0 : i32
      %dma_wait3A_812 = tpu.memref_slice %arg4[%add3A, %dma_wait3A_800, %dma_wait3A_811] : memref<32x90x112xi32, #tpu.memory_space<hbm>> -> memref<1x1x112xi32, #tpu.memory_space<hbm>>
      %dma_wait3A_813 = tpu.memref_squeeze %dma_wait3A_812 : memref<1x1x112xi32, #tpu.memory_space<hbm>> -> memref<112xi32, #tpu.memory_space<hbm>>
      tpu.wait_dma2 semaphore(%arg10 : memref<!tpu.dma_semaphore, #tpu.memory_space<semaphore_mem>>) src(%dma_wait3A_813 : memref<112xi32, #tpu.memory_space<hbm>>) dst(%dma_wait3A_810 : memref<112xi32, #tpu.memory_space<vmem>>)
      %dma_start3A_814 = arith.constant 1 : i32
      %dma_start3A_815 = arith.constant 1 : i32
      %dma_start3A_816 = arith.constant 0 : i32
      %dma_start3A_817 = arith.constant 0 : i32
      %dma_start3A_818 = tpu.memref_slice %arg8[%dma_start3A_815, %dma_start3A_816, %dma_start3A_817] : memref<3x112x128xf32, #tpu.memory_space<vmem>> -> memref<1x112x128xf32, #tpu.memory_space<vmem>>
      %dma_start3A_819 = tpu.memref_squeeze %dma_start3A_818 : memref<1x112x128xf32, #tpu.memory_space<vmem>> -> memref<112x128xf32, #tpu.memory_space<vmem>>
      %dma_start3A_820 = arith.constant 0 : i32
      %dma_start3A_821 = tpu.memref_slice %arg6[%dma_start3A_814, %dma_start3A_820] : memref<6x112xi32, #tpu.memory_space<vmem>> -> memref<1x112xi32, #tpu.memory_space<vmem>>
      %dma_start3A_822 = tpu.memref_squeeze %dma_start3A_821 : memref<1x112xi32, #tpu.memory_space<vmem>> -> memref<112xi32, #tpu.memory_space<vmem>>
      %dma_start3A_823 = arith.constant 0 : i32
      %dma_start3A_824 = arith.constant 0 : i32
      %dma_start3A_825 = tpu.memref_slice %arg2[%dma_start3A_823, %dma_start3A_824] : memref<10112x128xf32, #tpu.memory_space<hbm>> -> memref<10112x128xf32, #tpu.memory_space<hbm>>
      tpu.enqueue_indirect_dma source(%dma_start3A_825 : memref<10112x128xf32, #tpu.memory_space<hbm>>) target(%dma_start3A_819 : memref<112x128xf32, #tpu.memory_space<vmem>>) offsets(%dma_start3A_822 : memref<112xi32, #tpu.memory_space<vmem>>) semaphore(%arg11 : memref<!tpu.dma_semaphore, #tpu.memory_space<semaphore_mem>>)
      %ge3A_826 = arith.constant 1 : i32
      %ge3A_827 = arith.cmpi sge, %add3A_780, %ge3A_826 : i32
      %convert_element_type3A_828 = arith.extui %ge3A_827 : i1 to i32
      %cond3A_829 = arith.constant 0 : i32
      %cond3A_830 = arith.cmpi ne, %convert_element_type3A_828, %cond3A_829 : i32
      scf.if %cond3A_830 {
        %dma_wait3A_1082 = arith.constant 0 : i32
        %dma_wait3A_1083 = arith.constant 0 : i32
        %dma_wait3A_1084 = arith.constant 0 : i32
        %dma_wait3A_1085 = arith.constant 0 : i32
        %dma_wait3A_1086 = tpu.memref_slice %arg8[%dma_wait3A_1083, %dma_wait3A_1084, %dma_wait3A_1085] : memref<3x112x128xf32, #tpu.memory_space<vmem>> -> memref<1x112x128xf32, #tpu.memory_space<vmem>>
        %dma_wait3A_1087 = tpu.memref_squeeze %dma_wait3A_1086 : memref<1x112x128xf32, #tpu.memory_space<vmem>> -> memref<112x128xf32, #tpu.memory_space<vmem>>
        %dma_wait3A_1088 = arith.constant 0 : i32
        %dma_wait3A_1089 = tpu.memref_slice %arg6[%dma_wait3A_1082, %dma_wait3A_1088] : memref<6x112xi32, #tpu.memory_space<vmem>> -> memref<1x112xi32, #tpu.memory_space<vmem>>
        %dma_wait3A_1090 = tpu.memref_squeeze %dma_wait3A_1089 : memref<1x112xi32, #tpu.memory_space<vmem>> -> memref<112xi32, #tpu.memory_space<vmem>>
        %dma_wait3A_1091 = arith.constant 0 : i32
        %dma_wait3A_1092 = arith.constant 0 : i32
        %dma_wait3A_1093 = tpu.memref_slice %arg2[%dma_wait3A_1091, %dma_wait3A_1092] : memref<10112x128xf32, #tpu.memory_space<hbm>> -> memref<10112x128xf32, #tpu.memory_space<hbm>>
        tpu.wait_indirect_dma semaphore(%arg11 : memref<!tpu.dma_semaphore, #tpu.memory_space<semaphore_mem>>) src(%dma_wait3A_1093 : memref<10112x128xf32, #tpu.memory_space<hbm>>) dst(%dma_wait3A_1087 : memref<112x128xf32, #tpu.memory_space<vmem>>)
        %dma_start3A_1094 = arith.constant 0 : i32
        %dma_start3A_1095 = arith.constant 0 : i32
        %dma_start3A_1096 = arith.constant 0 : i32
        %dma_start3A_1097 = arith.constant 0 : i32
        %dma_start3A_1098 = tpu.memref_slice %arg8[%dma_start3A_1094, %dma_start3A_1096, %dma_start3A_1097] : memref<3x112x128xf32, #tpu.memory_space<vmem>> -> memref<1x112x128xf32, #tpu.memory_space<vmem>>
        %dma_start3A_1099 = tpu.memref_squeeze %dma_start3A_1098 : memref<1x112x128xf32, #tpu.memory_space<vmem>> -> memref<112x128xf32, #tpu.memory_space<vmem>>
        %dma_start3A_1100 = arith.constant 0 : i32
        %dma_start3A_1101 = tpu.memref_slice %arg7[%dma_start3A_1095, %dma_start3A_1100] : memref<6x112xi32, #tpu.memory_space<vmem>> -> memref<1x112xi32, #tpu.memory_space<vmem>>
        %dma_start3A_1102 = tpu.memref_squeeze %dma_start3A_1101 : memref<1x112xi32, #tpu.memory_space<vmem>> -> memref<112xi32, #tpu.memory_space<vmem>>
        %dma_start3A_1103 = arith.constant 0 : i32
        %dma_start3A_1104 = arith.constant 0 : i32
        %dma_start3A_1105 = tpu.memref_slice %arg9[%dma_start3A_1103, %dma_start3A_1104] : memref<10112x128xf32, #tpu.memory_space<vmem_shared>> -> memref<10112x128xf32, #tpu.memory_space<vmem_shared>>
        tpu.enqueue_indirect_dma source(%dma_start3A_1099 : memref<112x128xf32, #tpu.memory_space<vmem>>) target(%dma_start3A_1105 : memref<10112x128xf32, #tpu.memory_space<vmem_shared>>) offsets(%dma_start3A_1102 : memref<112xi32, #tpu.memory_space<vmem>>) semaphore(%arg12 : memref<!tpu.dma_semaphore, #tpu.memory_space<semaphore_mem>>) {add = true}
      } else {
      }
      %add3A_831 = arith.constant 3 : i32
      %add3A_832 = arith.addi %add3A_780, %add3A_831 : i32
      %le3A_833 = arith.constant 89 : i32
      %le3A_834 = arith.cmpi sle, %add3A_832, %le3A_833 : i32
      %convert_element_type3A_835 = arith.extui %le3A_834 : i1 to i32
      %cond3A_836 = arith.constant 0 : i32
      %cond3A_837 = arith.cmpi ne, %convert_element_type3A_835, %cond3A_836 : i32
      scf.if %cond3A_837 {
        %add3A_1082 = arith.constant 3 : i32
        %add3A_1083 = arith.addi %add3A_780, %add3A_1082 : i32
        %dma_start3A_1084 = arith.constant 4 : i32
        %dma_start3A_1085 = arith.constant 0 : i32
        %dma_start3A_1086 = tpu.memref_slice %arg6[%dma_start3A_1084, %dma_start3A_1085] : memref<6x112xi32, #tpu.memory_space<vmem>> -> memref<1x112xi32, #tpu.memory_space<vmem>>
        %dma_start3A_1087 = tpu.memref_squeeze %dma_start3A_1086 : memref<1x112xi32, #tpu.memory_space<vmem>> -> memref<112xi32, #tpu.memory_space<vmem>>
        %dma_start3A_1088 = arith.constant 0 : i32
        %dma_start3A_1089 = tpu.memref_slice %arg3[%add3A, %add3A_1083, %dma_start3A_1088] : memref<32x90x112xi32, #tpu.memory_space<hbm>> -> memref<1x1x112xi32, #tpu.memory_space<hbm>>
        %dma_start3A_1090 = tpu.memref_squeeze %dma_start3A_1089 : memref<1x1x112xi32, #tpu.memory_space<hbm>> -> memref<112xi32, #tpu.memory_space<hbm>>
        %dma_start3A_1091 = arith.constant 0 : i32
        %dma_start3A_1092 = tpu.memref_slice %arg6[%dma_start3A_1084, %dma_start3A_1091] : memref<6x112xi32, #tpu.memory_space<vmem>> -> memref<1x112xi32, #tpu.memory_space<vmem>>
        %dma_start3A_1093 = tpu.memref_squeeze %dma_start3A_1092 : memref<1x112xi32, #tpu.memory_space<vmem>> -> memref<112xi32, #tpu.memory_space<vmem>>
        %dma_start3A_1094 = arith.constant 0 : i32
        %dma_start3A_1095 = tpu.memref_slice %arg3[%add3A, %add3A_1083, %dma_start3A_1094] : memref<32x90x112xi32, #tpu.memory_space<hbm>> -> memref<1x1x112xi32, #tpu.memory_space<hbm>>
        %dma_start3A_1096 = tpu.memref_squeeze %dma_start3A_1095 : memref<1x1x112xi32, #tpu.memory_space<hbm>> -> memref<112xi32, #tpu.memory_space<hbm>>
        tpu.enqueue_dma source(%dma_start3A_1096 : memref<112xi32, #tpu.memory_space<hbm>>) target(%dma_start3A_1093 : memref<112xi32, #tpu.memory_space<vmem>>) target_semaphore(%arg10 : memref<!tpu.dma_semaphore, #tpu.memory_space<semaphore_mem>>)
        %dma_start3A_1097 = arith.constant 4 : i32
        %dma_start3A_1098 = arith.constant 0 : i32
        %dma_start3A_1099 = tpu.memref_slice %arg7[%dma_start3A_1097, %dma_start3A_1098] : memref<6x112xi32, #tpu.memory_space<vmem>> -> memref<1x112xi32, #tpu.memory_space<vmem>>
        %dma_start3A_1100 = tpu.memref_squeeze %dma_start3A_1099 : memref<1x112xi32, #tpu.memory_space<vmem>> -> memref<112xi32, #tpu.memory_space<vmem>>
        %dma_start3A_1101 = arith.constant 0 : i32
        %dma_start3A_1102 = tpu.memref_slice %arg4[%add3A, %add3A_1083, %dma_start3A_1101] : memref<32x90x112xi32, #tpu.memory_space<hbm>> -> memref<1x1x112xi32, #tpu.memory_space<hbm>>
        %dma_start3A_1103 = tpu.memref_squeeze %dma_start3A_1102 : memref<1x1x112xi32, #tpu.memory_space<hbm>> -> memref<112xi32, #tpu.memory_space<hbm>>
        %dma_start3A_1104 = arith.constant 0 : i32
        %dma_start3A_1105 = tpu.memref_slice %arg7[%dma_start3A_1097, %dma_start3A_1104] : memref<6x112xi32, #tpu.memory_space<vmem>> -> memref<1x112xi32, #tpu.memory_space<vmem>>
        %dma_start3A_1106 = tpu.memref_squeeze %dma_start3A_1105 : memref<1x112xi32, #tpu.memory_space<vmem>> -> memref<112xi32, #tpu.memory_space<vmem>>
        %dma_start3A_1107 = arith.constant 0 : i32
        %dma_start3A_1108 = tpu.memref_slice %arg4[%add3A, %add3A_1083, %dma_start3A_1107] : memref<32x90x112xi32, #tpu.memory_space<hbm>> -> memref<1x1x112xi32, #tpu.memory_space<hbm>>
        %dma_start3A_1109 = tpu.memref_squeeze %dma_start3A_1108 : memref<1x1x112xi32, #tpu.memory_space<hbm>> -> memref<112xi32, #tpu.memory_space<hbm>>
        tpu.enqueue_dma source(%dma_start3A_1109 : memref<112xi32, #tpu.memory_space<hbm>>) target(%dma_start3A_1106 : memref<112xi32, #tpu.memory_space<vmem>>) target_semaphore(%arg10 : memref<!tpu.dma_semaphore, #tpu.memory_space<semaphore_mem>>)
      } else {
      }
      %mul3A_838 = arith.constant 6 : i32
      %mul3A_839 = arith.muli %mul3A_838, %scan3A_719 : i32
      %add3A_840 = arith.constant 2 : i32
      %add3A_841 = arith.addi %mul3A_839, %add3A_840 : i32
      %ge3A_842 = arith.constant 3 : i32
      %ge3A_843 = arith.cmpi sge, %add3A_841, %ge3A_842 : i32
      %convert_element_type3A_844 = arith.extui %ge3A_843 : i1 to i32
      %cond3A_845 = arith.constant 0 : i32
      %cond3A_846 = arith.cmpi ne, %convert_element_type3A_844, %cond3A_845 : i32
      scf.if %cond3A_846 {
        %dma_wait3A_1082 = arith.constant 2 : i32
        %dma_wait3A_1083 = arith.constant 0 : i32
        %dma_wait3A_1084 = arith.constant 0 : i32
        %dma_wait3A_1085 = arith.constant 0 : i32
        %dma_wait3A_1086 = tpu.memref_slice %arg8[%dma_wait3A_1082, %dma_wait3A_1084, %dma_wait3A_1085] : memref<3x112x128xf32, #tpu.memory_space<vmem>> -> memref<1x112x128xf32, #tpu.memory_space<vmem>>
        %dma_wait3A_1087 = tpu.memref_squeeze %dma_wait3A_1086 : memref<1x112x128xf32, #tpu.memory_space<vmem>> -> memref<112x128xf32, #tpu.memory_space<vmem>>
        %dma_wait3A_1088 = arith.constant 0 : i32
        %dma_wait3A_1089 = tpu.memref_slice %arg7[%dma_wait3A_1083, %dma_wait3A_1088] : memref<6x112xi32, #tpu.memory_space<vmem>> -> memref<1x112xi32, #tpu.memory_space<vmem>>
        %dma_wait3A_1090 = tpu.memref_squeeze %dma_wait3A_1089 : memref<1x112xi32, #tpu.memory_space<vmem>> -> memref<112xi32, #tpu.memory_space<vmem>>
        %dma_wait3A_1091 = arith.constant 0 : i32
        %dma_wait3A_1092 = arith.constant 0 : i32
        %dma_wait3A_1093 = tpu.memref_slice %arg9[%dma_wait3A_1091, %dma_wait3A_1092] : memref<10112x128xf32, #tpu.memory_space<vmem_shared>> -> memref<10112x128xf32, #tpu.memory_space<vmem_shared>>
        tpu.wait_indirect_dma semaphore(%arg12 : memref<!tpu.dma_semaphore, #tpu.memory_space<semaphore_mem>>) src(%dma_wait3A_1087 : memref<112x128xf32, #tpu.memory_space<vmem>>) dst(%dma_wait3A_1093 : memref<10112x128xf32, #tpu.memory_space<vmem_shared>>)
      } else {
      }
      %dma_wait3A_847 = arith.constant 0 : i32
      %dma_wait3A_848 = arith.constant 2 : i32
      %dma_wait3A_849 = arith.constant 0 : i32
      %dma_wait3A_850 = tpu.memref_slice %arg6[%dma_wait3A_848, %dma_wait3A_849] : memref<6x112xi32, #tpu.memory_space<vmem>> -> memref<1x112xi32, #tpu.memory_space<vmem>>
      %dma_wait3A_851 = tpu.memref_squeeze %dma_wait3A_850 : memref<1x112xi32, #tpu.memory_space<vmem>> -> memref<112xi32, #tpu.memory_space<vmem>>
      %dma_wait3A_852 = arith.constant 0 : i32
      %dma_wait3A_853 = tpu.memref_slice %arg3[%add3A, %dma_wait3A_847, %dma_wait3A_852] : memref<32x90x112xi32, #tpu.memory_space<hbm>> -> memref<1x1x112xi32, #tpu.memory_space<hbm>>
      %dma_wait3A_854 = tpu.memref_squeeze %dma_wait3A_853 : memref<1x1x112xi32, #tpu.memory_space<hbm>> -> memref<112xi32, #tpu.memory_space<hbm>>
      %dma_wait3A_855 = arith.constant 0 : i32
      %dma_wait3A_856 = tpu.memref_slice %arg6[%dma_wait3A_848, %dma_wait3A_855] : memref<6x112xi32, #tpu.memory_space<vmem>> -> memref<1x112xi32, #tpu.memory_space<vmem>>
      %dma_wait3A_857 = tpu.memref_squeeze %dma_wait3A_856 : memref<1x112xi32, #tpu.memory_space<vmem>> -> memref<112xi32, #tpu.memory_space<vmem>>
      %dma_wait3A_858 = arith.constant 0 : i32
      %dma_wait3A_859 = tpu.memref_slice %arg3[%add3A, %dma_wait3A_847, %dma_wait3A_858] : memref<32x90x112xi32, #tpu.memory_space<hbm>> -> memref<1x1x112xi32, #tpu.memory_space<hbm>>
      %dma_wait3A_860 = tpu.memref_squeeze %dma_wait3A_859 : memref<1x1x112xi32, #tpu.memory_space<hbm>> -> memref<112xi32, #tpu.memory_space<hbm>>
      tpu.wait_dma2 semaphore(%arg10 : memref<!tpu.dma_semaphore, #tpu.memory_space<semaphore_mem>>) src(%dma_wait3A_860 : memref<112xi32, #tpu.memory_space<hbm>>) dst(%dma_wait3A_857 : memref<112xi32, #tpu.memory_space<vmem>>)
      %dma_wait3A_861 = arith.constant 0 : i32
      %dma_wait3A_862 = arith.constant 2 : i32
      %dma_wait3A_863 = arith.constant 0 : i32
      %dma_wait3A_864 = tpu.memref_slice %arg7[%dma_wait3A_862, %dma_wait3A_863] : memref<6x112xi32, #tpu.memory_space<vmem>> -> memref<1x112xi32, #tpu.memory_space<vmem>>
      %dma_wait3A_865 = tpu.memref_squeeze %dma_wait3A_864 : memref<1x112xi32, #tpu.memory_space<vmem>> -> memref<112xi32, #tpu.memory_space<vmem>>
      %dma_wait3A_866 = arith.constant 0 : i32
      %dma_wait3A_867 = tpu.memref_slice %arg4[%add3A, %dma_wait3A_861, %dma_wait3A_866] : memref<32x90x112xi32, #tpu.memory_space<hbm>> -> memref<1x1x112xi32, #tpu.memory_space<hbm>>
      %dma_wait3A_868 = tpu.memref_squeeze %dma_wait3A_867 : memref<1x1x112xi32, #tpu.memory_space<hbm>> -> memref<112xi32, #tpu.memory_space<hbm>>
      %dma_wait3A_869 = arith.constant 0 : i32
      %dma_wait3A_870 = tpu.memref_slice %arg7[%dma_wait3A_862, %dma_wait3A_869] : memref<6x112xi32, #tpu.memory_space<vmem>> -> memref<1x112xi32, #tpu.memory_space<vmem>>
      %dma_wait3A_871 = tpu.memref_squeeze %dma_wait3A_870 : memref<1x112xi32, #tpu.memory_space<vmem>> -> memref<112xi32, #tpu.memory_space<vmem>>
      %dma_wait3A_872 = arith.constant 0 : i32
      %dma_wait3A_873 = tpu.memref_slice %arg4[%add3A, %dma_wait3A_861, %dma_wait3A_872] : memref<32x90x112xi32, #tpu.memory_space<hbm>> -> memref<1x1x112xi32, #tpu.memory_space<hbm>>
      %dma_wait3A_874 = tpu.memref_squeeze %dma_wait3A_873 : memref<1x1x112xi32, #tpu.memory_space<hbm>> -> memref<112xi32, #tpu.memory_space<hbm>>
      tpu.wait_dma2 semaphore(%arg10 : memref<!tpu.dma_semaphore, #tpu.memory_space<semaphore_mem>>) src(%dma_wait3A_874 : memref<112xi32, #tpu.memory_space<hbm>>) dst(%dma_wait3A_871 : memref<112xi32, #tpu.memory_space<vmem>>)
      %dma_start3A_875 = arith.constant 2 : i32
      %dma_start3A_876 = arith.constant 2 : i32
      %dma_start3A_877 = arith.constant 0 : i32
      %dma_start3A_878 = arith.constant 0 : i32
      %dma_start3A_879 = tpu.memref_slice %arg8[%dma_start3A_876, %dma_start3A_877, %dma_start3A_878] : memref<3x112x128xf32, #tpu.memory_space<vmem>> -> memref<1x112x128xf32, #tpu.memory_space<vmem>>
      %dma_start3A_880 = tpu.memref_squeeze %dma_start3A_879 : memref<1x112x128xf32, #tpu.memory_space<vmem>> -> memref<112x128xf32, #tpu.memory_space<vmem>>
      %dma_start3A_881 = arith.constant 0 : i32
      %dma_start3A_882 = tpu.memref_slice %arg6[%dma_start3A_875, %dma_start3A_881] : memref<6x112xi32, #tpu.memory_space<vmem>> -> memref<1x112xi32, #tpu.memory_space<vmem>>
      %dma_start3A_883 = tpu.memref_squeeze %dma_start3A_882 : memref<1x112xi32, #tpu.memory_space<vmem>> -> memref<112xi32, #tpu.memory_space<vmem>>
      %dma_start3A_884 = arith.constant 0 : i32
      %dma_start3A_885 = arith.constant 0 : i32
      %dma_start3A_886 = tpu.memref_slice %arg2[%dma_start3A_884, %dma_start3A_885] : memref<10112x128xf32, #tpu.memory_space<hbm>> -> memref<10112x128xf32, #tpu.memory_space<hbm>>
      tpu.enqueue_indirect_dma source(%dma_start3A_886 : memref<10112x128xf32, #tpu.memory_space<hbm>>) target(%dma_start3A_880 : memref<112x128xf32, #tpu.memory_space<vmem>>) offsets(%dma_start3A_883 : memref<112xi32, #tpu.memory_space<vmem>>) semaphore(%arg11 : memref<!tpu.dma_semaphore, #tpu.memory_space<semaphore_mem>>)
      %ge3A_887 = arith.constant 1 : i32
      %ge3A_888 = arith.cmpi sge, %add3A_841, %ge3A_887 : i32
      %convert_element_type3A_889 = arith.extui %ge3A_888 : i1 to i32
      %cond3A_890 = arith.constant 0 : i32
      %cond3A_891 = arith.cmpi ne, %convert_element_type3A_889, %cond3A_890 : i32
      scf.if %cond3A_891 {
        %dma_wait3A_1082 = arith.constant 0 : i32
        %dma_wait3A_1083 = arith.constant 1 : i32
        %dma_wait3A_1084 = arith.constant 0 : i32
        %dma_wait3A_1085 = arith.constant 0 : i32
        %dma_wait3A_1086 = tpu.memref_slice %arg8[%dma_wait3A_1083, %dma_wait3A_1084, %dma_wait3A_1085] : memref<3x112x128xf32, #tpu.memory_space<vmem>> -> memref<1x112x128xf32, #tpu.memory_space<vmem>>
        %dma_wait3A_1087 = tpu.memref_squeeze %dma_wait3A_1086 : memref<1x112x128xf32, #tpu.memory_space<vmem>> -> memref<112x128xf32, #tpu.memory_space<vmem>>
        %dma_wait3A_1088 = arith.constant 0 : i32
        %dma_wait3A_1089 = tpu.memref_slice %arg6[%dma_wait3A_1082, %dma_wait3A_1088] : memref<6x112xi32, #tpu.memory_space<vmem>> -> memref<1x112xi32, #tpu.memory_space<vmem>>
        %dma_wait3A_1090 = tpu.memref_squeeze %dma_wait3A_1089 : memref<1x112xi32, #tpu.memory_space<vmem>> -> memref<112xi32, #tpu.memory_space<vmem>>
        %dma_wait3A_1091 = arith.constant 0 : i32
        %dma_wait3A_1092 = arith.constant 0 : i32
        %dma_wait3A_1093 = tpu.memref_slice %arg2[%dma_wait3A_1091, %dma_wait3A_1092] : memref<10112x128xf32, #tpu.memory_space<hbm>> -> memref<10112x128xf32, #tpu.memory_space<hbm>>
        tpu.wait_indirect_dma semaphore(%arg11 : memref<!tpu.dma_semaphore, #tpu.memory_space<semaphore_mem>>) src(%dma_wait3A_1093 : memref<10112x128xf32, #tpu.memory_space<hbm>>) dst(%dma_wait3A_1087 : memref<112x128xf32, #tpu.memory_space<vmem>>)
        %dma_start3A_1094 = arith.constant 1 : i32
        %dma_start3A_1095 = arith.constant 1 : i32
        %dma_start3A_1096 = arith.constant 0 : i32
        %dma_start3A_1097 = arith.constant 0 : i32
        %dma_start3A_1098 = tpu.memref_slice %arg8[%dma_start3A_1094, %dma_start3A_1096, %dma_start3A_1097] : memref<3x112x128xf32, #tpu.memory_space<vmem>> -> memref<1x112x128xf32, #tpu.memory_space<vmem>>
        %dma_start3A_1099 = tpu.memref_squeeze %dma_start3A_1098 : memref<1x112x128xf32, #tpu.memory_space<vmem>> -> memref<112x128xf32, #tpu.memory_space<vmem>>
        %dma_start3A_1100 = arith.constant 0 : i32
        %dma_start3A_1101 = tpu.memref_slice %arg7[%dma_start3A_1095, %dma_start3A_1100] : memref<6x112xi32, #tpu.memory_space<vmem>> -> memref<1x112xi32, #tpu.memory_space<vmem>>
        %dma_start3A_1102 = tpu.memref_squeeze %dma_start3A_1101 : memref<1x112xi32, #tpu.memory_space<vmem>> -> memref<112xi32, #tpu.memory_space<vmem>>
        %dma_start3A_1103 = arith.constant 0 : i32
        %dma_start3A_1104 = arith.constant 0 : i32
        %dma_start3A_1105 = tpu.memref_slice %arg9[%dma_start3A_1103, %dma_start3A_1104] : memref<10112x128xf32, #tpu.memory_space<vmem_shared>> -> memref<10112x128xf32, #tpu.memory_space<vmem_shared>>
        tpu.enqueue_indirect_dma source(%dma_start3A_1099 : memref<112x128xf32, #tpu.memory_space<vmem>>) target(%dma_start3A_1105 : memref<10112x128xf32, #tpu.memory_space<vmem_shared>>) offsets(%dma_start3A_1102 : memref<112xi32, #tpu.memory_space<vmem>>) semaphore(%arg12 : memref<!tpu.dma_semaphore, #tpu.memory_space<semaphore_mem>>) {add = true}
      } else {
      }
      %add3A_892 = arith.constant 3 : i32
      %add3A_893 = arith.addi %add3A_841, %add3A_892 : i32
      %le3A_894 = arith.constant 89 : i32
      %le3A_895 = arith.cmpi sle, %add3A_893, %le3A_894 : i32
      %convert_element_type3A_896 = arith.extui %le3A_895 : i1 to i32
      %cond3A_897 = arith.constant 0 : i32
      %cond3A_898 = arith.cmpi ne, %convert_element_type3A_896, %cond3A_897 : i32
      scf.if %cond3A_898 {
        %add3A_1082 = arith.constant 3 : i32
        %add3A_1083 = arith.addi %add3A_841, %add3A_1082 : i32
        %dma_start3A_1084 = arith.constant 5 : i32
        %dma_start3A_1085 = arith.constant 0 : i32
        %dma_start3A_1086 = tpu.memref_slice %arg6[%dma_start3A_1084, %dma_start3A_1085] : memref<6x112xi32, #tpu.memory_space<vmem>> -> memref<1x112xi32, #tpu.memory_space<vmem>>
        %dma_start3A_1087 = tpu.memref_squeeze %dma_start3A_1086 : memref<1x112xi32, #tpu.memory_space<vmem>> -> memref<112xi32, #tpu.memory_space<vmem>>
        %dma_start3A_1088 = arith.constant 0 : i32
        %dma_start3A_1089 = tpu.memref_slice %arg3[%add3A, %add3A_1083, %dma_start3A_1088] : memref<32x90x112xi32, #tpu.memory_space<hbm>> -> memref<1x1x112xi32, #tpu.memory_space<hbm>>
        %dma_start3A_1090 = tpu.memref_squeeze %dma_start3A_1089 : memref<1x1x112xi32, #tpu.memory_space<hbm>> -> memref<112xi32, #tpu.memory_space<hbm>>
        %dma_start3A_1091 = arith.constant 0 : i32
        %dma_start3A_1092 = tpu.memref_slice %arg6[%dma_start3A_1084, %dma_start3A_1091] : memref<6x112xi32, #tpu.memory_space<vmem>> -> memref<1x112xi32, #tpu.memory_space<vmem>>
        %dma_start3A_1093 = tpu.memref_squeeze %dma_start3A_1092 : memref<1x112xi32, #tpu.memory_space<vmem>> -> memref<112xi32, #tpu.memory_space<vmem>>
        %dma_start3A_1094 = arith.constant 0 : i32
        %dma_start3A_1095 = tpu.memref_slice %arg3[%add3A, %add3A_1083, %dma_start3A_1094] : memref<32x90x112xi32, #tpu.memory_space<hbm>> -> memref<1x1x112xi32, #tpu.memory_space<hbm>>
        %dma_start3A_1096 = tpu.memref_squeeze %dma_start3A_1095 : memref<1x1x112xi32, #tpu.memory_space<hbm>> -> memref<112xi32, #tpu.memory_space<hbm>>
        tpu.enqueue_dma source(%dma_start3A_1096 : memref<112xi32, #tpu.memory_space<hbm>>) target(%dma_start3A_1093 : memref<112xi32, #tpu.memory_space<vmem>>) target_semaphore(%arg10 : memref<!tpu.dma_semaphore, #tpu.memory_space<semaphore_mem>>)
        %dma_start3A_1097 = arith.constant 5 : i32
        %dma_start3A_1098 = arith.constant 0 : i32
        %dma_start3A_1099 = tpu.memref_slice %arg7[%dma_start3A_1097, %dma_start3A_1098] : memref<6x112xi32, #tpu.memory_space<vmem>> -> memref<1x112xi32, #tpu.memory_space<vmem>>
        %dma_start3A_1100 = tpu.memref_squeeze %dma_start3A_1099 : memref<1x112xi32, #tpu.memory_space<vmem>> -> memref<112xi32, #tpu.memory_space<vmem>>
        %dma_start3A_1101 = arith.constant 0 : i32
        %dma_start3A_1102 = tpu.memref_slice %arg4[%add3A, %add3A_1083, %dma_start3A_1101] : memref<32x90x112xi32, #tpu.memory_space<hbm>> -> memref<1x1x112xi32, #tpu.memory_space<hbm>>
        %dma_start3A_1103 = tpu.memref_squeeze %dma_start3A_1102 : memref<1x1x112xi32, #tpu.memory_space<hbm>> -> memref<112xi32, #tpu.memory_space<hbm>>
        %dma_start3A_1104 = arith.constant 0 : i32
        %dma_start3A_1105 = tpu.memref_slice %arg7[%dma_start3A_1097, %dma_start3A_1104] : memref<6x112xi32, #tpu.memory_space<vmem>> -> memref<1x112xi32, #tpu.memory_space<vmem>>
        %dma_start3A_1106 = tpu.memref_squeeze %dma_start3A_1105 : memref<1x112xi32, #tpu.memory_space<vmem>> -> memref<112xi32, #tpu.memory_space<vmem>>
        %dma_start3A_1107 = arith.constant 0 : i32
        %dma_start3A_1108 = tpu.memref_slice %arg4[%add3A, %add3A_1083, %dma_start3A_1107] : memref<32x90x112xi32, #tpu.memory_space<hbm>> -> memref<1x1x112xi32, #tpu.memory_space<hbm>>
        %dma_start3A_1109 = tpu.memref_squeeze %dma_start3A_1108 : memref<1x1x112xi32, #tpu.memory_space<hbm>> -> memref<112xi32, #tpu.memory_space<hbm>>
        tpu.enqueue_dma source(%dma_start3A_1109 : memref<112xi32, #tpu.memory_space<hbm>>) target(%dma_start3A_1106 : memref<112xi32, #tpu.memory_space<vmem>>) target_semaphore(%arg10 : memref<!tpu.dma_semaphore, #tpu.memory_space<semaphore_mem>>)
      } else {
      }
      %mul3A_899 = arith.constant 6 : i32
      %mul3A_900 = arith.muli %mul3A_899, %scan3A_719 : i32
      %add3A_901 = arith.constant 3 : i32
      %add3A_902 = arith.addi %mul3A_900, %add3A_901 : i32
      %ge3A_903 = arith.constant 3 : i32
      %ge3A_904 = arith.cmpi sge, %add3A_902, %ge3A_903 : i32
      %convert_element_type3A_905 = arith.extui %ge3A_904 : i1 to i32
      %cond3A_906 = arith.constant 0 : i32
      %cond3A_907 = arith.cmpi ne, %convert_element_type3A_905, %cond3A_906 : i32
      scf.if %cond3A_907 {
        %dma_wait3A_1082 = arith.constant 0 : i32
        %dma_wait3A_1083 = arith.constant 0 : i32
        %dma_wait3A_1084 = arith.constant 0 : i32
        %dma_wait3A_1085 = arith.constant 0 : i32
        %dma_wait3A_1086 = tpu.memref_slice %arg8[%dma_wait3A_1082, %dma_wait3A_1084, %dma_wait3A_1085] : memref<3x112x128xf32, #tpu.memory_space<vmem>> -> memref<1x112x128xf32, #tpu.memory_space<vmem>>
        %dma_wait3A_1087 = tpu.memref_squeeze %dma_wait3A_1086 : memref<1x112x128xf32, #tpu.memory_space<vmem>> -> memref<112x128xf32, #tpu.memory_space<vmem>>
        %dma_wait3A_1088 = arith.constant 0 : i32
        %dma_wait3A_1089 = tpu.memref_slice %arg7[%dma_wait3A_1083, %dma_wait3A_1088] : memref<6x112xi32, #tpu.memory_space<vmem>> -> memref<1x112xi32, #tpu.memory_space<vmem>>
        %dma_wait3A_1090 = tpu.memref_squeeze %dma_wait3A_1089 : memref<1x112xi32, #tpu.memory_space<vmem>> -> memref<112xi32, #tpu.memory_space<vmem>>
        %dma_wait3A_1091 = arith.constant 0 : i32
        %dma_wait3A_1092 = arith.constant 0 : i32
        %dma_wait3A_1093 = tpu.memref_slice %arg9[%dma_wait3A_1091, %dma_wait3A_1092] : memref<10112x128xf32, #tpu.memory_space<vmem_shared>> -> memref<10112x128xf32, #tpu.memory_space<vmem_shared>>
        tpu.wait_indirect_dma semaphore(%arg12 : memref<!tpu.dma_semaphore, #tpu.memory_space<semaphore_mem>>) src(%dma_wait3A_1087 : memref<112x128xf32, #tpu.memory_space<vmem>>) dst(%dma_wait3A_1093 : memref<10112x128xf32, #tpu.memory_space<vmem_shared>>)
      } else {
      }
      %dma_wait3A_908 = arith.constant 0 : i32
      %dma_wait3A_909 = arith.constant 3 : i32
      %dma_wait3A_910 = arith.constant 0 : i32
      %dma_wait3A_911 = tpu.memref_slice %arg6[%dma_wait3A_909, %dma_wait3A_910] : memref<6x112xi32, #tpu.memory_space<vmem>> -> memref<1x112xi32, #tpu.memory_space<vmem>>
      %dma_wait3A_912 = tpu.memref_squeeze %dma_wait3A_911 : memref<1x112xi32, #tpu.memory_space<vmem>> -> memref<112xi32, #tpu.memory_space<vmem>>
      %dma_wait3A_913 = arith.constant 0 : i32
      %dma_wait3A_914 = tpu.memref_slice %arg3[%add3A, %dma_wait3A_908, %dma_wait3A_913] : memref<32x90x112xi32, #tpu.memory_space<hbm>> -> memref<1x1x112xi32, #tpu.memory_space<hbm>>
      %dma_wait3A_915 = tpu.memref_squeeze %dma_wait3A_914 : memref<1x1x112xi32, #tpu.memory_space<hbm>> -> memref<112xi32, #tpu.memory_space<hbm>>
      %dma_wait3A_916 = arith.constant 0 : i32
      %dma_wait3A_917 = tpu.memref_slice %arg6[%dma_wait3A_909, %dma_wait3A_916] : memref<6x112xi32, #tpu.memory_space<vmem>> -> memref<1x112xi32, #tpu.memory_space<vmem>>
      %dma_wait3A_918 = tpu.memref_squeeze %dma_wait3A_917 : memref<1x112xi32, #tpu.memory_space<vmem>> -> memref<112xi32, #tpu.memory_space<vmem>>
      %dma_wait3A_919 = arith.constant 0 : i32
      %dma_wait3A_920 = tpu.memref_slice %arg3[%add3A, %dma_wait3A_908, %dma_wait3A_919] : memref<32x90x112xi32, #tpu.memory_space<hbm>> -> memref<1x1x112xi32, #tpu.memory_space<hbm>>
      %dma_wait3A_921 = tpu.memref_squeeze %dma_wait3A_920 : memref<1x1x112xi32, #tpu.memory_space<hbm>> -> memref<112xi32, #tpu.memory_space<hbm>>
      tpu.wait_dma2 semaphore(%arg10 : memref<!tpu.dma_semaphore, #tpu.memory_space<semaphore_mem>>) src(%dma_wait3A_921 : memref<112xi32, #tpu.memory_space<hbm>>) dst(%dma_wait3A_918 : memref<112xi32, #tpu.memory_space<vmem>>)
      %dma_wait3A_922 = arith.constant 0 : i32
      %dma_wait3A_923 = arith.constant 3 : i32
      %dma_wait3A_924 = arith.constant 0 : i32
      %dma_wait3A_925 = tpu.memref_slice %arg7[%dma_wait3A_923, %dma_wait3A_924] : memref<6x112xi32, #tpu.memory_space<vmem>> -> memref<1x112xi32, #tpu.memory_space<vmem>>
      %dma_wait3A_926 = tpu.memref_squeeze %dma_wait3A_925 : memref<1x112xi32, #tpu.memory_space<vmem>> -> memref<112xi32, #tpu.memory_space<vmem>>
      %dma_wait3A_927 = arith.constant 0 : i32
      %dma_wait3A_928 = tpu.memref_slice %arg4[%add3A, %dma_wait3A_922, %dma_wait3A_927] : memref<32x90x112xi32, #tpu.memory_space<hbm>> -> memref<1x1x112xi32, #tpu.memory_space<hbm>>
      %dma_wait3A_929 = tpu.memref_squeeze %dma_wait3A_928 : memref<1x1x112xi32, #tpu.memory_space<hbm>> -> memref<112xi32, #tpu.memory_space<hbm>>
      %dma_wait3A_930 = arith.constant 0 : i32
      %dma_wait3A_931 = tpu.memref_slice %arg7[%dma_wait3A_923, %dma_wait3A_930] : memref<6x112xi32, #tpu.memory_space<vmem>> -> memref<1x112xi32, #tpu.memory_space<vmem>>
      %dma_wait3A_932 = tpu.memref_squeeze %dma_wait3A_931 : memref<1x112xi32, #tpu.memory_space<vmem>> -> memref<112xi32, #tpu.memory_space<vmem>>
      %dma_wait3A_933 = arith.constant 0 : i32
      %dma_wait3A_934 = tpu.memref_slice %arg4[%add3A, %dma_wait3A_922, %dma_wait3A_933] : memref<32x90x112xi32, #tpu.memory_space<hbm>> -> memref<1x1x112xi32, #tpu.memory_space<hbm>>
      %dma_wait3A_935 = tpu.memref_squeeze %dma_wait3A_934 : memref<1x1x112xi32, #tpu.memory_space<hbm>> -> memref<112xi32, #tpu.memory_space<hbm>>
      tpu.wait_dma2 semaphore(%arg10 : memref<!tpu.dma_semaphore, #tpu.memory_space<semaphore_mem>>) src(%dma_wait3A_935 : memref<112xi32, #tpu.memory_space<hbm>>) dst(%dma_wait3A_932 : memref<112xi32, #tpu.memory_space<vmem>>)
      %dma_start3A_936 = arith.constant 3 : i32
      %dma_start3A_937 = arith.constant 0 : i32
      %dma_start3A_938 = arith.constant 0 : i32
      %dma_start3A_939 = arith.constant 0 : i32
      %dma_start3A_940 = tpu.memref_slice %arg8[%dma_start3A_937, %dma_start3A_938, %dma_start3A_939] : memref<3x112x128xf32, #tpu.memory_space<vmem>> -> memref<1x112x128xf32, #tpu.memory_space<vmem>>
      %dma_start3A_941 = tpu.memref_squeeze %dma_start3A_940 : memref<1x112x128xf32, #tpu.memory_space<vmem>> -> memref<112x128xf32, #tpu.memory_space<vmem>>
      %dma_start3A_942 = arith.constant 0 : i32
      %dma_start3A_943 = tpu.memref_slice %arg6[%dma_start3A_936, %dma_start3A_942] : memref<6x112xi32, #tpu.memory_space<vmem>> -> memref<1x112xi32, #tpu.memory_space<vmem>>
      %dma_start3A_944 = tpu.memref_squeeze %dma_start3A_943 : memref<1x112xi32, #tpu.memory_space<vmem>> -> memref<112xi32, #tpu.memory_space<vmem>>
      %dma_start3A_945 = arith.constant 0 : i32
      %dma_start3A_946 = arith.constant 0 : i32
      %dma_start3A_947 = tpu.memref_slice %arg2[%dma_start3A_945, %dma_start3A_946] : memref<10112x128xf32, #tpu.memory_space<hbm>> -> memref<10112x128xf32, #tpu.memory_space<hbm>>
      tpu.enqueue_indirect_dma source(%dma_start3A_947 : memref<10112x128xf32, #tpu.memory_space<hbm>>) target(%dma_start3A_941 : memref<112x128xf32, #tpu.memory_space<vmem>>) offsets(%dma_start3A_944 : memref<112xi32, #tpu.memory_space<vmem>>) semaphore(%arg11 : memref<!tpu.dma_semaphore, #tpu.memory_space<semaphore_mem>>)
      %ge3A_948 = arith.constant 1 : i32
      %ge3A_949 = arith.cmpi sge, %add3A_902, %ge3A_948 : i32
      %convert_element_type3A_950 = arith.extui %ge3A_949 : i1 to i32
      %cond3A_951 = arith.constant 0 : i32
      %cond3A_952 = arith.cmpi ne, %convert_element_type3A_950, %cond3A_951 : i32
      scf.if %cond3A_952 {
        %dma_wait3A_1082 = arith.constant 0 : i32
        %dma_wait3A_1083 = arith.constant 2 : i32
        %dma_wait3A_1084 = arith.constant 0 : i32
        %dma_wait3A_1085 = arith.constant 0 : i32
        %dma_wait3A_1086 = tpu.memref_slice %arg8[%dma_wait3A_1083, %dma_wait3A_1084, %dma_wait3A_1085] : memref<3x112x128xf32, #tpu.memory_space<vmem>> -> memref<1x112x128xf32, #tpu.memory_space<vmem>>
        %dma_wait3A_1087 = tpu.memref_squeeze %dma_wait3A_1086 : memref<1x112x128xf32, #tpu.memory_space<vmem>> -> memref<112x128xf32, #tpu.memory_space<vmem>>
        %dma_wait3A_1088 = arith.constant 0 : i32
        %dma_wait3A_1089 = tpu.memref_slice %arg6[%dma_wait3A_1082, %dma_wait3A_1088] : memref<6x112xi32, #tpu.memory_space<vmem>> -> memref<1x112xi32, #tpu.memory_space<vmem>>
        %dma_wait3A_1090 = tpu.memref_squeeze %dma_wait3A_1089 : memref<1x112xi32, #tpu.memory_space<vmem>> -> memref<112xi32, #tpu.memory_space<vmem>>
        %dma_wait3A_1091 = arith.constant 0 : i32
        %dma_wait3A_1092 = arith.constant 0 : i32
        %dma_wait3A_1093 = tpu.memref_slice %arg2[%dma_wait3A_1091, %dma_wait3A_1092] : memref<10112x128xf32, #tpu.memory_space<hbm>> -> memref<10112x128xf32, #tpu.memory_space<hbm>>
        tpu.wait_indirect_dma semaphore(%arg11 : memref<!tpu.dma_semaphore, #tpu.memory_space<semaphore_mem>>) src(%dma_wait3A_1093 : memref<10112x128xf32, #tpu.memory_space<hbm>>) dst(%dma_wait3A_1087 : memref<112x128xf32, #tpu.memory_space<vmem>>)
        %dma_start3A_1094 = arith.constant 2 : i32
        %dma_start3A_1095 = arith.constant 2 : i32
        %dma_start3A_1096 = arith.constant 0 : i32
        %dma_start3A_1097 = arith.constant 0 : i32
        %dma_start3A_1098 = tpu.memref_slice %arg8[%dma_start3A_1094, %dma_start3A_1096, %dma_start3A_1097] : memref<3x112x128xf32, #tpu.memory_space<vmem>> -> memref<1x112x128xf32, #tpu.memory_space<vmem>>
        %dma_start3A_1099 = tpu.memref_squeeze %dma_start3A_1098 : memref<1x112x128xf32, #tpu.memory_space<vmem>> -> memref<112x128xf32, #tpu.memory_space<vmem>>
        %dma_start3A_1100 = arith.constant 0 : i32
        %dma_start3A_1101 = tpu.memref_slice %arg7[%dma_start3A_1095, %dma_start3A_1100] : memref<6x112xi32, #tpu.memory_space<vmem>> -> memref<1x112xi32, #tpu.memory_space<vmem>>
        %dma_start3A_1102 = tpu.memref_squeeze %dma_start3A_1101 : memref<1x112xi32, #tpu.memory_space<vmem>> -> memref<112xi32, #tpu.memory_space<vmem>>
        %dma_start3A_1103 = arith.constant 0 : i32
        %dma_start3A_1104 = arith.constant 0 : i32
        %dma_start3A_1105 = tpu.memref_slice %arg9[%dma_start3A_1103, %dma_start3A_1104] : memref<10112x128xf32, #tpu.memory_space<vmem_shared>> -> memref<10112x128xf32, #tpu.memory_space<vmem_shared>>
        tpu.enqueue_indirect_dma source(%dma_start3A_1099 : memref<112x128xf32, #tpu.memory_space<vmem>>) target(%dma_start3A_1105 : memref<10112x128xf32, #tpu.memory_space<vmem_shared>>) offsets(%dma_start3A_1102 : memref<112xi32, #tpu.memory_space<vmem>>) semaphore(%arg12 : memref<!tpu.dma_semaphore, #tpu.memory_space<semaphore_mem>>) {add = true}
      } else {
      }
      %add3A_953 = arith.constant 3 : i32
      %add3A_954 = arith.addi %add3A_902, %add3A_953 : i32
      %le3A_955 = arith.constant 89 : i32
      %le3A_956 = arith.cmpi sle, %add3A_954, %le3A_955 : i32
      %convert_element_type3A_957 = arith.extui %le3A_956 : i1 to i32
      %cond3A_958 = arith.constant 0 : i32
      %cond3A_959 = arith.cmpi ne, %convert_element_type3A_957, %cond3A_958 : i32
      scf.if %cond3A_959 {
        %add3A_1082 = arith.constant 3 : i32
        %add3A_1083 = arith.addi %add3A_902, %add3A_1082 : i32
        %dma_start3A_1084 = arith.constant 0 : i32
        %dma_start3A_1085 = arith.constant 0 : i32
        %dma_start3A_1086 = tpu.memref_slice %arg6[%dma_start3A_1084, %dma_start3A_1085] : memref<6x112xi32, #tpu.memory_space<vmem>> -> memref<1x112xi32, #tpu.memory_space<vmem>>
        %dma_start3A_1087 = tpu.memref_squeeze %dma_start3A_1086 : memref<1x112xi32, #tpu.memory_space<vmem>> -> memref<112xi32, #tpu.memory_space<vmem>>
        %dma_start3A_1088 = arith.constant 0 : i32
        %dma_start3A_1089 = tpu.memref_slice %arg3[%add3A, %add3A_1083, %dma_start3A_1088] : memref<32x90x112xi32, #tpu.memory_space<hbm>> -> memref<1x1x112xi32, #tpu.memory_space<hbm>>
        %dma_start3A_1090 = tpu.memref_squeeze %dma_start3A_1089 : memref<1x1x112xi32, #tpu.memory_space<hbm>> -> memref<112xi32, #tpu.memory_space<hbm>>
        %dma_start3A_1091 = arith.constant 0 : i32
        %dma_start3A_1092 = tpu.memref_slice %arg6[%dma_start3A_1084, %dma_start3A_1091] : memref<6x112xi32, #tpu.memory_space<vmem>> -> memref<1x112xi32, #tpu.memory_space<vmem>>
        %dma_start3A_1093 = tpu.memref_squeeze %dma_start3A_1092 : memref<1x112xi32, #tpu.memory_space<vmem>> -> memref<112xi32, #tpu.memory_space<vmem>>
        %dma_start3A_1094 = arith.constant 0 : i32
        %dma_start3A_1095 = tpu.memref_slice %arg3[%add3A, %add3A_1083, %dma_start3A_1094] : memref<32x90x112xi32, #tpu.memory_space<hbm>> -> memref<1x1x112xi32, #tpu.memory_space<hbm>>
        %dma_start3A_1096 = tpu.memref_squeeze %dma_start3A_1095 : memref<1x1x112xi32, #tpu.memory_space<hbm>> -> memref<112xi32, #tpu.memory_space<hbm>>
        tpu.enqueue_dma source(%dma_start3A_1096 : memref<112xi32, #tpu.memory_space<hbm>>) target(%dma_start3A_1093 : memref<112xi32, #tpu.memory_space<vmem>>) target_semaphore(%arg10 : memref<!tpu.dma_semaphore, #tpu.memory_space<semaphore_mem>>)
        %dma_start3A_1097 = arith.constant 0 : i32
        %dma_start3A_1098 = arith.constant 0 : i32
        %dma_start3A_1099 = tpu.memref_slice %arg7[%dma_start3A_1097, %dma_start3A_1098] : memref<6x112xi32, #tpu.memory_space<vmem>> -> memref<1x112xi32, #tpu.memory_space<vmem>>
        %dma_start3A_1100 = tpu.memref_squeeze %dma_start3A_1099 : memref<1x112xi32, #tpu.memory_space<vmem>> -> memref<112xi32, #tpu.memory_space<vmem>>
        %dma_start3A_1101 = arith.constant 0 : i32
        %dma_start3A_1102 = tpu.memref_slice %arg4[%add3A, %add3A_1083, %dma_start3A_1101] : memref<32x90x112xi32, #tpu.memory_space<hbm>> -> memref<1x1x112xi32, #tpu.memory_space<hbm>>
        %dma_start3A_1103 = tpu.memref_squeeze %dma_start3A_1102 : memref<1x1x112xi32, #tpu.memory_space<hbm>> -> memref<112xi32, #tpu.memory_space<hbm>>
        %dma_start3A_1104 = arith.constant 0 : i32
        %dma_start3A_1105 = tpu.memref_slice %arg7[%dma_start3A_1097, %dma_start3A_1104] : memref<6x112xi32, #tpu.memory_space<vmem>> -> memref<1x112xi32, #tpu.memory_space<vmem>>
        %dma_start3A_1106 = tpu.memref_squeeze %dma_start3A_1105 : memref<1x112xi32, #tpu.memory_space<vmem>> -> memref<112xi32, #tpu.memory_space<vmem>>
        %dma_start3A_1107 = arith.constant 0 : i32
        %dma_start3A_1108 = tpu.memref_slice %arg4[%add3A, %add3A_1083, %dma_start3A_1107] : memref<32x90x112xi32, #tpu.memory_space<hbm>> -> memref<1x1x112xi32, #tpu.memory_space<hbm>>
        %dma_start3A_1109 = tpu.memref_squeeze %dma_start3A_1108 : memref<1x1x112xi32, #tpu.memory_space<hbm>> -> memref<112xi32, #tpu.memory_space<hbm>>
        tpu.enqueue_dma source(%dma_start3A_1109 : memref<112xi32, #tpu.memory_space<hbm>>) target(%dma_start3A_1106 : memref<112xi32, #tpu.memory_space<vmem>>) target_semaphore(%arg10 : memref<!tpu.dma_semaphore, #tpu.memory_space<semaphore_mem>>)
      } else {
      }
      %mul3A_960 = arith.constant 6 : i32
      %mul3A_961 = arith.muli %mul3A_960, %scan3A_719 : i32
      %add3A_962 = arith.constant 4 : i32
      %add3A_963 = arith.addi %mul3A_961, %add3A_962 : i32
      %ge3A_964 = arith.constant 3 : i32
      %ge3A_965 = arith.cmpi sge, %add3A_963, %ge3A_964 : i32
      %convert_element_type3A_966 = arith.extui %ge3A_965 : i1 to i32
      %cond3A_967 = arith.constant 0 : i32
      %cond3A_968 = arith.cmpi ne, %convert_element_type3A_966, %cond3A_967 : i32
      scf.if %cond3A_968 {
        %dma_wait3A_1082 = arith.constant 1 : i32
        %dma_wait3A_1083 = arith.constant 0 : i32
        %dma_wait3A_1084 = arith.constant 0 : i32
        %dma_wait3A_1085 = arith.constant 0 : i32
        %dma_wait3A_1086 = tpu.memref_slice %arg8[%dma_wait3A_1082, %dma_wait3A_1084, %dma_wait3A_1085] : memref<3x112x128xf32, #tpu.memory_space<vmem>> -> memref<1x112x128xf32, #tpu.memory_space<vmem>>
        %dma_wait3A_1087 = tpu.memref_squeeze %dma_wait3A_1086 : memref<1x112x128xf32, #tpu.memory_space<vmem>> -> memref<112x128xf32, #tpu.memory_space<vmem>>
        %dma_wait3A_1088 = arith.constant 0 : i32
        %dma_wait3A_1089 = tpu.memref_slice %arg7[%dma_wait3A_1083, %dma_wait3A_1088] : memref<6x112xi32, #tpu.memory_space<vmem>> -> memref<1x112xi32, #tpu.memory_space<vmem>>
        %dma_wait3A_1090 = tpu.memref_squeeze %dma_wait3A_1089 : memref<1x112xi32, #tpu.memory_space<vmem>> -> memref<112xi32, #tpu.memory_space<vmem>>
        %dma_wait3A_1091 = arith.constant 0 : i32
        %dma_wait3A_1092 = arith.constant 0 : i32
        %dma_wait3A_1093 = tpu.memref_slice %arg9[%dma_wait3A_1091, %dma_wait3A_1092] : memref<10112x128xf32, #tpu.memory_space<vmem_shared>> -> memref<10112x128xf32, #tpu.memory_space<vmem_shared>>
        tpu.wait_indirect_dma semaphore(%arg12 : memref<!tpu.dma_semaphore, #tpu.memory_space<semaphore_mem>>) src(%dma_wait3A_1087 : memref<112x128xf32, #tpu.memory_space<vmem>>) dst(%dma_wait3A_1093 : memref<10112x128xf32, #tpu.memory_space<vmem_shared>>)
      } else {
      }
      %dma_wait3A_969 = arith.constant 0 : i32
      %dma_wait3A_970 = arith.constant 4 : i32
      %dma_wait3A_971 = arith.constant 0 : i32
      %dma_wait3A_972 = tpu.memref_slice %arg6[%dma_wait3A_970, %dma_wait3A_971] : memref<6x112xi32, #tpu.memory_space<vmem>> -> memref<1x112xi32, #tpu.memory_space<vmem>>
      %dma_wait3A_973 = tpu.memref_squeeze %dma_wait3A_972 : memref<1x112xi32, #tpu.memory_space<vmem>> -> memref<112xi32, #tpu.memory_space<vmem>>
      %dma_wait3A_974 = arith.constant 0 : i32
      %dma_wait3A_975 = tpu.memref_slice %arg3[%add3A, %dma_wait3A_969, %dma_wait3A_974] : memref<32x90x112xi32, #tpu.memory_space<hbm>> -> memref<1x1x112xi32, #tpu.memory_space<hbm>>
      %dma_wait3A_976 = tpu.memref_squeeze %dma_wait3A_975 : memref<1x1x112xi32, #tpu.memory_space<hbm>> -> memref<112xi32, #tpu.memory_space<hbm>>
      %dma_wait3A_977 = arith.constant 0 : i32
      %dma_wait3A_978 = tpu.memref_slice %arg6[%dma_wait3A_970, %dma_wait3A_977] : memref<6x112xi32, #tpu.memory_space<vmem>> -> memref<1x112xi32, #tpu.memory_space<vmem>>
      %dma_wait3A_979 = tpu.memref_squeeze %dma_wait3A_978 : memref<1x112xi32, #tpu.memory_space<vmem>> -> memref<112xi32, #tpu.memory_space<vmem>>
      %dma_wait3A_980 = arith.constant 0 : i32
      %dma_wait3A_981 = tpu.memref_slice %arg3[%add3A, %dma_wait3A_969, %dma_wait3A_980] : memref<32x90x112xi32, #tpu.memory_space<hbm>> -> memref<1x1x112xi32, #tpu.memory_space<hbm>>
      %dma_wait3A_982 = tpu.memref_squeeze %dma_wait3A_981 : memref<1x1x112xi32, #tpu.memory_space<hbm>> -> memref<112xi32, #tpu.memory_space<hbm>>
      tpu.wait_dma2 semaphore(%arg10 : memref<!tpu.dma_semaphore, #tpu.memory_space<semaphore_mem>>) src(%dma_wait3A_982 : memref<112xi32, #tpu.memory_space<hbm>>) dst(%dma_wait3A_979 : memref<112xi32, #tpu.memory_space<vmem>>)
      %dma_wait3A_983 = arith.constant 0 : i32
      %dma_wait3A_984 = arith.constant 4 : i32
      %dma_wait3A_985 = arith.constant 0 : i32
      %dma_wait3A_986 = tpu.memref_slice %arg7[%dma_wait3A_984, %dma_wait3A_985] : memref<6x112xi32, #tpu.memory_space<vmem>> -> memref<1x112xi32, #tpu.memory_space<vmem>>
      %dma_wait3A_987 = tpu.memref_squeeze %dma_wait3A_986 : memref<1x112xi32, #tpu.memory_space<vmem>> -> memref<112xi32, #tpu.memory_space<vmem>>
      %dma_wait3A_988 = arith.constant 0 : i32
      %dma_wait3A_989 = tpu.memref_slice %arg4[%add3A, %dma_wait3A_983, %dma_wait3A_988] : memref<32x90x112xi32, #tpu.memory_space<hbm>> -> memref<1x1x112xi32, #tpu.memory_space<hbm>>
      %dma_wait3A_990 = tpu.memref_squeeze %dma_wait3A_989 : memref<1x1x112xi32, #tpu.memory_space<hbm>> -> memref<112xi32, #tpu.memory_space<hbm>>
      %dma_wait3A_991 = arith.constant 0 : i32
      %dma_wait3A_992 = tpu.memref_slice %arg7[%dma_wait3A_984, %dma_wait3A_991] : memref<6x112xi32, #tpu.memory_space<vmem>> -> memref<1x112xi32, #tpu.memory_space<vmem>>
      %dma_wait3A_993 = tpu.memref_squeeze %dma_wait3A_992 : memref<1x112xi32, #tpu.memory_space<vmem>> -> memref<112xi32, #tpu.memory_space<vmem>>
      %dma_wait3A_994 = arith.constant 0 : i32
      %dma_wait3A_995 = tpu.memref_slice %arg4[%add3A, %dma_wait3A_983, %dma_wait3A_994] : memref<32x90x112xi32, #tpu.memory_space<hbm>> -> memref<1x1x112xi32, #tpu.memory_space<hbm>>
      %dma_wait3A_996 = tpu.memref_squeeze %dma_wait3A_995 : memref<1x1x112xi32, #tpu.memory_space<hbm>> -> memref<112xi32, #tpu.memory_space<hbm>>
      tpu.wait_dma2 semaphore(%arg10 : memref<!tpu.dma_semaphore, #tpu.memory_space<semaphore_mem>>) src(%dma_wait3A_996 : memref<112xi32, #tpu.memory_space<hbm>>) dst(%dma_wait3A_993 : memref<112xi32, #tpu.memory_space<vmem>>)
      %dma_start3A_997 = arith.constant 4 : i32
      %dma_start3A_998 = arith.constant 1 : i32
      %dma_start3A_999 = arith.constant 0 : i32
      %dma_start3A_1000 = arith.constant 0 : i32
      %dma_start3A_1001 = tpu.memref_slice %arg8[%dma_start3A_998, %dma_start3A_999, %dma_start3A_1000] : memref<3x112x128xf32, #tpu.memory_space<vmem>> -> memref<1x112x128xf32, #tpu.memory_space<vmem>>
      %dma_start3A_1002 = tpu.memref_squeeze %dma_start3A_1001 : memref<1x112x128xf32, #tpu.memory_space<vmem>> -> memref<112x128xf32, #tpu.memory_space<vmem>>
      %dma_start3A_1003 = arith.constant 0 : i32
      %dma_start3A_1004 = tpu.memref_slice %arg6[%dma_start3A_997, %dma_start3A_1003] : memref<6x112xi32, #tpu.memory_space<vmem>> -> memref<1x112xi32, #tpu.memory_space<vmem>>
      %dma_start3A_1005 = tpu.memref_squeeze %dma_start3A_1004 : memref<1x112xi32, #tpu.memory_space<vmem>> -> memref<112xi32, #tpu.memory_space<vmem>>
      %dma_start3A_1006 = arith.constant 0 : i32
      %dma_start3A_1007 = arith.constant 0 : i32
      %dma_start3A_1008 = tpu.memref_slice %arg2[%dma_start3A_1006, %dma_start3A_1007] : memref<10112x128xf32, #tpu.memory_space<hbm>> -> memref<10112x128xf32, #tpu.memory_space<hbm>>
      tpu.enqueue_indirect_dma source(%dma_start3A_1008 : memref<10112x128xf32, #tpu.memory_space<hbm>>) target(%dma_start3A_1002 : memref<112x128xf32, #tpu.memory_space<vmem>>) offsets(%dma_start3A_1005 : memref<112xi32, #tpu.memory_space<vmem>>) semaphore(%arg11 : memref<!tpu.dma_semaphore, #tpu.memory_space<semaphore_mem>>)
      %ge3A_1009 = arith.constant 1 : i32
      %ge3A_1010 = arith.cmpi sge, %add3A_963, %ge3A_1009 : i32
      %convert_element_type3A_1011 = arith.extui %ge3A_1010 : i1 to i32
      %cond3A_1012 = arith.constant 0 : i32
      %cond3A_1013 = arith.cmpi ne, %convert_element_type3A_1011, %cond3A_1012 : i32
      scf.if %cond3A_1013 {
        %dma_wait3A_1082 = arith.constant 0 : i32
        %dma_wait3A_1083 = arith.constant 0 : i32
        %dma_wait3A_1084 = arith.constant 0 : i32
        %dma_wait3A_1085 = arith.constant 0 : i32
        %dma_wait3A_1086 = tpu.memref_slice %arg8[%dma_wait3A_1083, %dma_wait3A_1084, %dma_wait3A_1085] : memref<3x112x128xf32, #tpu.memory_space<vmem>> -> memref<1x112x128xf32, #tpu.memory_space<vmem>>
        %dma_wait3A_1087 = tpu.memref_squeeze %dma_wait3A_1086 : memref<1x112x128xf32, #tpu.memory_space<vmem>> -> memref<112x128xf32, #tpu.memory_space<vmem>>
        %dma_wait3A_1088 = arith.constant 0 : i32
        %dma_wait3A_1089 = tpu.memref_slice %arg6[%dma_wait3A_1082, %dma_wait3A_1088] : memref<6x112xi32, #tpu.memory_space<vmem>> -> memref<1x112xi32, #tpu.memory_space<vmem>>
        %dma_wait3A_1090 = tpu.memref_squeeze %dma_wait3A_1089 : memref<1x112xi32, #tpu.memory_space<vmem>> -> memref<112xi32, #tpu.memory_space<vmem>>
        %dma_wait3A_1091 = arith.constant 0 : i32
        %dma_wait3A_1092 = arith.constant 0 : i32
        %dma_wait3A_1093 = tpu.memref_slice %arg2[%dma_wait3A_1091, %dma_wait3A_1092] : memref<10112x128xf32, #tpu.memory_space<hbm>> -> memref<10112x128xf32, #tpu.memory_space<hbm>>
        tpu.wait_indirect_dma semaphore(%arg11 : memref<!tpu.dma_semaphore, #tpu.memory_space<semaphore_mem>>) src(%dma_wait3A_1093 : memref<10112x128xf32, #tpu.memory_space<hbm>>) dst(%dma_wait3A_1087 : memref<112x128xf32, #tpu.memory_space<vmem>>)
        %dma_start3A_1094 = arith.constant 0 : i32
        %dma_start3A_1095 = arith.constant 3 : i32
        %dma_start3A_1096 = arith.constant 0 : i32
        %dma_start3A_1097 = arith.constant 0 : i32
        %dma_start3A_1098 = tpu.memref_slice %arg8[%dma_start3A_1094, %dma_start3A_1096, %dma_start3A_1097] : memref<3x112x128xf32, #tpu.memory_space<vmem>> -> memref<1x112x128xf32, #tpu.memory_space<vmem>>
        %dma_start3A_1099 = tpu.memref_squeeze %dma_start3A_1098 : memref<1x112x128xf32, #tpu.memory_space<vmem>> -> memref<112x128xf32, #tpu.memory_space<vmem>>
        %dma_start3A_1100 = arith.constant 0 : i32
        %dma_start3A_1101 = tpu.memref_slice %arg7[%dma_start3A_1095, %dma_start3A_1100] : memref<6x112xi32, #tpu.memory_space<vmem>> -> memref<1x112xi32, #tpu.memory_space<vmem>>
        %dma_start3A_1102 = tpu.memref_squeeze %dma_start3A_1101 : memref<1x112xi32, #tpu.memory_space<vmem>> -> memref<112xi32, #tpu.memory_space<vmem>>
        %dma_start3A_1103 = arith.constant 0 : i32
        %dma_start3A_1104 = arith.constant 0 : i32
        %dma_start3A_1105 = tpu.memref_slice %arg9[%dma_start3A_1103, %dma_start3A_1104] : memref<10112x128xf32, #tpu.memory_space<vmem_shared>> -> memref<10112x128xf32, #tpu.memory_space<vmem_shared>>
        tpu.enqueue_indirect_dma source(%dma_start3A_1099 : memref<112x128xf32, #tpu.memory_space<vmem>>) target(%dma_start3A_1105 : memref<10112x128xf32, #tpu.memory_space<vmem_shared>>) offsets(%dma_start3A_1102 : memref<112xi32, #tpu.memory_space<vmem>>) semaphore(%arg12 : memref<!tpu.dma_semaphore, #tpu.memory_space<semaphore_mem>>) {add = true}
      } else {
      }
      %add3A_1014 = arith.constant 3 : i32
      %add3A_1015 = arith.addi %add3A_963, %add3A_1014 : i32
      %le3A_1016 = arith.constant 89 : i32
      %le3A_1017 = arith.cmpi sle, %add3A_1015, %le3A_1016 : i32
      %convert_element_type3A_1018 = arith.extui %le3A_1017 : i1 to i32
      %cond3A_1019 = arith.constant 0 : i32
      %cond3A_1020 = arith.cmpi ne, %convert_element_type3A_1018, %cond3A_1019 : i32
      scf.if %cond3A_1020 {
        %add3A_1082 = arith.constant 3 : i32
        %add3A_1083 = arith.addi %add3A_963, %add3A_1082 : i32
        %dma_start3A_1084 = arith.constant 1 : i32
        %dma_start3A_1085 = arith.constant 0 : i32
        %dma_start3A_1086 = tpu.memref_slice %arg6[%dma_start3A_1084, %dma_start3A_1085] : memref<6x112xi32, #tpu.memory_space<vmem>> -> memref<1x112xi32, #tpu.memory_space<vmem>>
        %dma_start3A_1087 = tpu.memref_squeeze %dma_start3A_1086 : memref<1x112xi32, #tpu.memory_space<vmem>> -> memref<112xi32, #tpu.memory_space<vmem>>
        %dma_start3A_1088 = arith.constant 0 : i32
        %dma_start3A_1089 = tpu.memref_slice %arg3[%add3A, %add3A_1083, %dma_start3A_1088] : memref<32x90x112xi32, #tpu.memory_space<hbm>> -> memref<1x1x112xi32, #tpu.memory_space<hbm>>
        %dma_start3A_1090 = tpu.memref_squeeze %dma_start3A_1089 : memref<1x1x112xi32, #tpu.memory_space<hbm>> -> memref<112xi32, #tpu.memory_space<hbm>>
        %dma_start3A_1091 = arith.constant 0 : i32
        %dma_start3A_1092 = tpu.memref_slice %arg6[%dma_start3A_1084, %dma_start3A_1091] : memref<6x112xi32, #tpu.memory_space<vmem>> -> memref<1x112xi32, #tpu.memory_space<vmem>>
        %dma_start3A_1093 = tpu.memref_squeeze %dma_start3A_1092 : memref<1x112xi32, #tpu.memory_space<vmem>> -> memref<112xi32, #tpu.memory_space<vmem>>
        %dma_start3A_1094 = arith.constant 0 : i32
        %dma_start3A_1095 = tpu.memref_slice %arg3[%add3A, %add3A_1083, %dma_start3A_1094] : memref<32x90x112xi32, #tpu.memory_space<hbm>> -> memref<1x1x112xi32, #tpu.memory_space<hbm>>
        %dma_start3A_1096 = tpu.memref_squeeze %dma_start3A_1095 : memref<1x1x112xi32, #tpu.memory_space<hbm>> -> memref<112xi32, #tpu.memory_space<hbm>>
        tpu.enqueue_dma source(%dma_start3A_1096 : memref<112xi32, #tpu.memory_space<hbm>>) target(%dma_start3A_1093 : memref<112xi32, #tpu.memory_space<vmem>>) target_semaphore(%arg10 : memref<!tpu.dma_semaphore, #tpu.memory_space<semaphore_mem>>)
        %dma_start3A_1097 = arith.constant 1 : i32
        %dma_start3A_1098 = arith.constant 0 : i32
        %dma_start3A_1099 = tpu.memref_slice %arg7[%dma_start3A_1097, %dma_start3A_1098] : memref<6x112xi32, #tpu.memory_space<vmem>> -> memref<1x112xi32, #tpu.memory_space<vmem>>
        %dma_start3A_1100 = tpu.memref_squeeze %dma_start3A_1099 : memref<1x112xi32, #tpu.memory_space<vmem>> -> memref<112xi32, #tpu.memory_space<vmem>>
        %dma_start3A_1101 = arith.constant 0 : i32
        %dma_start3A_1102 = tpu.memref_slice %arg4[%add3A, %add3A_1083, %dma_start3A_1101] : memref<32x90x112xi32, #tpu.memory_space<hbm>> -> memref<1x1x112xi32, #tpu.memory_space<hbm>>
        %dma_start3A_1103 = tpu.memref_squeeze %dma_start3A_1102 : memref<1x1x112xi32, #tpu.memory_space<hbm>> -> memref<112xi32, #tpu.memory_space<hbm>>
        %dma_start3A_1104 = arith.constant 0 : i32
        %dma_start3A_1105 = tpu.memref_slice %arg7[%dma_start3A_1097, %dma_start3A_1104] : memref<6x112xi32, #tpu.memory_space<vmem>> -> memref<1x112xi32, #tpu.memory_space<vmem>>
        %dma_start3A_1106 = tpu.memref_squeeze %dma_start3A_1105 : memref<1x112xi32, #tpu.memory_space<vmem>> -> memref<112xi32, #tpu.memory_space<vmem>>
        %dma_start3A_1107 = arith.constant 0 : i32
        %dma_start3A_1108 = tpu.memref_slice %arg4[%add3A, %add3A_1083, %dma_start3A_1107] : memref<32x90x112xi32, #tpu.memory_space<hbm>> -> memref<1x1x112xi32, #tpu.memory_space<hbm>>
        %dma_start3A_1109 = tpu.memref_squeeze %dma_start3A_1108 : memref<1x1x112xi32, #tpu.memory_space<hbm>> -> memref<112xi32, #tpu.memory_space<hbm>>
        tpu.enqueue_dma source(%dma_start3A_1109 : memref<112xi32, #tpu.memory_space<hbm>>) target(%dma_start3A_1106 : memref<112xi32, #tpu.memory_space<vmem>>) target_semaphore(%arg10 : memref<!tpu.dma_semaphore, #tpu.memory_space<semaphore_mem>>)
      } else {
      }
      %mul3A_1021 = arith.constant 6 : i32
      %mul3A_1022 = arith.muli %mul3A_1021, %scan3A_719 : i32
      %add3A_1023 = arith.constant 5 : i32
      %add3A_1024 = arith.addi %mul3A_1022, %add3A_1023 : i32
      %ge3A_1025 = arith.constant 3 : i32
      %ge3A_1026 = arith.cmpi sge, %add3A_1024, %ge3A_1025 : i32
      %convert_element_type3A_1027 = arith.extui %ge3A_1026 : i1 to i32
      %cond3A_1028 = arith.constant 0 : i32
      %cond3A_1029 = arith.cmpi ne, %convert_element_type3A_1027, %cond3A_1028 : i32
      scf.if %cond3A_1029 {
        %dma_wait3A_1082 = arith.constant 2 : i32
        %dma_wait3A_1083 = arith.constant 0 : i32
        %dma_wait3A_1084 = arith.constant 0 : i32
        %dma_wait3A_1085 = arith.constant 0 : i32
        %dma_wait3A_1086 = tpu.memref_slice %arg8[%dma_wait3A_1082, %dma_wait3A_1084, %dma_wait3A_1085] : memref<3x112x128xf32, #tpu.memory_space<vmem>> -> memref<1x112x128xf32, #tpu.memory_space<vmem>>
        %dma_wait3A_1087 = tpu.memref_squeeze %dma_wait3A_1086 : memref<1x112x128xf32, #tpu.memory_space<vmem>> -> memref<112x128xf32, #tpu.memory_space<vmem>>
        %dma_wait3A_1088 = arith.constant 0 : i32
        %dma_wait3A_1089 = tpu.memref_slice %arg7[%dma_wait3A_1083, %dma_wait3A_1088] : memref<6x112xi32, #tpu.memory_space<vmem>> -> memref<1x112xi32, #tpu.memory_space<vmem>>
        %dma_wait3A_1090 = tpu.memref_squeeze %dma_wait3A_1089 : memref<1x112xi32, #tpu.memory_space<vmem>> -> memref<112xi32, #tpu.memory_space<vmem>>
        %dma_wait3A_1091 = arith.constant 0 : i32
        %dma_wait3A_1092 = arith.constant 0 : i32
        %dma_wait3A_1093 = tpu.memref_slice %arg9[%dma_wait3A_1091, %dma_wait3A_1092] : memref<10112x128xf32, #tpu.memory_space<vmem_shared>> -> memref<10112x128xf32, #tpu.memory_space<vmem_shared>>
        tpu.wait_indirect_dma semaphore(%arg12 : memref<!tpu.dma_semaphore, #tpu.memory_space<semaphore_mem>>) src(%dma_wait3A_1087 : memref<112x128xf32, #tpu.memory_space<vmem>>) dst(%dma_wait3A_1093 : memref<10112x128xf32, #tpu.memory_space<vmem_shared>>)
      } else {
      }
      %dma_wait3A_1030 = arith.constant 0 : i32
      %dma_wait3A_1031 = arith.constant 5 : i32
      %dma_wait3A_1032 = arith.constant 0 : i32
      %dma_wait3A_1033 = tpu.memref_slice %arg6[%dma_wait3A_1031, %dma_wait3A_1032] : memref<6x112xi32, #tpu.memory_space<vmem>> -> memref<1x112xi32, #tpu.memory_space<vmem>>
      %dma_wait3A_1034 = tpu.memref_squeeze %dma_wait3A_1033 : memref<1x112xi32, #tpu.memory_space<vmem>> -> memref<112xi32, #tpu.memory_space<vmem>>
      %dma_wait3A_1035 = arith.constant 0 : i32
      %dma_wait3A_1036 = tpu.memref_slice %arg3[%add3A, %dma_wait3A_1030, %dma_wait3A_1035] : memref<32x90x112xi32, #tpu.memory_space<hbm>> -> memref<1x1x112xi32, #tpu.memory_space<hbm>>
      %dma_wait3A_1037 = tpu.memref_squeeze %dma_wait3A_1036 : memref<1x1x112xi32, #tpu.memory_space<hbm>> -> memref<112xi32, #tpu.memory_space<hbm>>
      %dma_wait3A_1038 = arith.constant 0 : i32
      %dma_wait3A_1039 = tpu.memref_slice %arg6[%dma_wait3A_1031, %dma_wait3A_1038] : memref<6x112xi32, #tpu.memory_space<vmem>> -> memref<1x112xi32, #tpu.memory_space<vmem>>
      %dma_wait3A_1040 = tpu.memref_squeeze %dma_wait3A_1039 : memref<1x112xi32, #tpu.memory_space<vmem>> -> memref<112xi32, #tpu.memory_space<vmem>>
      %dma_wait3A_1041 = arith.constant 0 : i32
      %dma_wait3A_1042 = tpu.memref_slice %arg3[%add3A, %dma_wait3A_1030, %dma_wait3A_1041] : memref<32x90x112xi32, #tpu.memory_space<hbm>> -> memref<1x1x112xi32, #tpu.memory_space<hbm>>
      %dma_wait3A_1043 = tpu.memref_squeeze %dma_wait3A_1042 : memref<1x1x112xi32, #tpu.memory_space<hbm>> -> memref<112xi32, #tpu.memory_space<hbm>>
      tpu.wait_dma2 semaphore(%arg10 : memref<!tpu.dma_semaphore, #tpu.memory_space<semaphore_mem>>) src(%dma_wait3A_1043 : memref<112xi32, #tpu.memory_space<hbm>>) dst(%dma_wait3A_1040 : memref<112xi32, #tpu.memory_space<vmem>>)
      %dma_wait3A_1044 = arith.constant 0 : i32
      %dma_wait3A_1045 = arith.constant 5 : i32
      %dma_wait3A_1046 = arith.constant 0 : i32
      %dma_wait3A_1047 = tpu.memref_slice %arg7[%dma_wait3A_1045, %dma_wait3A_1046] : memref<6x112xi32, #tpu.memory_space<vmem>> -> memref<1x112xi32, #tpu.memory_space<vmem>>
      %dma_wait3A_1048 = tpu.memref_squeeze %dma_wait3A_1047 : memref<1x112xi32, #tpu.memory_space<vmem>> -> memref<112xi32, #tpu.memory_space<vmem>>
      %dma_wait3A_1049 = arith.constant 0 : i32
      %dma_wait3A_1050 = tpu.memref_slice %arg4[%add3A, %dma_wait3A_1044, %dma_wait3A_1049] : memref<32x90x112xi32, #tpu.memory_space<hbm>> -> memref<1x1x112xi32, #tpu.memory_space<hbm>>
      %dma_wait3A_1051 = tpu.memref_squeeze %dma_wait3A_1050 : memref<1x1x112xi32, #tpu.memory_space<hbm>> -> memref<112xi32, #tpu.memory_space<hbm>>
      %dma_wait3A_1052 = arith.constant 0 : i32
      %dma_wait3A_1053 = tpu.memref_slice %arg7[%dma_wait3A_1045, %dma_wait3A_1052] : memref<6x112xi32, #tpu.memory_space<vmem>> -> memref<1x112xi32, #tpu.memory_space<vmem>>
      %dma_wait3A_1054 = tpu.memref_squeeze %dma_wait3A_1053 : memref<1x112xi32, #tpu.memory_space<vmem>> -> memref<112xi32, #tpu.memory_space<vmem>>
      %dma_wait3A_1055 = arith.constant 0 : i32
      %dma_wait3A_1056 = tpu.memref_slice %arg4[%add3A, %dma_wait3A_1044, %dma_wait3A_1055] : memref<32x90x112xi32, #tpu.memory_space<hbm>> -> memref<1x1x112xi32, #tpu.memory_space<hbm>>
      %dma_wait3A_1057 = tpu.memref_squeeze %dma_wait3A_1056 : memref<1x1x112xi32, #tpu.memory_space<hbm>> -> memref<112xi32, #tpu.memory_space<hbm>>
      tpu.wait_dma2 semaphore(%arg10 : memref<!tpu.dma_semaphore, #tpu.memory_space<semaphore_mem>>) src(%dma_wait3A_1057 : memref<112xi32, #tpu.memory_space<hbm>>) dst(%dma_wait3A_1054 : memref<112xi32, #tpu.memory_space<vmem>>)
      %dma_start3A_1058 = arith.constant 5 : i32
      %dma_start3A_1059 = arith.constant 2 : i32
      %dma_start3A_1060 = arith.constant 0 : i32
      %dma_start3A_1061 = arith.constant 0 : i32
      %dma_start3A_1062 = tpu.memref_slice %arg8[%dma_start3A_1059, %dma_start3A_1060, %dma_start3A_1061] : memref<3x112x128xf32, #tpu.memory_space<vmem>> -> memref<1x112x128xf32, #tpu.memory_space<vmem>>
      %dma_start3A_1063 = tpu.memref_squeeze %dma_start3A_1062 : memref<1x112x128xf32, #tpu.memory_space<vmem>> -> memref<112x128xf32, #tpu.memory_space<vmem>>
      %dma_start3A_1064 = arith.constant 0 : i32
      %dma_start3A_1065 = tpu.memref_slice %arg6[%dma_start3A_1058, %dma_start3A_1064] : memref<6x112xi32, #tpu.memory_space<vmem>> -> memref<1x112xi32, #tpu.memory_space<vmem>>
      %dma_start3A_1066 = tpu.memref_squeeze %dma_start3A_1065 : memref<1x112xi32, #tpu.memory_space<vmem>> -> memref<112xi32, #tpu.memory_space<vmem>>
      %dma_start3A_1067 = arith.constant 0 : i32
      %dma_start3A_1068 = arith.constant 0 : i32
      %dma_start3A_1069 = tpu.memref_slice %arg2[%dma_start3A_1067, %dma_start3A_1068] : memref<10112x128xf32, #tpu.memory_space<hbm>> -> memref<10112x128xf32, #tpu.memory_space<hbm>>
      tpu.enqueue_indirect_dma source(%dma_start3A_1069 : memref<10112x128xf32, #tpu.memory_space<hbm>>) target(%dma_start3A_1063 : memref<112x128xf32, #tpu.memory_space<vmem>>) offsets(%dma_start3A_1066 : memref<112xi32, #tpu.memory_space<vmem>>) semaphore(%arg11 : memref<!tpu.dma_semaphore, #tpu.memory_space<semaphore_mem>>)
      %ge3A_1070 = arith.constant 1 : i32
      %ge3A_1071 = arith.cmpi sge, %add3A_1024, %ge3A_1070 : i32
      %convert_element_type3A_1072 = arith.extui %ge3A_1071 : i1 to i32
      %cond3A_1073 = arith.constant 0 : i32
      %cond3A_1074 = arith.cmpi ne, %convert_element_type3A_1072, %cond3A_1073 : i32
      scf.if %cond3A_1074 {
        %dma_wait3A_1082 = arith.constant 0 : i32
        %dma_wait3A_1083 = arith.constant 1 : i32
        %dma_wait3A_1084 = arith.constant 0 : i32
        %dma_wait3A_1085 = arith.constant 0 : i32
        %dma_wait3A_1086 = tpu.memref_slice %arg8[%dma_wait3A_1083, %dma_wait3A_1084, %dma_wait3A_1085] : memref<3x112x128xf32, #tpu.memory_space<vmem>> -> memref<1x112x128xf32, #tpu.memory_space<vmem>>
        %dma_wait3A_1087 = tpu.memref_squeeze %dma_wait3A_1086 : memref<1x112x128xf32, #tpu.memory_space<vmem>> -> memref<112x128xf32, #tpu.memory_space<vmem>>
        %dma_wait3A_1088 = arith.constant 0 : i32
        %dma_wait3A_1089 = tpu.memref_slice %arg6[%dma_wait3A_1082, %dma_wait3A_1088] : memref<6x112xi32, #tpu.memory_space<vmem>> -> memref<1x112xi32, #tpu.memory_space<vmem>>
        %dma_wait3A_1090 = tpu.memref_squeeze %dma_wait3A_1089 : memref<1x112xi32, #tpu.memory_space<vmem>> -> memref<112xi32, #tpu.memory_space<vmem>>
        %dma_wait3A_1091 = arith.constant 0 : i32
        %dma_wait3A_1092 = arith.constant 0 : i32
        %dma_wait3A_1093 = tpu.memref_slice %arg2[%dma_wait3A_1091, %dma_wait3A_1092] : memref<10112x128xf32, #tpu.memory_space<hbm>> -> memref<10112x128xf32, #tpu.memory_space<hbm>>
        tpu.wait_indirect_dma semaphore(%arg11 : memref<!tpu.dma_semaphore, #tpu.memory_space<semaphore_mem>>) src(%dma_wait3A_1093 : memref<10112x128xf32, #tpu.memory_space<hbm>>) dst(%dma_wait3A_1087 : memref<112x128xf32, #tpu.memory_space<vmem>>)
        %dma_start3A_1094 = arith.constant 1 : i32
        %dma_start3A_1095 = arith.constant 4 : i32
        %dma_start3A_1096 = arith.constant 0 : i32
        %dma_start3A_1097 = arith.constant 0 : i32
        %dma_start3A_1098 = tpu.memref_slice %arg8[%dma_start3A_1094, %dma_start3A_1096, %dma_start3A_1097] : memref<3x112x128xf32, #tpu.memory_space<vmem>> -> memref<1x112x128xf32, #tpu.memory_space<vmem>>
        %dma_start3A_1099 = tpu.memref_squeeze %dma_start3A_1098 : memref<1x112x128xf32, #tpu.memory_space<vmem>> -> memref<112x128xf32, #tpu.memory_space<vmem>>
        %dma_start3A_1100 = arith.constant 0 : i32
        %dma_start3A_1101 = tpu.memref_slice %arg7[%dma_start3A_1095, %dma_start3A_1100] : memref<6x112xi32, #tpu.memory_space<vmem>> -> memref<1x112xi32, #tpu.memory_space<vmem>>
        %dma_start3A_1102 = tpu.memref_squeeze %dma_start3A_1101 : memref<1x112xi32, #tpu.memory_space<vmem>> -> memref<112xi32, #tpu.memory_space<vmem>>
        %dma_start3A_1103 = arith.constant 0 : i32
        %dma_start3A_1104 = arith.constant 0 : i32
        %dma_start3A_1105 = tpu.memref_slice %arg9[%dma_start3A_1103, %dma_start3A_1104] : memref<10112x128xf32, #tpu.memory_space<vmem_shared>> -> memref<10112x128xf32, #tpu.memory_space<vmem_shared>>
        tpu.enqueue_indirect_dma source(%dma_start3A_1099 : memref<112x128xf32, #tpu.memory_space<vmem>>) target(%dma_start3A_1105 : memref<10112x128xf32, #tpu.memory_space<vmem_shared>>) offsets(%dma_start3A_1102 : memref<112xi32, #tpu.memory_space<vmem>>) semaphore(%arg12 : memref<!tpu.dma_semaphore, #tpu.memory_space<semaphore_mem>>) {add = true}
      } else {
      }
      %add3A_1075 = arith.constant 3 : i32
      %add3A_1076 = arith.addi %add3A_1024, %add3A_1075 : i32
      %le3A_1077 = arith.constant 89 : i32
      %le3A_1078 = arith.cmpi sle, %add3A_1076, %le3A_1077 : i32
      %convert_element_type3A_1079 = arith.extui %le3A_1078 : i1 to i32
      %cond3A_1080 = arith.constant 0 : i32
      %cond3A_1081 = arith.cmpi ne, %convert_element_type3A_1079, %cond3A_1080 : i32
      scf.if %cond3A_1081 {
        %add3A_1082 = arith.constant 3 : i32
        %add3A_1083 = arith.addi %add3A_1024, %add3A_1082 : i32
        %dma_start3A_1084 = arith.constant 2 : i32
        %dma_start3A_1085 = arith.constant 0 : i32
        %dma_start3A_1086 = tpu.memref_slice %arg6[%dma_start3A_1084, %dma_start3A_1085] : memref<6x112xi32, #tpu.memory_space<vmem>> -> memref<1x112xi32, #tpu.memory_space<vmem>>
        %dma_start3A_1087 = tpu.memref_squeeze %dma_start3A_1086 : memref<1x112xi32, #tpu.memory_space<vmem>> -> memref<112xi32, #tpu.memory_space<vmem>>
        %dma_start3A_1088 = arith.constant 0 : i32
        %dma_start3A_1089 = tpu.memref_slice %arg3[%add3A, %add3A_1083, %dma_start3A_1088] : memref<32x90x112xi32, #tpu.memory_space<hbm>> -> memref<1x1x112xi32, #tpu.memory_space<hbm>>
        %dma_start3A_1090 = tpu.memref_squeeze %dma_start3A_1089 : memref<1x1x112xi32, #tpu.memory_space<hbm>> -> memref<112xi32, #tpu.memory_space<hbm>>
        %dma_start3A_1091 = arith.constant 0 : i32
        %dma_start3A_1092 = tpu.memref_slice %arg6[%dma_start3A_1084, %dma_start3A_1091] : memref<6x112xi32, #tpu.memory_space<vmem>> -> memref<1x112xi32, #tpu.memory_space<vmem>>
        %dma_start3A_1093 = tpu.memref_squeeze %dma_start3A_1092 : memref<1x112xi32, #tpu.memory_space<vmem>> -> memref<112xi32, #tpu.memory_space<vmem>>
        %dma_start3A_1094 = arith.constant 0 : i32
        %dma_start3A_1095 = tpu.memref_slice %arg3[%add3A, %add3A_1083, %dma_start3A_1094] : memref<32x90x112xi32, #tpu.memory_space<hbm>> -> memref<1x1x112xi32, #tpu.memory_space<hbm>>
        %dma_start3A_1096 = tpu.memref_squeeze %dma_start3A_1095 : memref<1x1x112xi32, #tpu.memory_space<hbm>> -> memref<112xi32, #tpu.memory_space<hbm>>
        tpu.enqueue_dma source(%dma_start3A_1096 : memref<112xi32, #tpu.memory_space<hbm>>) target(%dma_start3A_1093 : memref<112xi32, #tpu.memory_space<vmem>>) target_semaphore(%arg10 : memref<!tpu.dma_semaphore, #tpu.memory_space<semaphore_mem>>)
        %dma_start3A_1097 = arith.constant 2 : i32
        %dma_start3A_1098 = arith.constant 0 : i32
        %dma_start3A_1099 = tpu.memref_slice %arg7[%dma_start3A_1097, %dma_start3A_1098] : memref<6x112xi32, #tpu.memory_space<vmem>> -> memref<1x112xi32, #tpu.memory_space<vmem>>
        %dma_start3A_1100 = tpu.memref_squeeze %dma_start3A_1099 : memref<1x112xi32, #tpu.memory_space<vmem>> -> memref<112xi32, #tpu.memory_space<vmem>>
        %dma_start3A_1101 = arith.constant 0 : i32
        %dma_start3A_1102 = tpu.memref_slice %arg4[%add3A, %add3A_1083, %dma_start3A_1101] : memref<32x90x112xi32, #tpu.memory_space<hbm>> -> memref<1x1x112xi32, #tpu.memory_space<hbm>>
        %dma_start3A_1103 = tpu.memref_squeeze %dma_start3A_1102 : memref<1x1x112xi32, #tpu.memory_space<hbm>> -> memref<112xi32, #tpu.memory_space<hbm>>
        %dma_start3A_1104 = arith.constant 0 : i32
        %dma_start3A_1105 = tpu.memref_slice %arg7[%dma_start3A_1097, %dma_start3A_1104] : memref<6x112xi32, #tpu.memory_space<vmem>> -> memref<1x112xi32, #tpu.memory_space<vmem>>
        %dma_start3A_1106 = tpu.memref_squeeze %dma_start3A_1105 : memref<1x112xi32, #tpu.memory_space<vmem>> -> memref<112xi32, #tpu.memory_space<vmem>>
        %dma_start3A_1107 = arith.constant 0 : i32
        %dma_start3A_1108 = tpu.memref_slice %arg4[%add3A, %add3A_1083, %dma_start3A_1107] : memref<32x90x112xi32, #tpu.memory_space<hbm>> -> memref<1x1x112xi32, #tpu.memory_space<hbm>>
        %dma_start3A_1109 = tpu.memref_squeeze %dma_start3A_1108 : memref<1x1x112xi32, #tpu.memory_space<hbm>> -> memref<112xi32, #tpu.memory_space<hbm>>
        tpu.enqueue_dma source(%dma_start3A_1109 : memref<112xi32, #tpu.memory_space<hbm>>) target(%dma_start3A_1106 : memref<112xi32, #tpu.memory_space<vmem>>) target_semaphore(%arg10 : memref<!tpu.dma_semaphore, #tpu.memory_space<semaphore_mem>>)
      } else {
      }
    }
    %scan3A_273 = arith.constant 15 : i32
    %dma_wait3A_274 = arith.constant 0 : i32
    %dma_wait3A_275 = arith.constant 2 : i32
    %dma_wait3A_276 = arith.constant 0 : i32
    %dma_wait3A_277 = arith.constant 0 : i32
    %dma_wait3A_278 = tpu.memref_slice %arg8[%dma_wait3A_275, %dma_wait3A_276, %dma_wait3A_277] : memref<3x112x128xf32, #tpu.memory_space<vmem>> -> memref<1x112x128xf32, #tpu.memory_space<vmem>>
    %dma_wait3A_279 = tpu.memref_squeeze %dma_wait3A_278 : memref<1x112x128xf32, #tpu.memory_space<vmem>> -> memref<112x128xf32, #tpu.memory_space<vmem>>
    %dma_wait3A_280 = arith.constant 0 : i32
    %dma_wait3A_281 = tpu.memref_slice %arg6[%dma_wait3A_274, %dma_wait3A_280] : memref<6x112xi32, #tpu.memory_space<vmem>> -> memref<1x112xi32, #tpu.memory_space<vmem>>
    %dma_wait3A_282 = tpu.memref_squeeze %dma_wait3A_281 : memref<1x112xi32, #tpu.memory_space<vmem>> -> memref<112xi32, #tpu.memory_space<vmem>>
    %dma_wait3A_283 = arith.constant 0 : i32
    %dma_wait3A_284 = arith.constant 0 : i32
    %dma_wait3A_285 = tpu.memref_slice %arg2[%dma_wait3A_283, %dma_wait3A_284] : memref<10112x128xf32, #tpu.memory_space<hbm>> -> memref<10112x128xf32, #tpu.memory_space<hbm>>
    tpu.wait_indirect_dma semaphore(%arg11 : memref<!tpu.dma_semaphore, #tpu.memory_space<semaphore_mem>>) src(%dma_wait3A_285 : memref<10112x128xf32, #tpu.memory_space<hbm>>) dst(%dma_wait3A_279 : memref<112x128xf32, #tpu.memory_space<vmem>>)
    %dma_start3A_286 = arith.constant 2 : i32
    %dma_start3A_287 = arith.constant 5 : i32
    %dma_start3A_288 = arith.constant 0 : i32
    %dma_start3A_289 = arith.constant 0 : i32
    %dma_start3A_290 = tpu.memref_slice %arg8[%dma_start3A_286, %dma_start3A_288, %dma_start3A_289] : memref<3x112x128xf32, #tpu.memory_space<vmem>> -> memref<1x112x128xf32, #tpu.memory_space<vmem>>
    %dma_start3A_291 = tpu.memref_squeeze %dma_start3A_290 : memref<1x112x128xf32, #tpu.memory_space<vmem>> -> memref<112x128xf32, #tpu.memory_space<vmem>>
    %dma_start3A_292 = arith.constant 0 : i32
    %dma_start3A_293 = tpu.memref_slice %arg7[%dma_start3A_287, %dma_start3A_292] : memref<6x112xi32, #tpu.memory_space<vmem>> -> memref<1x112xi32, #tpu.memory_space<vmem>>
    %dma_start3A_294 = tpu.memref_squeeze %dma_start3A_293 : memref<1x112xi32, #tpu.memory_space<vmem>> -> memref<112xi32, #tpu.memory_space<vmem>>
    %dma_start3A_295 = arith.constant 0 : i32
    %dma_start3A_296 = arith.constant 0 : i32
    %dma_start3A_297 = tpu.memref_slice %arg9[%dma_start3A_295, %dma_start3A_296] : memref<10112x128xf32, #tpu.memory_space<vmem_shared>> -> memref<10112x128xf32, #tpu.memory_space<vmem_shared>>
    tpu.enqueue_indirect_dma source(%dma_start3A_291 : memref<112x128xf32, #tpu.memory_space<vmem>>) target(%dma_start3A_297 : memref<10112x128xf32, #tpu.memory_space<vmem_shared>>) offsets(%dma_start3A_294 : memref<112xi32, #tpu.memory_space<vmem>>) semaphore(%arg12 : memref<!tpu.dma_semaphore, #tpu.memory_space<semaphore_mem>>) {add = true}
    %dma_wait3A_298 = arith.constant 0 : i32
    %dma_wait3A_299 = arith.constant 0 : i32
    %dma_wait3A_300 = arith.constant 0 : i32
    %dma_wait3A_301 = arith.constant 0 : i32
    %dma_wait3A_302 = tpu.memref_slice %arg8[%dma_wait3A_298, %dma_wait3A_300, %dma_wait3A_301] : memref<3x112x128xf32, #tpu.memory_space<vmem>> -> memref<1x112x128xf32, #tpu.memory_space<vmem>>
    %dma_wait3A_303 = tpu.memref_squeeze %dma_wait3A_302 : memref<1x112x128xf32, #tpu.memory_space<vmem>> -> memref<112x128xf32, #tpu.memory_space<vmem>>
    %dma_wait3A_304 = arith.constant 0 : i32
    %dma_wait3A_305 = tpu.memref_slice %arg7[%dma_wait3A_299, %dma_wait3A_304] : memref<6x112xi32, #tpu.memory_space<vmem>> -> memref<1x112xi32, #tpu.memory_space<vmem>>
    %dma_wait3A_306 = tpu.memref_squeeze %dma_wait3A_305 : memref<1x112xi32, #tpu.memory_space<vmem>> -> memref<112xi32, #tpu.memory_space<vmem>>
    %dma_wait3A_307 = arith.constant 0 : i32
    %dma_wait3A_308 = arith.constant 0 : i32
    %dma_wait3A_309 = tpu.memref_slice %arg9[%dma_wait3A_307, %dma_wait3A_308] : memref<10112x128xf32, #tpu.memory_space<vmem_shared>> -> memref<10112x128xf32, #tpu.memory_space<vmem_shared>>
    tpu.wait_indirect_dma semaphore(%arg12 : memref<!tpu.dma_semaphore, #tpu.memory_space<semaphore_mem>>) src(%dma_wait3A_303 : memref<112x128xf32, #tpu.memory_space<vmem>>) dst(%dma_wait3A_309 : memref<10112x128xf32, #tpu.memory_space<vmem_shared>>)
    %dma_wait3A_310 = arith.constant 1 : i32
    %dma_wait3A_311 = arith.constant 0 : i32
    %dma_wait3A_312 = arith.constant 0 : i32
    %dma_wait3A_313 = arith.constant 0 : i32
    %dma_wait3A_314 = tpu.memref_slice %arg8[%dma_wait3A_310, %dma_wait3A_312, %dma_wait3A_313] : memref<3x112x128xf32, #tpu.memory_space<vmem>> -> memref<1x112x128xf32, #tpu.memory_space<vmem>>
    %dma_wait3A_315 = tpu.memref_squeeze %dma_wait3A_314 : memref<1x112x128xf32, #tpu.memory_space<vmem>> -> memref<112x128xf32, #tpu.memory_space<vmem>>
    %dma_wait3A_316 = arith.constant 0 : i32
    %dma_wait3A_317 = tpu.memref_slice %arg7[%dma_wait3A_311, %dma_wait3A_316] : memref<6x112xi32, #tpu.memory_space<vmem>> -> memref<1x112xi32, #tpu.memory_space<vmem>>
    %dma_wait3A_318 = tpu.memref_squeeze %dma_wait3A_317 : memref<1x112xi32, #tpu.memory_space<vmem>> -> memref<112xi32, #tpu.memory_space<vmem>>
    %dma_wait3A_319 = arith.constant 0 : i32
    %dma_wait3A_320 = arith.constant 0 : i32
    %dma_wait3A_321 = tpu.memref_slice %arg9[%dma_wait3A_319, %dma_wait3A_320] : memref<10112x128xf32, #tpu.memory_space<vmem_shared>> -> memref<10112x128xf32, #tpu.memory_space<vmem_shared>>
    tpu.wait_indirect_dma semaphore(%arg12 : memref<!tpu.dma_semaphore, #tpu.memory_space<semaphore_mem>>) src(%dma_wait3A_315 : memref<112x128xf32, #tpu.memory_space<vmem>>) dst(%dma_wait3A_321 : memref<10112x128xf32, #tpu.memory_space<vmem_shared>>)
    %dma_wait3A_322 = arith.constant 2 : i32
    %dma_wait3A_323 = arith.constant 0 : i32
    %dma_wait3A_324 = arith.constant 0 : i32
    %dma_wait3A_325 = arith.constant 0 : i32
    %dma_wait3A_326 = tpu.memref_slice %arg8[%dma_wait3A_322, %dma_wait3A_324, %dma_wait3A_325] : memref<3x112x128xf32, #tpu.memory_space<vmem>> -> memref<1x112x128xf32, #tpu.memory_space<vmem>>
    %dma_wait3A_327 = tpu.memref_squeeze %dma_wait3A_326 : memref<1x112x128xf32, #tpu.memory_space<vmem>> -> memref<112x128xf32, #tpu.memory_space<vmem>>
    %dma_wait3A_328 = arith.constant 0 : i32
    %dma_wait3A_329 = tpu.memref_slice %arg7[%dma_wait3A_323, %dma_wait3A_328] : memref<6x112xi32, #tpu.memory_space<vmem>> -> memref<1x112xi32, #tpu.memory_space<vmem>>
    %dma_wait3A_330 = tpu.memref_squeeze %dma_wait3A_329 : memref<1x112xi32, #tpu.memory_space<vmem>> -> memref<112xi32, #tpu.memory_space<vmem>>
    %dma_wait3A_331 = arith.constant 0 : i32
    %dma_wait3A_332 = arith.constant 0 : i32
    %dma_wait3A_333 = tpu.memref_slice %arg9[%dma_wait3A_331, %dma_wait3A_332] : memref<10112x128xf32, #tpu.memory_space<vmem_shared>> -> memref<10112x128xf32, #tpu.memory_space<vmem_shared>>
    tpu.wait_indirect_dma semaphore(%arg12 : memref<!tpu.dma_semaphore, #tpu.memory_space<semaphore_mem>>) src(%dma_wait3A_327 : memref<112x128xf32, #tpu.memory_space<vmem>>) dst(%dma_wait3A_333 : memref<10112x128xf32, #tpu.memory_space<vmem_shared>>)
    %barrier3A_334 = arith.constant 0 : index
    tpu.barrier barrier_id(%barrier3A_334)
    %mul3A_335 = arith.constant 632 : i32
    %mul3A_336 = arith.muli %arg1, %mul3A_335 : i32
    %add3A_337 = arith.constant 0 : i32
    %add3A_338 = arith.addi %mul3A_336, %add3A_337 : i32
    %dma_start3A_339 = arith.constant 0 : i32
    %dma_start3A_340 = arith.constant 0 : i32
    %dma_start3A_341 = arith.constant 0 : i32
    %dma_start3A_342 = tpu.memref_slice %arg8[%dma_start3A_339, %dma_start3A_340, %dma_start3A_341] : memref<3x112x128xf32, #tpu.memory_space<vmem>> -> memref<1x112x128xf32, #tpu.memory_space<vmem>>
    %dma_start3A_343 = tpu.memref_squeeze %dma_start3A_342 : memref<1x112x128xf32, #tpu.memory_space<vmem>> -> memref<112x128xf32, #tpu.memory_space<vmem>>
    %dma_start3A_344 = arith.constant 0 : i32
    %dma_start3A_345 = tpu.memref_slice %arg9[%add3A_338, %dma_start3A_344] : memref<10112x128xf32, #tpu.memory_space<vmem_shared>> -> memref<112x128xf32, #tpu.memory_space<vmem_shared>>
    %dma_start3A_346 = arith.constant 0 : i32
    %dma_start3A_347 = arith.constant 0 : i32
    %dma_start3A_348 = tpu.memref_slice %arg8[%dma_start3A_339, %dma_start3A_346, %dma_start3A_347] : memref<3x112x128xf32, #tpu.memory_space<vmem>> -> memref<1x112x128xf32, #tpu.memory_space<vmem>>
    %dma_start3A_349 = tpu.memref_squeeze %dma_start3A_348 : memref<1x112x128xf32, #tpu.memory_space<vmem>> -> memref<112x128xf32, #tpu.memory_space<vmem>>
    %dma_start3A_350 = arith.constant 0 : i32
    %dma_start3A_351 = tpu.memref_slice %arg9[%add3A_338, %dma_start3A_350] : memref<10112x128xf32, #tpu.memory_space<vmem_shared>> -> memref<112x128xf32, #tpu.memory_space<vmem_shared>>
    tpu.enqueue_dma source(%dma_start3A_351 : memref<112x128xf32, #tpu.memory_space<vmem_shared>>) target(%dma_start3A_349 : memref<112x128xf32, #tpu.memory_space<vmem>>) target_semaphore(%arg11 : memref<!tpu.dma_semaphore, #tpu.memory_space<semaphore_mem>>)
    %mul3A_352 = arith.constant 632 : i32
    %mul3A_353 = arith.muli %arg1, %mul3A_352 : i32
    %add3A_354 = arith.constant 112 : i32
    %add3A_355 = arith.addi %mul3A_353, %add3A_354 : i32
    %dma_start3A_356 = arith.constant 1 : i32
    %dma_start3A_357 = arith.constant 0 : i32
    %dma_start3A_358 = arith.constant 0 : i32
    %dma_start3A_359 = tpu.memref_slice %arg8[%dma_start3A_356, %dma_start3A_357, %dma_start3A_358] : memref<3x112x128xf32, #tpu.memory_space<vmem>> -> memref<1x112x128xf32, #tpu.memory_space<vmem>>
    %dma_start3A_360 = tpu.memref_squeeze %dma_start3A_359 : memref<1x112x128xf32, #tpu.memory_space<vmem>> -> memref<112x128xf32, #tpu.memory_space<vmem>>
    %dma_start3A_361 = arith.constant 0 : i32
    %dma_start3A_362 = tpu.memref_slice %arg9[%add3A_355, %dma_start3A_361] : memref<10112x128xf32, #tpu.memory_space<vmem_shared>> -> memref<112x128xf32, #tpu.memory_space<vmem_shared>>
    %dma_start3A_363 = arith.constant 0 : i32
    %dma_start3A_364 = arith.constant 0 : i32
    %dma_start3A_365 = tpu.memref_slice %arg8[%dma_start3A_356, %dma_start3A_363, %dma_start3A_364] : memref<3x112x128xf32, #tpu.memory_space<vmem>> -> memref<1x112x128xf32, #tpu.memory_space<vmem>>
    %dma_start3A_366 = tpu.memref_squeeze %dma_start3A_365 : memref<1x112x128xf32, #tpu.memory_space<vmem>> -> memref<112x128xf32, #tpu.memory_space<vmem>>
    %dma_start3A_367 = arith.constant 0 : i32
    %dma_start3A_368 = tpu.memref_slice %arg9[%add3A_355, %dma_start3A_367] : memref<10112x128xf32, #tpu.memory_space<vmem_shared>> -> memref<112x128xf32, #tpu.memory_space<vmem_shared>>
    tpu.enqueue_dma source(%dma_start3A_368 : memref<112x128xf32, #tpu.memory_space<vmem_shared>>) target(%dma_start3A_366 : memref<112x128xf32, #tpu.memory_space<vmem>>) target_semaphore(%arg11 : memref<!tpu.dma_semaphore, #tpu.memory_space<semaphore_mem>>)
    %mul3A_369 = arith.constant 632 : i32
    %mul3A_370 = arith.muli %arg1, %mul3A_369 : i32
    %add3A_371 = arith.constant 224 : i32
    %add3A_372 = arith.addi %mul3A_370, %add3A_371 : i32
    %dma_start3A_373 = arith.constant 2 : i32
    %dma_start3A_374 = arith.constant 0 : i32
    %dma_start3A_375 = arith.constant 0 : i32
    %dma_start3A_376 = tpu.memref_slice %arg8[%dma_start3A_373, %dma_start3A_374, %dma_start3A_375] : memref<3x112x128xf32, #tpu.memory_space<vmem>> -> memref<1x112x128xf32, #tpu.memory_space<vmem>>
    %dma_start3A_377 = tpu.memref_squeeze %dma_start3A_376 : memref<1x112x128xf32, #tpu.memory_space<vmem>> -> memref<112x128xf32, #tpu.memory_space<vmem>>
    %dma_start3A_378 = arith.constant 0 : i32
    %dma_start3A_379 = tpu.memref_slice %arg9[%add3A_372, %dma_start3A_378] : memref<10112x128xf32, #tpu.memory_space<vmem_shared>> -> memref<112x128xf32, #tpu.memory_space<vmem_shared>>
    %dma_start3A_380 = arith.constant 0 : i32
    %dma_start3A_381 = arith.constant 0 : i32
    %dma_start3A_382 = tpu.memref_slice %arg8[%dma_start3A_373, %dma_start3A_380, %dma_start3A_381] : memref<3x112x128xf32, #tpu.memory_space<vmem>> -> memref<1x112x128xf32, #tpu.memory_space<vmem>>
    %dma_start3A_383 = tpu.memref_squeeze %dma_start3A_382 : memref<1x112x128xf32, #tpu.memory_space<vmem>> -> memref<112x128xf32, #tpu.memory_space<vmem>>
    %dma_start3A_384 = arith.constant 0 : i32
    %dma_start3A_385 = tpu.memref_slice %arg9[%add3A_372, %dma_start3A_384] : memref<10112x128xf32, #tpu.memory_space<vmem_shared>> -> memref<112x128xf32, #tpu.memory_space<vmem_shared>>
    tpu.enqueue_dma source(%dma_start3A_385 : memref<112x128xf32, #tpu.memory_space<vmem_shared>>) target(%dma_start3A_383 : memref<112x128xf32, #tpu.memory_space<vmem>>) target_semaphore(%arg11 : memref<!tpu.dma_semaphore, #tpu.memory_space<semaphore_mem>>)
    %dma_wait3A_386 = arith.constant 0 : i32
    %dma_wait3A_387 = arith.constant 0 : i32
    %dma_wait3A_388 = arith.constant 0 : i32
    %dma_wait3A_389 = tpu.memref_slice %arg8[%dma_wait3A_386, %dma_wait3A_387, %dma_wait3A_388] : memref<3x112x128xf32, #tpu.memory_space<vmem>> -> memref<1x112x128xf32, #tpu.memory_space<vmem>>
    %dma_wait3A_390 = tpu.memref_squeeze %dma_wait3A_389 : memref<1x112x128xf32, #tpu.memory_space<vmem>> -> memref<112x128xf32, #tpu.memory_space<vmem>>
    %dma_wait3A_391 = arith.constant 0 : i32
    %dma_wait3A_392 = tpu.memref_slice %arg9[%add3A_338, %dma_wait3A_391] : memref<10112x128xf32, #tpu.memory_space<vmem_shared>> -> memref<112x128xf32, #tpu.memory_space<vmem_shared>>
    %dma_wait3A_393 = arith.constant 0 : i32
    %dma_wait3A_394 = arith.constant 0 : i32
    %dma_wait3A_395 = tpu.memref_slice %arg8[%dma_wait3A_386, %dma_wait3A_393, %dma_wait3A_394] : memref<3x112x128xf32, #tpu.memory_space<vmem>> -> memref<1x112x128xf32, #tpu.memory_space<vmem>>
    %dma_wait3A_396 = tpu.memref_squeeze %dma_wait3A_395 : memref<1x112x128xf32, #tpu.memory_space<vmem>> -> memref<112x128xf32, #tpu.memory_space<vmem>>
    %dma_wait3A_397 = arith.constant 0 : i32
    %dma_wait3A_398 = tpu.memref_slice %arg9[%add3A_338, %dma_wait3A_397] : memref<10112x128xf32, #tpu.memory_space<vmem_shared>> -> memref<112x128xf32, #tpu.memory_space<vmem_shared>>
    tpu.wait_dma2 semaphore(%arg11 : memref<!tpu.dma_semaphore, #tpu.memory_space<semaphore_mem>>) src(%dma_wait3A_398 : memref<112x128xf32, #tpu.memory_space<vmem_shared>>) dst(%dma_wait3A_396 : memref<112x128xf32, #tpu.memory_space<vmem>>)
    %mul3A_399 = arith.constant 632 : i32
    %mul3A_400 = arith.muli %arg1, %mul3A_399 : i32
    %add3A_401 = arith.constant 0 : i32
    %add3A_402 = arith.addi %mul3A_400, %add3A_401 : i32
    %dma_start3A_403 = arith.constant 0 : i32
    %dma_start3A_404 = arith.constant 0 : i32
    %dma_start3A_405 = arith.constant 0 : i32
    %dma_start3A_406 = tpu.memref_slice %arg8[%dma_start3A_403, %dma_start3A_404, %dma_start3A_405] : memref<3x112x128xf32, #tpu.memory_space<vmem>> -> memref<1x112x128xf32, #tpu.memory_space<vmem>>
    %dma_start3A_407 = tpu.memref_squeeze %dma_start3A_406 : memref<1x112x128xf32, #tpu.memory_space<vmem>> -> memref<112x128xf32, #tpu.memory_space<vmem>>
    %dma_start3A_408 = arith.constant 0 : i32
    %dma_start3A_409 = tpu.memref_slice %arg5[%arg0, %add3A_402, %dma_start3A_408] : memref<2x10112x128xf32, #tpu.memory_space<hbm>> -> memref<1x112x128xf32, #tpu.memory_space<hbm>>
    %dma_start3A_410 = tpu.memref_squeeze %dma_start3A_409 : memref<1x112x128xf32, #tpu.memory_space<hbm>> -> memref<112x128xf32, #tpu.memory_space<hbm>>
    %dma_start3A_411 = arith.constant 0 : i32
    %dma_start3A_412 = tpu.memref_slice %arg5[%arg0, %add3A_402, %dma_start3A_411] : memref<2x10112x128xf32, #tpu.memory_space<hbm>> -> memref<1x112x128xf32, #tpu.memory_space<hbm>>
    %dma_start3A_413 = tpu.memref_squeeze %dma_start3A_412 : memref<1x112x128xf32, #tpu.memory_space<hbm>> -> memref<112x128xf32, #tpu.memory_space<hbm>>
    %dma_start3A_414 = arith.constant 0 : i32
    %dma_start3A_415 = arith.constant 0 : i32
    %dma_start3A_416 = tpu.memref_slice %arg8[%dma_start3A_403, %dma_start3A_414, %dma_start3A_415] : memref<3x112x128xf32, #tpu.memory_space<vmem>> -> memref<1x112x128xf32, #tpu.memory_space<vmem>>
    %dma_start3A_417 = tpu.memref_squeeze %dma_start3A_416 : memref<1x112x128xf32, #tpu.memory_space<vmem>> -> memref<112x128xf32, #tpu.memory_space<vmem>>
    tpu.enqueue_dma source(%dma_start3A_417 : memref<112x128xf32, #tpu.memory_space<vmem>>) target(%dma_start3A_413 : memref<112x128xf32, #tpu.memory_space<hbm>>) target_semaphore(%arg12 : memref<!tpu.dma_semaphore, #tpu.memory_space<semaphore_mem>>)
    %dma_wait3A_418 = arith.constant 0 : i32
    %dma_wait3A_419 = arith.constant 0 : i32
    %dma_wait3A_420 = arith.constant 0 : i32
    %dma_wait3A_421 = tpu.memref_slice %arg8[%dma_wait3A_418, %dma_wait3A_419, %dma_wait3A_420] : memref<3x112x128xf32, #tpu.memory_space<vmem>> -> memref<1x112x128xf32, #tpu.memory_space<vmem>>
    %dma_wait3A_422 = tpu.memref_squeeze %dma_wait3A_421 : memref<1x112x128xf32, #tpu.memory_space<vmem>> -> memref<112x128xf32, #tpu.memory_space<vmem>>
    %dma_wait3A_423 = arith.constant 0 : i32
    %dma_wait3A_424 = tpu.memref_slice %arg5[%arg0, %add3A_402, %dma_wait3A_423] : memref<2x10112x128xf32, #tpu.memory_space<hbm>> -> memref<1x112x128xf32, #tpu.memory_space<hbm>>
    %dma_wait3A_425 = tpu.memref_squeeze %dma_wait3A_424 : memref<1x112x128xf32, #tpu.memory_space<hbm>> -> memref<112x128xf32, #tpu.memory_space<hbm>>
    %dma_wait3A_426 = arith.constant 0 : i32
    %dma_wait3A_427 = tpu.memref_slice %arg5[%arg0, %add3A_402, %dma_wait3A_426] : memref<2x10112x128xf32, #tpu.memory_space<hbm>> -> memref<1x112x128xf32, #tpu.memory_space<hbm>>
    %dma_wait3A_428 = tpu.memref_squeeze %dma_wait3A_427 : memref<1x112x128xf32, #tpu.memory_space<hbm>> -> memref<112x128xf32, #tpu.memory_space<hbm>>
    %dma_wait3A_429 = arith.constant 0 : i32
    %dma_wait3A_430 = arith.constant 0 : i32
    %dma_wait3A_431 = tpu.memref_slice %arg8[%dma_wait3A_418, %dma_wait3A_429, %dma_wait3A_430] : memref<3x112x128xf32, #tpu.memory_space<vmem>> -> memref<1x112x128xf32, #tpu.memory_space<vmem>>
    %dma_wait3A_432 = tpu.memref_squeeze %dma_wait3A_431 : memref<1x112x128xf32, #tpu.memory_space<vmem>> -> memref<112x128xf32, #tpu.memory_space<vmem>>
    tpu.wait_dma2 semaphore(%arg12 : memref<!tpu.dma_semaphore, #tpu.memory_space<semaphore_mem>>) src(%dma_wait3A_432 : memref<112x128xf32, #tpu.memory_space<vmem>>) dst(%dma_wait3A_428 : memref<112x128xf32, #tpu.memory_space<hbm>>)
    %mul3A_433 = arith.constant 632 : i32
    %mul3A_434 = arith.muli %arg1, %mul3A_433 : i32
    %add3A_435 = arith.constant 336 : i32
    %add3A_436 = arith.addi %mul3A_434, %add3A_435 : i32
    %dma_start3A_437 = arith.constant 0 : i32
    %dma_start3A_438 = arith.constant 0 : i32
    %dma_start3A_439 = arith.constant 0 : i32
    %dma_start3A_440 = tpu.memref_slice %arg8[%dma_start3A_437, %dma_start3A_438, %dma_start3A_439] : memref<3x112x128xf32, #tpu.memory_space<vmem>> -> memref<1x112x128xf32, #tpu.memory_space<vmem>>
    %dma_start3A_441 = tpu.memref_squeeze %dma_start3A_440 : memref<1x112x128xf32, #tpu.memory_space<vmem>> -> memref<112x128xf32, #tpu.memory_space<vmem>>
    %dma_start3A_442 = arith.constant 0 : i32
    %dma_start3A_443 = tpu.memref_slice %arg9[%add3A_436, %dma_start3A_442] : memref<10112x128xf32, #tpu.memory_space<vmem_shared>> -> memref<112x128xf32, #tpu.memory_space<vmem_shared>>
    %dma_start3A_444 = arith.constant 0 : i32
    %dma_start3A_445 = arith.constant 0 : i32
    %dma_start3A_446 = tpu.memref_slice %arg8[%dma_start3A_437, %dma_start3A_444, %dma_start3A_445] : memref<3x112x128xf32, #tpu.memory_space<vmem>> -> memref<1x112x128xf32, #tpu.memory_space<vmem>>
    %dma_start3A_447 = tpu.memref_squeeze %dma_start3A_446 : memref<1x112x128xf32, #tpu.memory_space<vmem>> -> memref<112x128xf32, #tpu.memory_space<vmem>>
    %dma_start3A_448 = arith.constant 0 : i32
    %dma_start3A_449 = tpu.memref_slice %arg9[%add3A_436, %dma_start3A_448] : memref<10112x128xf32, #tpu.memory_space<vmem_shared>> -> memref<112x128xf32, #tpu.memory_space<vmem_shared>>
    tpu.enqueue_dma source(%dma_start3A_449 : memref<112x128xf32, #tpu.memory_space<vmem_shared>>) target(%dma_start3A_447 : memref<112x128xf32, #tpu.memory_space<vmem>>) target_semaphore(%arg11 : memref<!tpu.dma_semaphore, #tpu.memory_space<semaphore_mem>>)
    %dma_wait3A_450 = arith.constant 1 : i32
    %dma_wait3A_451 = arith.constant 0 : i32
    %dma_wait3A_452 = arith.constant 0 : i32
    %dma_wait3A_453 = tpu.memref_slice %arg8[%dma_wait3A_450, %dma_wait3A_451, %dma_wait3A_452] : memref<3x112x128xf32, #tpu.memory_space<vmem>> -> memref<1x112x128xf32, #tpu.memory_space<vmem>>
    %dma_wait3A_454 = tpu.memref_squeeze %dma_wait3A_453 : memref<1x112x128xf32, #tpu.memory_space<vmem>> -> memref<112x128xf32, #tpu.memory_space<vmem>>
    %dma_wait3A_455 = arith.constant 0 : i32
    %dma_wait3A_456 = tpu.memref_slice %arg9[%add3A_355, %dma_wait3A_455] : memref<10112x128xf32, #tpu.memory_space<vmem_shared>> -> memref<112x128xf32, #tpu.memory_space<vmem_shared>>
    %dma_wait3A_457 = arith.constant 0 : i32
    %dma_wait3A_458 = arith.constant 0 : i32
    %dma_wait3A_459 = tpu.memref_slice %arg8[%dma_wait3A_450, %dma_wait3A_457, %dma_wait3A_458] : memref<3x112x128xf32, #tpu.memory_space<vmem>> -> memref<1x112x128xf32, #tpu.memory_space<vmem>>
    %dma_wait3A_460 = tpu.memref_squeeze %dma_wait3A_459 : memref<1x112x128xf32, #tpu.memory_space<vmem>> -> memref<112x128xf32, #tpu.memory_space<vmem>>
    %dma_wait3A_461 = arith.constant 0 : i32
    %dma_wait3A_462 = tpu.memref_slice %arg9[%add3A_355, %dma_wait3A_461] : memref<10112x128xf32, #tpu.memory_space<vmem_shared>> -> memref<112x128xf32, #tpu.memory_space<vmem_shared>>
    tpu.wait_dma2 semaphore(%arg11 : memref<!tpu.dma_semaphore, #tpu.memory_space<semaphore_mem>>) src(%dma_wait3A_462 : memref<112x128xf32, #tpu.memory_space<vmem_shared>>) dst(%dma_wait3A_460 : memref<112x128xf32, #tpu.memory_space<vmem>>)
    %mul3A_463 = arith.constant 632 : i32
    %mul3A_464 = arith.muli %arg1, %mul3A_463 : i32
    %add3A_465 = arith.constant 112 : i32
    %add3A_466 = arith.addi %mul3A_464, %add3A_465 : i32
    %dma_start3A_467 = arith.constant 1 : i32
    %dma_start3A_468 = arith.constant 0 : i32
    %dma_start3A_469 = arith.constant 0 : i32
    %dma_start3A_470 = tpu.memref_slice %arg8[%dma_start3A_467, %dma_start3A_468, %dma_start3A_469] : memref<3x112x128xf32, #tpu.memory_space<vmem>> -> memref<1x112x128xf32, #tpu.memory_space<vmem>>
    %dma_start3A_471 = tpu.memref_squeeze %dma_start3A_470 : memref<1x112x128xf32, #tpu.memory_space<vmem>> -> memref<112x128xf32, #tpu.memory_space<vmem>>
    %dma_start3A_472 = arith.constant 0 : i32
    %dma_start3A_473 = tpu.memref_slice %arg5[%arg0, %add3A_466, %dma_start3A_472] : memref<2x10112x128xf32, #tpu.memory_space<hbm>> -> memref<1x112x128xf32, #tpu.memory_space<hbm>>
    %dma_start3A_474 = tpu.memref_squeeze %dma_start3A_473 : memref<1x112x128xf32, #tpu.memory_space<hbm>> -> memref<112x128xf32, #tpu.memory_space<hbm>>
    %dma_start3A_475 = arith.constant 0 : i32
    %dma_start3A_476 = tpu.memref_slice %arg5[%arg0, %add3A_466, %dma_start3A_475] : memref<2x10112x128xf32, #tpu.memory_space<hbm>> -> memref<1x112x128xf32, #tpu.memory_space<hbm>>
    %dma_start3A_477 = tpu.memref_squeeze %dma_start3A_476 : memref<1x112x128xf32, #tpu.memory_space<hbm>> -> memref<112x128xf32, #tpu.memory_space<hbm>>
    %dma_start3A_478 = arith.constant 0 : i32
    %dma_start3A_479 = arith.constant 0 : i32
    %dma_start3A_480 = tpu.memref_slice %arg8[%dma_start3A_467, %dma_start3A_478, %dma_start3A_479] : memref<3x112x128xf32, #tpu.memory_space<vmem>> -> memref<1x112x128xf32, #tpu.memory_space<vmem>>
    %dma_start3A_481 = tpu.memref_squeeze %dma_start3A_480 : memref<1x112x128xf32, #tpu.memory_space<vmem>> -> memref<112x128xf32, #tpu.memory_space<vmem>>
    tpu.enqueue_dma source(%dma_start3A_481 : memref<112x128xf32, #tpu.memory_space<vmem>>) target(%dma_start3A_477 : memref<112x128xf32, #tpu.memory_space<hbm>>) target_semaphore(%arg12 : memref<!tpu.dma_semaphore, #tpu.memory_space<semaphore_mem>>)
    %dma_wait3A_482 = arith.constant 1 : i32
    %dma_wait3A_483 = arith.constant 0 : i32
    %dma_wait3A_484 = arith.constant 0 : i32
    %dma_wait3A_485 = tpu.memref_slice %arg8[%dma_wait3A_482, %dma_wait3A_483, %dma_wait3A_484] : memref<3x112x128xf32, #tpu.memory_space<vmem>> -> memref<1x112x128xf32, #tpu.memory_space<vmem>>
    %dma_wait3A_486 = tpu.memref_squeeze %dma_wait3A_485 : memref<1x112x128xf32, #tpu.memory_space<vmem>> -> memref<112x128xf32, #tpu.memory_space<vmem>>
    %dma_wait3A_487 = arith.constant 0 : i32
    %dma_wait3A_488 = tpu.memref_slice %arg5[%arg0, %add3A_466, %dma_wait3A_487] : memref<2x10112x128xf32, #tpu.memory_space<hbm>> -> memref<1x112x128xf32, #tpu.memory_space<hbm>>
    %dma_wait3A_489 = tpu.memref_squeeze %dma_wait3A_488 : memref<1x112x128xf32, #tpu.memory_space<hbm>> -> memref<112x128xf32, #tpu.memory_space<hbm>>
    %dma_wait3A_490 = arith.constant 0 : i32
    %dma_wait3A_491 = tpu.memref_slice %arg5[%arg0, %add3A_466, %dma_wait3A_490] : memref<2x10112x128xf32, #tpu.memory_space<hbm>> -> memref<1x112x128xf32, #tpu.memory_space<hbm>>
    %dma_wait3A_492 = tpu.memref_squeeze %dma_wait3A_491 : memref<1x112x128xf32, #tpu.memory_space<hbm>> -> memref<112x128xf32, #tpu.memory_space<hbm>>
    %dma_wait3A_493 = arith.constant 0 : i32
    %dma_wait3A_494 = arith.constant 0 : i32
    %dma_wait3A_495 = tpu.memref_slice %arg8[%dma_wait3A_482, %dma_wait3A_493, %dma_wait3A_494] : memref<3x112x128xf32, #tpu.memory_space<vmem>> -> memref<1x112x128xf32, #tpu.memory_space<vmem>>
    %dma_wait3A_496 = tpu.memref_squeeze %dma_wait3A_495 : memref<1x112x128xf32, #tpu.memory_space<vmem>> -> memref<112x128xf32, #tpu.memory_space<vmem>>
    tpu.wait_dma2 semaphore(%arg12 : memref<!tpu.dma_semaphore, #tpu.memory_space<semaphore_mem>>) src(%dma_wait3A_496 : memref<112x128xf32, #tpu.memory_space<vmem>>) dst(%dma_wait3A_492 : memref<112x128xf32, #tpu.memory_space<hbm>>)
    %mul3A_497 = arith.constant 632 : i32
    %mul3A_498 = arith.muli %arg1, %mul3A_497 : i32
    %add3A_499 = arith.constant 448 : i32
    %add3A_500 = arith.addi %mul3A_498, %add3A_499 : i32
    %dma_start3A_501 = arith.constant 1 : i32
    %dma_start3A_502 = arith.constant 0 : i32
    %dma_start3A_503 = arith.constant 0 : i32
    %dma_start3A_504 = tpu.memref_slice %arg8[%dma_start3A_501, %dma_start3A_502, %dma_start3A_503] : memref<3x112x128xf32, #tpu.memory_space<vmem>> -> memref<1x112x128xf32, #tpu.memory_space<vmem>>
    %dma_start3A_505 = tpu.memref_squeeze %dma_start3A_504 : memref<1x112x128xf32, #tpu.memory_space<vmem>> -> memref<112x128xf32, #tpu.memory_space<vmem>>
    %dma_start3A_506 = arith.constant 0 : i32
    %dma_start3A_507 = tpu.memref_slice %arg9[%add3A_500, %dma_start3A_506] : memref<10112x128xf32, #tpu.memory_space<vmem_shared>> -> memref<112x128xf32, #tpu.memory_space<vmem_shared>>
    %dma_start3A_508 = arith.constant 0 : i32
    %dma_start3A_509 = arith.constant 0 : i32
    %dma_start3A_510 = tpu.memref_slice %arg8[%dma_start3A_501, %dma_start3A_508, %dma_start3A_509] : memref<3x112x128xf32, #tpu.memory_space<vmem>> -> memref<1x112x128xf32, #tpu.memory_space<vmem>>
    %dma_start3A_511 = tpu.memref_squeeze %dma_start3A_510 : memref<1x112x128xf32, #tpu.memory_space<vmem>> -> memref<112x128xf32, #tpu.memory_space<vmem>>
    %dma_start3A_512 = arith.constant 0 : i32
    %dma_start3A_513 = tpu.memref_slice %arg9[%add3A_500, %dma_start3A_512] : memref<10112x128xf32, #tpu.memory_space<vmem_shared>> -> memref<112x128xf32, #tpu.memory_space<vmem_shared>>
    tpu.enqueue_dma source(%dma_start3A_513 : memref<112x128xf32, #tpu.memory_space<vmem_shared>>) target(%dma_start3A_511 : memref<112x128xf32, #tpu.memory_space<vmem>>) target_semaphore(%arg11 : memref<!tpu.dma_semaphore, #tpu.memory_space<semaphore_mem>>)
    %dma_wait3A_514 = arith.constant 2 : i32
    %dma_wait3A_515 = arith.constant 0 : i32
    %dma_wait3A_516 = arith.constant 0 : i32
    %dma_wait3A_517 = tpu.memref_slice %arg8[%dma_wait3A_514, %dma_wait3A_515, %dma_wait3A_516] : memref<3x112x128xf32, #tpu.memory_space<vmem>> -> memref<1x112x128xf32, #tpu.memory_space<vmem>>
    %dma_wait3A_518 = tpu.memref_squeeze %dma_wait3A_517 : memref<1x112x128xf32, #tpu.memory_space<vmem>> -> memref<112x128xf32, #tpu.memory_space<vmem>>
    %dma_wait3A_519 = arith.constant 0 : i32
    %dma_wait3A_520 = tpu.memref_slice %arg9[%add3A_372, %dma_wait3A_519] : memref<10112x128xf32, #tpu.memory_space<vmem_shared>> -> memref<112x128xf32, #tpu.memory_space<vmem_shared>>
    %dma_wait3A_521 = arith.constant 0 : i32
    %dma_wait3A_522 = arith.constant 0 : i32
    %dma_wait3A_523 = tpu.memref_slice %arg8[%dma_wait3A_514, %dma_wait3A_521, %dma_wait3A_522] : memref<3x112x128xf32, #tpu.memory_space<vmem>> -> memref<1x112x128xf32, #tpu.memory_space<vmem>>
    %dma_wait3A_524 = tpu.memref_squeeze %dma_wait3A_523 : memref<1x112x128xf32, #tpu.memory_space<vmem>> -> memref<112x128xf32, #tpu.memory_space<vmem>>
    %dma_wait3A_525 = arith.constant 0 : i32
    %dma_wait3A_526 = tpu.memref_slice %arg9[%add3A_372, %dma_wait3A_525] : memref<10112x128xf32, #tpu.memory_space<vmem_shared>> -> memref<112x128xf32, #tpu.memory_space<vmem_shared>>
    tpu.wait_dma2 semaphore(%arg11 : memref<!tpu.dma_semaphore, #tpu.memory_space<semaphore_mem>>) src(%dma_wait3A_526 : memref<112x128xf32, #tpu.memory_space<vmem_shared>>) dst(%dma_wait3A_524 : memref<112x128xf32, #tpu.memory_space<vmem>>)
    %mul3A_527 = arith.constant 632 : i32
    %mul3A_528 = arith.muli %arg1, %mul3A_527 : i32
    %add3A_529 = arith.constant 224 : i32
    %add3A_530 = arith.addi %mul3A_528, %add3A_529 : i32
    %dma_start3A_531 = arith.constant 2 : i32
    %dma_start3A_532 = arith.constant 0 : i32
    %dma_start3A_533 = arith.constant 0 : i32
    %dma_start3A_534 = tpu.memref_slice %arg8[%dma_start3A_531, %dma_start3A_532, %dma_start3A_533] : memref<3x112x128xf32, #tpu.memory_space<vmem>> -> memref<1x112x128xf32, #tpu.memory_space<vmem>>
    %dma_start3A_535 = tpu.memref_squeeze %dma_start3A_534 : memref<1x112x128xf32, #tpu.memory_space<vmem>> -> memref<112x128xf32, #tpu.memory_space<vmem>>
    %dma_start3A_536 = arith.constant 0 : i32
    %dma_start3A_537 = tpu.memref_slice %arg5[%arg0, %add3A_530, %dma_start3A_536] : memref<2x10112x128xf32, #tpu.memory_space<hbm>> -> memref<1x112x128xf32, #tpu.memory_space<hbm>>
    %dma_start3A_538 = tpu.memref_squeeze %dma_start3A_537 : memref<1x112x128xf32, #tpu.memory_space<hbm>> -> memref<112x128xf32, #tpu.memory_space<hbm>>
    %dma_start3A_539 = arith.constant 0 : i32
    %dma_start3A_540 = tpu.memref_slice %arg5[%arg0, %add3A_530, %dma_start3A_539] : memref<2x10112x128xf32, #tpu.memory_space<hbm>> -> memref<1x112x128xf32, #tpu.memory_space<hbm>>
    %dma_start3A_541 = tpu.memref_squeeze %dma_start3A_540 : memref<1x112x128xf32, #tpu.memory_space<hbm>> -> memref<112x128xf32, #tpu.memory_space<hbm>>
    %dma_start3A_542 = arith.constant 0 : i32
    %dma_start3A_543 = arith.constant 0 : i32
    %dma_start3A_544 = tpu.memref_slice %arg8[%dma_start3A_531, %dma_start3A_542, %dma_start3A_543] : memref<3x112x128xf32, #tpu.memory_space<vmem>> -> memref<1x112x128xf32, #tpu.memory_space<vmem>>
    %dma_start3A_545 = tpu.memref_squeeze %dma_start3A_544 : memref<1x112x128xf32, #tpu.memory_space<vmem>> -> memref<112x128xf32, #tpu.memory_space<vmem>>
    tpu.enqueue_dma source(%dma_start3A_545 : memref<112x128xf32, #tpu.memory_space<vmem>>) target(%dma_start3A_541 : memref<112x128xf32, #tpu.memory_space<hbm>>) target_semaphore(%arg12 : memref<!tpu.dma_semaphore, #tpu.memory_space<semaphore_mem>>)
    %dma_wait3A_546 = arith.constant 2 : i32
    %dma_wait3A_547 = arith.constant 0 : i32
    %dma_wait3A_548 = arith.constant 0 : i32
    %dma_wait3A_549 = tpu.memref_slice %arg8[%dma_wait3A_546, %dma_wait3A_547, %dma_wait3A_548] : memref<3x112x128xf32, #tpu.memory_space<vmem>> -> memref<1x112x128xf32, #tpu.memory_space<vmem>>
    %dma_wait3A_550 = tpu.memref_squeeze %dma_wait3A_549 : memref<1x112x128xf32, #tpu.memory_space<vmem>> -> memref<112x128xf32, #tpu.memory_space<vmem>>
    %dma_wait3A_551 = arith.constant 0 : i32
    %dma_wait3A_552 = tpu.memref_slice %arg5[%arg0, %add3A_530, %dma_wait3A_551] : memref<2x10112x128xf32, #tpu.memory_space<hbm>> -> memref<1x112x128xf32, #tpu.memory_space<hbm>>
    %dma_wait3A_553 = tpu.memref_squeeze %dma_wait3A_552 : memref<1x112x128xf32, #tpu.memory_space<hbm>> -> memref<112x128xf32, #tpu.memory_space<hbm>>
    %dma_wait3A_554 = arith.constant 0 : i32
    %dma_wait3A_555 = tpu.memref_slice %arg5[%arg0, %add3A_530, %dma_wait3A_554] : memref<2x10112x128xf32, #tpu.memory_space<hbm>> -> memref<1x112x128xf32, #tpu.memory_space<hbm>>
    %dma_wait3A_556 = tpu.memref_squeeze %dma_wait3A_555 : memref<1x112x128xf32, #tpu.memory_space<hbm>> -> memref<112x128xf32, #tpu.memory_space<hbm>>
    %dma_wait3A_557 = arith.constant 0 : i32
    %dma_wait3A_558 = arith.constant 0 : i32
    %dma_wait3A_559 = tpu.memref_slice %arg8[%dma_wait3A_546, %dma_wait3A_557, %dma_wait3A_558] : memref<3x112x128xf32, #tpu.memory_space<vmem>> -> memref<1x112x128xf32, #tpu.memory_space<vmem>>
    %dma_wait3A_560 = tpu.memref_squeeze %dma_wait3A_559 : memref<1x112x128xf32, #tpu.memory_space<vmem>> -> memref<112x128xf32, #tpu.memory_space<vmem>>
    tpu.wait_dma2 semaphore(%arg12 : memref<!tpu.dma_semaphore, #tpu.memory_space<semaphore_mem>>) src(%dma_wait3A_560 : memref<112x128xf32, #tpu.memory_space<vmem>>) dst(%dma_wait3A_556 : memref<112x128xf32, #tpu.memory_space<hbm>>)
    %mul3A_561 = arith.constant 632 : i32
    %mul3A_562 = arith.muli %arg1, %mul3A_561 : i32
    %add3A_563 = arith.constant 560 : i32
    %add3A_564 = arith.addi %mul3A_562, %add3A_563 : i32
    %dma_start3A_565 = arith.constant 2 : i32
    %dma_start3A_566 = arith.constant 0 : i32
    %dma_start3A_567 = arith.constant 0 : i32
    %dma_start3A_568 = tpu.memref_slice %arg8[%dma_start3A_565, %dma_start3A_566, %dma_start3A_567] : memref<3x112x128xf32, #tpu.memory_space<vmem>> -> memref<1x72x128xf32, #tpu.memory_space<vmem>>
    %dma_start3A_569 = tpu.memref_squeeze %dma_start3A_568 : memref<1x72x128xf32, #tpu.memory_space<vmem>> -> memref<72x128xf32, #tpu.memory_space<vmem>>
    %dma_start3A_570 = arith.constant 0 : i32
    %dma_start3A_571 = tpu.memref_slice %arg9[%add3A_564, %dma_start3A_570] : memref<10112x128xf32, #tpu.memory_space<vmem_shared>> -> memref<72x128xf32, #tpu.memory_space<vmem_shared>>
    %dma_start3A_572 = arith.constant 0 : i32
    %dma_start3A_573 = arith.constant 0 : i32
    %dma_start3A_574 = tpu.memref_slice %arg8[%dma_start3A_565, %dma_start3A_572, %dma_start3A_573] : memref<3x112x128xf32, #tpu.memory_space<vmem>> -> memref<1x72x128xf32, #tpu.memory_space<vmem>>
    %dma_start3A_575 = tpu.memref_squeeze %dma_start3A_574 : memref<1x72x128xf32, #tpu.memory_space<vmem>> -> memref<72x128xf32, #tpu.memory_space<vmem>>
    %dma_start3A_576 = arith.constant 0 : i32
    %dma_start3A_577 = tpu.memref_slice %arg9[%add3A_564, %dma_start3A_576] : memref<10112x128xf32, #tpu.memory_space<vmem_shared>> -> memref<72x128xf32, #tpu.memory_space<vmem_shared>>
    tpu.enqueue_dma source(%dma_start3A_577 : memref<72x128xf32, #tpu.memory_space<vmem_shared>>) target(%dma_start3A_575 : memref<72x128xf32, #tpu.memory_space<vmem>>) target_semaphore(%arg11 : memref<!tpu.dma_semaphore, #tpu.memory_space<semaphore_mem>>)
    %dma_wait3A_578 = arith.constant 0 : i32
    %dma_wait3A_579 = arith.constant 0 : i32
    %dma_wait3A_580 = arith.constant 0 : i32
    %dma_wait3A_581 = tpu.memref_slice %arg8[%dma_wait3A_578, %dma_wait3A_579, %dma_wait3A_580] : memref<3x112x128xf32, #tpu.memory_space<vmem>> -> memref<1x112x128xf32, #tpu.memory_space<vmem>>
    %dma_wait3A_582 = tpu.memref_squeeze %dma_wait3A_581 : memref<1x112x128xf32, #tpu.memory_space<vmem>> -> memref<112x128xf32, #tpu.memory_space<vmem>>
    %dma_wait3A_583 = arith.constant 0 : i32
    %dma_wait3A_584 = tpu.memref_slice %arg9[%add3A_436, %dma_wait3A_583] : memref<10112x128xf32, #tpu.memory_space<vmem_shared>> -> memref<112x128xf32, #tpu.memory_space<vmem_shared>>
    %dma_wait3A_585 = arith.constant 0 : i32
    %dma_wait3A_586 = arith.constant 0 : i32
    %dma_wait3A_587 = tpu.memref_slice %arg8[%dma_wait3A_578, %dma_wait3A_585, %dma_wait3A_586] : memref<3x112x128xf32, #tpu.memory_space<vmem>> -> memref<1x112x128xf32, #tpu.memory_space<vmem>>
    %dma_wait3A_588 = tpu.memref_squeeze %dma_wait3A_587 : memref<1x112x128xf32, #tpu.memory_space<vmem>> -> memref<112x128xf32, #tpu.memory_space<vmem>>
    %dma_wait3A_589 = arith.constant 0 : i32
    %dma_wait3A_590 = tpu.memref_slice %arg9[%add3A_436, %dma_wait3A_589] : memref<10112x128xf32, #tpu.memory_space<vmem_shared>> -> memref<112x128xf32, #tpu.memory_space<vmem_shared>>
    tpu.wait_dma2 semaphore(%arg11 : memref<!tpu.dma_semaphore, #tpu.memory_space<semaphore_mem>>) src(%dma_wait3A_590 : memref<112x128xf32, #tpu.memory_space<vmem_shared>>) dst(%dma_wait3A_588 : memref<112x128xf32, #tpu.memory_space<vmem>>)
    %mul3A_591 = arith.constant 632 : i32
    %mul3A_592 = arith.muli %arg1, %mul3A_591 : i32
    %add3A_593 = arith.constant 336 : i32
    %add3A_594 = arith.addi %mul3A_592, %add3A_593 : i32
    %dma_start3A_595 = arith.constant 0 : i32
    %dma_start3A_596 = arith.constant 0 : i32
    %dma_start3A_597 = arith.constant 0 : i32
    %dma_start3A_598 = tpu.memref_slice %arg8[%dma_start3A_595, %dma_start3A_596, %dma_start3A_597] : memref<3x112x128xf32, #tpu.memory_space<vmem>> -> memref<1x112x128xf32, #tpu.memory_space<vmem>>
    %dma_start3A_599 = tpu.memref_squeeze %dma_start3A_598 : memref<1x112x128xf32, #tpu.memory_space<vmem>> -> memref<112x128xf32, #tpu.memory_space<vmem>>
    %dma_start3A_600 = arith.constant 0 : i32
    %dma_start3A_601 = tpu.memref_slice %arg5[%arg0, %add3A_594, %dma_start3A_600] : memref<2x10112x128xf32, #tpu.memory_space<hbm>> -> memref<1x112x128xf32, #tpu.memory_space<hbm>>
    %dma_start3A_602 = tpu.memref_squeeze %dma_start3A_601 : memref<1x112x128xf32, #tpu.memory_space<hbm>> -> memref<112x128xf32, #tpu.memory_space<hbm>>
    %dma_start3A_603 = arith.constant 0 : i32
    %dma_start3A_604 = tpu.memref_slice %arg5[%arg0, %add3A_594, %dma_start3A_603] : memref<2x10112x128xf32, #tpu.memory_space<hbm>> -> memref<1x112x128xf32, #tpu.memory_space<hbm>>
    %dma_start3A_605 = tpu.memref_squeeze %dma_start3A_604 : memref<1x112x128xf32, #tpu.memory_space<hbm>> -> memref<112x128xf32, #tpu.memory_space<hbm>>
    %dma_start3A_606 = arith.constant 0 : i32
    %dma_start3A_607 = arith.constant 0 : i32
    %dma_start3A_608 = tpu.memref_slice %arg8[%dma_start3A_595, %dma_start3A_606, %dma_start3A_607] : memref<3x112x128xf32, #tpu.memory_space<vmem>> -> memref<1x112x128xf32, #tpu.memory_space<vmem>>
    %dma_start3A_609 = tpu.memref_squeeze %dma_start3A_608 : memref<1x112x128xf32, #tpu.memory_space<vmem>> -> memref<112x128xf32, #tpu.memory_space<vmem>>
    tpu.enqueue_dma source(%dma_start3A_609 : memref<112x128xf32, #tpu.memory_space<vmem>>) target(%dma_start3A_605 : memref<112x128xf32, #tpu.memory_space<hbm>>) target_semaphore(%arg12 : memref<!tpu.dma_semaphore, #tpu.memory_space<semaphore_mem>>)
    %dma_wait3A_610 = arith.constant 1 : i32
    %dma_wait3A_611 = arith.constant 0 : i32
    %dma_wait3A_612 = arith.constant 0 : i32
    %dma_wait3A_613 = tpu.memref_slice %arg8[%dma_wait3A_610, %dma_wait3A_611, %dma_wait3A_612] : memref<3x112x128xf32, #tpu.memory_space<vmem>> -> memref<1x112x128xf32, #tpu.memory_space<vmem>>
    %dma_wait3A_614 = tpu.memref_squeeze %dma_wait3A_613 : memref<1x112x128xf32, #tpu.memory_space<vmem>> -> memref<112x128xf32, #tpu.memory_space<vmem>>
    %dma_wait3A_615 = arith.constant 0 : i32
    %dma_wait3A_616 = tpu.memref_slice %arg9[%add3A_500, %dma_wait3A_615] : memref<10112x128xf32, #tpu.memory_space<vmem_shared>> -> memref<112x128xf32, #tpu.memory_space<vmem_shared>>
    %dma_wait3A_617 = arith.constant 0 : i32
    %dma_wait3A_618 = arith.constant 0 : i32
    %dma_wait3A_619 = tpu.memref_slice %arg8[%dma_wait3A_610, %dma_wait3A_617, %dma_wait3A_618] : memref<3x112x128xf32, #tpu.memory_space<vmem>> -> memref<1x112x128xf32, #tpu.memory_space<vmem>>
    %dma_wait3A_620 = tpu.memref_squeeze %dma_wait3A_619 : memref<1x112x128xf32, #tpu.memory_space<vmem>> -> memref<112x128xf32, #tpu.memory_space<vmem>>
    %dma_wait3A_621 = arith.constant 0 : i32
    %dma_wait3A_622 = tpu.memref_slice %arg9[%add3A_500, %dma_wait3A_621] : memref<10112x128xf32, #tpu.memory_space<vmem_shared>> -> memref<112x128xf32, #tpu.memory_space<vmem_shared>>
    tpu.wait_dma2 semaphore(%arg11 : memref<!tpu.dma_semaphore, #tpu.memory_space<semaphore_mem>>) src(%dma_wait3A_622 : memref<112x128xf32, #tpu.memory_space<vmem_shared>>) dst(%dma_wait3A_620 : memref<112x128xf32, #tpu.memory_space<vmem>>)
    %mul3A_623 = arith.constant 632 : i32
    %mul3A_624 = arith.muli %arg1, %mul3A_623 : i32
    %add3A_625 = arith.constant 448 : i32
    %add3A_626 = arith.addi %mul3A_624, %add3A_625 : i32
    %dma_start3A_627 = arith.constant 1 : i32
    %dma_start3A_628 = arith.constant 0 : i32
    %dma_start3A_629 = arith.constant 0 : i32
    %dma_start3A_630 = tpu.memref_slice %arg8[%dma_start3A_627, %dma_start3A_628, %dma_start3A_629] : memref<3x112x128xf32, #tpu.memory_space<vmem>> -> memref<1x112x128xf32, #tpu.memory_space<vmem>>
    %dma_start3A_631 = tpu.memref_squeeze %dma_start3A_630 : memref<1x112x128xf32, #tpu.memory_space<vmem>> -> memref<112x128xf32, #tpu.memory_space<vmem>>
    %dma_start3A_632 = arith.constant 0 : i32
    %dma_start3A_633 = tpu.memref_slice %arg5[%arg0, %add3A_626, %dma_start3A_632] : memref<2x10112x128xf32, #tpu.memory_space<hbm>> -> memref<1x112x128xf32, #tpu.memory_space<hbm>>
    %dma_start3A_634 = tpu.memref_squeeze %dma_start3A_633 : memref<1x112x128xf32, #tpu.memory_space<hbm>> -> memref<112x128xf32, #tpu.memory_space<hbm>>
    %dma_start3A_635 = arith.constant 0 : i32
    %dma_start3A_636 = tpu.memref_slice %arg5[%arg0, %add3A_626, %dma_start3A_635] : memref<2x10112x128xf32, #tpu.memory_space<hbm>> -> memref<1x112x128xf32, #tpu.memory_space<hbm>>
    %dma_start3A_637 = tpu.memref_squeeze %dma_start3A_636 : memref<1x112x128xf32, #tpu.memory_space<hbm>> -> memref<112x128xf32, #tpu.memory_space<hbm>>
    %dma_start3A_638 = arith.constant 0 : i32
    %dma_start3A_639 = arith.constant 0 : i32
    %dma_start3A_640 = tpu.memref_slice %arg8[%dma_start3A_627, %dma_start3A_638, %dma_start3A_639] : memref<3x112x128xf32, #tpu.memory_space<vmem>> -> memref<1x112x128xf32, #tpu.memory_space<vmem>>
    %dma_start3A_641 = tpu.memref_squeeze %dma_start3A_640 : memref<1x112x128xf32, #tpu.memory_space<vmem>> -> memref<112x128xf32, #tpu.memory_space<vmem>>
    tpu.enqueue_dma source(%dma_start3A_641 : memref<112x128xf32, #tpu.memory_space<vmem>>) target(%dma_start3A_637 : memref<112x128xf32, #tpu.memory_space<hbm>>) target_semaphore(%arg12 : memref<!tpu.dma_semaphore, #tpu.memory_space<semaphore_mem>>)
    %dma_wait3A_642 = arith.constant 2 : i32
    %dma_wait3A_643 = arith.constant 0 : i32
    %dma_wait3A_644 = arith.constant 0 : i32
    %dma_wait3A_645 = tpu.memref_slice %arg8[%dma_wait3A_642, %dma_wait3A_643, %dma_wait3A_644] : memref<3x112x128xf32, #tpu.memory_space<vmem>> -> memref<1x72x128xf32, #tpu.memory_space<vmem>>
    %dma_wait3A_646 = tpu.memref_squeeze %dma_wait3A_645 : memref<1x72x128xf32, #tpu.memory_space<vmem>> -> memref<72x128xf32, #tpu.memory_space<vmem>>
    %dma_wait3A_647 = arith.constant 0 : i32
    %dma_wait3A_648 = tpu.memref_slice %arg9[%add3A_564, %dma_wait3A_647] : memref<10112x128xf32, #tpu.memory_space<vmem_shared>> -> memref<72x128xf32, #tpu.memory_space<vmem_shared>>
    %dma_wait3A_649 = arith.constant 0 : i32
    %dma_wait3A_650 = arith.constant 0 : i32
    %dma_wait3A_651 = tpu.memref_slice %arg8[%dma_wait3A_642, %dma_wait3A_649, %dma_wait3A_650] : memref<3x112x128xf32, #tpu.memory_space<vmem>> -> memref<1x72x128xf32, #tpu.memory_space<vmem>>
    %dma_wait3A_652 = tpu.memref_squeeze %dma_wait3A_651 : memref<1x72x128xf32, #tpu.memory_space<vmem>> -> memref<72x128xf32, #tpu.memory_space<vmem>>
    %dma_wait3A_653 = arith.constant 0 : i32
    %dma_wait3A_654 = tpu.memref_slice %arg9[%add3A_564, %dma_wait3A_653] : memref<10112x128xf32, #tpu.memory_space<vmem_shared>> -> memref<72x128xf32, #tpu.memory_space<vmem_shared>>
    tpu.wait_dma2 semaphore(%arg11 : memref<!tpu.dma_semaphore, #tpu.memory_space<semaphore_mem>>) src(%dma_wait3A_654 : memref<72x128xf32, #tpu.memory_space<vmem_shared>>) dst(%dma_wait3A_652 : memref<72x128xf32, #tpu.memory_space<vmem>>)
    %mul3A_655 = arith.constant 632 : i32
    %mul3A_656 = arith.muli %arg1, %mul3A_655 : i32
    %add3A_657 = arith.constant 560 : i32
    %add3A_658 = arith.addi %mul3A_656, %add3A_657 : i32
    %dma_start3A_659 = arith.constant 2 : i32
    %dma_start3A_660 = arith.constant 0 : i32
    %dma_start3A_661 = arith.constant 0 : i32
    %dma_start3A_662 = tpu.memref_slice %arg8[%dma_start3A_659, %dma_start3A_660, %dma_start3A_661] : memref<3x112x128xf32, #tpu.memory_space<vmem>> -> memref<1x72x128xf32, #tpu.memory_space<vmem>>
    %dma_start3A_663 = tpu.memref_squeeze %dma_start3A_662 : memref<1x72x128xf32, #tpu.memory_space<vmem>> -> memref<72x128xf32, #tpu.memory_space<vmem>>
    %dma_start3A_664 = arith.constant 0 : i32
    %dma_start3A_665 = tpu.memref_slice %arg5[%arg0, %add3A_658, %dma_start3A_664] : memref<2x10112x128xf32, #tpu.memory_space<hbm>> -> memref<1x72x128xf32, #tpu.memory_space<hbm>>
    %dma_start3A_666 = tpu.memref_squeeze %dma_start3A_665 : memref<1x72x128xf32, #tpu.memory_space<hbm>> -> memref<72x128xf32, #tpu.memory_space<hbm>>
    %dma_start3A_667 = arith.constant 0 : i32
    %dma_start3A_668 = tpu.memref_slice %arg5[%arg0, %add3A_658, %dma_start3A_667] : memref<2x10112x128xf32, #tpu.memory_space<hbm>> -> memref<1x72x128xf32, #tpu.memory_space<hbm>>
    %dma_start3A_669 = tpu.memref_squeeze %dma_start3A_668 : memref<1x72x128xf32, #tpu.memory_space<hbm>> -> memref<72x128xf32, #tpu.memory_space<hbm>>
    %dma_start3A_670 = arith.constant 0 : i32
    %dma_start3A_671 = arith.constant 0 : i32
    %dma_start3A_672 = tpu.memref_slice %arg8[%dma_start3A_659, %dma_start3A_670, %dma_start3A_671] : memref<3x112x128xf32, #tpu.memory_space<vmem>> -> memref<1x72x128xf32, #tpu.memory_space<vmem>>
    %dma_start3A_673 = tpu.memref_squeeze %dma_start3A_672 : memref<1x72x128xf32, #tpu.memory_space<vmem>> -> memref<72x128xf32, #tpu.memory_space<vmem>>
    tpu.enqueue_dma source(%dma_start3A_673 : memref<72x128xf32, #tpu.memory_space<vmem>>) target(%dma_start3A_669 : memref<72x128xf32, #tpu.memory_space<hbm>>) target_semaphore(%arg12 : memref<!tpu.dma_semaphore, #tpu.memory_space<semaphore_mem>>)
    %dma_wait3A_674 = arith.constant 0 : i32
    %dma_wait3A_675 = arith.constant 0 : i32
    %dma_wait3A_676 = arith.constant 0 : i32
    %dma_wait3A_677 = tpu.memref_slice %arg8[%dma_wait3A_674, %dma_wait3A_675, %dma_wait3A_676] : memref<3x112x128xf32, #tpu.memory_space<vmem>> -> memref<1x112x128xf32, #tpu.memory_space<vmem>>
    %dma_wait3A_678 = tpu.memref_squeeze %dma_wait3A_677 : memref<1x112x128xf32, #tpu.memory_space<vmem>> -> memref<112x128xf32, #tpu.memory_space<vmem>>
    %dma_wait3A_679 = arith.constant 0 : i32
    %dma_wait3A_680 = tpu.memref_slice %arg5[%arg0, %add3A_594, %dma_wait3A_679] : memref<2x10112x128xf32, #tpu.memory_space<hbm>> -> memref<1x112x128xf32, #tpu.memory_space<hbm>>
    %dma_wait3A_681 = tpu.memref_squeeze %dma_wait3A_680 : memref<1x112x128xf32, #tpu.memory_space<hbm>> -> memref<112x128xf32, #tpu.memory_space<hbm>>
    %dma_wait3A_682 = arith.constant 0 : i32
    %dma_wait3A_683 = tpu.memref_slice %arg5[%arg0, %add3A_594, %dma_wait3A_682] : memref<2x10112x128xf32, #tpu.memory_space<hbm>> -> memref<1x112x128xf32, #tpu.memory_space<hbm>>
    %dma_wait3A_684 = tpu.memref_squeeze %dma_wait3A_683 : memref<1x112x128xf32, #tpu.memory_space<hbm>> -> memref<112x128xf32, #tpu.memory_space<hbm>>
    %dma_wait3A_685 = arith.constant 0 : i32
    %dma_wait3A_686 = arith.constant 0 : i32
    %dma_wait3A_687 = tpu.memref_slice %arg8[%dma_wait3A_674, %dma_wait3A_685, %dma_wait3A_686] : memref<3x112x128xf32, #tpu.memory_space<vmem>> -> memref<1x112x128xf32, #tpu.memory_space<vmem>>
    %dma_wait3A_688 = tpu.memref_squeeze %dma_wait3A_687 : memref<1x112x128xf32, #tpu.memory_space<vmem>> -> memref<112x128xf32, #tpu.memory_space<vmem>>
    tpu.wait_dma2 semaphore(%arg12 : memref<!tpu.dma_semaphore, #tpu.memory_space<semaphore_mem>>) src(%dma_wait3A_688 : memref<112x128xf32, #tpu.memory_space<vmem>>) dst(%dma_wait3A_684 : memref<112x128xf32, #tpu.memory_space<hbm>>)
    %dma_wait3A_689 = arith.constant 1 : i32
    %dma_wait3A_690 = arith.constant 0 : i32
    %dma_wait3A_691 = arith.constant 0 : i32
    %dma_wait3A_692 = tpu.memref_slice %arg8[%dma_wait3A_689, %dma_wait3A_690, %dma_wait3A_691] : memref<3x112x128xf32, #tpu.memory_space<vmem>> -> memref<1x112x128xf32, #tpu.memory_space<vmem>>
    %dma_wait3A_693 = tpu.memref_squeeze %dma_wait3A_692 : memref<1x112x128xf32, #tpu.memory_space<vmem>> -> memref<112x128xf32, #tpu.memory_space<vmem>>
    %dma_wait3A_694 = arith.constant 0 : i32
    %dma_wait3A_695 = tpu.memref_slice %arg5[%arg0, %add3A_626, %dma_wait3A_694] : memref<2x10112x128xf32, #tpu.memory_space<hbm>> -> memref<1x112x128xf32, #tpu.memory_space<hbm>>
    %dma_wait3A_696 = tpu.memref_squeeze %dma_wait3A_695 : memref<1x112x128xf32, #tpu.memory_space<hbm>> -> memref<112x128xf32, #tpu.memory_space<hbm>>
    %dma_wait3A_697 = arith.constant 0 : i32
    %dma_wait3A_698 = tpu.memref_slice %arg5[%arg0, %add3A_626, %dma_wait3A_697] : memref<2x10112x128xf32, #tpu.memory_space<hbm>> -> memref<1x112x128xf32, #tpu.memory_space<hbm>>
    %dma_wait3A_699 = tpu.memref_squeeze %dma_wait3A_698 : memref<1x112x128xf32, #tpu.memory_space<hbm>> -> memref<112x128xf32, #tpu.memory_space<hbm>>
    %dma_wait3A_700 = arith.constant 0 : i32
    %dma_wait3A_701 = arith.constant 0 : i32
    %dma_wait3A_702 = tpu.memref_slice %arg8[%dma_wait3A_689, %dma_wait3A_700, %dma_wait3A_701] : memref<3x112x128xf32, #tpu.memory_space<vmem>> -> memref<1x112x128xf32, #tpu.memory_space<vmem>>
    %dma_wait3A_703 = tpu.memref_squeeze %dma_wait3A_702 : memref<1x112x128xf32, #tpu.memory_space<vmem>> -> memref<112x128xf32, #tpu.memory_space<vmem>>
    tpu.wait_dma2 semaphore(%arg12 : memref<!tpu.dma_semaphore, #tpu.memory_space<semaphore_mem>>) src(%dma_wait3A_703 : memref<112x128xf32, #tpu.memory_space<vmem>>) dst(%dma_wait3A_699 : memref<112x128xf32, #tpu.memory_space<hbm>>)
    %dma_wait3A_704 = arith.constant 2 : i32
    %dma_wait3A_705 = arith.constant 0 : i32
    %dma_wait3A_706 = arith.constant 0 : i32
    %dma_wait3A_707 = tpu.memref_slice %arg8[%dma_wait3A_704, %dma_wait3A_705, %dma_wait3A_706] : memref<3x112x128xf32, #tpu.memory_space<vmem>> -> memref<1x72x128xf32, #tpu.memory_space<vmem>>
    %dma_wait3A_708 = tpu.memref_squeeze %dma_wait3A_707 : memref<1x72x128xf32, #tpu.memory_space<vmem>> -> memref<72x128xf32, #tpu.memory_space<vmem>>
    %dma_wait3A_709 = arith.constant 0 : i32
    %dma_wait3A_710 = tpu.memref_slice %arg5[%arg0, %add3A_658, %dma_wait3A_709] : memref<2x10112x128xf32, #tpu.memory_space<hbm>> -> memref<1x72x128xf32, #tpu.memory_space<hbm>>
    %dma_wait3A_711 = tpu.memref_squeeze %dma_wait3A_710 : memref<1x72x128xf32, #tpu.memory_space<hbm>> -> memref<72x128xf32, #tpu.memory_space<hbm>>
    %dma_wait3A_712 = arith.constant 0 : i32
    %dma_wait3A_713 = tpu.memref_slice %arg5[%arg0, %add3A_658, %dma_wait3A_712] : memref<2x10112x128xf32, #tpu.memory_space<hbm>> -> memref<1x72x128xf32, #tpu.memory_space<hbm>>
    %dma_wait3A_714 = tpu.memref_squeeze %dma_wait3A_713 : memref<1x72x128xf32, #tpu.memory_space<hbm>> -> memref<72x128xf32, #tpu.memory_space<hbm>>
    %dma_wait3A_715 = arith.constant 0 : i32
    %dma_wait3A_716 = arith.constant 0 : i32
    %dma_wait3A_717 = tpu.memref_slice %arg8[%dma_wait3A_704, %dma_wait3A_715, %dma_wait3A_716] : memref<3x112x128xf32, #tpu.memory_space<vmem>> -> memref<1x72x128xf32, #tpu.memory_space<vmem>>
    %dma_wait3A_718 = tpu.memref_squeeze %dma_wait3A_717 : memref<1x72x128xf32, #tpu.memory_space<vmem>> -> memref<72x128xf32, #tpu.memory_space<vmem>>
    tpu.wait_dma2 semaphore(%arg12 : memref<!tpu.dma_semaphore, #tpu.memory_space<semaphore_mem>>) src(%dma_wait3A_718 : memref<72x128xf32, #tpu.memory_space<vmem>>) dst(%dma_wait3A_714 : memref<72x128xf32, #tpu.memory_space<hbm>>)
    return
  }
}

module attributes {stable_mosaic.version = 14 : i64} {
  func.func @_mm1_body(%arg0: i32, %arg1: memref<1264x4xf32, #tpu.memory_space<vmem>>, %arg2: memref<1264x128xf32, #tpu.memory_space<vmem>>, %arg3: memref<128x128xf32, #tpu.memory_space<vmem>>, %arg4: memref<1264x128xf32, #tpu.memory_space<vmem>>) attributes {dimension_semantics = [#tpu.dimension_semantics<arbitrary>], iteration_bounds = array<i64: 8>, scalar_prefetch = 0 : i64, scratch_operands = 0 : i64, tpu.core_type = #tpu.core_type<tc>, window_params = [{transform_indices = @transform_0, window_bounds = array<i64: 1264, 4>}, {transform_indices = @transform_1, window_bounds = array<i64: 1264, 128>}, {pipeline_mode = #tpu.pipeline_mode<synchronous>, transform_indices = @transform_2, window_bounds = array<i64: 128, 128>}, {transform_indices = @transform_3, window_bounds = array<i64: 1264, 128>}]} {
    %get3A = arith.constant 0 : index
    %get3A_0 = arith.constant 0 : index
    %get3A_1 = vector.load %arg1[%get3A, %get3A_0] : memref<1264x4xf32, #tpu.memory_space<vmem>>, vector<1264x1xf32>
    %get3A_2 = arith.constant 0 : index
    %get3A_3 = arith.constant 2 : index
    %get3A_4 = vector.load %arg1[%get3A_2, %get3A_3] : memref<1264x4xf32, #tpu.memory_space<vmem>>, vector<1264x1xf32>
    %add3A = arith.addf %get3A_1, %get3A_4 : vector<1264x1xf32>
    %gt3A = arith.constant 0.000000e+00 : f32
    %gt3A_5 = vector.broadcast %gt3A : f32 to vector<1264x1xf32>
    %gt3A_6 = arith.cmpf ogt, %add3A, %gt3A_5 : vector<1264x1xf32>
    %max3A = arith.constant 9.99999996E-13 : f32
    %max3A_7 = vector.broadcast %max3A : f32 to vector<1264x1xf32>
    %max3A_8 = arith.maximumf %add3A, %max3A_7 : vector<1264x1xf32>
    %rsqrt3A = math.rsqrt %max3A_8 : vector<1264x1xf32>
    %jit3A = arith.constant 0.000000e+00 : f32
    %broadcast_in_dim3A = vector.broadcast %jit3A : f32 to vector<1264x1xf32>
    %select_n3A = arith.select %gt3A_6, %rsqrt3A, %broadcast_in_dim3A : vector<1264x1xi1>, vector<1264x1xf32>
    %get3A_9 = arith.constant 0 : index
    %get3A_10 = arith.constant 0 : index
    %get3A_11 = vector.load %arg2[%get3A_9, %get3A_10] : memref<1264x128xf32, #tpu.memory_space<vmem>>, vector<1264x128xf32>
    %mul3A = vector.broadcast %select_n3A : vector<1264x1xf32> to vector<1264x128xf32>
    %mul3A_12 = arith.mulf %get3A_11, %mul3A : vector<1264x128xf32>
    %get3A_13 = arith.constant 0 : index
    %get3A_14 = arith.constant 0 : index
    %get3A_15 = vector.load %arg3[%get3A_13, %get3A_14] : memref<128x128xf32, #tpu.memory_space<vmem>>, vector<128x128xf32>
    %dot_general3A = arith.constant dense<0.000000e+00> : vector<1264x128xf32>
    %dot_general3A_16 = tpu.matmul %mul3A_12, %get3A_15, %dot_general3A {dimension_numbers = #tpu.dot_dimension_numbers<[1], [0], [0], [1], [0, 0, 1, 1], [], []>, transpose_lhs_hint = false} : vector<1264x128xf32>, vector<128x128xf32>, vector<1264x128xf32> -> vector<1264x128xf32>
    %swap3A = arith.constant 0 : index
    %swap3A_17 = arith.constant 0 : index
    %swap3A_18 = vector.load %arg4[%swap3A, %swap3A_17] : memref<1264x128xf32, #tpu.memory_space<vmem>>, vector<1264x128xf32>
    tpu.vector_store %arg4[%swap3A, %swap3A_17], %dot_general3A_16 {strides = array<i32>} : memref<1264x128xf32, #tpu.memory_space<vmem>>, vector<1264x128xf32>,
    return
  }
  func.func @transform_0(%arg0: i32) -> (i32, i32) {
    %c0_i32 = arith.constant 0 : i32
    %c0_i32_0 = arith.constant 0 : i32
    return %arg0, %c0_i32 : i32, i32
  }
  func.func @transform_1(%arg0: i32) -> (i32, i32) {
    %c0_i32 = arith.constant 0 : i32
    %c0_i32_0 = arith.constant 0 : i32
    return %arg0, %c0_i32 : i32, i32
  }
  func.func @transform_2(%arg0: i32) -> (i32, i32) {
    %c0_i32 = arith.constant 0 : i32
    %c0_i32_0 = arith.constant 0 : i32
    %c0_i32_1 = arith.constant 0 : i32
    return %c0_i32, %c0_i32_0 : i32, i32
  }
  func.func @transform_3(%arg0: i32) -> (i32, i32) {
    %c0_i32 = arith.constant 0 : i32
    %c0_i32_0 = arith.constant 0 : i32
    return %arg0, %c0_i32 : i32, i32
  }
}

module attributes {stable_mosaic.version = 14 : i64} {
  func.func @_mid_body(%arg0: i32, %arg1: memref<1264x4xf32, #tpu.memory_space<vmem>>, %arg2: memref<2x1264x128xf32, #tpu.memory_space<vmem>>, %arg3: memref<1x128xf32, #tpu.memory_space<vmem>>, %arg4: memref<1x128xf32, #tpu.memory_space<vmem>>, %arg5: memref<128x128xf32, #tpu.memory_space<vmem>>, %arg6: memref<1264x128xf32, #tpu.memory_space<vmem>>) attributes {dimension_semantics = [#tpu.dimension_semantics<arbitrary>], iteration_bounds = array<i64: 8>, scalar_prefetch = 0 : i64, scratch_operands = 0 : i64, tpu.core_type = #tpu.core_type<tc>, window_params = [{transform_indices = @transform_0, window_bounds = array<i64: 1264, 4>}, {transform_indices = @transform_1, window_bounds = array<i64: 2, 1264, 128>}, {pipeline_mode = #tpu.pipeline_mode<synchronous>, transform_indices = @transform_2, window_bounds = array<i64: 1, 128>}, {pipeline_mode = #tpu.pipeline_mode<synchronous>, transform_indices = @transform_3, window_bounds = array<i64: 1, 128>}, {pipeline_mode = #tpu.pipeline_mode<synchronous>, transform_indices = @transform_4, window_bounds = array<i64: 128, 128>}, {transform_indices = @transform_5, window_bounds = array<i64: 1264, 128>}]} {
    %get3A = arith.constant 0 : index
    %get3A_0 = arith.constant 0 : index
    %get3A_1 = vector.load %arg1[%get3A, %get3A_0] : memref<1264x4xf32, #tpu.memory_space<vmem>>, vector<1264x1xf32>
    %get3A_2 = arith.constant 0 : index
    %get3A_3 = arith.constant 2 : index
    %get3A_4 = vector.load %arg1[%get3A_2, %get3A_3] : memref<1264x4xf32, #tpu.memory_space<vmem>>, vector<1264x1xf32>
    %add3A = arith.addf %get3A_1, %get3A_4 : vector<1264x1xf32>
    %get3A_5 = arith.constant 0 : index
    %get3A_6 = arith.constant 1 : index
    %get3A_7 = vector.load %arg1[%get3A_5, %get3A_6] : memref<1264x4xf32, #tpu.memory_space<vmem>>, vector<1264x1xf32>
    %get3A_8 = arith.constant 0 : index
    %get3A_9 = arith.constant 3 : index
    %get3A_10 = vector.load %arg1[%get3A_8, %get3A_9] : memref<1264x4xf32, #tpu.memory_space<vmem>>, vector<1264x1xf32>
    %add3A_11 = arith.addf %get3A_7, %get3A_10 : vector<1264x1xf32>
    %gt3A = arith.constant 0.000000e+00 : f32
    %gt3A_12 = vector.broadcast %gt3A : f32 to vector<1264x1xf32>
    %gt3A_13 = arith.cmpf ogt, %add3A, %gt3A_12 : vector<1264x1xf32>
    %max3A = arith.constant 9.99999996E-13 : f32
    %max3A_14 = vector.broadcast %max3A : f32 to vector<1264x1xf32>
    %max3A_15 = arith.maximumf %add3A, %max3A_14 : vector<1264x1xf32>
    %rsqrt3A = math.rsqrt %max3A_15 : vector<1264x1xf32>
    %jit3A = arith.constant 0.000000e+00 : f32
    %broadcast_in_dim3A = vector.broadcast %jit3A : f32 to vector<1264x1xf32>
    %select_n3A = arith.select %gt3A_13, %rsqrt3A, %broadcast_in_dim3A : vector<1264x1xi1>, vector<1264x1xf32>
    %gt3A_16 = arith.constant 0.000000e+00 : f32
    %gt3A_17 = vector.broadcast %gt3A_16 : f32 to vector<1264x1xf32>
    %gt3A_18 = arith.cmpf ogt, %add3A_11, %gt3A_17 : vector<1264x1xf32>
    %max3A_19 = arith.constant 9.99999996E-13 : f32
    %max3A_20 = vector.broadcast %max3A_19 : f32 to vector<1264x1xf32>
    %max3A_21 = arith.maximumf %add3A_11, %max3A_20 : vector<1264x1xf32>
    %rsqrt3A_22 = math.rsqrt %max3A_21 : vector<1264x1xf32>
    %jit3A_23 = arith.constant 0.000000e+00 : f32
    %broadcast_in_dim3A_24 = vector.broadcast %jit3A_23 : f32 to vector<1264x1xf32>
    %select_n3A_25 = arith.select %gt3A_18, %rsqrt3A_22, %broadcast_in_dim3A_24 : vector<1264x1xi1>, vector<1264x1xf32>
    %get3A_26 = arith.constant 0 : index
    %get3A_27 = arith.constant 0 : index
    %get3A_28 = arith.constant 0 : index
    %get3A_29 = vector.load %arg2[%get3A_26, %get3A_27, %get3A_28] : memref<2x1264x128xf32, #tpu.memory_space<vmem>>, vector<1x1264x128xf32>
    %get3A_30 = vector.shape_cast %get3A_29 : vector<1x1264x128xf32> to vector<1264x128xf32>
    %get3A_31 = arith.constant 1 : index
    %get3A_32 = arith.constant 0 : index
    %get3A_33 = arith.constant 0 : index
    %get3A_34 = vector.load %arg2[%get3A_31, %get3A_32, %get3A_33] : memref<2x1264x128xf32, #tpu.memory_space<vmem>>, vector<1x1264x128xf32>
    %get3A_35 = vector.shape_cast %get3A_34 : vector<1x1264x128xf32> to vector<1264x128xf32>
    %add3A_36 = arith.addf %get3A_30, %get3A_35 : vector<1264x128xf32>
    %mul3A = vector.broadcast %select_n3A_25 : vector<1264x1xf32> to vector<1264x128xf32>
    %mul3A_37 = arith.mulf %add3A_36, %mul3A : vector<1264x128xf32>
    %get3A_38 = arith.constant 0 : index
    %get3A_39 = arith.constant 0 : index
    %get3A_40 = vector.load %arg3[%get3A_38, %get3A_39] : memref<1x128xf32, #tpu.memory_space<vmem>>, vector<1x128xf32>
    %add3A_41 = vector.broadcast %get3A_40 : vector<1x128xf32> to vector<1264x128xf32>
    %add3A_42 = arith.addf %mul3A_37, %add3A_41 : vector<1264x128xf32>
    %gt3A_43 = arith.constant 0.000000e+00 : f32
    %gt3A_44 = vector.broadcast %gt3A_43 : f32 to vector<1264x128xf32>
    %gt3A_45 = arith.cmpf ogt, %add3A_42, %gt3A_44 : vector<1264x128xf32>
    %get3A_46 = arith.constant 0 : index
    %get3A_47 = arith.constant 0 : index
    %get3A_48 = vector.load %arg4[%get3A_46, %get3A_47] : memref<1x128xf32, #tpu.memory_space<vmem>>, vector<1x128xf32>
    %mul3A_49 = vector.broadcast %get3A_48 : vector<1x128xf32> to vector<1264x128xf32>
    %mul3A_50 = arith.mulf %add3A_42, %mul3A_49 : vector<1264x128xf32>
    %select_n3A_51 = arith.select %gt3A_45, %add3A_42, %mul3A_50 : vector<1264x128xi1>, vector<1264x128xf32>
    %mul3A_52 = vector.broadcast %select_n3A : vector<1264x1xf32> to vector<1264x128xf32>
    %mul3A_53 = arith.mulf %select_n3A_51, %mul3A_52 : vector<1264x128xf32>
    %get3A_54 = arith.constant 0 : index
    %get3A_55 = arith.constant 0 : index
    %get3A_56 = vector.load %arg5[%get3A_54, %get3A_55] : memref<128x128xf32, #tpu.memory_space<vmem>>, vector<128x128xf32>
    %dot_general3A = arith.constant dense<0.000000e+00> : vector<1264x128xf32>
    %dot_general3A_57 = tpu.matmul %mul3A_53, %get3A_56, %dot_general3A {dimension_numbers = #tpu.dot_dimension_numbers<[1], [0], [0], [1], [0, 0, 1, 1], [], []>, transpose_lhs_hint = false} : vector<1264x128xf32>, vector<128x128xf32>, vector<1264x128xf32> -> vector<1264x128xf32>
    %swap3A = arith.constant 0 : index
    %swap3A_58 = arith.constant 0 : index
    %swap3A_59 = vector.load %arg6[%swap3A, %swap3A_58] : memref<1264x128xf32, #tpu.memory_space<vmem>>, vector<1264x128xf32>
    tpu.vector_store %arg6[%swap3A, %swap3A_58], %dot_general3A_57 {strides = array<i32>} : memref<1264x128xf32, #tpu.memory_space<vmem>>, vector<1264x128xf32>,
    return
  }
  func.func @transform_0(%arg0: i32) -> (i32, i32) {
    %c0_i32 = arith.constant 0 : i32
    %c0_i32_0 = arith.constant 0 : i32
    return %arg0, %c0_i32 : i32, i32
  }
  func.func @transform_1(%arg0: i32) -> (i32, i32, i32) {
    %c0_i32 = arith.constant 0 : i32
    %c0_i32_0 = arith.constant 0 : i32
    %c0_i32_1 = arith.constant 0 : i32
    return %c0_i32, %arg0, %c0_i32_0 : i32, i32, i32
  }
  func.func @transform_2(%arg0: i32) -> (i32, i32) {
    %c0_i32 = arith.constant 0 : i32
    %c0_i32_0 = arith.constant 0 : i32
    %c0_i32_1 = arith.constant 0 : i32
    return %c0_i32, %c0_i32_0 : i32, i32
  }
  func.func @transform_3(%arg0: i32) -> (i32, i32) {
    %c0_i32 = arith.constant 0 : i32
    %c0_i32_0 = arith.constant 0 : i32
    %c0_i32_1 = arith.constant 0 : i32
    return %c0_i32, %c0_i32_0 : i32, i32
  }
  func.func @transform_4(%arg0: i32) -> (i32, i32) {
    %c0_i32 = arith.constant 0 : i32
    %c0_i32_0 = arith.constant 0 : i32
    %c0_i32_1 = arith.constant 0 : i32
    return %c0_i32, %c0_i32_0 : i32, i32
  }
  func.func @transform_5(%arg0: i32) -> (i32, i32) {
    %c0_i32 = arith.constant 0 : i32
    %c0_i32_0 = arith.constant 0 : i32
    return %arg0, %c0_i32 : i32, i32
  }
}

module attributes {stable_mosaic.version = 14 : i64} {
  func.func @_fin_body(%arg0: i32, %arg1: memref<1264x4xf32, #tpu.memory_space<vmem>>, %arg2: memref<2x1264x128xf32, #tpu.memory_space<vmem>>, %arg3: memref<1x128xf32, #tpu.memory_space<vmem>>, %arg4: memref<1x128xf32, #tpu.memory_space<vmem>>, %arg5: memref<1264x128xf32, #tpu.memory_space<vmem>>) attributes {dimension_semantics = [#tpu.dimension_semantics<arbitrary>], iteration_bounds = array<i64: 8>, scalar_prefetch = 0 : i64, scratch_operands = 0 : i64, tpu.core_type = #tpu.core_type<tc>, window_params = [{transform_indices = @transform_0, window_bounds = array<i64: 1264, 4>}, {transform_indices = @transform_1, window_bounds = array<i64: 2, 1264, 128>}, {pipeline_mode = #tpu.pipeline_mode<synchronous>, transform_indices = @transform_2, window_bounds = array<i64: 1, 128>}, {pipeline_mode = #tpu.pipeline_mode<synchronous>, transform_indices = @transform_3, window_bounds = array<i64: 1, 128>}, {transform_indices = @transform_4, window_bounds = array<i64: 1264, 128>}]} {
    %get3A = arith.constant 0 : index
    %get3A_0 = arith.constant 1 : index
    %get3A_1 = vector.load %arg1[%get3A, %get3A_0] : memref<1264x4xf32, #tpu.memory_space<vmem>>, vector<1264x1xf32>
    %get3A_2 = arith.constant 0 : index
    %get3A_3 = arith.constant 3 : index
    %get3A_4 = vector.load %arg1[%get3A_2, %get3A_3] : memref<1264x4xf32, #tpu.memory_space<vmem>>, vector<1264x1xf32>
    %add3A = arith.addf %get3A_1, %get3A_4 : vector<1264x1xf32>
    %gt3A = arith.constant 0.000000e+00 : f32
    %gt3A_5 = vector.broadcast %gt3A : f32 to vector<1264x1xf32>
    %gt3A_6 = arith.cmpf ogt, %add3A, %gt3A_5 : vector<1264x1xf32>
    %max3A = arith.constant 9.99999996E-13 : f32
    %max3A_7 = vector.broadcast %max3A : f32 to vector<1264x1xf32>
    %max3A_8 = arith.maximumf %add3A, %max3A_7 : vector<1264x1xf32>
    %rsqrt3A = math.rsqrt %max3A_8 : vector<1264x1xf32>
    %jit3A = arith.constant 0.000000e+00 : f32
    %broadcast_in_dim3A = vector.broadcast %jit3A : f32 to vector<1264x1xf32>
    %select_n3A = arith.select %gt3A_6, %rsqrt3A, %broadcast_in_dim3A : vector<1264x1xi1>, vector<1264x1xf32>
    %get3A_9 = arith.constant 0 : index
    %get3A_10 = arith.constant 0 : index
    %get3A_11 = arith.constant 0 : index
    %get3A_12 = vector.load %arg2[%get3A_9, %get3A_10, %get3A_11] : memref<2x1264x128xf32, #tpu.memory_space<vmem>>, vector<1x1264x128xf32>
    %get3A_13 = vector.shape_cast %get3A_12 : vector<1x1264x128xf32> to vector<1264x128xf32>
    %get3A_14 = arith.constant 1 : index
    %get3A_15 = arith.constant 0 : index
    %get3A_16 = arith.constant 0 : index
    %get3A_17 = vector.load %arg2[%get3A_14, %get3A_15, %get3A_16] : memref<2x1264x128xf32, #tpu.memory_space<vmem>>, vector<1x1264x128xf32>
    %get3A_18 = vector.shape_cast %get3A_17 : vector<1x1264x128xf32> to vector<1264x128xf32>
    %add3A_19 = arith.addf %get3A_13, %get3A_18 : vector<1264x128xf32>
    %mul3A = vector.broadcast %select_n3A : vector<1264x1xf32> to vector<1264x128xf32>
    %mul3A_20 = arith.mulf %add3A_19, %mul3A : vector<1264x128xf32>
    %get3A_21 = arith.constant 0 : index
    %get3A_22 = arith.constant 0 : index
    %get3A_23 = vector.load %arg3[%get3A_21, %get3A_22] : memref<1x128xf32, #tpu.memory_space<vmem>>, vector<1x128xf32>
    %add3A_24 = vector.broadcast %get3A_23 : vector<1x128xf32> to vector<1264x128xf32>
    %add3A_25 = arith.addf %mul3A_20, %add3A_24 : vector<1264x128xf32>
    %gt3A_26 = arith.constant 0.000000e+00 : f32
    %gt3A_27 = vector.broadcast %gt3A_26 : f32 to vector<1264x128xf32>
    %gt3A_28 = arith.cmpf ogt, %add3A_25, %gt3A_27 : vector<1264x128xf32>
    %get3A_29 = arith.constant 0 : index
    %get3A_30 = arith.constant 0 : index
    %get3A_31 = vector.load %arg4[%get3A_29, %get3A_30] : memref<1x128xf32, #tpu.memory_space<vmem>>, vector<1x128xf32>
    %mul3A_32 = vector.broadcast %get3A_31 : vector<1x128xf32> to vector<1264x128xf32>
    %mul3A_33 = arith.mulf %add3A_25, %mul3A_32 : vector<1264x128xf32>
    %select_n3A_34 = arith.select %gt3A_28, %add3A_25, %mul3A_33 : vector<1264x128xi1>, vector<1264x128xf32>
    %swap3A = arith.constant 0 : index
    %swap3A_35 = arith.constant 0 : index
    %swap3A_36 = vector.load %arg5[%swap3A, %swap3A_35] : memref<1264x128xf32, #tpu.memory_space<vmem>>, vector<1264x128xf32>
    tpu.vector_store %arg5[%swap3A, %swap3A_35], %select_n3A_34 {strides = array<i32>} : memref<1264x128xf32, #tpu.memory_space<vmem>>, vector<1264x128xf32>,
    return
  }
  func.func @transform_0(%arg0: i32) -> (i32, i32) {
    %c0_i32 = arith.constant 0 : i32
    %c0_i32_0 = arith.constant 0 : i32
    return %arg0, %c0_i32 : i32, i32
  }
  func.func @transform_1(%arg0: i32) -> (i32, i32, i32) {
    %c0_i32 = arith.constant 0 : i32
    %c0_i32_0 = arith.constant 0 : i32
    %c0_i32_1 = arith.constant 0 : i32
    return %c0_i32, %arg0, %c0_i32_0 : i32, i32, i32
  }
  func.func @transform_2(%arg0: i32) -> (i32, i32) {
    %c0_i32 = arith.constant 0 : i32
    %c0_i32_0 = arith.constant 0 : i32
    %c0_i32_1 = arith.constant 0 : i32
    return %c0_i32, %c0_i32_0 : i32, i32
  }
  func.func @transform_3(%arg0: i32) -> (i32, i32) {
    %c0_i32 = arith.constant 0 : i32
    %c0_i32_0 = arith.constant 0 : i32
    %c0_i32_1 = arith.constant 0 : i32
    return %c0_i32, %c0_i32_0 : i32, i32
  }
  func.func @transform_4(%arg0: i32) -> (i32, i32) {
    %c0_i32 = arith.constant 0 : i32
    %c0_i32_0 = arith.constant 0 : i32
    return %arg0, %c0_i32 : i32, i32
  }
}

</mosaic_0001>

<sc_bundles>
// kernel: kernel.11.cloned.1.call-start
scs
__scs_entry_jumppad:
0x0: {  	(pc) =	sbr.rel $0x88, $3  }
0x1: {  	(tag) =	ssettag $0x0;
	lr =	simm.s32 $0x1  }
0x2: {  	[smem:$0x3F9A] =	sst lr;
	_ =	strace $0xD0000000  }
0x3: {  	_ = 	snop  }
0x4: {  	_ = 	snop  }
0x5: {  	_ = 	snop  }
0x6: {  	_ = 	snop  }
0x7: {  	_ = 	snop  }
__scs_overlays_trampoline_lowered:
0x8: {  	[smem:$0x3FA9] =	sst s0  }
0x9: {  	[smem:$0x3FAA] =	sst s1  }
0xa: {  	[smem:$0x3FAB] =	sst s2  }
0xb: {  	[smem:$0x3FAC] =	sst s3  }
0xc: {  	[smem:$0x3FAD] =	sst s4  }
0xd: {  	[smem:$0x3FAE] =	sst s5  }
0xe: {  	[smem:$0x3FAF] =	sst s6  }
0xf: {  	[smem:$0x3FB0] =	sst s7  }
0x10: {  	[smem:$0x3FB1] =	sst s8  }
0x11: {  	[smem:$0x3FB2] =	sst s9;
	s0 =	simm.s32 @!p0 $0x0  }
0x12: {  	s1 =	sld [smem:$0x3F98];
	s0 =	simm.s32 @p0 $0x1  }
0x13: {  	[smem:$0x3FB3] =	sst s0;
	s0 =	simm.s32 @!p1 $0x0  }
0x14: {  	s2 =	sld [smem:$0x3F97];
	s0 =	simm.s32 @p1 $0x1  }
0x15: {  	[smem:$0x3FB4] =	sst s0;
	s0 =	simm.s32 @!p2 $0x0  }
0x16: {  	s3 =	sld [smem:$0x3FDB];
	s0 =	simm.s32 @p2 $0x1  }
0x17: {  	s4 =	simm.s32 $0x1BF5;
	[smem:$0x3FB6] =	sst s0  }
0x18: {  	s0 =	sld [smem:$0x3F99];
	_ =	swait.ge [sflag:s4], $0x0  }
0x19: {  	s7 =	sld [smem:$0x3F9A]  }
0x1a: {  	s8 =	sadd.s32 $0xFFFFE003, lr  }
0x1b: {  	s9 =	sadd.s32 $0xFFFFFEF7, lr;
	s5 =	simm.s32 $0xFFFFFFFF;
	p2 =	slt.u32 s8, $0xFFFFF086  }
0x1c: {  	p1 =	slt.u32 s9, $0xF7A;
	s5 =	simm.s32 @!p2 $0x0  }
0x1d: {  	s5 =	simm.s32 @p1 $0x1;
	p0 =	seq.s32 s7, s2  }
0x1e: {  	s7 =	smul.u32 @!p0 $0xF7A, s2;
	p2 =	seq.s32 @!p0 s5, $0x0  }
0x1f: {  	s9 =	smul.u32 $0xF7A, s1;
	s8 =	simm.s32 @!p0 $0x1BF5;
	p2 =	por !p2, p0  }
0x20: {  	[sflag:s8] =	ssyncset.s32 @!p0 $0xFFFFF086;
	s6 =	sadd.s32 @!p0 s3, s7;
	s7 =	simm.s32 @!p0 $0x108  }
0x21: {  	s3 =	sadd.s32 s3, s9;
	s6 =	sadd.s32 @!p0 $0x88, s6;
	s7 =	simm.s32 @p2 $0x1082  }
0x22: {  	[simem:s7], [sflag:s8] =	dma.local @!p0 [hbm:s6], $0xF7A  }
0x23: {  	s9 =	sor.u32 $0xD0000000, s2;
	s6 =	simm.s32 $0x108;
	_ =	swait.ge @!p0 [sflag:s8], $0x0  }
0x24: {  	s3 =	sadd.s32 $0x88, s3;
	s6 =	simm.s32 @!p1 $0x1082;
	[sflag:s4] =	ssyncset.s32 $0xFFFFF086  }
0x25: {  	[simem:s6], [sflag:s4] =	dma.local [hbm:s3], $0xF7A  }
0x26: {  	[smem:$0x3F9A] =	sst s1;
	(tag) =	ssettag s2;
	_ =	strace s9  }
0x27: {  	s1 =	sld [smem:$0x3FAA]  }
0x28: {  	s2 =	sld [smem:$0x3FAB]  }
0x29: {  	s4 =	sld [smem:$0x3FAD]  }
0x2a: {  	p0 =	seq.s32 s5, $0x0;
	s5 =	sld [smem:$0x3FAE]  }
0x2b: {  	s6 =	sld [smem:$0x3FAF]  }
0x2c: {  	s7 =	sld [smem:$0x3FB0]  }
0x2d: {  	s3 =	simm.s32 $0x108;
	s8 =	sld [smem:$0x3FB1]  }
0x2e: {  	s3 =	simm.s32 @!p0 $0x1082;
	s9 =	sld [smem:$0x3FB2]  }
0x2f: {  	lr =	sadd.s32 s0, s3;
	s0 =	sld [smem:$0x3FA9]  }
0x30: {  	s3 =	sld [smem:$0x3FAC]  }
0x31: {  	[smem:$0x3FB5] =	sst s10  }
0x32: {  	s10 =	sld [smem:$0x3FB3];
	_ =	sdelay $0x3  }
0x33: {  	p0 =	seq.s32 s10, $0x1;
	s10 =	sld [smem:$0x3FB5];
	_ =	sdelay $0x3  }
0x34: {  	[smem:$0x3FB5] =	sst s10  }
0x35: {  	s10 =	sld [smem:$0x3FB4];
	_ =	sdelay $0x3  }
0x36: {  	p1 =	seq.s32 s10, $0x1;
	s10 =	sld [smem:$0x3FB5];
	_ =	sdelay $0x3  }
0x37: {  	[smem:$0x3FB5] =	sst s10  }
0x38: {  	s10 =	sld [smem:$0x3FB6]  }
0x39: {  	_ = 	snop;
	(pc) =	sbr.ind lr, $3  }
0x3a: {  	_ = 	snop  }
0x3b: {  	_ = 	snop  }
0x3c: {  	p2 =	seq.s32 s10, $0x1;
	s10 =	sld [smem:$0x3FB5]  }
0x3d: {  	_ =	shalt  }
0x3e: {  	_ =	shalt  }
0x3f: {  	_ =	shalt  }
0x40: {  	_ =	shalt  }
0x41: {  	_ =	shalt  }
0x42: {  	_ =	shalt  }
0x43: {  	_ =	shalt  }
0x44: {  	_ =	shalt  }
0x45: {  	_ =	shalt  }
0x46: {  	_ =	shalt  }
0x47: {  	_ =	shalt  }
0x48: {  	_ =	shalt  }
0x49: {  	_ =	shalt  }
0x4a: {  	_ =	shalt  }
0x4b: {  	_ =	shalt  }
0x4c: {  	_ =	shalt  }
0x4d: {  	_ =	shalt  }
0x4e: {  	_ =	shalt  }
0x4f: {  	_ =	shalt  }
0x50: {  	_ =	shalt  }
0x51: {  	_ =	shalt  }
0x52: {  	_ =	shalt  }
0x53: {  	_ =	shalt  }
0x54: {  	_ =	shalt  }
0x55: {  	_ =	shalt  }
0x56: {  	_ =	shalt  }
0x57: {  	_ =	shalt  }
0x58: {  	_ =	shalt  }
0x59: {  	_ =	shalt  }
0x5a: {  	_ =	shalt  }
0x5b: {  	_ =	shalt  }
0x5c: {  	_ =	shalt  }
0x5d: {  	_ =	shalt  }
0x5e: {  	_ =	shalt  }
0x5f: {  	_ =	shalt  }
0x60: {  	_ =	shalt  }
0x61: {  	_ =	shalt  }
0x62: {  	_ =	shalt  }
0x63: {  	_ =	shalt  }
0x64: {  	_ =	shalt  }
0x65: {  	_ =	shalt  }
0x66: {  	_ =	shalt  }
0x67: {  	_ =	shalt  }
0x68: {  	_ =	shalt  }
0x69: {  	_ =	shalt  }
0x6a: {  	_ =	shalt  }
0x6b: {  	_ =	shalt  }
0x6c: {  	_ =	shalt  }
0x6d: {  	_ =	shalt  }
0x6e: {  	_ =	shalt  }
0x6f: {  	_ =	shalt  }
0x70: {  	_ =	shalt  }
0x71: {  	_ =	shalt  }
0x72: {  	_ =	shalt  }
0x73: {  	_ =	shalt  }
0x74: {  	_ =	shalt  }
0x75: {  	_ =	shalt  }
0x76: {  	_ =	shalt  }
0x77: {  	_ =	shalt  }
0x78: {  	_ =	shalt  }
0x79: {  	_ =	shalt  }
0x7a: {  	_ =	shalt  }
0x7b: {  	_ =	shalt  }
0x7c: {  	_ =	shalt  }
0x7d: {  	_ =	shalt  }
0x7e: {  	_ =	shalt  }
0x7f: {  	_ =	shalt  }
0x80: {  	_ =	shalt  }
0x81: {  	_ =	shalt  }
0x82: {  	_ =	shalt  }
0x83: {  	_ =	shalt  }
0x84: {  	_ =	shalt  }
0x85: {  	_ =	shalt  }
0x86: {  	_ =	shalt  }
0x87: {  	_ =	shalt  }
.Lfunc_end0:
.L_simem_size_0:
called_computation.1_lowered:
.L_overlay_start_0:
0x88: {  	s2 =	sld [smem:$0x3FD9]  }
0x89: {  	s3 =	sld [smem:$0x3FFE];
	_ =	sdelay $0x1  }
0x8a: {  	s1 =	srdreg.scid  }
0x8b: {  	s0 =	sand.u32 $0x1, s1  }
0x8c: {  	s16 =	sshll.u32 s0, $0xA;
	s2 =	sadd.s32 s3, s2  }
0x8d: {  	s2 =	sadd.s32 s2, s16  }
0x8e: {  	[smem:$0x3FC1] =	sst s2  }
0x8f: {  	_ = 	snop  }
0x90: {  	(tm) =	ssettm $0x1  }
0x91: {  	s17 =	sld [smem:$0x3FFB];
	_ =	sdelay $0x3  }
0x92: {  	_ =	strace s17  }
0x93: {  	s2 =	sld [smem:$0x3FFC];
	_ =	sdelay $0x3  }
0x94: {  	_ =	strace s2  }
0x95: {  	s2 =	sld [smem:$0x3FFD];
	_ =	sdelay $0x3  }
0x96: {  	_ =	strace s2  }
0x97: {  	_ =	strace $0x8FFFFFFF  }
0x98: {  	s18 =	sld [smem:$0x3FDB];
	_ =	sdelay $0x1  }
0x99: {  	s19 =	simm.s32 $_scs_section_size  }
0x9a: {  	s4 =	simm.s32 $_size__tile_overlayer_lowered;
	s5 =	simm.s32 $_tile_overlayer_lowered  }
0x9b: {  	s22 =	simm.s32 $0x1BFF;
	s21 =	sshll.u32 s5, $0x1;
	s2 =	sadd.s32 s19, s18  }
0x9c: {  	s6 =	simm.s32 $0x0;
	s20 =	sshll.u32 s4, $0x1;
	s4 =	sadd.s32 s21, s2  }
0x9d: {  	[timem:s6], [sflag:s22] =	dma.local [hbm:s4], s20  }
0x9e: {  	_ =	swait.ge [sflag:s22], s20  }
0x9f: {  	s3 =	ssub.s32 $0x0, s20;
	[sflag:s22] =	ssyncset.done $0x0  }
0xa0: {  	[sflag:s22] =	ssyncadd.s32 s3;
	_ =	sdelay $0x1  }
0xa1: {  	s23 =	simm.s32 $0x1B8B  }
0xa2: {  	_ =	swait.ge [sflag:s23], $0x1  }
0xa3: {  	[sflag:s23] =	ssyncset.done $0x0  }
0xa4: {  	s25 =	simm.s32 $0x1B8E;
	s24 =	sld [smem:$0x3FFE];
	[sflag:s23] =	ssyncadd.s32 $0xFFFFFFFF  }
0xa5: {  	s26 =	simm.s32 $execute0_lowered;
	[smem:$0x3FD2] =	sst s25  }
0xa6: {  	s4 =	sshll.u32 s26, $0x1;
	_ =	strace $0x80000049;
	[dreg:$0x1] =	wrdreg $0xFFFFFFFF  }
0xa7: {  	s28 =	simm.s32 $_size_execute0_lowered;
	s2 =	sadd.s32 s2, s4;
	[dreg:$0x0] =	wrdreg $0x0  }
0xa8: {  	s4 =	sshll.u32 s28, $0x1;
	[dreg:$0x2] =	wrdreg s2  }
0xa9: {  	[dreg:$0x3] =	wrdreg s4  }
0xaa: {  	[dreg:$0x4] =	wrdreg $0xC0  }
0xab: {  	_ =	task [dreg:s6], $0x5FFFF  }
0xac: {  	[dreg:$0x1] =	wrdreg $0xFFFFFFFF  }
0xad: {  	[dreg:$0x0] =	wrdreg $0x60  }
0xae: {  	[dreg:$0x2] =	wrdreg s24  }
0xaf: {  	[dreg:$0x3] =	wrdreg $0xB0000  }
0xb0: {  	[dreg:$0x4] =	wrdreg $0x9  }
0xb1: {  	_ =	task.clear_ibuf [dreg:s6], $0x5FFFF;
	_ =	strace $0x90000049  }
0xb2: {  	s29 =	simm.s32 $0x9;
	_ =	strace $0x8000004B  }
0xb3: {  	_ =	swait.ge [sflag:s29], $0x1  }
0xb4: {  	[sflag:s29] =	ssyncadd.s32 $0xFFFFFFFF  }
0xb5: {  	_ =	strace $0x9000004B  }
0xb6: {  	_ =	sfence  }
0xb7: {  	s30 =	sld [smem:$0x0];
	_ =	sdelay $0x2  }
0xb8: {  	s31 =	sshll.u32 s1, $0xD;
	s1 =	sshrl.u32 s1, $0x2  }
0xb9: {  	s3 =	sand.u32 $0x4000, s31;
	s1 =	sadd.s32 s1, s30  }
0xba: {  	s0 =	sor.u32 s3, s0;
	s1 =	sshll.u32 s1, $0x11  }
0xbb: {  	s0 =	sor.u32 s1, s0  }
0xbc: {  	s0 =	sadd.s32 $0x8F2B, s0  }
0xbd: {  	[sflag:s0] =	ssyncadd.remote.s32 $0x1  }
0xbe: {  	_ =	sfence.sel $0xFFFF  }
0xbf: {  	[dreg:$0x0] =	wrdreg $0xFFFFFFFF;
	(pc) =	sbr.abs _section_cstart, $3  }
0xc0: {  	[dreg:$0x1] =	wrdreg $0xFFFFFFFF  }
0xc1: {  	_ =	task.clear_ibuf [dreg:s6], $0x2FFFF;
	_ =	strace $0x9FFFFFFF  }
0xc2: {  	(tm) =	ssettm $0x7FFFFFFF  }
0xc3: {  	_ =	shalt  }
tec
execute0_lowered:
.L_overlay_start_1:
0x0: {  	(tag) =	ssettag $0x1  }
0x1: {  	s0 =	rddreg [dreg:$0x0]  }
0x2: {  	s1 =	rddreg [dreg:$0x1];
	s3 =	simm.s32 $0x0  }
0x3: {  	s2 =	srdreg.scid;
	s10 =	stileid.u32;
	s28 =	simm.s32 $0x800  }
0x4: {  	s29 =	simm.s32 $0x2;
	s30 =	simm.s32 $0x80;
	s31 =	simm.s32 $0x480  }
0x5: {  	[smem:$0x7FF] =	sst s3;
	s2 =	sand.u32 $0x1, s2;
	s8 =	smul.u32 $0x4F000, s10  }
0x6: {  	s4 =	sadd.s32 $0x1B400, s0;
	s5 =	sadd.s32 $0xF400, s0;
	s14 =	smul.u32 $0x13C00, s10  }
0x7: {  	s6 =	sadd.s32 $0x3400, s0;
	s0 =	sadd.s32 $0x42C00, s0;
	s7 =	ssub.s32 $0x2, s2  }
0x8: {  	s20 =	sshll.u32 s10, $0x1;
	_ =	strace $0x8000004A;
	s9 =	sshrl.u32 s7, $0x1  }
0x9: {  	s8 =	sshrl.u32 s8, $0x2;
	s15 =	sadd.s32 $0x3800, s14;
	s16 =	sadd.s32 $0xA800, s14  }
0xa: {  	s21 =	sadd.s32 $0x7000, s14;
	s17 =	sadd.s32 $0xE000, s14;
	s13 =	sadd.s32 s16, s1  }
0xb: {  	s18 =	sadd.s32 $0x11800, s14;
	s22 =	sadd.s32 s17, s1;
	[dreg:$0x5] =	wrdreg s13  }
0xc: {  	s7 =	ssub.s32 s7, s9;
	s23 =	sadd.s32 s18, s1;
	[dreg:$0x6] =	wrdreg s22  }
0xd: {  	s9 =	sor.u32 s2, s20;
	s11 =	sadd.s32 s15, s1;
	[dreg:$0x7] =	wrdreg s23  }
0xe: {  	s12 =	sadd.s32 s21, s1;
	s2 =	smul.u32 $0x13C000, s2;
	[dreg:$0x3] =	wrdreg s11  }
0xf: {  	s10 =	sadd.s32 s8, s1;
	s9 =	smul.u32 $0x3000, s9;
	[dreg:$0x4] =	wrdreg s12  }
0x10: {  	s14 =	sadd.s32 s14, s2;
	s15 =	sadd.s32 s2, s15;
	s8 =	sadd.s32 s2, s21  }
0x11: {  	s16 =	sadd.s32 s2, s16;
	s17 =	sadd.s32 s2, s17;
	s2 =	sadd.s32 s2, s18  }
0x12: {  	s18 =	simm.s32 $0x4000;
	s19 =	sshrl.u32 s9, $0x3;
	s14 =	sshrl.u32 s14, $0x3  }
0x13: {  	s15 =	sshrl.u32 s15, $0x3;
	s8 =	sshrl.u32 s8, $0x3;
	s24 =	sadd.s32 s5, s19  }
0x14: {  	s16 =	sshrl.u32 s16, $0x3;
	s25 =	sadd.s32 s6, s19;
	[dreg:$0x8] =	wrdreg s24  }
0x15: {  	s20 =	sshrl.u32 s17, $0x3;
	s14 =	sadd.s32 s0, s14;
	[dreg:$0x9] =	wrdreg s25  }
0x16: {  	s2 =	sshrl.u32 s2, $0x3;
	s15 =	sadd.s32 s0, s15;
	[dreg:$0xa] =	wrdreg s14  }
0x17: {  	s17 =	simm.s32 $0x70;
	s8 =	sadd.s32 s0, s8;
	[dreg:$0xb] =	wrdreg s15  }
0x18: {  	s26 =	sor.u32 $0x10, s19;
	s21 =	sadd.s32 s0, s20;
	[dreg:$0xc] =	wrdreg s8  }
0x19: {  	s19 =	sor.u32 $0x20, s19;
	s8 =	sadd.s32 s0, s16;
	[dreg:$0xe] =	wrdreg s21  }
0x1a: {  	s20 =	simm.s32 $0x200;
	s0 =	sadd.s32 s0, s2;
	[dreg:$0xd] =	wrdreg s8  }
0x1b: {  	s22 =	sadd.s32 s5, s26;
	s23 =	sadd.s32 s6, s26;
	[dreg:$0xf] =	wrdreg s0  }
0x1c: {  	s24 =	sadd.s32 s5, s19;
	s25 =	sadd.s32 s6, s19;
	[dreg:$0x10] =	wrdreg s22  }
0x1d: {  	s26 =	smax.u32 s7, $0x1;
	s2 =	simm.s32 $0x500;
	[dreg:$0x11] =	wrdreg s23  }
.Ltmp0:
0x1e: {  	s14 =	simm.s32 $0x180;
	[dreg:$0x12] =	wrdreg s24;
	(pc) =	sbr.rel .LBB2_1-.Ltmp0, $4  }
0x1f: {  	s15 =	simm.s32 $0x580;
	s16 =	simm.s32 $0x1;
	[dreg:$0x13] =	wrdreg s25  }
0x20: {  	s19 =	simm.s32 $0x400;
	s21 =	simm.s32 $0x600;
	[dreg:$0x14] =	wrdreg s26  }
0x21: {  	s0 =	simm.s32 $0x100;
	s22 =	simm.s32 $0x7800;
	s23 =	simm.s32 $0x280  }
0x22: {  	v0 =	vimm.f32 $0.0e+00;
	s24 =	simm.s32 $0x680;
	s25 =	simm.s32 $0x3;
	s26 =	simm.s32 $0x0  }
.LBB2_6:
0x23: {  	_ =	swait.ge [sflag:s29], $0x3800  }
0x24: {  	[sflag:s29] =	ssyncset.done $0x0  }
0x25: {  	[sflag:s29] =	ssyncadd.s32 $0xFFFFC800  }
0x26: {  	[spmem:s1] =	stream.indirect.scatter.add.f32 [tilespmem:s22], [sflag:$0x3], $0x80, s24, s17, $0xb8;
	[tilespmem:$0x1EC00] =	vst v63  }
0x27: {  	_ =	swait.ge [sflag:s25], $0x3800  }
0x28: {  	[sflag:s25] =	ssyncset.done $0x0  }
0x29: {  	[sflag:s25] =	ssyncadd.s32 $0xFFFFC800  }
0x2a: {  	_ =	swait.ge [sflag:s25], $0x3800  }
0x2b: {  	[sflag:s25] =	ssyncset.done $0x0  }
0x2c: {  	[sflag:s25] =	ssyncadd.s32 $0xFFFFC800  }
0x2d: {  	_ =	swait.ge [sflag:s25], $0x3800  }
0x2e: {  	[sflag:s25] =	ssyncset.done $0x0  }
0x2f: {  	[sflag:s25] =	ssyncadd.s32 $0xFFFFC800  }
0x30: {  	[bflag:$0x0] =	sbarrier.arrive $0xFFFF  }
0x31: {  	[tilespmem:s28], [sflag:$0x2] =	stream.linear.gather [spmem:s13], $0x3800, $0x38;
	[tilespmem:$0x1EC00] =	vst v63  }
0x32: {  	s11 =	rddreg [dreg:$0x3]  }
0x33: {  	[tilespmem:s18], [sflag:$0x2] =	stream.linear.gather [spmem:s11], $0x3800, $0x38;
	[tilespmem:$0x1EC00] =	vst v63  }
0x34: {  	s12 =	rddreg [dreg:$0x4]  }
0x35: {  	[tilespmem:s22], [sflag:$0x2] =	stream.linear.gather [spmem:s12], $0x3800, $0x38;
	[tilespmem:$0x1EC00] =	vst v63  }
0x36: {  	_ =	swait.ge [sflag:s29], $0x3800  }
0x37: {  	[sflag:s29] =	ssyncset.done $0x0  }
0x38: {  	s7 =	rddreg [dreg:$0xa];
	[sflag:s29] =	ssyncadd.s32 $0xFFFFC800  }
0x39: {  	[hbm4b:s7+s3] =	stream.linear.scatter [tilespmem:s28], [sflag:$0x3], $0x3800, $0x38;
	[tilespmem:$0x1EC00] =	vst v63  }
0x3a: {  	_ =	swait.ge [sflag:s25], $0x3800  }
0x3b: {  	[sflag:s25] =	ssyncset.done $0x0  }
0x3c: {  	s10 =	smov.u32 s13;
	s13 =	rddreg [dreg:$0x5];
	[sflag:s25] =	ssyncadd.s32 $0xFFFFC800  }
0x3d: {  	[tilespmem:s28], [sflag:$0x2] =	stream.linear.gather [spmem:s13], $0x3800, $0x38;
	[tilespmem:$0x1EC00] =	vst v63  }
0x3e: {  	_ =	swait.ge [sflag:s29], $0x3800  }
0x3f: {  	[sflag:s29] =	ssyncset.done $0x0  }
0x40: {  	s8 =	rddreg [dreg:$0xb];
	[sflag:s29] =	ssyncadd.s32 $0xFFFFC800  }
0x41: {  	[hbm4b:s8+s3] =	stream.linear.scatter [tilespmem:s18], [sflag:$0x3], $0x3800, $0x38;
	[tilespmem:$0x1EC00] =	vst v63  }
0x42: {  	_ =	swait.ge [sflag:s25], $0x3800  }
0x43: {  	[sflag:s25] =	ssyncset.done $0x0  }
0x44: {  	s13 =	rddreg [dreg:$0x6];
	[sflag:s25] =	ssyncadd.s32 $0xFFFFC800  }
0x45: {  	[tilespmem:s18], [sflag:$0x2] =	stream.linear.gather [spmem:s13], $0x3800, $0x38;
	[tilespmem:$0x1EC00] =	vst v63  }
0x46: {  	_ =	swait.ge [sflag:s29], $0x3800  }
0x47: {  	[sflag:s29] =	ssyncset.done $0x0  }
0x48: {  	s8 =	rddreg [dreg:$0xc];
	[sflag:s29] =	ssyncadd.s32 $0xFFFFC800  }
0x49: {  	[hbm4b:s8+s3] =	stream.linear.scatter [tilespmem:s22], [sflag:$0x3], $0x3800, $0x38;
	[tilespmem:$0x1EC00] =	vst v63  }
0x4a: {  	_ =	swait.ge [sflag:s25], $0x3800  }
0x4b: {  	[sflag:s25] =	ssyncset.done $0x0  }
0x4c: {  	s13 =	rddreg [dreg:$0x7];
	[sflag:s25] =	ssyncadd.s32 $0xFFFFC800  }
0x4d: {  	[tilespmem:s22], [sflag:$0x2] =	stream.linear.gather [spmem:s13], $0x2400, $0x38;
	[tilespmem:$0x1EC00] =	vst v63  }
0x4e: {  	_ =	swait.ge [sflag:s29], $0x3800  }
0x4f: {  	[sflag:s29] =	ssyncset.done $0x0  }
0x50: {  	s8 =	rddreg [dreg:$0xd];
	[sflag:s29] =	ssyncadd.s32 $0xFFFFC800  }
0x51: {  	[hbm4b:s8+s3] =	stream.linear.scatter [tilespmem:s28], [sflag:$0x3], $0x3800, $0x38;
	[tilespmem:$0x1EC00] =	vst v63  }
0x52: {  	_ =	swait.ge [sflag:s29], $0x3800  }
0x53: {  	[sflag:s29] =	ssyncset.done $0x0  }
0x54: {  	s13 =	rddreg [dreg:$0xe];
	[sflag:s29] =	ssyncadd.s32 $0xFFFFC800  }
0x55: {  	[hbm4b:s13+s3] =	stream.linear.scatter [tilespmem:s18], [sflag:$0x3], $0x3800, $0x38;
	[tilespmem:$0x1EC00] =	vst v63  }
0x56: {  	_ =	swait.ge [sflag:s29], $0x2400  }
0x57: {  	[sflag:s29] =	ssyncset.done $0x0  }
0x58: {  	s8 =	rddreg [dreg:$0xf];
	[sflag:s29] =	ssyncadd.s32 $0xFFFFDC00  }
0x59: {  	[hbm4b:s8+s3] =	stream.linear.scatter [tilespmem:s22], [sflag:$0x3], $0x2400, $0x38;
	[tilespmem:$0x1EC00] =	vst v63  }
0x5a: {  	_ =	swait.ge [sflag:s25], $0x3800  }
0x5b: {  	[sflag:s25] =	ssyncset.done $0x0  }
0x5c: {  	[sflag:s25] =	ssyncadd.s32 $0xFFFFC800  }
0x5d: {  	_ =	swait.ge [sflag:s25], $0x3800  }
0x5e: {  	[sflag:s25] =	ssyncset.done $0x0  }
0x5f: {  	[sflag:s25] =	ssyncadd.s32 $0xFFFFC800  }
0x60: {  	_ =	swait.ge [sflag:s25], $0x2400  }
0x61: {  	s26 =	sadd.s32 $0x1, s26;
	s13 =	rddreg [dreg:$0x14]  }
0x62: {  	p0 =	sne.s32 s26, s13  }
.Ltmp1:
0x63: {  	_ = 	snop;
	(pc) =	sbr.rel @!p0 .LBB2_7-.Ltmp1, $3  }
0x64: {  	_ =	sdelay $0x1  }
0x65: {  	[sflag:s25] =	ssyncset.done $0x0  }
0x66: {  	[sflag:s25] =	ssyncadd.s32 $0xFFFFDC00  }
.LBB2_1:
0x67: {  	s7 =	simm.s32 $0x0;
	s8 =	simm.s32 $0x200  }
.LBB2_2:
0x68: {  	p0 =	sne.s32 s8, $0xDE00;
	[tilespmem:s7+$0x870] =	vst v0  }
0x69: {  	[tilespmem:s7+$0x800] =	vst v0  }
0x6a: {  	[tilespmem:s7+$0x810] =	vst v0  }
.Ltmp2:
0x6b: {  	[tilespmem:s7+$0x820] =	vst v0;
	(pc) =	sbr.rel @p0 .LBB2_2-.Ltmp2, $4  }
0x6c: {  	[tilespmem:s7+$0x830] =	vst v0  }
0x6d: {  	[tilespmem:s7+$0x840] =	vst v0  }
0x6e: {  	[tilespmem:s7+$0x850] =	vst v0  }
0x6f: {  	[tilespmem:s7+$0x860] =	vst v0;
	s7 =	sshra.s32 s8, $0x2;
	s8 =	sadd.s32 $0x200, s8  }
0x70: {  	[tilespmem:s7+$0x870] =	vst v0  }
0x71: {  	[tilespmem:s7+$0x800] =	vst v0  }
0x72: {  	[tilespmem:s7+$0x810] =	vst v0  }
0x73: {  	[tilespmem:s7+$0x820] =	vst v0  }
0x74: {  	[tilespmem:s7+$0x830] =	vst v0  }
0x75: {  	[tilespmem:s7+$0x840] =	vst v0  }
0x76: {  	[tilespmem:s7+$0x850] =	vst v0  }
0x77: {  	[tilespmem:s7+$0x860] =	vst v0  }
0x78: {  	[spmem:s10] =	stream.linear.scatter [tilespmem:s28], [sflag:$0x2], $0x3800, $0x38;
	[tilespmem:$0x1EC00] =	vst v63  }
0x79: {  	_ = 	snop  }
0x7a: {  	[spmem:s11] =	stream.linear.scatter [tilespmem:s28], [sflag:$0x2], $0x3800, $0x38;
	[tilespmem:$0x1EC00] =	vst v63  }
0x7b: {  	_ = 	snop  }
0x7c: {  	[spmem:s12] =	stream.linear.scatter [tilespmem:s28], [sflag:$0x2], $0x3800, $0x38;
	[tilespmem:$0x1EC00] =	vst v63  }
0x7d: {  	s12 =	rddreg [dreg:$0x5]  }
0x7e: {  	[spmem:s12] =	stream.linear.scatter [tilespmem:s28], [sflag:$0x2], $0x3800, $0x38;
	[tilespmem:$0x1EC00] =	vst v63  }
0x7f: {  	s8 =	rddreg [dreg:$0x6]  }
0x80: {  	[spmem:s8] =	stream.linear.scatter [tilespmem:s28], [sflag:$0x2], $0x3800, $0x38;
	[tilespmem:$0x1EC00] =	vst v63  }
0x81: {  	s13 =	smov.u32 s10;
	s10 =	rddreg [dreg:$0x7]  }
0x82: {  	[spmem:s10] =	stream.linear.scatter [tilespmem:s28], [sflag:$0x2], $0x2400, $0x38;
	[tilespmem:$0x1EC00] =	vst v63  }
0x83: {  	_ =	swait.ge [sflag:s29], $0x3800  }
0x84: {  	[sflag:s29] =	ssyncset.done $0x0  }
0x85: {  	[sflag:s29] =	ssyncadd.s32 $0xFFFFC800  }
0x86: {  	_ =	swait.ge [sflag:s29], $0x3800  }
0x87: {  	[sflag:s29] =	ssyncset.done $0x0  }
0x88: {  	[sflag:s29] =	ssyncadd.s32 $0xFFFFC800  }
0x89: {  	_ =	swait.ge [sflag:s29], $0x3800  }
0x8a: {  	[sflag:s29] =	ssyncset.done $0x0  }
0x8b: {  	[sflag:s29] =	ssyncadd.s32 $0xFFFFC800  }
0x8c: {  	_ =	swait.ge [sflag:s29], $0x3800  }
0x8d: {  	[sflag:s29] =	ssyncset.done $0x0  }
0x8e: {  	[sflag:s29] =	ssyncadd.s32 $0xFFFFC800  }
0x8f: {  	_ =	swait.ge [sflag:s29], $0x3800  }
0x90: {  	[sflag:s29] =	ssyncset.done $0x0  }
0x91: {  	[sflag:s29] =	ssyncadd.s32 $0xFFFFC800  }
0x92: {  	_ =	swait.ge [sflag:s29], $0x2400  }
0x93: {  	[sflag:s29] =	ssyncset.done $0x0  }
0x94: {  	[sflag:s29] =	ssyncadd.s32 $0xFFFFDC00  }
0x95: {  	[bflag:$0x0] =	sbarrier.arrive $0xFFFF  }
0x96: {  	s11 =	rddreg [dreg:$0x8]  }
0x97: {  	[tilespmem:s3], [sflag:$0x1] =	stream.linear.gather [hbm4b:s11+s3], $0x80, $0x38;
	[tilespmem:$0x1EC00] =	vst v63  }
0x98: {  	s7 =	simm.s32 $0x400;
	s8 =	rddreg [dreg:$0x9]  }
0x99: {  	[tilespmem:s7], [sflag:$0x1] =	stream.linear.gather [hbm4b:s8+s3], $0x80, $0x38;
	[tilespmem:$0x1EC00] =	vst v63  }
0x9a: {  	s12 =	rddreg [dreg:$0x10]  }
0x9b: {  	[tilespmem:s30], [sflag:$0x1] =	stream.linear.gather [hbm4b:s12+s3], $0x80, $0x38;
	[tilespmem:$0x1EC00] =	vst v63  }
0x9c: {  	s10 =	rddreg [dreg:$0x11]  }
0x9d: {  	[tilespmem:s31], [sflag:$0x1] =	stream.linear.gather [hbm4b:s10+s3], $0x80, $0x38;
	[tilespmem:$0x1EC00] =	vst v63  }
0x9e: {  	s11 =	rddreg [dreg:$0x12]  }
0x9f: {  	[tilespmem:s0], [sflag:$0x1] =	stream.linear.gather [hbm4b:s11+s3], $0x80, $0x38;
	[tilespmem:$0x1EC00] =	vst v63  }
0xa0: {  	s12 =	rddreg [dreg:$0x13]  }
0xa1: {  	[tilespmem:s2], [sflag:$0x1] =	stream.linear.gather [hbm4b:s12+s3], $0x80, $0x38;
	[tilespmem:$0x1EC00] =	vst v63  }
.LBB2_4:
0xa2: {  	p0 =	seq.s32 s7, $0x400  }
0xa3: {  	s8 =	simm.s32 @p0 $0x1  }
0xa4: {  	_ =	swait.ge @p0 [sflag:s8], $0x80  }
0xa5: {  	[sflag:s8] =	ssyncset.done @p0 $0x0  }
0xa6: {  	[sflag:s8] =	ssyncadd.s32 @p0 $0xFFFFFF80  }
0xa7: {  	_ =	swait.ge @p0 [sflag:s8], $0x80  }
0xa8: {  	s10 =	simm.s32 @p0 $0x0;
	[sflag:s8] =	ssyncset.done @p0 $0x0  }
0xa9: {  	s11 =	simm.s32 @p0 $0x800;
	[sflag:s8] =	ssyncadd.s32 @p0 $0xFFFFFF80;
	s8 =	simm.s32 @p0 $0x70  }
0xaa: {  	[tilespmem:s11], [sflag:$0x2] =	stream.indirect.gather @p0 [hbm4b:s4+s8], $0x80, s10, s8, $0xb8;
	[tilespmem:$0x1EC00] =	vst v63  }
0xab: {  	s8 =	simm.s32 @!p0 $0x3  }
0xac: {  	_ =	swait.ge @!p0 [sflag:s8], $0x3800  }
0xad: {  	[sflag:s8] =	ssyncset.done @!p0 $0x0  }
0xae: {  	s10 =	simm.s32 @!p0 $0x1;
	[sflag:s8] =	ssyncadd.s32 @!p0 $0xFFFFC800  }
0xaf: {  	_ =	swait.ge @!p0 [sflag:s10], $0x80  }
0xb0: {  	[sflag:s10] =	ssyncset.done @!p0 $0x0  }
0xb1: {  	[sflag:s10] =	ssyncadd.s32 @!p0 $0xFFFFFF80  }
0xb2: {  	_ =	swait.ge @!p0 [sflag:s10], $0x80  }
0xb3: {  	s12 =	simm.s32 @!p0 $0x800;
	[sflag:s10] =	ssyncset.done @!p0 $0x0  }
0xb4: {  	s11 =	simm.s32 @!p0 $0x0;
	[sflag:s10] =	ssyncadd.s32 @!p0 $0xFFFFFF80;
	s10 =	simm.s32 @!p0 $0x70  }
0xb5: {  	[tilespmem:s12], [sflag:$0x2] =	stream.indirect.gather @!p0 [hbm4b:s4+s10], $0x80, s11, s10, $0xb8;
	[tilespmem:$0x1EC00] =	vst v63  }
0xb6: {  	s11 =	simm.s32 @!p0 $0x2  }
0xb7: {  	_ =	swait.ge @!p0 [sflag:s11], $0x3800  }
0xb8: {  	[sflag:s11] =	ssyncset.done @!p0 $0x0  }
0xb9: {  	s12 =	simm.s32 @!p0 $0x7800;
	[sflag:s11] =	ssyncadd.s32 @!p0 $0xFFFFC800;
	s11 =	simm.s32 @!p0 $0x680  }
0xba: {  	[spmem:s1] =	stream.indirect.scatter.add.f32 @!p0 [tilespmem:s12], [sflag:$0x3], $0x80, s11, s10, $0xb8;
	[tilespmem:$0x1EC00] =	vst v63  }
0xbb: {  	s10 =	sadd.s32 $0xFFFFFD80, s7  }
0xbc: {  	s12 =	sand.u32 $0x7C00, s10  }
0xbd: {  	s10 =	sand.u32 $0x380, s10;
	s11 =	sadd.s32 s9, s12  }
0xbe: {  	s10 =	sor.u32 s10, s11  }
0xbf: {  	s10 =	sshrl.u32 s10, $0x3  }
0xc0: {  	s12 =	sadd.s32 s5, s10  }
0xc1: {  	[tilespmem:s14], [sflag:$0x1] =	stream.linear.gather [hbm4b:s12+s3], $0x80, $0x38;
	[tilespmem:$0x1EC00] =	vst v63  }
0xc2: {  	s10 =	sadd.s32 s6, s10  }
0xc3: {  	[tilespmem:s15], [sflag:$0x1] =	stream.linear.gather [hbm4b:s10+s3], $0x80, $0x38;
	[tilespmem:$0x1EC00] =	vst v63  }
0xc4: {  	_ =	swait.ge @!p0 [sflag:s8], $0x3800  }
0xc5: {  	[sflag:s8] =	ssyncset.done @!p0 $0x0  }
0xc6: {  	[sflag:s8] =	ssyncadd.s32 @!p0 $0xFFFFC800  }
0xc7: {  	_ =	swait.ge [sflag:s16], $0x80  }
0xc8: {  	[sflag:s16] =	ssyncset.done $0x0  }
0xc9: {  	[sflag:s16] =	ssyncadd.s32 $0xFFFFFF80  }
0xca: {  	_ =	swait.ge [sflag:s16], $0x80  }
0xcb: {  	s10 =	sadd.s32 $0xFFFFFE00, s7;
	[sflag:s16] =	ssyncset.done $0x0  }
0xcc: {  	s12 =	sand.u32 $0x7C00, s10;
	[sflag:s16] =	ssyncadd.s32 $0xFFFFFF80  }
0xcd: {  	[tilespmem:s18], [sflag:$0x2] =	stream.indirect.gather [hbm4b:s4+s17], $0x80, s30, s17, $0xb8;
	[tilespmem:$0x1EC00] =	vst v63  }
0xce: {  	s10 =	sand.u32 $0x300, s10;
	s11 =	sadd.s32 s9, s12;
	_ =	swait.ge [sflag:s29], $0x3800  }
0xcf: {  	s10 =	sor.u32 s10, s11;
	[sflag:s29] =	ssyncset.done $0x0  }
0xd0: {  	s10 =	sshrl.u32 s10, $0x3;
	[sflag:s29] =	ssyncadd.s32 $0xFFFFC800  }
0xd1: {  	[spmem:s1] =	stream.indirect.scatter.add.f32 [tilespmem:s28], [sflag:$0x3], $0x80, s19, s17, $0xb8;
	[tilespmem:$0x1EC00] =	vst v63  }
0xd2: {  	s12 =	sadd.s32 s5, s10  }
0xd3: {  	[tilespmem:s20], [sflag:$0x1] =	stream.linear.gather [hbm4b:s12+s3], $0x80, $0x38;
	[tilespmem:$0x1EC00] =	vst v63  }
0xd4: {  	s10 =	sadd.s32 s6, s10  }
0xd5: {  	[tilespmem:s21], [sflag:$0x1] =	stream.linear.gather [hbm4b:s10+s3], $0x80, $0x38;
	[tilespmem:$0x1EC00] =	vst v63  }
0xd6: {  	_ =	swait.ge @!p0 [sflag:s8], $0x3800  }
0xd7: {  	[sflag:s8] =	ssyncset.done @!p0 $0x0  }
0xd8: {  	[sflag:s8] =	ssyncadd.s32 @!p0 $0xFFFFC800  }
0xd9: {  	_ =	swait.ge [sflag:s16], $0x80  }
0xda: {  	[sflag:s16] =	ssyncset.done $0x0  }
0xdb: {  	[sflag:s16] =	ssyncadd.s32 $0xFFFFFF80  }
0xdc: {  	_ =	swait.ge [sflag:s16], $0x80  }
0xdd: {  	s12 =	sadd.s32 $0xFFFFFE80, s7;
	[sflag:s16] =	ssyncset.done $0x0  }
0xde: {  	s11 =	sand.u32 $0x7C00, s12;
	[sflag:s16] =	ssyncadd.s32 $0xFFFFFF80  }
0xdf: {  	[tilespmem:s22], [sflag:$0x2] =	stream.indirect.gather [hbm4b:s4+s17], $0x80, s0, s17, $0xb8;
	[tilespmem:$0x1EC00] =	vst v63  }
0xe0: {  	s10 =	sadd.s32 s9, s11;
	s8 =	sand.u32 $0x380, s12;
	_ =	swait.ge [sflag:s29], $0x3800  }
0xe1: {  	s8 =	sor.u32 s8, s10;
	[sflag:s29] =	ssyncset.done $0x0  }
0xe2: {  	s8 =	sshrl.u32 s8, $0x3;
	[sflag:s29] =	ssyncadd.s32 $0xFFFFC800  }
0xe3: {  	[spmem:s1] =	stream.indirect.scatter.add.f32 [tilespmem:s18], [sflag:$0x3], $0x80, s31, s17, $0xb8;
	[tilespmem:$0x1EC00] =	vst v63  }
0xe4: {  	s12 =	sadd.s32 s5, s8  }
0xe5: {  	[tilespmem:s23], [sflag:$0x1] =	stream.linear.gather [hbm4b:s12+s3], $0x80, $0x38;
	[tilespmem:$0x1EC00] =	vst v63  }
0xe6: {  	s8 =	sadd.s32 s6, s8  }
0xe7: {  	[tilespmem:s24], [sflag:$0x1] =	stream.linear.gather [hbm4b:s8+s3], $0x80, $0x38;
	[tilespmem:$0x1EC00] =	vst v63  }
0xe8: {  	_ =	swait.ge [sflag:s25], $0x3800  }
0xe9: {  	[sflag:s25] =	ssyncset.done $0x0  }
0xea: {  	[sflag:s25] =	ssyncadd.s32 $0xFFFFC800  }
0xeb: {  	_ =	swait.ge [sflag:s16], $0x80  }
0xec: {  	[sflag:s16] =	ssyncset.done $0x0  }
0xed: {  	[sflag:s16] =	ssyncadd.s32 $0xFFFFFF80  }
0xee: {  	p0 =	seq.s32 s7, $0x2E00;
	_ =	swait.ge [sflag:s16], $0x80  }
0xef: {  	s8 =	sadd.s32 @!p0 $0xFFFFFF00, s7;
	[sflag:s16] =	ssyncset.done $0x0  }
0xf0: {  	s10 =	sand.u32 @!p0 $0x7C00, s8;
	[sflag:s16] =	ssyncadd.s32 $0xFFFFFF80  }
0xf1: {  	[tilespmem:s28], [sflag:$0x2] =	stream.indirect.gather [hbm4b:s4+s17], $0x80, s14, s17, $0xb8;
	[tilespmem:$0x1EC00] =	vst v63  }
0xf2: {  	s8 =	sand.u32 @!p0 $0x300, s8;
	s10 =	sadd.s32 @!p0 s9, s10;
	_ =	swait.ge [sflag:s29], $0x3800  }
0xf3: {  	s8 =	sor.u32 @!p0 s8, s10;
	[sflag:s29] =	ssyncset.done $0x0  }
0xf4: {  	s8 =	sshrl.u32 @!p0 s8, $0x3;
	[sflag:s29] =	ssyncadd.s32 $0xFFFFC800  }
0xf5: {  	[spmem:s1] =	stream.indirect.scatter.add.f32 [tilespmem:s22], [sflag:$0x3], $0x80, s2, s17, $0xb8;
	[tilespmem:$0x1EC00] =	vst v63  }
0xf6: {  	s11 =	simm.s32 @!p0 $0x0;
	s10 =	sadd.s32 @!p0 s5, s8  }
0xf7: {  	[tilespmem:s11], [sflag:$0x1] =	stream.linear.gather @!p0 [hbm4b:s10+s11], $0x80, $0x38;
	[tilespmem:$0x1EC00] =	vst v63  }
0xf8: {  	s8 =	sadd.s32 @!p0 s6, s8;
	s10 =	simm.s32 @!p0 $0x400  }
0xf9: {  	[tilespmem:s10], [sflag:$0x1] =	stream.linear.gather @!p0 [hbm4b:s8+s11], $0x80, $0x38;
	[tilespmem:$0x1EC00] =	vst v63  }
0xfa: {  	_ =	swait.ge [sflag:s25], $0x3800  }
0xfb: {  	[sflag:s25] =	ssyncset.done $0x0  }
0xfc: {  	[sflag:s25] =	ssyncadd.s32 $0xFFFFC800  }
0xfd: {  	_ =	swait.ge [sflag:s16], $0x80  }
0xfe: {  	[sflag:s16] =	ssyncset.done $0x0  }
0xff: {  	[sflag:s16] =	ssyncadd.s32 $0xFFFFFF80  }
0x100: {  	_ =	swait.ge [sflag:s16], $0x80  }
0x101: {  	s8 =	sadd.s32 @!p0 $0xFFFFFF80, s7;
	[sflag:s16] =	ssyncset.done $0x0  }
0x102: {  	s10 =	sand.u32 @!p0 $0x7C00, s8;
	[sflag:s16] =	ssyncadd.s32 $0xFFFFFF80  }
0x103: {  	[tilespmem:s18], [sflag:$0x2] =	stream.indirect.gather [hbm4b:s4+s17], $0x80, s20, s17, $0xb8;
	[tilespmem:$0x1EC00] =	vst v63  }
0x104: {  	s8 =	sand.u32 @!p0 $0x380, s8;
	s10 =	sadd.s32 @!p0 s9, s10;
	_ =	swait.ge [sflag:s29], $0x3800  }
0x105: {  	s8 =	sor.u32 @!p0 s8, s10;
	[sflag:s29] =	ssyncset.done $0x0  }
0x106: {  	s8 =	sshrl.u32 @!p0 s8, $0x3;
	[sflag:s29] =	ssyncadd.s32 $0xFFFFC800  }
0x107: {  	[spmem:s1] =	stream.indirect.scatter.add.f32 [tilespmem:s28], [sflag:$0x3], $0x80, s15, s17, $0xb8;
	[tilespmem:$0x1EC00] =	vst v63  }
0x108: {  	s12 =	simm.s32 @!p0 $0x80;
	s10 =	sadd.s32 @!p0 s5, s8  }
0x109: {  	[tilespmem:s12], [sflag:$0x1] =	stream.linear.gather @!p0 [hbm4b:s10+s11], $0x80, $0x38;
	[tilespmem:$0x1EC00] =	vst v63  }
0x10a: {  	s8 =	sadd.s32 @!p0 s6, s8;
	s10 =	simm.s32 @!p0 $0x480  }
0x10b: {  	[tilespmem:s10], [sflag:$0x1] =	stream.linear.gather @!p0 [hbm4b:s8+s11], $0x80, $0x38;
	[tilespmem:$0x1EC00] =	vst v63  }
0x10c: {  	_ =	swait.ge [sflag:s25], $0x3800  }
0x10d: {  	[sflag:s25] =	ssyncset.done $0x0  }
0x10e: {  	[sflag:s25] =	ssyncadd.s32 $0xFFFFC800  }
0x10f: {  	_ =	swait.ge [sflag:s16], $0x80  }
0x110: {  	[sflag:s16] =	ssyncset.done $0x0  }
0x111: {  	[sflag:s16] =	ssyncadd.s32 $0xFFFFFF80  }
0x112: {  	_ =	swait.ge [sflag:s16], $0x80  }
0x113: {  	[sflag:s16] =	ssyncset.done $0x0  }
0x114: {  	[sflag:s16] =	ssyncadd.s32 $0xFFFFFF80  }
0x115: {  	[tilespmem:s22], [sflag:$0x2] =	stream.indirect.gather [hbm4b:s4+s17], $0x80, s23, s17, $0xb8;
	[tilespmem:$0x1EC00] =	vst v63  }
.Ltmp3:
0x116: {  	_ = 	snop;
	(pc) =	sbr.rel @p0 .LBB2_6-.Ltmp3, $4  }
0x117: {  	_ =	swait.ge [sflag:s29], $0x3800  }
0x118: {  	[sflag:s29] =	ssyncset.done $0x0  }
0x119: {  	[sflag:s29] =	ssyncadd.s32 $0xFFFFC800  }
0x11a: {  	[spmem:s1] =	stream.indirect.scatter.add.f32 [tilespmem:s18], [sflag:$0x3], $0x80, s21, s17, $0xb8;
	[tilespmem:$0x1EC00] =	vst v63  }
0x11b: {  	s8 =	sadd.s32 $0xFFFFFC00, s7;
	s10 =	sand.u32 $0x7C00, s7  }
0x11c: {  	s10 =	sadd.s32 s9, s10;
	s8 =	sand.u32 $0x300, s8  }
0x11d: {  	s8 =	sor.u32 s8, s10  }
.Ltmp4:
0x11e: {  	s8 =	sshrl.u32 s8, $0x3;
	(pc) =	sbr.rel .LBB2_4-.Ltmp4, $4  }
0x11f: {  	s12 =	sadd.s32 s5, s8  }
0x120: {  	[tilespmem:s0], [sflag:$0x1] =	stream.linear.gather [hbm4b:s12+s3], $0x80, $0x38;
	[tilespmem:$0x1EC00] =	vst v63  }
0x121: {  	s7 =	sadd.s32 $0x300, s7;
	s8 =	sadd.s32 s6, s8  }
0x122: {  	[tilespmem:s2], [sflag:$0x1] =	stream.linear.gather [hbm4b:s8+s3], $0x80, $0x38;
	[tilespmem:$0x1EC00] =	vst v63  }
.LBB2_7:
0x123: {  	_ =	sfence.sel $0x180000  }
0x124: {  	[bflag:$0x0] =	sbarrier.arrive $0xFFFF  }
0x125: {  	_ =	strace $0x9000004A  }
0x126: {  	s0 =	stileid.u32;
	[bflag:$0x2] =	sbarrier.arrive $0xFFFF  }
0x127: {  	p0 =	sne.s32 s0, $0x0;
	s0 =	rddreg [dreg:$0x2]  }
0x128: {  	s0 =	sadd.s32 @!p0 $0x100000, s0  }
0x129: {  	[sflag:s0] =	ssyncadd.tile.s32 @!p0 $0x1;
	_ =	shalt  }
.Lfunc_end2:
_tile_overlayer_lowered:
.L_overlay_start_2:
0x12a: {  	(tag) =	ssettag $0x2  }
0x12b: {  	s0 =	rddreg [dreg:$0x0];
	s2 =	stileid.u32  }
0x12c: {  	s1 =	rddreg [dreg:$0x1];
	p0 =	sne.s32 s2, $0x0  }
0x12d: {  	s3 =	rddreg [dreg:$0x2];
	[bflag:$0x3] =	sbarrier.arrive $0xFFFF;
	s2 =	simm.s32 @!p0 $0x1C04  }
0x12e: {  	[timem:s3], [sflag:s2] =	dma.local @!p0 [hbm:s0], s1  }
0x12f: {  	s0 =	simm.s32 @!p0 $0x4  }
0x130: {  	_ =	swait.ge @!p0 [sflag:s0], s1  }
0x131: {  	s1 =	ssub.s32 @!p0 $0x0, s1;
	[sflag:s0] =	ssyncset.done @!p0 $0x0  }
0x132: {  	[sflag:s0] =	ssyncadd.s32 @!p0 s1  }
0x133: {  	[bflag:$0x3] =	sbarrier.arrive $0xFFFF  }
0x134: {  	_ =	shalt  }

// kernel: kernel.14.cloned.1.call-start
scs
__scs_entry_jumppad:
0x0: {  	(pc) =	sbr.rel $0x88, $3  }
0x1: {  	(tag) =	ssettag $0x0;
	lr =	simm.s32 $0x1  }
0x2: {  	[smem:$0x3F9A] =	sst lr;
	_ =	strace $0xD0000000  }
0x3: {  	_ = 	snop  }
0x4: {  	_ = 	snop  }
0x5: {  	_ = 	snop  }
0x6: {  	_ = 	snop  }
0x7: {  	_ = 	snop  }
__scs_overlays_trampoline_lowered:
0x8: {  	[smem:$0x3FA9] =	sst s0  }
0x9: {  	[smem:$0x3FAA] =	sst s1  }
0xa: {  	[smem:$0x3FAB] =	sst s2  }
0xb: {  	[smem:$0x3FAC] =	sst s3  }
0xc: {  	[smem:$0x3FAD] =	sst s4  }
0xd: {  	[smem:$0x3FAE] =	sst s5  }
0xe: {  	[smem:$0x3FAF] =	sst s6  }
0xf: {  	[smem:$0x3FB0] =	sst s7  }
0x10: {  	[smem:$0x3FB1] =	sst s8  }
0x11: {  	[smem:$0x3FB2] =	sst s9;
	s0 =	simm.s32 @!p0 $0x0  }
0x12: {  	s1 =	sld [smem:$0x3F98];
	s0 =	simm.s32 @p0 $0x1  }
0x13: {  	[smem:$0x3FB3] =	sst s0;
	s0 =	simm.s32 @!p1 $0x0  }
0x14: {  	s2 =	sld [smem:$0x3F97];
	s0 =	simm.s32 @p1 $0x1  }
0x15: {  	[smem:$0x3FB4] =	sst s0;
	s0 =	simm.s32 @!p2 $0x0  }
0x16: {  	s3 =	sld [smem:$0x3FDB];
	s0 =	simm.s32 @p2 $0x1  }
0x17: {  	s4 =	simm.s32 $0x1BF5;
	[smem:$0x3FB6] =	sst s0  }
0x18: {  	s0 =	sld [smem:$0x3F99];
	_ =	swait.ge [sflag:s4], $0x0  }
0x19: {  	s7 =	sld [smem:$0x3F9A]  }
0x1a: {  	s8 =	sadd.s32 $0xFFFFE003, lr  }
0x1b: {  	s9 =	sadd.s32 $0xFFFFFEF7, lr;
	s5 =	simm.s32 $0xFFFFFFFF;
	p2 =	slt.u32 s8, $0xFFFFF086  }
0x1c: {  	p1 =	slt.u32 s9, $0xF7A;
	s5 =	simm.s32 @!p2 $0x0  }
0x1d: {  	s5 =	simm.s32 @p1 $0x1;
	p0 =	seq.s32 s7, s2  }
0x1e: {  	s7 =	smul.u32 @!p0 $0xF7A, s2;
	p2 =	seq.s32 @!p0 s5, $0x0  }
0x1f: {  	s9 =	smul.u32 $0xF7A, s1;
	s8 =	simm.s32 @!p0 $0x1BF5;
	p2 =	por !p2, p0  }
0x20: {  	[sflag:s8] =	ssyncset.s32 @!p0 $0xFFFFF086;
	s6 =	sadd.s32 @!p0 s3, s7;
	s7 =	simm.s32 @!p0 $0x108  }
0x21: {  	s3 =	sadd.s32 s3, s9;
	s6 =	sadd.s32 @!p0 $0x88, s6;
	s7 =	simm.s32 @p2 $0x1082  }
0x22: {  	[simem:s7], [sflag:s8] =	dma.local @!p0 [hbm:s6], $0xF7A  }
0x23: {  	s9 =	sor.u32 $0xD0000000, s2;
	s6 =	simm.s32 $0x108;
	_ =	swait.ge @!p0 [sflag:s8], $0x0  }
0x24: {  	s3 =	sadd.s32 $0x88, s3;
	s6 =	simm.s32 @!p1 $0x1082;
	[sflag:s4] =	ssyncset.s32 $0xFFFFF086  }
0x25: {  	[simem:s6], [sflag:s4] =	dma.local [hbm:s3], $0xF7A  }
0x26: {  	[smem:$0x3F9A] =	sst s1;
	(tag) =	ssettag s2;
	_ =	strace s9  }
0x27: {  	s1 =	sld [smem:$0x3FAA]  }
0x28: {  	s2 =	sld [smem:$0x3FAB]  }
0x29: {  	s4 =	sld [smem:$0x3FAD]  }
0x2a: {  	p0 =	seq.s32 s5, $0x0;
	s5 =	sld [smem:$0x3FAE]  }
0x2b: {  	s6 =	sld [smem:$0x3FAF]  }
0x2c: {  	s7 =	sld [smem:$0x3FB0]  }
0x2d: {  	s3 =	simm.s32 $0x108;
	s8 =	sld [smem:$0x3FB1]  }
0x2e: {  	s3 =	simm.s32 @!p0 $0x1082;
	s9 =	sld [smem:$0x3FB2]  }
0x2f: {  	lr =	sadd.s32 s0, s3;
	s0 =	sld [smem:$0x3FA9]  }
0x30: {  	s3 =	sld [smem:$0x3FAC]  }
0x31: {  	[smem:$0x3FB5] =	sst s10  }
0x32: {  	s10 =	sld [smem:$0x3FB3];
	_ =	sdelay $0x3  }
0x33: {  	p0 =	seq.s32 s10, $0x1;
	s10 =	sld [smem:$0x3FB5];
	_ =	sdelay $0x3  }
0x34: {  	[smem:$0x3FB5] =	sst s10  }
0x35: {  	s10 =	sld [smem:$0x3FB4];
	_ =	sdelay $0x3  }
0x36: {  	p1 =	seq.s32 s10, $0x1;
	s10 =	sld [smem:$0x3FB5];
	_ =	sdelay $0x3  }
0x37: {  	[smem:$0x3FB5] =	sst s10  }
0x38: {  	s10 =	sld [smem:$0x3FB6]  }
0x39: {  	_ = 	snop;
	(pc) =	sbr.ind lr, $3  }
0x3a: {  	_ = 	snop  }
0x3b: {  	_ = 	snop  }
0x3c: {  	p2 =	seq.s32 s10, $0x1;
	s10 =	sld [smem:$0x3FB5]  }
0x3d: {  	_ =	shalt  }
0x3e: {  	_ =	shalt  }
0x3f: {  	_ =	shalt  }
0x40: {  	_ =	shalt  }
0x41: {  	_ =	shalt  }
0x42: {  	_ =	shalt  }
0x43: {  	_ =	shalt  }
0x44: {  	_ =	shalt  }
0x45: {  	_ =	shalt  }
0x46: {  	_ =	shalt  }
0x47: {  	_ =	shalt  }
0x48: {  	_ =	shalt  }
0x49: {  	_ =	shalt  }
0x4a: {  	_ =	shalt  }
0x4b: {  	_ =	shalt  }
0x4c: {  	_ =	shalt  }
0x4d: {  	_ =	shalt  }
0x4e: {  	_ =	shalt  }
0x4f: {  	_ =	shalt  }
0x50: {  	_ =	shalt  }
0x51: {  	_ =	shalt  }
0x52: {  	_ =	shalt  }
0x53: {  	_ =	shalt  }
0x54: {  	_ =	shalt  }
0x55: {  	_ =	shalt  }
0x56: {  	_ =	shalt  }
0x57: {  	_ =	shalt  }
0x58: {  	_ =	shalt  }
0x59: {  	_ =	shalt  }
0x5a: {  	_ =	shalt  }
0x5b: {  	_ =	shalt  }
0x5c: {  	_ =	shalt  }
0x5d: {  	_ =	shalt  }
0x5e: {  	_ =	shalt  }
0x5f: {  	_ =	shalt  }
0x60: {  	_ =	shalt  }
0x61: {  	_ =	shalt  }
0x62: {  	_ =	shalt  }
0x63: {  	_ =	shalt  }
0x64: {  	_ =	shalt  }
0x65: {  	_ =	shalt  }
0x66: {  	_ =	shalt  }
0x67: {  	_ =	shalt  }
0x68: {  	_ =	shalt  }
0x69: {  	_ =	shalt  }
0x6a: {  	_ =	shalt  }
0x6b: {  	_ =	shalt  }
0x6c: {  	_ =	shalt  }
0x6d: {  	_ =	shalt  }
0x6e: {  	_ =	shalt  }
0x6f: {  	_ =	shalt  }
0x70: {  	_ =	shalt  }
0x71: {  	_ =	shalt  }
0x72: {  	_ =	shalt  }
0x73: {  	_ =	shalt  }
0x74: {  	_ =	shalt  }
0x75: {  	_ =	shalt  }
0x76: {  	_ =	shalt  }
0x77: {  	_ =	shalt  }
0x78: {  	_ =	shalt  }
0x79: {  	_ =	shalt  }
0x7a: {  	_ =	shalt  }
0x7b: {  	_ =	shalt  }
0x7c: {  	_ =	shalt  }
0x7d: {  	_ =	shalt  }
0x7e: {  	_ =	shalt  }
0x7f: {  	_ =	shalt  }
0x80: {  	_ =	shalt  }
0x81: {  	_ =	shalt  }
0x82: {  	_ =	shalt  }
0x83: {  	_ =	shalt  }
0x84: {  	_ =	shalt  }
0x85: {  	_ =	shalt  }
0x86: {  	_ =	shalt  }
0x87: {  	_ =	shalt  }
.Lfunc_end0:
.L_simem_size_0:
called_computation.2_lowered:
.L_overlay_start_0:
0x88: {  	s2 =	sld [smem:$0x3FD9]  }
0x89: {  	s3 =	sld [smem:$0x3FFE];
	_ =	sdelay $0x1  }
0x8a: {  	s1 =	srdreg.scid  }
0x8b: {  	s0 =	sand.u32 $0x1, s1  }
0x8c: {  	s16 =	sshll.u32 s0, $0xA;
	s2 =	sadd.s32 s3, s2  }
0x8d: {  	s2 =	sadd.s32 s2, s16  }
0x8e: {  	[smem:$0x3FC1] =	sst s2  }
0x8f: {  	_ = 	snop  }
0x90: {  	(tm) =	ssettm $0x1  }
0x91: {  	s17 =	sld [smem:$0x3FFB];
	_ =	sdelay $0x3  }
0x92: {  	_ =	strace s17  }
0x93: {  	s2 =	sld [smem:$0x3FFC];
	_ =	sdelay $0x3  }
0x94: {  	_ =	strace s2  }
0x95: {  	s2 =	sld [smem:$0x3FFD];
	_ =	sdelay $0x3  }
0x96: {  	_ =	strace s2  }
0x97: {  	_ =	strace $0x8FFFFFFF  }
0x98: {  	s18 =	sld [smem:$0x3FDB];
	_ =	sdelay $0x1  }
0x99: {  	s19 =	simm.s32 $_scs_section_size  }
0x9a: {  	s4 =	simm.s32 $_size__tile_overlayer_lowered;
	s5 =	simm.s32 $_tile_overlayer_lowered  }
0x9b: {  	s22 =	simm.s32 $0x1BFF;
	s21 =	sshll.u32 s5, $0x1;
	s2 =	sadd.s32 s19, s18  }
0x9c: {  	s6 =	simm.s32 $0x0;
	s20 =	sshll.u32 s4, $0x1;
	s4 =	sadd.s32 s21, s2  }
0x9d: {  	[timem:s6], [sflag:s22] =	dma.local [hbm:s4], s20  }
0x9e: {  	_ =	swait.ge [sflag:s22], s20  }
0x9f: {  	s3 =	ssub.s32 $0x0, s20;
	[sflag:s22] =	ssyncset.done $0x0  }
0xa0: {  	[sflag:s22] =	ssyncadd.s32 s3;
	_ =	sdelay $0x1  }
0xa1: {  	s23 =	simm.s32 $0x1B8B  }
0xa2: {  	_ =	swait.ge [sflag:s23], $0x1  }
0xa3: {  	[sflag:s23] =	ssyncset.done $0x0  }
0xa4: {  	s25 =	simm.s32 $0x1B8E;
	s24 =	sld [smem:$0x3FFE];
	[sflag:s23] =	ssyncadd.s32 $0xFFFFFFFF  }
0xa5: {  	s26 =	simm.s32 $execute0_lowered;
	[smem:$0x3FD2] =	sst s25  }
0xa6: {  	s4 =	sshll.u32 s26, $0x1;
	_ =	strace $0x8000004C;
	[dreg:$0x1] =	wrdreg $0xFFFFFFFF  }
0xa7: {  	s28 =	simm.s32 $_size_execute0_lowered;
	s2 =	sadd.s32 s2, s4;
	[dreg:$0x0] =	wrdreg $0x0  }
0xa8: {  	s4 =	sshll.u32 s28, $0x1;
	[dreg:$0x2] =	wrdreg s2  }
0xa9: {  	[dreg:$0x3] =	wrdreg s4  }
0xaa: {  	[dreg:$0x4] =	wrdreg $0xC0  }
0xab: {  	_ =	task [dreg:s6], $0x5FFFF  }
0xac: {  	[dreg:$0x1] =	wrdreg $0xFFFFFFFF  }
0xad: {  	[dreg:$0x0] =	wrdreg $0x60  }
0xae: {  	[dreg:$0x2] =	wrdreg s24  }
0xaf: {  	[dreg:$0x3] =	wrdreg $0xB0000  }
0xb0: {  	[dreg:$0x4] =	wrdreg $0x9  }
0xb1: {  	_ =	task.clear_ibuf [dreg:s6], $0x5FFFF;
	_ =	strace $0x9000004C  }
0xb2: {  	s29 =	simm.s32 $0x9;
	_ =	strace $0x8000004E  }
0xb3: {  	_ =	swait.ge [sflag:s29], $0x1  }
0xb4: {  	[sflag:s29] =	ssyncadd.s32 $0xFFFFFFFF  }
0xb5: {  	_ =	strace $0x9000004E  }
0xb6: {  	_ =	sfence  }
0xb7: {  	s30 =	sld [smem:$0x0];
	_ =	sdelay $0x2  }
0xb8: {  	s31 =	sshll.u32 s1, $0xD;
	s1 =	sshrl.u32 s1, $0x2  }
0xb9: {  	s3 =	sand.u32 $0x4000, s31;
	s1 =	sadd.s32 s1, s30  }
0xba: {  	s0 =	sor.u32 s3, s0;
	s1 =	sshll.u32 s1, $0x11  }
0xbb: {  	s0 =	sor.u32 s1, s0  }
0xbc: {  	s0 =	sadd.s32 $0x8F2B, s0  }
0xbd: {  	[sflag:s0] =	ssyncadd.remote.s32 $0x1  }
0xbe: {  	_ =	sfence.sel $0xFFFF  }
0xbf: {  	[dreg:$0x0] =	wrdreg $0xFFFFFFFF;
	(pc) =	sbr.abs _section_cstart, $3  }
0xc0: {  	[dreg:$0x1] =	wrdreg $0xFFFFFFFF  }
0xc1: {  	_ =	task.clear_ibuf [dreg:s6], $0x2FFFF;
	_ =	strace $0x9FFFFFFF  }
0xc2: {  	(tm) =	ssettm $0x7FFFFFFF  }
0xc3: {  	_ =	shalt  }
tec
execute0_lowered:
.L_overlay_start_1:
0x0: {  	(tag) =	ssettag $0x1  }
0x1: {  	s0 =	rddreg [dreg:$0x0]  }
0x2: {  	s1 =	rddreg [dreg:$0x1];
	s3 =	simm.s32 $0x0  }
0x3: {  	s2 =	srdreg.scid;
	s10 =	stileid.u32;
	s28 =	simm.s32 $0x800  }
0x4: {  	s29 =	simm.s32 $0x2;
	s30 =	simm.s32 $0x80;
	s31 =	simm.s32 $0x480  }
0x5: {  	[smem:$0x7FF] =	sst s3;
	s2 =	sand.u32 $0x1, s2;
	s8 =	smul.u32 $0x4F000, s10  }
0x6: {  	s4 =	sadd.s32 $0x1B400, s0;
	s5 =	sadd.s32 $0xF400, s0;
	s14 =	smul.u32 $0x13C00, s10  }
0x7: {  	s6 =	sadd.s32 $0x3400, s0;
	s0 =	sadd.s32 $0x42C00, s0;
	s7 =	ssub.s32 $0x2, s2  }
0x8: {  	s20 =	sshll.u32 s10, $0x1;
	_ =	strace $0x8000004D;
	s9 =	sshrl.u32 s7, $0x1  }
0x9: {  	s8 =	sshrl.u32 s8, $0x2;
	s15 =	sadd.s32 $0x3800, s14;
	s16 =	sadd.s32 $0xA800, s14  }
0xa: {  	s21 =	sadd.s32 $0x7000, s14;
	s17 =	sadd.s32 $0xE000, s14;
	s13 =	sadd.s32 s16, s1  }
0xb: {  	s18 =	sadd.s32 $0x11800, s14;
	s22 =	sadd.s32 s17, s1;
	[dreg:$0x5] =	wrdreg s13  }
0xc: {  	s7 =	ssub.s32 s7, s9;
	s23 =	sadd.s32 s18, s1;
	[dreg:$0x6] =	wrdreg s22  }
0xd: {  	s9 =	sor.u32 s2, s20;
	s11 =	sadd.s32 s15, s1;
	[dreg:$0x7] =	wrdreg s23  }
0xe: {  	s12 =	sadd.s32 s21, s1;
	s2 =	smul.u32 $0x13C000, s2;
	[dreg:$0x3] =	wrdreg s11  }
0xf: {  	s10 =	sadd.s32 s8, s1;
	s9 =	smul.u32 $0x3000, s9;
	[dreg:$0x4] =	wrdreg s12  }
0x10: {  	s14 =	sadd.s32 s14, s2;
	s15 =	sadd.s32 s2, s15;
	s8 =	sadd.s32 s2, s21  }
0x11: {  	s16 =	sadd.s32 s2, s16;
	s17 =	sadd.s32 s2, s17;
	s2 =	sadd.s32 s2, s18  }
0x12: {  	s18 =	simm.s32 $0x4000;
	s19 =	sshrl.u32 s9, $0x3;
	s14 =	sshrl.u32 s14, $0x3  }
0x13: {  	s15 =	sshrl.u32 s15, $0x3;
	s8 =	sshrl.u32 s8, $0x3;
	s24 =	sadd.s32 s5, s19  }
0x14: {  	s16 =	sshrl.u32 s16, $0x3;
	s25 =	sadd.s32 s6, s19;
	[dreg:$0x8] =	wrdreg s24  }
0x15: {  	s20 =	sshrl.u32 s17, $0x3;
	s14 =	sadd.s32 s0, s14;
	[dreg:$0x9] =	wrdreg s25  }
0x16: {  	s2 =	sshrl.u32 s2, $0x3;
	s15 =	sadd.s32 s0, s15;
	[dreg:$0xa] =	wrdreg s14  }
0x17: {  	s17 =	simm.s32 $0x70;
	s8 =	sadd.s32 s0, s8;
	[dreg:$0xb] =	wrdreg s15  }
0x18: {  	s26 =	sor.u32 $0x10, s19;
	s21 =	sadd.s32 s0, s20;
	[dreg:$0xc] =	wrdreg s8  }
0x19: {  	s19 =	sor.u32 $0x20, s19;
	s8 =	sadd.s32 s0, s16;
	[dreg:$0xe] =	wrdreg s21  }
0x1a: {  	s20 =	simm.s32 $0x200;
	s0 =	sadd.s32 s0, s2;
	[dreg:$0xd] =	wrdreg s8  }
0x1b: {  	s22 =	sadd.s32 s5, s26;
	s23 =	sadd.s32 s6, s26;
	[dreg:$0xf] =	wrdreg s0  }
0x1c: {  	s24 =	sadd.s32 s5, s19;
	s25 =	sadd.s32 s6, s19;
	[dreg:$0x10] =	wrdreg s22  }
0x1d: {  	s26 =	smax.u32 s7, $0x1;
	s2 =	simm.s32 $0x500;
	[dreg:$0x11] =	wrdreg s23  }
.Ltmp0:
0x1e: {  	s14 =	simm.s32 $0x180;
	[dreg:$0x12] =	wrdreg s24;
	(pc) =	sbr.rel .LBB2_1-.Ltmp0, $4  }
0x1f: {  	s15 =	simm.s32 $0x580;
	s16 =	simm.s32 $0x1;
	[dreg:$0x13] =	wrdreg s25  }
0x20: {  	s19 =	simm.s32 $0x400;
	s21 =	simm.s32 $0x600;
	[dreg:$0x14] =	wrdreg s26  }
0x21: {  	s0 =	simm.s32 $0x100;
	s22 =	simm.s32 $0x7800;
	s23 =	simm.s32 $0x280  }
0x22: {  	v0 =	vimm.f32 $0.0e+00;
	s24 =	simm.s32 $0x680;
	s25 =	simm.s32 $0x3;
	s26 =	simm.s32 $0x0  }
.LBB2_6:
0x23: {  	_ =	swait.ge [sflag:s29], $0x3800  }
0x24: {  	[sflag:s29] =	ssyncset.done $0x0  }
0x25: {  	[sflag:s29] =	ssyncadd.s32 $0xFFFFC800  }
0x26: {  	[spmem:s1] =	stream.indirect.scatter.add.f32 [tilespmem:s22], [sflag:$0x3], $0x80, s24, s17, $0xb8;
	[tilespmem:$0x1EC00] =	vst v63  }
0x27: {  	_ =	swait.ge [sflag:s25], $0x3800  }
0x28: {  	[sflag:s25] =	ssyncset.done $0x0  }
0x29: {  	[sflag:s25] =	ssyncadd.s32 $0xFFFFC800  }
0x2a: {  	_ =	swait.ge [sflag:s25], $0x3800  }
0x2b: {  	[sflag:s25] =	ssyncset.done $0x0  }
0x2c: {  	[sflag:s25] =	ssyncadd.s32 $0xFFFFC800  }
0x2d: {  	_ =	swait.ge [sflag:s25], $0x3800  }
0x2e: {  	[sflag:s25] =	ssyncset.done $0x0  }
0x2f: {  	[sflag:s25] =	ssyncadd.s32 $0xFFFFC800  }
0x30: {  	[bflag:$0x0] =	sbarrier.arrive $0xFFFF  }
0x31: {  	[tilespmem:s28], [sflag:$0x2] =	stream.linear.gather [spmem:s13], $0x3800, $0x38;
	[tilespmem:$0x1EC00] =	vst v63  }
0x32: {  	s11 =	rddreg [dreg:$0x3]  }
0x33: {  	[tilespmem:s18], [sflag:$0x2] =	stream.linear.gather [spmem:s11], $0x3800, $0x38;
	[tilespmem:$0x1EC00] =	vst v63  }
0x34: {  	s12 =	rddreg [dreg:$0x4]  }
0x35: {  	[tilespmem:s22], [sflag:$0x2] =	stream.linear.gather [spmem:s12], $0x3800, $0x38;
	[tilespmem:$0x1EC00] =	vst v63  }
0x36: {  	_ =	swait.ge [sflag:s29], $0x3800  }
0x37: {  	[sflag:s29] =	ssyncset.done $0x0  }
0x38: {  	s7 =	rddreg [dreg:$0xa];
	[sflag:s29] =	ssyncadd.s32 $0xFFFFC800  }
0x39: {  	[hbm4b:s7+s3] =	stream.linear.scatter [tilespmem:s28], [sflag:$0x3], $0x3800, $0x38;
	[tilespmem:$0x1EC00] =	vst v63  }
0x3a: {  	_ =	swait.ge [sflag:s25], $0x3800  }
0x3b: {  	[sflag:s25] =	ssyncset.done $0x0  }
0x3c: {  	s10 =	smov.u32 s13;
	s13 =	rddreg [dreg:$0x5];
	[sflag:s25] =	ssyncadd.s32 $0xFFFFC800  }
0x3d: {  	[tilespmem:s28], [sflag:$0x2] =	stream.linear.gather [spmem:s13], $0x3800, $0x38;
	[tilespmem:$0x1EC00] =	vst v63  }
0x3e: {  	_ =	swait.ge [sflag:s29], $0x3800  }
0x3f: {  	[sflag:s29] =	ssyncset.done $0x0  }
0x40: {  	s8 =	rddreg [dreg:$0xb];
	[sflag:s29] =	ssyncadd.s32 $0xFFFFC800  }
0x41: {  	[hbm4b:s8+s3] =	stream.linear.scatter [tilespmem:s18], [sflag:$0x3], $0x3800, $0x38;
	[tilespmem:$0x1EC00] =	vst v63  }
0x42: {  	_ =	swait.ge [sflag:s25], $0x3800  }
0x43: {  	[sflag:s25] =	ssyncset.done $0x0  }
0x44: {  	s13 =	rddreg [dreg:$0x6];
	[sflag:s25] =	ssyncadd.s32 $0xFFFFC800  }
0x45: {  	[tilespmem:s18], [sflag:$0x2] =	stream.linear.gather [spmem:s13], $0x3800, $0x38;
	[tilespmem:$0x1EC00] =	vst v63  }
0x46: {  	_ =	swait.ge [sflag:s29], $0x3800  }
0x47: {  	[sflag:s29] =	ssyncset.done $0x0  }
0x48: {  	s8 =	rddreg [dreg:$0xc];
	[sflag:s29] =	ssyncadd.s32 $0xFFFFC800  }
0x49: {  	[hbm4b:s8+s3] =	stream.linear.scatter [tilespmem:s22], [sflag:$0x3], $0x3800, $0x38;
	[tilespmem:$0x1EC00] =	vst v63  }
0x4a: {  	_ =	swait.ge [sflag:s25], $0x3800  }
0x4b: {  	[sflag:s25] =	ssyncset.done $0x0  }
0x4c: {  	s13 =	rddreg [dreg:$0x7];
	[sflag:s25] =	ssyncadd.s32 $0xFFFFC800  }
0x4d: {  	[tilespmem:s22], [sflag:$0x2] =	stream.linear.gather [spmem:s13], $0x2400, $0x38;
	[tilespmem:$0x1EC00] =	vst v63  }
0x4e: {  	_ =	swait.ge [sflag:s29], $0x3800  }
0x4f: {  	[sflag:s29] =	ssyncset.done $0x0  }
0x50: {  	s8 =	rddreg [dreg:$0xd];
	[sflag:s29] =	ssyncadd.s32 $0xFFFFC800  }
0x51: {  	[hbm4b:s8+s3] =	stream.linear.scatter [tilespmem:s28], [sflag:$0x3], $0x3800, $0x38;
	[tilespmem:$0x1EC00] =	vst v63  }
0x52: {  	_ =	swait.ge [sflag:s29], $0x3800  }
0x53: {  	[sflag:s29] =	ssyncset.done $0x0  }
0x54: {  	s13 =	rddreg [dreg:$0xe];
	[sflag:s29] =	ssyncadd.s32 $0xFFFFC800  }
0x55: {  	[hbm4b:s13+s3] =	stream.linear.scatter [tilespmem:s18], [sflag:$0x3], $0x3800, $0x38;
	[tilespmem:$0x1EC00] =	vst v63  }
0x56: {  	_ =	swait.ge [sflag:s29], $0x2400  }
0x57: {  	[sflag:s29] =	ssyncset.done $0x0  }
0x58: {  	s8 =	rddreg [dreg:$0xf];
	[sflag:s29] =	ssyncadd.s32 $0xFFFFDC00  }
0x59: {  	[hbm4b:s8+s3] =	stream.linear.scatter [tilespmem:s22], [sflag:$0x3], $0x2400, $0x38;
	[tilespmem:$0x1EC00] =	vst v63  }
0x5a: {  	_ =	swait.ge [sflag:s25], $0x3800  }
0x5b: {  	[sflag:s25] =	ssyncset.done $0x0  }
0x5c: {  	[sflag:s25] =	ssyncadd.s32 $0xFFFFC800  }
0x5d: {  	_ =	swait.ge [sflag:s25], $0x3800  }
0x5e: {  	[sflag:s25] =	ssyncset.done $0x0  }
0x5f: {  	[sflag:s25] =	ssyncadd.s32 $0xFFFFC800  }
0x60: {  	_ =	swait.ge [sflag:s25], $0x2400  }
0x61: {  	s26 =	sadd.s32 $0x1, s26;
	s13 =	rddreg [dreg:$0x14]  }
0x62: {  	p0 =	sne.s32 s26, s13  }
.Ltmp1:
0x63: {  	_ = 	snop;
	(pc) =	sbr.rel @!p0 .LBB2_7-.Ltmp1, $3  }
0x64: {  	_ =	sdelay $0x1  }
0x65: {  	[sflag:s25] =	ssyncset.done $0x0  }
0x66: {  	[sflag:s25] =	ssyncadd.s32 $0xFFFFDC00  }
.LBB2_1:
0x67: {  	s7 =	simm.s32 $0x0;
	s8 =	simm.s32 $0x200  }
.LBB2_2:
0x68: {  	p0 =	sne.s32 s8, $0xDE00;
	[tilespmem:s7+$0x870] =	vst v0  }
0x69: {  	[tilespmem:s7+$0x800] =	vst v0  }
0x6a: {  	[tilespmem:s7+$0x810] =	vst v0  }
.Ltmp2:
0x6b: {  	[tilespmem:s7+$0x820] =	vst v0;
	(pc) =	sbr.rel @p0 .LBB2_2-.Ltmp2, $4  }
0x6c: {  	[tilespmem:s7+$0x830] =	vst v0  }
0x6d: {  	[tilespmem:s7+$0x840] =	vst v0  }
0x6e: {  	[tilespmem:s7+$0x850] =	vst v0  }
0x6f: {  	[tilespmem:s7+$0x860] =	vst v0;
	s7 =	sshra.s32 s8, $0x2;
	s8 =	sadd.s32 $0x200, s8  }
0x70: {  	[tilespmem:s7+$0x870] =	vst v0  }
0x71: {  	[tilespmem:s7+$0x800] =	vst v0  }
0x72: {  	[tilespmem:s7+$0x810] =	vst v0  }
0x73: {  	[tilespmem:s7+$0x820] =	vst v0  }
0x74: {  	[tilespmem:s7+$0x830] =	vst v0  }
0x75: {  	[tilespmem:s7+$0x840] =	vst v0  }
0x76: {  	[tilespmem:s7+$0x850] =	vst v0  }
0x77: {  	[tilespmem:s7+$0x860] =	vst v0  }
0x78: {  	[spmem:s10] =	stream.linear.scatter [tilespmem:s28], [sflag:$0x2], $0x3800, $0x38;
	[tilespmem:$0x1EC00] =	vst v63  }
0x79: {  	_ = 	snop  }
0x7a: {  	[spmem:s11] =	stream.linear.scatter [tilespmem:s28], [sflag:$0x2], $0x3800, $0x38;
	[tilespmem:$0x1EC00] =	vst v63  }
0x7b: {  	_ = 	snop  }
0x7c: {  	[spmem:s12] =	stream.linear.scatter [tilespmem:s28], [sflag:$0x2], $0x3800, $0x38;
	[tilespmem:$0x1EC00] =	vst v63  }
0x7d: {  	s12 =	rddreg [dreg:$0x5]  }
0x7e: {  	[spmem:s12] =	stream.linear.scatter [tilespmem:s28], [sflag:$0x2], $0x3800, $0x38;
	[tilespmem:$0x1EC00] =	vst v63  }
0x7f: {  	s8 =	rddreg [dreg:$0x6]  }
0x80: {  	[spmem:s8] =	stream.linear.scatter [tilespmem:s28], [sflag:$0x2], $0x3800, $0x38;
	[tilespmem:$0x1EC00] =	vst v63  }
0x81: {  	s13 =	smov.u32 s10;
	s10 =	rddreg [dreg:$0x7]  }
0x82: {  	[spmem:s10] =	stream.linear.scatter [tilespmem:s28], [sflag:$0x2], $0x2400, $0x38;
	[tilespmem:$0x1EC00] =	vst v63  }
0x83: {  	_ =	swait.ge [sflag:s29], $0x3800  }
0x84: {  	[sflag:s29] =	ssyncset.done $0x0  }
0x85: {  	[sflag:s29] =	ssyncadd.s32 $0xFFFFC800  }
0x86: {  	_ =	swait.ge [sflag:s29], $0x3800  }
0x87: {  	[sflag:s29] =	ssyncset.done $0x0  }
0x88: {  	[sflag:s29] =	ssyncadd.s32 $0xFFFFC800  }
0x89: {  	_ =	swait.ge [sflag:s29], $0x3800  }
0x8a: {  	[sflag:s29] =	ssyncset.done $0x0  }
0x8b: {  	[sflag:s29] =	ssyncadd.s32 $0xFFFFC800  }
0x8c: {  	_ =	swait.ge [sflag:s29], $0x3800  }
0x8d: {  	[sflag:s29] =	ssyncset.done $0x0  }
0x8e: {  	[sflag:s29] =	ssyncadd.s32 $0xFFFFC800  }
0x8f: {  	_ =	swait.ge [sflag:s29], $0x3800  }
0x90: {  	[sflag:s29] =	ssyncset.done $0x0  }
0x91: {  	[sflag:s29] =	ssyncadd.s32 $0xFFFFC800  }
0x92: {  	_ =	swait.ge [sflag:s29], $0x2400  }
0x93: {  	[sflag:s29] =	ssyncset.done $0x0  }
0x94: {  	[sflag:s29] =	ssyncadd.s32 $0xFFFFDC00  }
0x95: {  	[bflag:$0x0] =	sbarrier.arrive $0xFFFF  }
0x96: {  	s11 =	rddreg [dreg:$0x8]  }
0x97: {  	[tilespmem:s3], [sflag:$0x1] =	stream.linear.gather [hbm4b:s11+s3], $0x80, $0x38;
	[tilespmem:$0x1EC00] =	vst v63  }
0x98: {  	s7 =	simm.s32 $0x400;
	s8 =	rddreg [dreg:$0x9]  }
0x99: {  	[tilespmem:s7], [sflag:$0x1] =	stream.linear.gather [hbm4b:s8+s3], $0x80, $0x38;
	[tilespmem:$0x1EC00] =	vst v63  }
0x9a: {  	s12 =	rddreg [dreg:$0x10]  }
0x9b: {  	[tilespmem:s30], [sflag:$0x1] =	stream.linear.gather [hbm4b:s12+s3], $0x80, $0x38;
	[tilespmem:$0x1EC00] =	vst v63  }
0x9c: {  	s10 =	rddreg [dreg:$0x11]  }
0x9d: {  	[tilespmem:s31], [sflag:$0x1] =	stream.linear.gather [hbm4b:s10+s3], $0x80, $0x38;
	[tilespmem:$0x1EC00] =	vst v63  }
0x9e: {  	s11 =	rddreg [dreg:$0x12]  }
0x9f: {  	[tilespmem:s0], [sflag:$0x1] =	stream.linear.gather [hbm4b:s11+s3], $0x80, $0x38;
	[tilespmem:$0x1EC00] =	vst v63  }
0xa0: {  	s12 =	rddreg [dreg:$0x13]  }
0xa1: {  	[tilespmem:s2], [sflag:$0x1] =	stream.linear.gather [hbm4b:s12+s3], $0x80, $0x38;
	[tilespmem:$0x1EC00] =	vst v63  }
.LBB2_4:
0xa2: {  	p0 =	seq.s32 s7, $0x400  }
0xa3: {  	s8 =	simm.s32 @p0 $0x1  }
0xa4: {  	_ =	swait.ge @p0 [sflag:s8], $0x80  }
0xa5: {  	[sflag:s8] =	ssyncset.done @p0 $0x0  }
0xa6: {  	[sflag:s8] =	ssyncadd.s32 @p0 $0xFFFFFF80  }
0xa7: {  	_ =	swait.ge @p0 [sflag:s8], $0x80  }
0xa8: {  	s10 =	simm.s32 @p0 $0x0;
	[sflag:s8] =	ssyncset.done @p0 $0x0  }
0xa9: {  	s11 =	simm.s32 @p0 $0x800;
	[sflag:s8] =	ssyncadd.s32 @p0 $0xFFFFFF80;
	s8 =	simm.s32 @p0 $0x70  }
0xaa: {  	[tilespmem:s11], [sflag:$0x2] =	stream.indirect.gather @p0 [hbm4b:s4+s8], $0x80, s10, s8, $0xb8;
	[tilespmem:$0x1EC00] =	vst v63  }
0xab: {  	s8 =	simm.s32 @!p0 $0x3  }
0xac: {  	_ =	swait.ge @!p0 [sflag:s8], $0x3800  }
0xad: {  	[sflag:s8] =	ssyncset.done @!p0 $0x0  }
0xae: {  	s10 =	simm.s32 @!p0 $0x1;
	[sflag:s8] =	ssyncadd.s32 @!p0 $0xFFFFC800  }
0xaf: {  	_ =	swait.ge @!p0 [sflag:s10], $0x80  }
0xb0: {  	[sflag:s10] =	ssyncset.done @!p0 $0x0  }
0xb1: {  	[sflag:s10] =	ssyncadd.s32 @!p0 $0xFFFFFF80  }
0xb2: {  	_ =	swait.ge @!p0 [sflag:s10], $0x80  }
0xb3: {  	s12 =	simm.s32 @!p0 $0x800;
	[sflag:s10] =	ssyncset.done @!p0 $0x0  }
0xb4: {  	s11 =	simm.s32 @!p0 $0x0;
	[sflag:s10] =	ssyncadd.s32 @!p0 $0xFFFFFF80;
	s10 =	simm.s32 @!p0 $0x70  }
0xb5: {  	[tilespmem:s12], [sflag:$0x2] =	stream.indirect.gather @!p0 [hbm4b:s4+s10], $0x80, s11, s10, $0xb8;
	[tilespmem:$0x1EC00] =	vst v63  }
0xb6: {  	s11 =	simm.s32 @!p0 $0x2  }
0xb7: {  	_ =	swait.ge @!p0 [sflag:s11], $0x3800  }
0xb8: {  	[sflag:s11] =	ssyncset.done @!p0 $0x0  }
0xb9: {  	s12 =	simm.s32 @!p0 $0x7800;
	[sflag:s11] =	ssyncadd.s32 @!p0 $0xFFFFC800;
	s11 =	simm.s32 @!p0 $0x680  }
0xba: {  	[spmem:s1] =	stream.indirect.scatter.add.f32 @!p0 [tilespmem:s12], [sflag:$0x3], $0x80, s11, s10, $0xb8;
	[tilespmem:$0x1EC00] =	vst v63  }
0xbb: {  	s10 =	sadd.s32 $0xFFFFFD80, s7  }
0xbc: {  	s12 =	sand.u32 $0x7C00, s10  }
0xbd: {  	s10 =	sand.u32 $0x380, s10;
	s11 =	sadd.s32 s9, s12  }
0xbe: {  	s10 =	sor.u32 s10, s11  }
0xbf: {  	s10 =	sshrl.u32 s10, $0x3  }
0xc0: {  	s12 =	sadd.s32 s5, s10  }
0xc1: {  	[tilespmem:s14], [sflag:$0x1] =	stream.linear.gather [hbm4b:s12+s3], $0x80, $0x38;
	[tilespmem:$0x1EC00] =	vst v63  }
0xc2: {  	s10 =	sadd.s32 s6, s10  }
0xc3: {  	[tilespmem:s15], [sflag:$0x1] =	stream.linear.gather [hbm4b:s10+s3], $0x80, $0x38;
	[tilespmem:$0x1EC00] =	vst v63  }
0xc4: {  	_ =	swait.ge @!p0 [sflag:s8], $0x3800  }
0xc5: {  	[sflag:s8] =	ssyncset.done @!p0 $0x0  }
0xc6: {  	[sflag:s8] =	ssyncadd.s32 @!p0 $0xFFFFC800  }
0xc7: {  	_ =	swait.ge [sflag:s16], $0x80  }
0xc8: {  	[sflag:s16] =	ssyncset.done $0x0  }
0xc9: {  	[sflag:s16] =	ssyncadd.s32 $0xFFFFFF80  }
0xca: {  	_ =	swait.ge [sflag:s16], $0x80  }
0xcb: {  	s10 =	sadd.s32 $0xFFFFFE00, s7;
	[sflag:s16] =	ssyncset.done $0x0  }
0xcc: {  	s12 =	sand.u32 $0x7C00, s10;
	[sflag:s16] =	ssyncadd.s32 $0xFFFFFF80  }
0xcd: {  	[tilespmem:s18], [sflag:$0x2] =	stream.indirect.gather [hbm4b:s4+s17], $0x80, s30, s17, $0xb8;
	[tilespmem:$0x1EC00] =	vst v63  }
0xce: {  	s10 =	sand.u32 $0x300, s10;
	s11 =	sadd.s32 s9, s12;
	_ =	swait.ge [sflag:s29], $0x3800  }
0xcf: {  	s10 =	sor.u32 s10, s11;
	[sflag:s29] =	ssyncset.done $0x0  }
0xd0: {  	s10 =	sshrl.u32 s10, $0x3;
	[sflag:s29] =	ssyncadd.s32 $0xFFFFC800  }
0xd1: {  	[spmem:s1] =	stream.indirect.scatter.add.f32 [tilespmem:s28], [sflag:$0x3], $0x80, s19, s17, $0xb8;
	[tilespmem:$0x1EC00] =	vst v63  }
0xd2: {  	s12 =	sadd.s32 s5, s10  }
0xd3: {  	[tilespmem:s20], [sflag:$0x1] =	stream.linear.gather [hbm4b:s12+s3], $0x80, $0x38;
	[tilespmem:$0x1EC00] =	vst v63  }
0xd4: {  	s10 =	sadd.s32 s6, s10  }
0xd5: {  	[tilespmem:s21], [sflag:$0x1] =	stream.linear.gather [hbm4b:s10+s3], $0x80, $0x38;
	[tilespmem:$0x1EC00] =	vst v63  }
0xd6: {  	_ =	swait.ge @!p0 [sflag:s8], $0x3800  }
0xd7: {  	[sflag:s8] =	ssyncset.done @!p0 $0x0  }
0xd8: {  	[sflag:s8] =	ssyncadd.s32 @!p0 $0xFFFFC800  }
0xd9: {  	_ =	swait.ge [sflag:s16], $0x80  }
0xda: {  	[sflag:s16] =	ssyncset.done $0x0  }
0xdb: {  	[sflag:s16] =	ssyncadd.s32 $0xFFFFFF80  }
0xdc: {  	_ =	swait.ge [sflag:s16], $0x80  }
0xdd: {  	s12 =	sadd.s32 $0xFFFFFE80, s7;
	[sflag:s16] =	ssyncset.done $0x0  }
0xde: {  	s11 =	sand.u32 $0x7C00, s12;
	[sflag:s16] =	ssyncadd.s32 $0xFFFFFF80  }
0xdf: {  	[tilespmem:s22], [sflag:$0x2] =	stream.indirect.gather [hbm4b:s4+s17], $0x80, s0, s17, $0xb8;
	[tilespmem:$0x1EC00] =	vst v63  }
0xe0: {  	s10 =	sadd.s32 s9, s11;
	s8 =	sand.u32 $0x380, s12;
	_ =	swait.ge [sflag:s29], $0x3800  }
0xe1: {  	s8 =	sor.u32 s8, s10;
	[sflag:s29] =	ssyncset.done $0x0  }
0xe2: {  	s8 =	sshrl.u32 s8, $0x3;
	[sflag:s29] =	ssyncadd.s32 $0xFFFFC800  }
0xe3: {  	[spmem:s1] =	stream.indirect.scatter.add.f32 [tilespmem:s18], [sflag:$0x3], $0x80, s31, s17, $0xb8;
	[tilespmem:$0x1EC00] =	vst v63  }
0xe4: {  	s12 =	sadd.s32 s5, s8  }
0xe5: {  	[tilespmem:s23], [sflag:$0x1] =	stream.linear.gather [hbm4b:s12+s3], $0x80, $0x38;
	[tilespmem:$0x1EC00] =	vst v63  }
0xe6: {  	s8 =	sadd.s32 s6, s8  }
0xe7: {  	[tilespmem:s24], [sflag:$0x1] =	stream.linear.gather [hbm4b:s8+s3], $0x80, $0x38;
	[tilespmem:$0x1EC00] =	vst v63  }
0xe8: {  	_ =	swait.ge [sflag:s25], $0x3800  }
0xe9: {  	[sflag:s25] =	ssyncset.done $0x0  }
0xea: {  	[sflag:s25] =	ssyncadd.s32 $0xFFFFC800  }
0xeb: {  	_ =	swait.ge [sflag:s16], $0x80  }
0xec: {  	[sflag:s16] =	ssyncset.done $0x0  }
0xed: {  	[sflag:s16] =	ssyncadd.s32 $0xFFFFFF80  }
0xee: {  	p0 =	seq.s32 s7, $0x2E00;
	_ =	swait.ge [sflag:s16], $0x80  }
0xef: {  	s8 =	sadd.s32 @!p0 $0xFFFFFF00, s7;
	[sflag:s16] =	ssyncset.done $0x0  }
0xf0: {  	s10 =	sand.u32 @!p0 $0x7C00, s8;
	[sflag:s16] =	ssyncadd.s32 $0xFFFFFF80  }
0xf1: {  	[tilespmem:s28], [sflag:$0x2] =	stream.indirect.gather [hbm4b:s4+s17], $0x80, s14, s17, $0xb8;
	[tilespmem:$0x1EC00] =	vst v63  }
0xf2: {  	s8 =	sand.u32 @!p0 $0x300, s8;
	s10 =	sadd.s32 @!p0 s9, s10;
	_ =	swait.ge [sflag:s29], $0x3800  }
0xf3: {  	s8 =	sor.u32 @!p0 s8, s10;
	[sflag:s29] =	ssyncset.done $0x0  }
0xf4: {  	s8 =	sshrl.u32 @!p0 s8, $0x3;
	[sflag:s29] =	ssyncadd.s32 $0xFFFFC800  }
0xf5: {  	[spmem:s1] =	stream.indirect.scatter.add.f32 [tilespmem:s22], [sflag:$0x3], $0x80, s2, s17, $0xb8;
	[tilespmem:$0x1EC00] =	vst v63  }
0xf6: {  	s11 =	simm.s32 @!p0 $0x0;
	s10 =	sadd.s32 @!p0 s5, s8  }
0xf7: {  	[tilespmem:s11], [sflag:$0x1] =	stream.linear.gather @!p0 [hbm4b:s10+s11], $0x80, $0x38;
	[tilespmem:$0x1EC00] =	vst v63  }
0xf8: {  	s8 =	sadd.s32 @!p0 s6, s8;
	s10 =	simm.s32 @!p0 $0x400  }
0xf9: {  	[tilespmem:s10], [sflag:$0x1] =	stream.linear.gather @!p0 [hbm4b:s8+s11], $0x80, $0x38;
	[tilespmem:$0x1EC00] =	vst v63  }
0xfa: {  	_ =	swait.ge [sflag:s25], $0x3800  }
0xfb: {  	[sflag:s25] =	ssyncset.done $0x0  }
0xfc: {  	[sflag:s25] =	ssyncadd.s32 $0xFFFFC800  }
0xfd: {  	_ =	swait.ge [sflag:s16], $0x80  }
0xfe: {  	[sflag:s16] =	ssyncset.done $0x0  }
0xff: {  	[sflag:s16] =	ssyncadd.s32 $0xFFFFFF80  }
0x100: {  	_ =	swait.ge [sflag:s16], $0x80  }
0x101: {  	s8 =	sadd.s32 @!p0 $0xFFFFFF80, s7;
	[sflag:s16] =	ssyncset.done $0x0  }
0x102: {  	s10 =	sand.u32 @!p0 $0x7C00, s8;
	[sflag:s16] =	ssyncadd.s32 $0xFFFFFF80  }
0x103: {  	[tilespmem:s18], [sflag:$0x2] =	stream.indirect.gather [hbm4b:s4+s17], $0x80, s20, s17, $0xb8;
	[tilespmem:$0x1EC00] =	vst v63  }
0x104: {  	s8 =	sand.u32 @!p0 $0x380, s8;
	s10 =	sadd.s32 @!p0 s9, s10;
	_ =	swait.ge [sflag:s29], $0x3800  }
0x105: {  	s8 =	sor.u32 @!p0 s8, s10;
	[sflag:s29] =	ssyncset.done $0x0  }
0x106: {  	s8 =	sshrl.u32 @!p0 s8, $0x3;
	[sflag:s29] =	ssyncadd.s32 $0xFFFFC800  }
0x107: {  	[spmem:s1] =	stream.indirect.scatter.add.f32 [tilespmem:s28], [sflag:$0x3], $0x80, s15, s17, $0xb8;
	[tilespmem:$0x1EC00] =	vst v63  }
0x108: {  	s12 =	simm.s32 @!p0 $0x80;
	s10 =	sadd.s32 @!p0 s5, s8  }
0x109: {  	[tilespmem:s12], [sflag:$0x1] =	stream.linear.gather @!p0 [hbm4b:s10+s11], $0x80, $0x38;
	[tilespmem:$0x1EC00] =	vst v63  }
0x10a: {  	s8 =	sadd.s32 @!p0 s6, s8;
	s10 =	simm.s32 @!p0 $0x480  }
0x10b: {  	[tilespmem:s10], [sflag:$0x1] =	stream.linear.gather @!p0 [hbm4b:s8+s11], $0x80, $0x38;
	[tilespmem:$0x1EC00] =	vst v63  }
0x10c: {  	_ =	swait.ge [sflag:s25], $0x3800  }
0x10d: {  	[sflag:s25] =	ssyncset.done $0x0  }
0x10e: {  	[sflag:s25] =	ssyncadd.s32 $0xFFFFC800  }
0x10f: {  	_ =	swait.ge [sflag:s16], $0x80  }
0x110: {  	[sflag:s16] =	ssyncset.done $0x0  }
0x111: {  	[sflag:s16] =	ssyncadd.s32 $0xFFFFFF80  }
0x112: {  	_ =	swait.ge [sflag:s16], $0x80  }
0x113: {  	[sflag:s16] =	ssyncset.done $0x0  }
0x114: {  	[sflag:s16] =	ssyncadd.s32 $0xFFFFFF80  }
0x115: {  	[tilespmem:s22], [sflag:$0x2] =	stream.indirect.gather [hbm4b:s4+s17], $0x80, s23, s17, $0xb8;
	[tilespmem:$0x1EC00] =	vst v63  }
.Ltmp3:
0x116: {  	_ = 	snop;
	(pc) =	sbr.rel @p0 .LBB2_6-.Ltmp3, $4  }
0x117: {  	_ =	swait.ge [sflag:s29], $0x3800  }
0x118: {  	[sflag:s29] =	ssyncset.done $0x0  }
0x119: {  	[sflag:s29] =	ssyncadd.s32 $0xFFFFC800  }
0x11a: {  	[spmem:s1] =	stream.indirect.scatter.add.f32 [tilespmem:s18], [sflag:$0x3], $0x80, s21, s17, $0xb8;
	[tilespmem:$0x1EC00] =	vst v63  }
0x11b: {  	s8 =	sadd.s32 $0xFFFFFC00, s7;
	s10 =	sand.u32 $0x7C00, s7  }
0x11c: {  	s10 =	sadd.s32 s9, s10;
	s8 =	sand.u32 $0x300, s8  }
0x11d: {  	s8 =	sor.u32 s8, s10  }
.Ltmp4:
0x11e: {  	s8 =	sshrl.u32 s8, $0x3;
	(pc) =	sbr.rel .LBB2_4-.Ltmp4, $4  }
0x11f: {  	s12 =	sadd.s32 s5, s8  }
0x120: {  	[tilespmem:s0], [sflag:$0x1] =	stream.linear.gather [hbm4b:s12+s3], $0x80, $0x38;
	[tilespmem:$0x1EC00] =	vst v63  }
0x121: {  	s7 =	sadd.s32 $0x300, s7;
	s8 =	sadd.s32 s6, s8  }
0x122: {  	[tilespmem:s2], [sflag:$0x1] =	stream.linear.gather [hbm4b:s8+s3], $0x80, $0x38;
	[tilespmem:$0x1EC00] =	vst v63  }
.LBB2_7:
0x123: {  	_ =	sfence.sel $0x180000  }
0x124: {  	[bflag:$0x0] =	sbarrier.arrive $0xFFFF  }
0x125: {  	_ =	strace $0x9000004D  }
0x126: {  	s0 =	stileid.u32;
	[bflag:$0x2] =	sbarrier.arrive $0xFFFF  }
0x127: {  	p0 =	sne.s32 s0, $0x0;
	s0 =	rddreg [dreg:$0x2]  }
0x128: {  	s0 =	sadd.s32 @!p0 $0x100000, s0  }
0x129: {  	[sflag:s0] =	ssyncadd.tile.s32 @!p0 $0x1;
	_ =	shalt  }
.Lfunc_end2:
_tile_overlayer_lowered:
.L_overlay_start_2:
0x12a: {  	(tag) =	ssettag $0x2  }
0x12b: {  	s0 =	rddreg [dreg:$0x0];
	s2 =	stileid.u32  }
0x12c: {  	s1 =	rddreg [dreg:$0x1];
	p0 =	sne.s32 s2, $0x0  }
0x12d: {  	s3 =	rddreg [dreg:$0x2];
	[bflag:$0x3] =	sbarrier.arrive $0xFFFF;
	s2 =	simm.s32 @!p0 $0x1C04  }
0x12e: {  	[timem:s3], [sflag:s2] =	dma.local @!p0 [hbm:s0], s1  }
0x12f: {  	s0 =	simm.s32 @!p0 $0x4  }
0x130: {  	_ =	swait.ge @!p0 [sflag:s0], s1  }
0x131: {  	s1 =	ssub.s32 @!p0 $0x0, s1;
	[sflag:s0] =	ssyncset.done @!p0 $0x0  }
0x132: {  	[sflag:s0] =	ssyncadd.s32 @!p0 s1  }
0x133: {  	[bflag:$0x3] =	sbarrier.arrive $0xFFFF  }
0x134: {  	_ =	shalt  }

// kernel: kernel.8.cloned.1.call-start
scs
__scs_entry_jumppad:
0x0: {  	(pc) =	sbr.rel $0x88, $3  }
0x1: {  	(tag) =	ssettag $0x0;
	lr =	simm.s32 $0x1  }
0x2: {  	[smem:$0x3F9A] =	sst lr;
	_ =	strace $0xD0000000  }
0x3: {  	_ = 	snop  }
0x4: {  	_ = 	snop  }
0x5: {  	_ = 	snop  }
0x6: {  	_ = 	snop  }
0x7: {  	_ = 	snop  }
__scs_overlays_trampoline_lowered:
0x8: {  	[smem:$0x3FA9] =	sst s0  }
0x9: {  	[smem:$0x3FAA] =	sst s1  }
0xa: {  	[smem:$0x3FAB] =	sst s2  }
0xb: {  	[smem:$0x3FAC] =	sst s3  }
0xc: {  	[smem:$0x3FAD] =	sst s4  }
0xd: {  	[smem:$0x3FAE] =	sst s5  }
0xe: {  	[smem:$0x3FAF] =	sst s6  }
0xf: {  	[smem:$0x3FB0] =	sst s7  }
0x10: {  	[smem:$0x3FB1] =	sst s8  }
0x11: {  	[smem:$0x3FB2] =	sst s9;
	s0 =	simm.s32 @!p0 $0x0  }
0x12: {  	s1 =	sld [smem:$0x3F98];
	s0 =	simm.s32 @p0 $0x1  }
0x13: {  	[smem:$0x3FB3] =	sst s0;
	s0 =	simm.s32 @!p1 $0x0  }
0x14: {  	s2 =	sld [smem:$0x3F97];
	s0 =	simm.s32 @p1 $0x1  }
0x15: {  	[smem:$0x3FB4] =	sst s0;
	s0 =	simm.s32 @!p2 $0x0  }
0x16: {  	s3 =	sld [smem:$0x3FDB];
	s0 =	simm.s32 @p2 $0x1  }
0x17: {  	s4 =	simm.s32 $0x1BF5;
	[smem:$0x3FB6] =	sst s0  }
0x18: {  	s0 =	sld [smem:$0x3F99];
	_ =	swait.ge [sflag:s4], $0x0  }
0x19: {  	s7 =	sld [smem:$0x3F9A]  }
0x1a: {  	s8 =	sadd.s32 $0xFFFFE003, lr  }
0x1b: {  	s9 =	sadd.s32 $0xFFFFFEF7, lr;
	s5 =	simm.s32 $0xFFFFFFFF;
	p2 =	slt.u32 s8, $0xFFFFF086  }
0x1c: {  	p1 =	slt.u32 s9, $0xF7A;
	s5 =	simm.s32 @!p2 $0x0  }
0x1d: {  	s5 =	simm.s32 @p1 $0x1;
	p0 =	seq.s32 s7, s2  }
0x1e: {  	s7 =	smul.u32 @!p0 $0xF7A, s2;
	p2 =	seq.s32 @!p0 s5, $0x0  }
0x1f: {  	s9 =	smul.u32 $0xF7A, s1;
	s8 =	simm.s32 @!p0 $0x1BF5;
	p2 =	por !p2, p0  }
0x20: {  	[sflag:s8] =	ssyncset.s32 @!p0 $0xFFFFF086;
	s6 =	sadd.s32 @!p0 s3, s7;
	s7 =	simm.s32 @!p0 $0x108  }
0x21: {  	s3 =	sadd.s32 s3, s9;
	s6 =	sadd.s32 @!p0 $0x88, s6;
	s7 =	simm.s32 @p2 $0x1082  }
0x22: {  	[simem:s7], [sflag:s8] =	dma.local @!p0 [hbm:s6], $0xF7A  }
0x23: {  	s9 =	sor.u32 $0xD0000000, s2;
	s6 =	simm.s32 $0x108;
	_ =	swait.ge @!p0 [sflag:s8], $0x0  }
0x24: {  	s3 =	sadd.s32 $0x88, s3;
	s6 =	simm.s32 @!p1 $0x1082;
	[sflag:s4] =	ssyncset.s32 $0xFFFFF086  }
0x25: {  	[simem:s6], [sflag:s4] =	dma.local [hbm:s3], $0xF7A  }
0x26: {  	[smem:$0x3F9A] =	sst s1;
	(tag) =	ssettag s2;
	_ =	strace s9  }
0x27: {  	s1 =	sld [smem:$0x3FAA]  }
0x28: {  	s2 =	sld [smem:$0x3FAB]  }
0x29: {  	s4 =	sld [smem:$0x3FAD]  }
0x2a: {  	p0 =	seq.s32 s5, $0x0;
	s5 =	sld [smem:$0x3FAE]  }
0x2b: {  	s6 =	sld [smem:$0x3FAF]  }
0x2c: {  	s7 =	sld [smem:$0x3FB0]  }
0x2d: {  	s3 =	simm.s32 $0x108;
	s8 =	sld [smem:$0x3FB1]  }
0x2e: {  	s3 =	simm.s32 @!p0 $0x1082;
	s9 =	sld [smem:$0x3FB2]  }
0x2f: {  	lr =	sadd.s32 s0, s3;
	s0 =	sld [smem:$0x3FA9]  }
0x30: {  	s3 =	sld [smem:$0x3FAC]  }
0x31: {  	[smem:$0x3FB5] =	sst s10  }
0x32: {  	s10 =	sld [smem:$0x3FB3];
	_ =	sdelay $0x3  }
0x33: {  	p0 =	seq.s32 s10, $0x1;
	s10 =	sld [smem:$0x3FB5];
	_ =	sdelay $0x3  }
0x34: {  	[smem:$0x3FB5] =	sst s10  }
0x35: {  	s10 =	sld [smem:$0x3FB4];
	_ =	sdelay $0x3  }
0x36: {  	p1 =	seq.s32 s10, $0x1;
	s10 =	sld [smem:$0x3FB5];
	_ =	sdelay $0x3  }
0x37: {  	[smem:$0x3FB5] =	sst s10  }
0x38: {  	s10 =	sld [smem:$0x3FB6]  }
0x39: {  	_ = 	snop;
	(pc) =	sbr.ind lr, $3  }
0x3a: {  	_ = 	snop  }
0x3b: {  	_ = 	snop  }
0x3c: {  	p2 =	seq.s32 s10, $0x1;
	s10 =	sld [smem:$0x3FB5]  }
0x3d: {  	_ =	shalt  }
0x3e: {  	_ =	shalt  }
0x3f: {  	_ =	shalt  }
0x40: {  	_ =	shalt  }
0x41: {  	_ =	shalt  }
0x42: {  	_ =	shalt  }
0x43: {  	_ =	shalt  }
0x44: {  	_ =	shalt  }
0x45: {  	_ =	shalt  }
0x46: {  	_ =	shalt  }
0x47: {  	_ =	shalt  }
0x48: {  	_ =	shalt  }
0x49: {  	_ =	shalt  }
0x4a: {  	_ =	shalt  }
0x4b: {  	_ =	shalt  }
0x4c: {  	_ =	shalt  }
0x4d: {  	_ =	shalt  }
0x4e: {  	_ =	shalt  }
0x4f: {  	_ =	shalt  }
0x50: {  	_ =	shalt  }
0x51: {  	_ =	shalt  }
0x52: {  	_ =	shalt  }
0x53: {  	_ =	shalt  }
0x54: {  	_ =	shalt  }
0x55: {  	_ =	shalt  }
0x56: {  	_ =	shalt  }
0x57: {  	_ =	shalt  }
0x58: {  	_ =	shalt  }
0x59: {  	_ =	shalt  }
0x5a: {  	_ =	shalt  }
0x5b: {  	_ =	shalt  }
0x5c: {  	_ =	shalt  }
0x5d: {  	_ =	shalt  }
0x5e: {  	_ =	shalt  }
0x5f: {  	_ =	shalt  }
0x60: {  	_ =	shalt  }
0x61: {  	_ =	shalt  }
0x62: {  	_ =	shalt  }
0x63: {  	_ =	shalt  }
0x64: {  	_ =	shalt  }
0x65: {  	_ =	shalt  }
0x66: {  	_ =	shalt  }
0x67: {  	_ =	shalt  }
0x68: {  	_ =	shalt  }
0x69: {  	_ =	shalt  }
0x6a: {  	_ =	shalt  }
0x6b: {  	_ =	shalt  }
0x6c: {  	_ =	shalt  }
0x6d: {  	_ =	shalt  }
0x6e: {  	_ =	shalt  }
0x6f: {  	_ =	shalt  }
0x70: {  	_ =	shalt  }
0x71: {  	_ =	shalt  }
0x72: {  	_ =	shalt  }
0x73: {  	_ =	shalt  }
0x74: {  	_ =	shalt  }
0x75: {  	_ =	shalt  }
0x76: {  	_ =	shalt  }
0x77: {  	_ =	shalt  }
0x78: {  	_ =	shalt  }
0x79: {  	_ =	shalt  }
0x7a: {  	_ =	shalt  }
0x7b: {  	_ =	shalt  }
0x7c: {  	_ =	shalt  }
0x7d: {  	_ =	shalt  }
0x7e: {  	_ =	shalt  }
0x7f: {  	_ =	shalt  }
0x80: {  	_ =	shalt  }
0x81: {  	_ =	shalt  }
0x82: {  	_ =	shalt  }
0x83: {  	_ =	shalt  }
0x84: {  	_ =	shalt  }
0x85: {  	_ =	shalt  }
0x86: {  	_ =	shalt  }
0x87: {  	_ =	shalt  }
.Lfunc_end0:
.L_simem_size_0:
called_computation_lowered:
.L_overlay_start_0:
0x88: {  	s2 =	sld [smem:$0x3FD9]  }
0x89: {  	s3 =	sld [smem:$0x3FFE];
	_ =	sdelay $0x1  }
0x8a: {  	s1 =	srdreg.scid  }
0x8b: {  	s0 =	sand.u32 $0x1, s1  }
0x8c: {  	s17 =	sshll.u32 s0, $0xA;
	s2 =	sadd.s32 s3, s2  }
0x8d: {  	s2 =	sadd.s32 s2, s17  }
0x8e: {  	[smem:$0x3FC1] =	sst s2  }
0x8f: {  	_ = 	snop  }
0x90: {  	s2 =	sld [smem:$0x3FD0];
	(tm) =	ssettm $0x1  }
0x91: {  	s18 =	sld [smem:$0x3FFB];
	_ =	sdelay $0x3  }
0x92: {  	_ =	strace s18  }
0x93: {  	s3 =	sld [smem:$0x3FFC];
	_ =	sdelay $0x3  }
0x94: {  	_ =	strace s3  }
0x95: {  	s3 =	sld [smem:$0x3FFD];
	_ =	sdelay $0x3  }
0x96: {  	_ =	strace s3  }
0x97: {  	_ =	strace $0x8FFFFFFF  }
0x98: {  	s19 =	sld [smem:$0x3FDB];
	_ =	sdelay $0x1  }
0x99: {  	s4 =	simm.s32 $_scs_section_size  }
0x9a: {  	s5 =	simm.s32 $_size__tile_overlayer_lowered;
	s6 =	simm.s32 $_tile_overlayer_lowered  }
0x9b: {  	s22 =	simm.s32 $0x1BFF;
	s21 =	sshll.u32 s6, $0x1;
	s3 =	sadd.s32 s4, s19  }
0x9c: {  	s7 =	simm.s32 $0x0;
	s20 =	sshll.u32 s5, $0x1;
	s5 =	sadd.s32 s21, s3  }
0x9d: {  	[timem:s7], [sflag:s22] =	dma.local [hbm:s5], s20  }
0x9e: {  	_ =	swait.ge [sflag:s22], s20  }
0x9f: {  	s4 =	ssub.s32 $0x0, s20;
	[sflag:s22] =	ssyncset.done $0x0  }
0xa0: {  	[sflag:s22] =	ssyncadd.s32 s4;
	_ =	sdelay $0x1  }
0xa1: {  	s23 =	simm.s32 $0x1B8B  }
0xa2: {  	_ =	swait.ge [sflag:s23], $0x1  }
0xa3: {  	[sflag:s23] =	ssyncset.done $0x0  }
0xa4: {  	s25 =	simm.s32 $0x1B8E;
	s24 =	sld [smem:$0x3FFE];
	[sflag:s23] =	ssyncadd.s32 $0xFFFFFFFF  }
0xa5: {  	s26 =	simm.s32 $execute0_lowered;
	[smem:$0x3FD2] =	sst s25  }
0xa6: {  	s5 =	sshll.u32 s26, $0x1;
	_ =	strace $0x80000046;
	[dreg:$0x1] =	wrdreg $0xFFFFFFFF  }
0xa7: {  	s28 =	simm.s32 $_size_execute0_lowered;
	s3 =	sadd.s32 s3, s5;
	[dreg:$0x0] =	wrdreg $0x0  }
0xa8: {  	s5 =	sshll.u32 s28, $0x1;
	[dreg:$0x2] =	wrdreg s3  }
0xa9: {  	[dreg:$0x3] =	wrdreg s5  }
0xaa: {  	[dreg:$0x4] =	wrdreg $0xC0  }
0xab: {  	_ =	task [dreg:s7], $0x5FFFF  }
0xac: {  	[dreg:$0x1] =	wrdreg $0xFFFFFFFF  }
0xad: {  	[dreg:$0x0] =	wrdreg $0x60  }
0xae: {  	[dreg:$0x2] =	wrdreg s2  }
0xaf: {  	[dreg:$0x3] =	wrdreg s24  }
0xb0: {  	[dreg:$0x4] =	wrdreg $0x55800  }
0xb1: {  	[dreg:$0x5] =	wrdreg $0x9  }
0xb2: {  	_ =	task.clear_ibuf [dreg:s7], $0x6FFFF;
	_ =	strace $0x90000046  }
0xb3: {  	s29 =	simm.s32 $0x9;
	_ =	strace $0x80000048  }
0xb4: {  	_ =	swait.ge [sflag:s29], $0x1  }
0xb5: {  	[sflag:s29] =	ssyncadd.s32 $0xFFFFFFFF  }
0xb6: {  	_ =	strace $0x90000048  }
0xb7: {  	_ =	sfence  }
0xb8: {  	s30 =	sld [smem:$0x0];
	_ =	sdelay $0x2  }
0xb9: {  	s31 =	sshll.u32 s1, $0xD;
	s1 =	sshrl.u32 s1, $0x2  }
0xba: {  	s3 =	sand.u32 $0x4000, s31;
	s1 =	sadd.s32 s1, s30  }
0xbb: {  	s0 =	sor.u32 s3, s0;
	s1 =	sshll.u32 s1, $0x11  }
0xbc: {  	s0 =	sor.u32 s1, s0  }
0xbd: {  	s0 =	sadd.s32 $0x8F2B, s0  }
0xbe: {  	[sflag:s0] =	ssyncadd.remote.s32 $0x1  }
0xbf: {  	_ =	sfence.sel $0xFFFF  }
0xc0: {  	[dreg:$0x0] =	wrdreg $0xFFFFFFFF;
	(pc) =	sbr.abs _section_cstart, $3  }
0xc1: {  	[dreg:$0x1] =	wrdreg $0xFFFFFFFF  }
0xc2: {  	_ =	task.clear_ibuf [dreg:s7], $0x2FFFF;
	_ =	strace $0x9FFFFFFF  }
0xc3: {  	(tm) =	ssettm $0x7FFFFFFF  }
tec
execute0_lowered:
.L_overlay_start_1:
0x0: {  	(tag) =	ssettag $0x1  }
0x1: {  	s5 =	rddreg [dreg:$0x0]  }
0x2: {  	s4 =	rddreg [dreg:$0x1]  }
0x3: {  	s2 =	rddreg [dreg:$0x2]  }
0x4: {  	s0 =	rddreg [dreg:$0x3]  }
0x5: {  	s6 =	srdreg.scid;
	s1 =	stileid.u32;
	s3 =	simm.s32 $0x0  }
0x6: {  	s11 =	simm.s32 $0x5000;
	s12 =	simm.s32 $0x1;
	s13 =	simm.s32 $0x0  }
0x7: {  	s6 =	sand.u32 $0x1, s6;
	s7 =	smul.u32 $0x4F0, s1;
	s9 =	sshll.u32 s1, $0x1  }
0x8: {  	s8 =	smul.u32 $0x4F00, s6;
	s10 =	ssub.s32 $0x2, s6;
	s6 =	sor.u32 s6, s9  }
0x9: {  	[smem:$0x7FF] =	sst s3;
	s31 =	sshrl.u32 s10, $0x1;
	s6 =	smul.u32 $0xA00, s6  }
0xa: {  	_ =	strace $0x80000047;
	s8 =	sadd.s32 s7, s8;
	s9 =	ssub.s32 s10, s31  }
0xb: {  	s10 =	simm.s32 $0x80;
	s8 =	sshrl.u32 s8, $0x3;
	s5 =	sadd.s32 s5, s6  }
0xc: {  	s8 =	sadd.s32 s8, s4;
	s4 =	sadd.s32 s7, s2;
	s7 =	smax.u32 s9, $0x1  }
0xd: {  	v0 =	vimm.f32 $1.000000000e+00;
	v1 =	vimm.f32 $0.0e+00;
	s9 =	simm.s32 $0x2;
	s6 =	sadd.s32 $0x2000, s8;
	s8 =	simm.s32 $0x5080  }
.LBB2_1:
0xe: {  	[tilespmem:$0x5000] =	vst v0  }
0xf: {  	[tilespmem:$0x5010] =	vst v0  }
0x10: {  	[tilespmem:$0x5020] =	vst v0  }
0x11: {  	[tilespmem:$0x5030] =	vst v0  }
0x12: {  	[tilespmem:$0x5040] =	vst v0  }
0x13: {  	[tilespmem:$0x5050] =	vst v0  }
0x14: {  	[tilespmem:$0x5060] =	vst v0  }
0x15: {  	[tilespmem:$0x5070] =	vst v0;
	s14 =	simm.s32 $0x40;
	s15 =	simm.s32 $0x0  }
.LBB2_2:
0x16: {  	p0 =	sne.s32 s14, $0x1380;
	[tilespmem:s15+$0x5080] =	vst v1;
	s15 =	smov.u32 s14;
	s14 =	sadd.s32 $0x40, s14  }
.Ltmp0:
0x17: {  	(pc) =	sbr.rel @p0 .LBB2_2-.Ltmp0, $2  }
0x18: {  	_ =	sdelay $0x2  }
0x19: {  	s15 =	sshra.s32 s15, $0x2  }
0x1a: {  	[tilespmem:s15+$0x5080] =	vst v1  }
0x1b: {  	[spmem:s4] =	stream.linear.scatter [tilespmem:s8], [sflag:$0x2], $0x4F0, $0x38;
	[tilespmem:$0x5A70] =	vst v63  }
0x1c: {  	_ =	swait.ge [sflag:s9], $0x4F0  }
0x1d: {  	[sflag:s9] =	ssyncset.done $0x0  }
0x1e: {  	s14 =	simm.s32 $0x0;
	[sflag:s9] =	ssyncadd.s32 $0xFFFFFB10  }
0x1f: {  	[tilespmem:s14], [sflag:$0x2] =	stream.linear.gather [hbm4b:s5+s14], $0x5000, $0x38;
	[tilespmem:$0x5A70] =	vst v63  }
0x20: {  	_ =	swait.ge [sflag:s9], $0x5000  }
0x21: {  	[sflag:s9] =	ssyncset.done $0x0  }
0x22: {  	[sflag:s9] =	ssyncadd.s32 $0xFFFFB000  }
0x23: {  	s15 =	simm.s32 $0x0;
	[bflag:$0x0] =	sbarrier.arrive $0xFFFF  }
0x24: {  	[spmem:s2] =	stream.indirect.scatter.add.f32 [tilespmem:s11], [sflag:$0x1], $0x1, s15, s10, $0xb8;
	[tilespmem:$0x5A70] =	vst v63  }
0x25: {  	s16 =	simm.s32 $0x80  }
0x26: {  	[spmem:s2] =	stream.indirect.scatter.add.f32 [tilespmem:s11], [sflag:$0x1], $0x1, s16, s10, $0xb8;
	[tilespmem:$0x5A70] =	vst v63  }
0x27: {  	s17 =	simm.s32 $0x100  }
0x28: {  	[spmem:s2] =	stream.indirect.scatter.add.f32 [tilespmem:s11], [sflag:$0x1], $0x1, s17, s10, $0xb8;
	[tilespmem:$0x5A70] =	vst v63  }
0x29: {  	s18 =	simm.s32 $0x180  }
0x2a: {  	[spmem:s2] =	stream.indirect.scatter.add.f32 [tilespmem:s11], [sflag:$0x1], $0x1, s18, s10, $0xb8;
	[tilespmem:$0x5A70] =	vst v63  }
0x2b: {  	s19 =	simm.s32 $0x200  }
0x2c: {  	[spmem:s2] =	stream.indirect.scatter.add.f32 [tilespmem:s11], [sflag:$0x1], $0x1, s19, s10, $0xb8;
	[tilespmem:$0x5A70] =	vst v63  }
0x2d: {  	s20 =	simm.s32 $0x280  }
0x2e: {  	[spmem:s2] =	stream.indirect.scatter.add.f32 [tilespmem:s11], [sflag:$0x1], $0x1, s20, s10, $0xb8;
	[tilespmem:$0x5A70] =	vst v63  }
0x2f: {  	s21 =	simm.s32 $0x300  }
0x30: {  	[spmem:s2] =	stream.indirect.scatter.add.f32 [tilespmem:s11], [sflag:$0x1], $0x1, s21, s10, $0xb8;
	[tilespmem:$0x5A70] =	vst v63  }
0x31: {  	s22 =	simm.s32 $0x380  }
0x32: {  	[spmem:s2] =	stream.indirect.scatter.add.f32 [tilespmem:s11], [sflag:$0x1], $0x1, s22, s10, $0xb8;
	[tilespmem:$0x5A70] =	vst v63  }
0x33: {  	s23 =	simm.s32 $0x400  }
0x34: {  	[spmem:s2] =	stream.indirect.scatter.add.f32 [tilespmem:s11], [sflag:$0x1], $0x1, s23, s10, $0xb8;
	[tilespmem:$0x5A70] =	vst v63  }
0x35: {  	s24 =	simm.s32 $0x480  }
0x36: {  	[spmem:s2] =	stream.indirect.scatter.add.f32 [tilespmem:s11], [sflag:$0x1], $0x1, s24, s10, $0xb8;
	[tilespmem:$0x5A70] =	vst v63  }
0x37: {  	s25 =	simm.s32 $0x500  }
0x38: {  	[spmem:s2] =	stream.indirect.scatter.add.f32 [tilespmem:s11], [sflag:$0x1], $0x1, s25, s10, $0xb8;
	[tilespmem:$0x5A70] =	vst v63  }
0x39: {  	s26 =	simm.s32 $0x580  }
0x3a: {  	[spmem:s2] =	stream.indirect.scatter.add.f32 [tilespmem:s11], [sflag:$0x1], $0x1, s26, s10, $0xb8;
	[tilespmem:$0x5A70] =	vst v63  }
0x3b: {  	s28 =	simm.s32 $0x600  }
0x3c: {  	[spmem:s2] =	stream.indirect.scatter.add.f32 [tilespmem:s11], [sflag:$0x1], $0x1, s28, s10, $0xb8;
	[tilespmem:$0x5A70] =	vst v63  }
0x3d: {  	s29 =	simm.s32 $0x680  }
0x3e: {  	[spmem:s2] =	stream.indirect.scatter.add.f32 [tilespmem:s11], [sflag:$0x1], $0x1, s29, s10, $0xb8;
	[tilespmem:$0x5A70] =	vst v63  }
0x3f: {  	s30 =	simm.s32 $0x700  }
0x40: {  	[spmem:s2] =	stream.indirect.scatter.add.f32 [tilespmem:s11], [sflag:$0x1], $0x1, s30, s10, $0xb8;
	[tilespmem:$0x5A70] =	vst v63  }
0x41: {  	s31 =	simm.s32 $0x780  }
0x42: {  	[spmem:s2] =	stream.indirect.scatter.add.f32 [tilespmem:s11], [sflag:$0x1], $0x1, s31, s10, $0xb8;
	[tilespmem:$0x5A70] =	vst v63  }
0x43: {  	_ =	swait.ge [sflag:s12], $0x80  }
0x44: {  	[sflag:s12] =	ssyncset.done $0x0  }
0x45: {  	[sflag:s12] =	ssyncadd.s32 $0xFFFFFF80  }
0x46: {  	_ =	swait.ge [sflag:s12], $0x80  }
0x47: {  	[sflag:s12] =	ssyncset.done $0x0  }
0x48: {  	[sflag:s12] =	ssyncadd.s32 $0xFFFFFF80  }
0x49: {  	_ =	swait.ge [sflag:s12], $0x80  }
0x4a: {  	[sflag:s12] =	ssyncset.done $0x0  }
0x4b: {  	[sflag:s12] =	ssyncadd.s32 $0xFFFFFF80  }
0x4c: {  	_ =	swait.ge [sflag:s12], $0x80  }
0x4d: {  	[sflag:s12] =	ssyncset.done $0x0  }
0x4e: {  	[sflag:s12] =	ssyncadd.s32 $0xFFFFFF80  }
0x4f: {  	_ =	swait.ge [sflag:s12], $0x80  }
0x50: {  	[sflag:s12] =	ssyncset.done $0x0  }
0x51: {  	[sflag:s12] =	ssyncadd.s32 $0xFFFFFF80  }
0x52: {  	_ =	swait.ge [sflag:s12], $0x80  }
0x53: {  	[sflag:s12] =	ssyncset.done $0x0  }
0x54: {  	[sflag:s12] =	ssyncadd.s32 $0xFFFFFF80  }
0x55: {  	_ =	swait.ge [sflag:s12], $0x80  }
0x56: {  	[sflag:s12] =	ssyncset.done $0x0  }
0x57: {  	[sflag:s12] =	ssyncadd.s32 $0xFFFFFF80  }
0x58: {  	_ =	swait.ge [sflag:s12], $0x80  }
0x59: {  	[sflag:s12] =	ssyncset.done $0x0  }
0x5a: {  	[sflag:s12] =	ssyncadd.s32 $0xFFFFFF80  }
0x5b: {  	_ =	swait.ge [sflag:s12], $0x80  }
0x5c: {  	[sflag:s12] =	ssyncset.done $0x0  }
0x5d: {  	[sflag:s12] =	ssyncadd.s32 $0xFFFFFF80  }
0x5e: {  	_ =	swait.ge [sflag:s12], $0x80  }
0x5f: {  	[sflag:s12] =	ssyncset.done $0x0  }
0x60: {  	[sflag:s12] =	ssyncadd.s32 $0xFFFFFF80  }
0x61: {  	_ =	swait.ge [sflag:s12], $0x80  }
0x62: {  	[sflag:s12] =	ssyncset.done $0x0  }
0x63: {  	[sflag:s12] =	ssyncadd.s32 $0xFFFFFF80  }
0x64: {  	_ =	swait.ge [sflag:s12], $0x80  }
0x65: {  	[sflag:s12] =	ssyncset.done $0x0  }
0x66: {  	[sflag:s12] =	ssyncadd.s32 $0xFFFFFF80  }
0x67: {  	_ =	swait.ge [sflag:s12], $0x80  }
0x68: {  	[sflag:s12] =	ssyncset.done $0x0  }
0x69: {  	[sflag:s12] =	ssyncadd.s32 $0xFFFFFF80  }
0x6a: {  	_ =	swait.ge [sflag:s12], $0x80  }
0x6b: {  	[sflag:s12] =	ssyncset.done $0x0  }
0x6c: {  	[sflag:s12] =	ssyncadd.s32 $0xFFFFFF80  }
0x6d: {  	_ =	swait.ge [sflag:s12], $0x80  }
0x6e: {  	[sflag:s12] =	ssyncset.done $0x0  }
0x6f: {  	[sflag:s12] =	ssyncadd.s32 $0xFFFFFF80  }
0x70: {  	_ =	swait.ge [sflag:s12], $0x80  }
0x71: {  	s14 =	simm.s32 $0x2000;
	s17 =	simm.s32 $0x4000;
	[sflag:s12] =	ssyncset.done $0x0  }
.LBB2_4:
0x72: {  	s16 =	sshra.s32 s14, $0x2  }
0x73: {  	[sflag:s12] =	ssyncadd.s32 $0xFFFFFF80;
	s14 =	smov.u32 s17;
	s15 =	sadd.s32 $0x2000, s17  }
0x74: {  	[spmem:s2] =	stream.indirect.scatter.add.f32 [tilespmem:s11], [sflag:$0x1], $0x1, s16, s10, $0xb8;
	[tilespmem:$0x5A70] =	vst v63  }
0x75: {  	p0 =	sne.s32 s17, $0x12000;
	s17 =	sadd.s32 $0x80, s16  }
0x76: {  	[spmem:s2] =	stream.indirect.scatter.add.f32 [tilespmem:s11], [sflag:$0x1], $0x1, s17, s10, $0xb8;
	[tilespmem:$0x5A70] =	vst v63  }
0x77: {  	s17 =	sadd.s32 $0x100, s16  }
0x78: {  	[spmem:s2] =	stream.indirect.scatter.add.f32 [tilespmem:s11], [sflag:$0x1], $0x1, s17, s10, $0xb8;
	[tilespmem:$0x5A70] =	vst v63  }
0x79: {  	s17 =	sadd.s32 $0x180, s16  }
0x7a: {  	[spmem:s2] =	stream.indirect.scatter.add.f32 [tilespmem:s11], [sflag:$0x1], $0x1, s17, s10, $0xb8;
	[tilespmem:$0x5A70] =	vst v63  }
0x7b: {  	s17 =	sadd.s32 $0x200, s16  }
0x7c: {  	[spmem:s2] =	stream.indirect.scatter.add.f32 [tilespmem:s11], [sflag:$0x1], $0x1, s17, s10, $0xb8;
	[tilespmem:$0x5A70] =	vst v63  }
0x7d: {  	s17 =	sadd.s32 $0x280, s16  }
0x7e: {  	[spmem:s2] =	stream.indirect.scatter.add.f32 [tilespmem:s11], [sflag:$0x1], $0x1, s17, s10, $0xb8;
	[tilespmem:$0x5A70] =	vst v63  }
0x7f: {  	s17 =	sadd.s32 $0x300, s16  }
0x80: {  	[spmem:s2] =	stream.indirect.scatter.add.f32 [tilespmem:s11], [sflag:$0x1], $0x1, s17, s10, $0xb8;
	[tilespmem:$0x5A70] =	vst v63  }
0x81: {  	s17 =	sadd.s32 $0x380, s16  }
0x82: {  	[spmem:s2] =	stream.indirect.scatter.add.f32 [tilespmem:s11], [sflag:$0x1], $0x1, s17, s10, $0xb8;
	[tilespmem:$0x5A70] =	vst v63  }
0x83: {  	s17 =	sadd.s32 $0x400, s16  }
0x84: {  	[spmem:s2] =	stream.indirect.scatter.add.f32 [tilespmem:s11], [sflag:$0x1], $0x1, s17, s10, $0xb8;
	[tilespmem:$0x5A70] =	vst v63  }
0x85: {  	s17 =	sadd.s32 $0x480, s16  }
0x86: {  	[spmem:s2] =	stream.indirect.scatter.add.f32 [tilespmem:s11], [sflag:$0x1], $0x1, s17, s10, $0xb8;
	[tilespmem:$0x5A70] =	vst v63  }
0x87: {  	s17 =	sadd.s32 $0x500, s16  }
0x88: {  	[spmem:s2] =	stream.indirect.scatter.add.f32 [tilespmem:s11], [sflag:$0x1], $0x1, s17, s10, $0xb8;
	[tilespmem:$0x5A70] =	vst v63  }
0x89: {  	s17 =	sadd.s32 $0x580, s16  }
0x8a: {  	[spmem:s2] =	stream.indirect.scatter.add.f32 [tilespmem:s11], [sflag:$0x1], $0x1, s17, s10, $0xb8;
	[tilespmem:$0x5A70] =	vst v63  }
0x8b: {  	s17 =	sadd.s32 $0x600, s16  }
0x8c: {  	[spmem:s2] =	stream.indirect.scatter.add.f32 [tilespmem:s11], [sflag:$0x1], $0x1, s17, s10, $0xb8;
	[tilespmem:$0x5A70] =	vst v63  }
0x8d: {  	s17 =	sadd.s32 $0x680, s16  }
0x8e: {  	[spmem:s2] =	stream.indirect.scatter.add.f32 [tilespmem:s11], [sflag:$0x1], $0x1, s17, s10, $0xb8;
	[tilespmem:$0x5A70] =	vst v63  }
0x8f: {  	s17 =	sadd.s32 $0x700, s16  }
0x90: {  	[spmem:s2] =	stream.indirect.scatter.add.f32 [tilespmem:s11], [sflag:$0x1], $0x1, s17, s10, $0xb8;
	[tilespmem:$0x5A70] =	vst v63  }
0x91: {  	s16 =	sadd.s32 $0x780, s16  }
0x92: {  	[spmem:s2] =	stream.indirect.scatter.add.f32 [tilespmem:s11], [sflag:$0x1], $0x1, s16, s10, $0xb8;
	[tilespmem:$0x5A70] =	vst v63  }
0x93: {  	_ =	swait.ge [sflag:s12], $0x80  }
0x94: {  	[sflag:s12] =	ssyncset.done $0x0  }
0x95: {  	[sflag:s12] =	ssyncadd.s32 $0xFFFFFF80  }
0x96: {  	_ =	swait.ge [sflag:s12], $0x80  }
0x97: {  	[sflag:s12] =	ssyncset.done $0x0  }
0x98: {  	[sflag:s12] =	ssyncadd.s32 $0xFFFFFF80  }
0x99: {  	_ =	swait.ge [sflag:s12], $0x80  }
0x9a: {  	[sflag:s12] =	ssyncset.done $0x0  }
0x9b: {  	[sflag:s12] =	ssyncadd.s32 $0xFFFFFF80  }
0x9c: {  	_ =	swait.ge [sflag:s12], $0x80  }
0x9d: {  	[sflag:s12] =	ssyncset.done $0x0  }
0x9e: {  	[sflag:s12] =	ssyncadd.s32 $0xFFFFFF80  }
0x9f: {  	_ =	swait.ge [sflag:s12], $0x80  }
0xa0: {  	[sflag:s12] =	ssyncset.done $0x0  }
0xa1: {  	[sflag:s12] =	ssyncadd.s32 $0xFFFFFF80  }
0xa2: {  	_ =	swait.ge [sflag:s12], $0x80  }
0xa3: {  	[sflag:s12] =	ssyncset.done $0x0  }
0xa4: {  	[sflag:s12] =	ssyncadd.s32 $0xFFFFFF80  }
0xa5: {  	_ =	swait.ge [sflag:s12], $0x80  }
0xa6: {  	[sflag:s12] =	ssyncset.done $0x0  }
0xa7: {  	[sflag:s12] =	ssyncadd.s32 $0xFFFFFF80  }
0xa8: {  	_ =	swait.ge [sflag:s12], $0x80  }
0xa9: {  	[sflag:s12] =	ssyncset.done $0x0  }
0xaa: {  	[sflag:s12] =	ssyncadd.s32 $0xFFFFFF80  }
0xab: {  	_ =	swait.ge [sflag:s12], $0x80  }
0xac: {  	[sflag:s12] =	ssyncset.done $0x0  }
0xad: {  	[sflag:s12] =	ssyncadd.s32 $0xFFFFFF80  }
0xae: {  	_ =	swait.ge [sflag:s12], $0x80  }
0xaf: {  	[sflag:s12] =	ssyncset.done $0x0  }
0xb0: {  	[sflag:s12] =	ssyncadd.s32 $0xFFFFFF80  }
0xb1: {  	_ =	swait.ge [sflag:s12], $0x80  }
0xb2: {  	[sflag:s12] =	ssyncset.done $0x0  }
0xb3: {  	[sflag:s12] =	ssyncadd.s32 $0xFFFFFF80  }
0xb4: {  	_ =	swait.ge [sflag:s12], $0x80  }
0xb5: {  	[sflag:s12] =	ssyncset.done $0x0  }
0xb6: {  	[sflag:s12] =	ssyncadd.s32 $0xFFFFFF80  }
0xb7: {  	_ =	swait.ge [sflag:s12], $0x80  }
0xb8: {  	[sflag:s12] =	ssyncset.done $0x0  }
0xb9: {  	[sflag:s12] =	ssyncadd.s32 $0xFFFFFF80  }
0xba: {  	_ =	swait.ge [sflag:s12], $0x80  }
0xbb: {  	[sflag:s12] =	ssyncset.done $0x0  }
0xbc: {  	[sflag:s12] =	ssyncadd.s32 $0xFFFFFF80  }
.Ltmp1:
0xbd: {  	_ =	swait.ge [sflag:s12], $0x80;
	(pc) =	sbr.rel @p0 .LBB2_4-.Ltmp1, $4  }
0xbe: {  	[sflag:s12] =	ssyncset.done $0x0  }
0xbf: {  	[sflag:s12] =	ssyncadd.s32 $0xFFFFFF80  }
0xc0: {  	_ =	swait.ge [sflag:s12], $0x80  }
0xc1: {  	s17 =	smov.u32 s15;
	[sflag:s12] =	ssyncset.done $0x0  }
0xc2: {  	s14 =	sshra.s32 s14, $0x2;
	[sflag:s12] =	ssyncadd.s32 $0xFFFFFF80  }
0xc3: {  	[spmem:s2] =	stream.indirect.scatter.add.f32 [tilespmem:s11], [sflag:$0x1], $0x1, s14, s10, $0xb8;
	[tilespmem:$0x5A70] =	vst v63  }
0xc4: {  	s15 =	sadd.s32 $0x80, s14  }
0xc5: {  	[spmem:s2] =	stream.indirect.scatter.add.f32 [tilespmem:s11], [sflag:$0x1], $0x1, s15, s10, $0xb8;
	[tilespmem:$0x5A70] =	vst v63  }
0xc6: {  	s18 =	sadd.s32 $0x100, s14  }
0xc7: {  	[spmem:s2] =	stream.indirect.scatter.add.f32 [tilespmem:s11], [sflag:$0x1], $0x1, s18, s10, $0xb8;
	[tilespmem:$0x5A70] =	vst v63  }
0xc8: {  	s19 =	sadd.s32 $0x180, s14  }
0xc9: {  	[spmem:s2] =	stream.indirect.scatter.add.f32 [tilespmem:s11], [sflag:$0x1], $0x1, s19, s10, $0xb8;
	[tilespmem:$0x5A70] =	vst v63  }
0xca: {  	s20 =	sadd.s32 $0x200, s14  }
0xcb: {  	[spmem:s2] =	stream.indirect.scatter.add.f32 [tilespmem:s11], [sflag:$0x1], $0x1, s20, s10, $0xb8;
	[tilespmem:$0x5A70] =	vst v63  }
0xcc: {  	s21 =	sadd.s32 $0x280, s14  }
0xcd: {  	[spmem:s2] =	stream.indirect.scatter.add.f32 [tilespmem:s11], [sflag:$0x1], $0x1, s21, s10, $0xb8;
	[tilespmem:$0x5A70] =	vst v63  }
0xce: {  	s22 =	sadd.s32 $0x300, s14  }
0xcf: {  	[spmem:s2] =	stream.indirect.scatter.add.f32 [tilespmem:s11], [sflag:$0x1], $0x1, s22, s10, $0xb8;
	[tilespmem:$0x5A70] =	vst v63  }
0xd0: {  	s23 =	sadd.s32 $0x380, s14  }
0xd1: {  	[spmem:s2] =	stream.indirect.scatter.add.f32 [tilespmem:s11], [sflag:$0x1], $0x1, s23, s10, $0xb8;
	[tilespmem:$0x5A70] =	vst v63  }
0xd2: {  	s24 =	sadd.s32 $0x400, s14  }
0xd3: {  	[spmem:s2] =	stream.indirect.scatter.add.f32 [tilespmem:s11], [sflag:$0x1], $0x1, s24, s10, $0xb8;
	[tilespmem:$0x5A70] =	vst v63  }
0xd4: {  	s25 =	sadd.s32 $0x480, s14  }
0xd5: {  	[spmem:s2] =	stream.indirect.scatter.add.f32 [tilespmem:s11], [sflag:$0x1], $0x1, s25, s10, $0xb8;
	[tilespmem:$0x5A70] =	vst v63  }
0xd6: {  	s26 =	sadd.s32 $0x500, s14  }
0xd7: {  	[spmem:s2] =	stream.indirect.scatter.add.f32 [tilespmem:s11], [sflag:$0x1], $0x1, s26, s10, $0xb8;
	[tilespmem:$0x5A70] =	vst v63  }
0xd8: {  	s28 =	sadd.s32 $0x580, s14  }
0xd9: {  	[spmem:s2] =	stream.indirect.scatter.add.f32 [tilespmem:s11], [sflag:$0x1], $0x1, s28, s10, $0xb8;
	[tilespmem:$0x5A70] =	vst v63  }
0xda: {  	s29 =	sadd.s32 $0x600, s14  }
0xdb: {  	[spmem:s2] =	stream.indirect.scatter.add.f32 [tilespmem:s11], [sflag:$0x1], $0x1, s29, s10, $0xb8;
	[tilespmem:$0x5A70] =	vst v63  }
0xdc: {  	s30 =	sadd.s32 $0x680, s14  }
0xdd: {  	[spmem:s2] =	stream.indirect.scatter.add.f32 [tilespmem:s11], [sflag:$0x1], $0x1, s30, s10, $0xb8;
	[tilespmem:$0x5A70] =	vst v63  }
0xde: {  	s31 =	sadd.s32 $0x700, s14  }
0xdf: {  	[spmem:s2] =	stream.indirect.scatter.add.f32 [tilespmem:s11], [sflag:$0x1], $0x1, s31, s10, $0xb8;
	[tilespmem:$0x5A70] =	vst v63  }
0xe0: {  	s14 =	sadd.s32 $0x780, s14  }
0xe1: {  	[spmem:s2] =	stream.indirect.scatter.add.f32 [tilespmem:s11], [sflag:$0x1], $0x1, s14, s10, $0xb8;
	[tilespmem:$0x5A70] =	vst v63  }
0xe2: {  	_ =	swait.ge [sflag:s12], $0x80  }
0xe3: {  	[sflag:s12] =	ssyncset.done $0x0  }
0xe4: {  	[sflag:s12] =	ssyncadd.s32 $0xFFFFFF80  }
0xe5: {  	_ =	swait.ge [sflag:s12], $0x80  }
0xe6: {  	[sflag:s12] =	ssyncset.done $0x0  }
0xe7: {  	[sflag:s12] =	ssyncadd.s32 $0xFFFFFF80  }
0xe8: {  	_ =	swait.ge [sflag:s12], $0x80  }
0xe9: {  	[sflag:s12] =	ssyncset.done $0x0  }
0xea: {  	[sflag:s12] =	ssyncadd.s32 $0xFFFFFF80  }
0xeb: {  	_ =	swait.ge [sflag:s12], $0x80  }
0xec: {  	[sflag:s12] =	ssyncset.done $0x0  }
0xed: {  	[sflag:s12] =	ssyncadd.s32 $0xFFFFFF80  }
0xee: {  	_ =	swait.ge [sflag:s12], $0x80  }
0xef: {  	[sflag:s12] =	ssyncset.done $0x0  }
0xf0: {  	[sflag:s12] =	ssyncadd.s32 $0xFFFFFF80  }
0xf1: {  	_ =	swait.ge [sflag:s12], $0x80  }
0xf2: {  	[sflag:s12] =	ssyncset.done $0x0  }
0xf3: {  	[sflag:s12] =	ssyncadd.s32 $0xFFFFFF80  }
0xf4: {  	_ =	swait.ge [sflag:s12], $0x80  }
0xf5: {  	[sflag:s12] =	ssyncset.done $0x0  }
0xf6: {  	[sflag:s12] =	ssyncadd.s32 $0xFFFFFF80  }
0xf7: {  	_ =	swait.ge [sflag:s12], $0x80  }
0xf8: {  	[sflag:s12] =	ssyncset.done $0x0  }
0xf9: {  	[sflag:s12] =	ssyncadd.s32 $0xFFFFFF80  }
0xfa: {  	_ =	swait.ge [sflag:s12], $0x80  }
0xfb: {  	[sflag:s12] =	ssyncset.done $0x0  }
0xfc: {  	[sflag:s12] =	ssyncadd.s32 $0xFFFFFF80  }
0xfd: {  	_ =	swait.ge [sflag:s12], $0x80  }
0xfe: {  	[sflag:s12] =	ssyncset.done $0x0  }
0xff: {  	[sflag:s12] =	ssyncadd.s32 $0xFFFFFF80  }
0x100: {  	_ =	swait.ge [sflag:s12], $0x80  }
0x101: {  	[sflag:s12] =	ssyncset.done $0x0  }
0x102: {  	[sflag:s12] =	ssyncadd.s32 $0xFFFFFF80  }
0x103: {  	_ =	swait.ge [sflag:s12], $0x80  }
0x104: {  	[sflag:s12] =	ssyncset.done $0x0  }
0x105: {  	[sflag:s12] =	ssyncadd.s32 $0xFFFFFF80  }
0x106: {  	_ =	swait.ge [sflag:s12], $0x80  }
0x107: {  	[sflag:s12] =	ssyncset.done $0x0  }
0x108: {  	[sflag:s12] =	ssyncadd.s32 $0xFFFFFF80  }
0x109: {  	_ =	swait.ge [sflag:s12], $0x80  }
0x10a: {  	[sflag:s12] =	ssyncset.done $0x0  }
0x10b: {  	[sflag:s12] =	ssyncadd.s32 $0xFFFFFF80  }
0x10c: {  	_ =	swait.ge [sflag:s12], $0x80  }
0x10d: {  	[sflag:s12] =	ssyncset.done $0x0  }
0x10e: {  	[sflag:s12] =	ssyncadd.s32 $0xFFFFFF80  }
0x10f: {  	_ =	swait.ge [sflag:s12], $0x80  }
0x110: {  	[sflag:s12] =	ssyncset.done $0x0  }
0x111: {  	[sflag:s12] =	ssyncadd.s32 $0xFFFFFF80  }
0x112: {  	[bflag:$0x0] =	sbarrier.arrive $0xFFFF  }
0x113: {  	[tilespmem:s8], [sflag:$0x2] =	stream.linear.gather [spmem:s4], $0x4F0, $0x38;
	[tilespmem:$0x5A70] =	vst v63  }
0x114: {  	s13 =	sadd.s32 $0x1, s13;
	_ =	swait.ge [sflag:s9], $0x4F0  }
0x115: {  	p0 =	sne.s32 s13, s7;
	[sflag:s9] =	ssyncset.done $0x0  }
.Ltmp2:
0x116: {  	[sflag:s9] =	ssyncadd.s32 $0xFFFFFB10;
	(pc) =	sbr.rel @p0 .LBB2_1-.Ltmp2, $4  }
0x117: {  	[hbm4b:s6+s3] =	stream.linear.scatter [tilespmem:s8], [sflag:$0x2], $0x4F0, $0x38;
	[tilespmem:$0x5A70] =	vst v63  }
0x118: {  	_ =	swait.ge [sflag:s9], $0x4F0  }
0x119: {  	[sflag:s9] =	ssyncset.done $0x0  }
0x11a: {  	[sflag:s9] =	ssyncadd.s32 $0xFFFFFB10  }
0x11b: {  	_ =	sfence.sel $0x180000  }
0x11c: {  	[bflag:$0x0] =	sbarrier.arrive $0xFFFF  }
0x11d: {  	p0 =	sne.s32 s1, $0x0;
	_ =	strace $0x90000047  }
0x11e: {  	s0 =	sadd.s32 @!p0 $0x100000, s0;
	[bflag:$0x2] =	sbarrier.arrive $0xFFFF  }
0x11f: {  	[sflag:s0] =	ssyncadd.tile.s32 @!p0 $0x1;
	_ =	shalt  }
.Lfunc_end2:
_tile_overlayer_lowered:
.L_overlay_start_2:
0x120: {  	(tag) =	ssettag $0x2  }
0x121: {  	s0 =	rddreg [dreg:$0x0];
	s2 =	stileid.u32  }
0x122: {  	s1 =	rddreg [dreg:$0x1];
	p0 =	sne.s32 s2, $0x0  }
0x123: {  	s3 =	rddreg [dreg:$0x2];
	[bflag:$0x3] =	sbarrier.arrive $0xFFFF;
	s2 =	simm.s32 @!p0 $0x1C02  }
0x124: {  	[timem:s3], [sflag:s2] =	dma.local @!p0 [hbm:s0], s1  }
0x125: {  	s0 =	simm.s32 @!p0 $0x2  }
0x126: {  	_ =	swait.ge @!p0 [sflag:s0], s1  }
0x127: {  	s1 =	ssub.s32 @!p0 $0x0, s1;
	[sflag:s0] =	ssyncset.done @!p0 $0x0  }
0x128: {  	[sflag:s0] =	ssyncadd.s32 @!p0 s1  }
0x129: {  	[bflag:$0x3] =	sbarrier.arrive $0xFFFF  }
0x12a: {  	_ =	shalt  }

</sc_bundles>
